<compile_context>
chip_gen: v7x
topology: tpu7x:2x2x1
jax: 0.10.2.dev20260603
libtpu: 0.0.44.dev20260713+nightly
codegen_flags: <defaults>
</compile_context>

<pallas_src>
import functools

import jax
import jax.numpy as jnp
from jax import lax
from jax.experimental import pallas as pl
from jax.experimental.pallas import tpu as pltpu
from jax.experimental.pallas import tpu_sc as plsc

_F = 26
_V = 100000
_D = 64
_B = 16384
_NW = 32
_BPW = _B // _NW
_CH = 128
_NCH = _BPW // _CH
_LANES = 16

_mesh = plsc.VectorSubcoreMesh(core_axis_name="c", subcore_axis_name="s")


@functools.partial(
    pl.kernel,
    mesh=_mesh,
    compiler_params=pltpu.CompilerParams(use_tc_tiling_on_sc=False),
    out_type=jax.ShapeDtypeStruct((_B, _D), jnp.float32),
    scratch_types=[
        pltpu.VMEM((_F, _BPW), jnp.int32),
        pltpu.VMEM((_BPW, _D), jnp.float32),
        pltpu.VMEM((_BPW, _D), jnp.float32),
        pltpu.VMEM((_BPW, _D), jnp.float32),
        pltpu.SemaphoreType.DMA,
        pltpu.SemaphoreType.DMA,
        pltpu.SemaphoreType.DMA,
    ],
)
def _encode(tf_hbm, xt_hbm, out_hbm, idx_v, buf_a, buf_b, acc_v,
            sem_a, sem_b, sem_acc):
    wid = lax.axis_index("s") * 2 + lax.axis_index("c")
    base = wid * _BPW

    pltpu.sync_copy(xt_hbm.at[:, pl.ds(base, _BPW)], idx_v)

    def _fire(i, dst, sem):
        return [
            pltpu.async_copy(
                tf_hbm.at[idx_v.at[i, pl.ds(j * _CH, _CH)]],
                dst.at[pl.ds(j * _CH, _CH)],
                sem,
            )
            for j in range(_NCH)
        ]

    h0 = _fire(0, acc_v, sem_acc)

    for i in range(1, _F):
        def _ofs(k, _, i=i):
            sl = pl.ds(k * _LANES, _LANES)
            idx_v[i, sl] = idx_v[i, sl] + (i * _V)
            return 0
        lax.fori_loop(0, _BPW // _LANES, _ofs, 0)

    def _accum(src):
        def _body(r, _):
            for c in range(_D // _LANES):
                sl = pl.ds(c * _LANES, _LANES)
                plsc.addupdate(acc_v.at[r, sl], src[r, sl])
            return 0
        lax.fori_loop(0, _BPW, _body, 0)

    bufs = [buf_a, buf_b]
    sems = [sem_a, sem_b]
    pending = _fire(1, bufs[1], sems[1])
    for d in h0:
        d.wait()
    for i in range(2, _F):
        nxt = _fire(i, bufs[i % 2], sems[i % 2])
        for d in pending:
            d.wait()
        _accum(bufs[(i - 1) % 2])
        pending = nxt
    for d in pending:
        d.wait()
    _accum(bufs[(_F - 1) % 2])

    pltpu.sync_copy(acc_v, out_hbm.at[pl.ds(base, _BPW)])


def kernel(x, tables):
    xt = x.astype(jnp.int32).T
    tf = tables.reshape(_F * _V, _D)
    return _encode(tf, xt)

# --- scband reference (transcript-rebuilt; emitter-appended) ---
"""Pipeline reference for scband-atom-encoder-12008728560152 (READ-ONLY COPY).

The authoritative reference and input builder live on the scoring server;
editing this copy changes nothing except your own understanding.
"""

import jax, jax.numpy as jnp
import numpy as np

NUM_FIELDS = 26
VOCAB = 100000
HIDDEN = 64
BATCH = 16384

def setup_inputs(seed: int = 0) -> dict:
    key = jax.random.key(seed)
    k_x, k_t = jax.random.split(key)
    x = jax.random.randint(k_x, (BATCH, NUM_FIELDS), 0, VOCAB, dtype=jnp.int64 if jax.config.jax_enable_x64 else jnp.int32)
    # learned parameters: one embedding table per categorical feature, stacked.
    # torch.nn.Embedding.reset_parameters -> N(0, 1)
    tables = jax.random.normal(k_t, (NUM_FIELDS, VOCAB, HIDDEN), dtype=jnp.float32)
    return {"x": x, "tables": tables}

def reference(x, tables):
    # AtomEncoder.forward: sum of per-feature embedding lookups
    out = jnp.zeros((x.shape[0], tables.shape[-1]), dtype=tables.dtype)
    for i in range(tables.shape[0]):
        out = out + jnp.take(tables[i], x[:, i], axis=0)
    return out

if __name__ == "__main__":
    import jax
    _d = setup_inputs()
    print(jax.jit(kernel)(*tuple(_d.values())))

</pallas_src>

<mosaic_0001>
#map = affine_map<(d0, d1) -> (0, 0)>
module attributes {stable_mosaic.version = 14 : i64} {
  func.func @_encode(%arg0: i32, %arg1: i32, %arg2: memref<2600000x64xf32, #tpu.memory_space<hbm>>, %arg3: memref<26x16384xi32, #tpu.memory_space<hbm>>, %arg4: memref<16384x64xf32, #tpu.memory_space<hbm>>, %arg5: memref<26x512xi32, #tpu.memory_space<vmem>>, %arg6: memref<512x64xf32, #tpu.memory_space<vmem>>, %arg7: memref<512x64xf32, #tpu.memory_space<vmem>>, %arg8: memref<512x64xf32, #tpu.memory_space<vmem>>, %arg9: memref<!tpu.dma_semaphore, #tpu.memory_space<semaphore_mem>>, %arg10: memref<!tpu.dma_semaphore, #tpu.memory_space<semaphore_mem>>, %arg11: memref<!tpu.dma_semaphore, #tpu.memory_space<semaphore_mem>>) attributes {dimension_semantics = [#tpu.dimension_semantics<core_parallel>, #tpu.dimension_semantics<subcore_parallel>], iteration_bounds = array<i64: 2, 16>, scalar_prefetch = 0 : i64, scratch_operands = 7 : i64, tpu.core_type = #tpu.core_type<sc_vector_subcore>, window_params = [{transform_indices = #map}, {transform_indices = #map}, {transform_indices = #map}]} {
    %mul3A = arith.constant 2 : i32
    %mul3A_0 = arith.muli %arg1, %mul3A : i32
    %add3A = arith.addi %mul3A_0, %arg0 : i32
    %mul3A_1 = arith.constant 512 : i32
    %mul3A_2 = arith.muli %add3A, %mul3A_1 : i32
    "tpu.region"() ({
      %run_scoped3A = tpu.sem_alloc : memref<!tpu.dma_semaphore, #tpu.memory_space<semaphore_mem>>
      %dma_start3A_2430 = arith.constant 0 : i32
      %dma_start3A_2431 = tpu.memref_slice %arg3[%dma_start3A_2430, %mul3A_2] : memref<26x16384xi32, #tpu.memory_space<hbm>> -> memref<26x512xi32, #tpu.memory_space<hbm>>
      %dma_start3A_2432 = arith.constant 0 : i32
      %dma_start3A_2433 = tpu.memref_slice %arg3[%dma_start3A_2432, %mul3A_2] : memref<26x16384xi32, #tpu.memory_space<hbm>> -> memref<26x512xi32, #tpu.memory_space<hbm>>
      tpu.enqueue_dma source(%dma_start3A_2433 : memref<26x512xi32, #tpu.memory_space<hbm>>) target(%arg5 : memref<26x512xi32, #tpu.memory_space<vmem>>) target_semaphore(%run_scoped3A : memref<!tpu.dma_semaphore, #tpu.memory_space<semaphore_mem>>)
      %dma_wait3A_2434 = arith.constant 0 : i32
      %dma_wait3A_2435 = tpu.memref_slice %arg3[%dma_wait3A_2434, %mul3A_2] : memref<26x16384xi32, #tpu.memory_space<hbm>> -> memref<26x512xi32, #tpu.memory_space<hbm>>
      %dma_wait3A_2436 = arith.constant 0 : i32
      %dma_wait3A_2437 = tpu.memref_slice %arg3[%dma_wait3A_2436, %mul3A_2] : memref<26x16384xi32, #tpu.memory_space<hbm>> -> memref<26x512xi32, #tpu.memory_space<hbm>>
      tpu.wait_dma2 semaphore(%run_scoped3A : memref<!tpu.dma_semaphore, #tpu.memory_space<semaphore_mem>>) src(%dma_wait3A_2437 : memref<26x512xi32, #tpu.memory_space<hbm>>) dst(%arg5 : memref<26x512xi32, #tpu.memory_space<vmem>>)
      tpu.yield
    }) : () -> ()
    %dma_start3A = arith.constant 0 : i32
    %dma_start3A_3 = arith.constant 0 : i32
    %dma_start3A_4 = arith.constant 0 : i32
    %dma_start3A_5 = tpu.memref_slice %arg8[%dma_start3A_3, %dma_start3A_4] : memref<512x64xf32, #tpu.memory_space<vmem>> -> memref<128x64xf32, #tpu.memory_space<vmem>>
    %dma_start3A_6 = arith.constant 0 : i32
    %dma_start3A_7 = tpu.memref_slice %arg5[%dma_start3A, %dma_start3A_6] : memref<26x512xi32, #tpu.memory_space<vmem>> -> memref<1x128xi32, #tpu.memory_space<vmem>>
    %dma_start3A_8 = tpu.memref_squeeze %dma_start3A_7 : memref<1x128xi32, #tpu.memory_space<vmem>> -> memref<128xi32, #tpu.memory_space<vmem>>
    %dma_start3A_9 = arith.constant 0 : i32
    %dma_start3A_10 = arith.constant 0 : i32
    %dma_start3A_11 = tpu.memref_slice %arg2[%dma_start3A_9, %dma_start3A_10] : memref<2600000x64xf32, #tpu.memory_space<hbm>> -> memref<2600000x64xf32, #tpu.memory_space<hbm>>
    tpu.enqueue_indirect_dma source(%dma_start3A_11 : memref<2600000x64xf32, #tpu.memory_space<hbm>>) target(%dma_start3A_5 : memref<128x64xf32, #tpu.memory_space<vmem>>) offsets(%dma_start3A_8 : memref<128xi32, #tpu.memory_space<vmem>>) semaphore(%arg11 : memref<!tpu.dma_semaphore, #tpu.memory_space<semaphore_mem>>)
    %dma_start3A_12 = arith.constant 0 : i32
    %dma_start3A_13 = arith.constant 128 : i32
    %dma_start3A_14 = arith.constant 0 : i32
    %dma_start3A_15 = tpu.memref_slice %arg8[%dma_start3A_13, %dma_start3A_14] : memref<512x64xf32, #tpu.memory_space<vmem>> -> memref<128x64xf32, #tpu.memory_space<vmem>>
    %dma_start3A_16 = arith.constant 128 : i32
    %dma_start3A_17 = tpu.memref_slice %arg5[%dma_start3A_12, %dma_start3A_16] : memref<26x512xi32, #tpu.memory_space<vmem>> -> memref<1x128xi32, #tpu.memory_space<vmem>>
    %dma_start3A_18 = tpu.memref_squeeze %dma_start3A_17 : memref<1x128xi32, #tpu.memory_space<vmem>> -> memref<128xi32, #tpu.memory_space<vmem>>
    %dma_start3A_19 = arith.constant 0 : i32
    %dma_start3A_20 = arith.constant 0 : i32
    %dma_start3A_21 = tpu.memref_slice %arg2[%dma_start3A_19, %dma_start3A_20] : memref<2600000x64xf32, #tpu.memory_space<hbm>> -> memref<2600000x64xf32, #tpu.memory_space<hbm>>
    tpu.enqueue_indirect_dma source(%dma_start3A_21 : memref<2600000x64xf32, #tpu.memory_space<hbm>>) target(%dma_start3A_15 : memref<128x64xf32, #tpu.memory_space<vmem>>) offsets(%dma_start3A_18 : memref<128xi32, #tpu.memory_space<vmem>>) semaphore(%arg11 : memref<!tpu.dma_semaphore, #tpu.memory_space<semaphore_mem>>)
    %dma_start3A_22 = arith.constant 0 : i32
    %dma_start3A_23 = arith.constant 256 : i32
    %dma_start3A_24 = arith.constant 0 : i32
    %dma_start3A_25 = tpu.memref_slice %arg8[%dma_start3A_23, %dma_start3A_24] : memref<512x64xf32, #tpu.memory_space<vmem>> -> memref<128x64xf32, #tpu.memory_space<vmem>>
    %dma_start3A_26 = arith.constant 256 : i32
    %dma_start3A_27 = tpu.memref_slice %arg5[%dma_start3A_22, %dma_start3A_26] : memref<26x512xi32, #tpu.memory_space<vmem>> -> memref<1x128xi32, #tpu.memory_space<vmem>>
    %dma_start3A_28 = tpu.memref_squeeze %dma_start3A_27 : memref<1x128xi32, #tpu.memory_space<vmem>> -> memref<128xi32, #tpu.memory_space<vmem>>
    %dma_start3A_29 = arith.constant 0 : i32
    %dma_start3A_30 = arith.constant 0 : i32
    %dma_start3A_31 = tpu.memref_slice %arg2[%dma_start3A_29, %dma_start3A_30] : memref<2600000x64xf32, #tpu.memory_space<hbm>> -> memref<2600000x64xf32, #tpu.memory_space<hbm>>
    tpu.enqueue_indirect_dma source(%dma_start3A_31 : memref<2600000x64xf32, #tpu.memory_space<hbm>>) target(%dma_start3A_25 : memref<128x64xf32, #tpu.memory_space<vmem>>) offsets(%dma_start3A_28 : memref<128xi32, #tpu.memory_space<vmem>>) semaphore(%arg11 : memref<!tpu.dma_semaphore, #tpu.memory_space<semaphore_mem>>)
    %dma_start3A_32 = arith.constant 0 : i32
    %dma_start3A_33 = arith.constant 384 : i32
    %dma_start3A_34 = arith.constant 0 : i32
    %dma_start3A_35 = tpu.memref_slice %arg8[%dma_start3A_33, %dma_start3A_34] : memref<512x64xf32, #tpu.memory_space<vmem>> -> memref<128x64xf32, #tpu.memory_space<vmem>>
    %dma_start3A_36 = arith.constant 384 : i32
    %dma_start3A_37 = tpu.memref_slice %arg5[%dma_start3A_32, %dma_start3A_36] : memref<26x512xi32, #tpu.memory_space<vmem>> -> memref<1x128xi32, #tpu.memory_space<vmem>>
    %dma_start3A_38 = tpu.memref_squeeze %dma_start3A_37 : memref<1x128xi32, #tpu.memory_space<vmem>> -> memref<128xi32, #tpu.memory_space<vmem>>
    %dma_start3A_39 = arith.constant 0 : i32
    %dma_start3A_40 = arith.constant 0 : i32
    %dma_start3A_41 = tpu.memref_slice %arg2[%dma_start3A_39, %dma_start3A_40] : memref<2600000x64xf32, #tpu.memory_space<hbm>> -> memref<2600000x64xf32, #tpu.memory_space<hbm>>
    tpu.enqueue_indirect_dma source(%dma_start3A_41 : memref<2600000x64xf32, #tpu.memory_space<hbm>>) target(%dma_start3A_35 : memref<128x64xf32, #tpu.memory_space<vmem>>) offsets(%dma_start3A_38 : memref<128xi32, #tpu.memory_space<vmem>>) semaphore(%arg11 : memref<!tpu.dma_semaphore, #tpu.memory_space<semaphore_mem>>)
    %scan3A = arith.constant 0 : i32
    %scan3A_42 = arith.constant 0 : i32
    %scan3A_43 = arith.constant 32 : i32
    %scan3A_44 = arith.addi %scan3A_42, %scan3A_43 : i32
    %scan3A_45 = arith.constant 1 : i32
    %scan3A_46 = scf.for %scan3A_2430 = %scan3A_42 to %scan3A_44 step %scan3A_45 iter_args(%scan3A_2431 = %scan3A) -> (i32)  : i32 {
      %mul3A_2432 = arith.constant 16 : i32
      %mul3A_2433 = arith.muli %scan3A_2430, %mul3A_2432 : i32
      %get3A = arith.constant 1 : i32
      %get3A_2434 = arith.index_cast %get3A : i32 to index
      %get3A_2435 = arith.index_cast %mul3A_2433 : i32 to index
      %get3A_2436 = tpu.vector_load %arg5[%get3A_2434, %get3A_2435] {strides = array<i32>} : memref<26x512xi32, #tpu.memory_space<vmem>>, vector<1x16xi32>,
      %get3A_2437 = vector.shape_cast %get3A_2436 : vector<1x16xi32> to vector<16xi32>
      %add3A_2438 = arith.constant 100000 : i32
      %add3A_2439 = vector.broadcast %add3A_2438 : i32 to vector<16xi32>
      %add3A_2440 = arith.addi %get3A_2437, %add3A_2439 : vector<16xi32>
      %swap3A = arith.constant 1 : i32
      %swap3A_2441 = arith.index_cast %swap3A : i32 to index
      %swap3A_2442 = arith.index_cast %mul3A_2433 : i32 to index
      %swap3A_2443 = tpu.vector_load %arg5[%swap3A_2441, %swap3A_2442] {strides = array<i32>} : memref<26x512xi32, #tpu.memory_space<vmem>>, vector<1x16xi32>,
      %swap3A_2444 = vector.shape_cast %swap3A_2443 : vector<1x16xi32> to vector<16xi32>
      %swap3A_2445 = vector.shape_cast %add3A_2440 : vector<16xi32> to vector<1x16xi32>
      tpu.vector_store %arg5[%swap3A_2441, %swap3A_2442], %swap3A_2445 {strides = array<i32>} : memref<26x512xi32, #tpu.memory_space<vmem>>, vector<1x16xi32>,
      %scan3A_2446 = arith.constant 0 : i32
      scf.yield %scan3A_2446 : i32
    }
    %scan3A_47 = arith.constant 32 : i32
    %scan3A_48 = arith.constant 0 : i32
    %scan3A_49 = arith.constant 0 : i32
    %scan3A_50 = arith.constant 32 : i32
    %scan3A_51 = arith.addi %scan3A_49, %scan3A_50 : i32
    %scan3A_52 = arith.constant 1 : i32
    %scan3A_53 = scf.for %scan3A_2430 = %scan3A_49 to %scan3A_51 step %scan3A_52 iter_args(%scan3A_2431 = %scan3A_48) -> (i32)  : i32 {
      %mul3A_2432 = arith.constant 16 : i32
      %mul3A_2433 = arith.muli %scan3A_2430, %mul3A_2432 : i32
      %get3A = arith.constant 2 : i32
      %get3A_2434 = arith.index_cast %get3A : i32 to index
      %get3A_2435 = arith.index_cast %mul3A_2433 : i32 to index
      %get3A_2436 = tpu.vector_load %arg5[%get3A_2434, %get3A_2435] {strides = array<i32>} : memref<26x512xi32, #tpu.memory_space<vmem>>, vector<1x16xi32>,
      %get3A_2437 = vector.shape_cast %get3A_2436 : vector<1x16xi32> to vector<16xi32>
      %add3A_2438 = arith.constant 200000 : i32
      %add3A_2439 = vector.broadcast %add3A_2438 : i32 to vector<16xi32>
      %add3A_2440 = arith.addi %get3A_2437, %add3A_2439 : vector<16xi32>
      %swap3A = arith.constant 2 : i32
      %swap3A_2441 = arith.index_cast %swap3A : i32 to index
      %swap3A_2442 = arith.index_cast %mul3A_2433 : i32 to index
      %swap3A_2443 = tpu.vector_load %arg5[%swap3A_2441, %swap3A_2442] {strides = array<i32>} : memref<26x512xi32, #tpu.memory_space<vmem>>, vector<1x16xi32>,
      %swap3A_2444 = vector.shape_cast %swap3A_2443 : vector<1x16xi32> to vector<16xi32>
      %swap3A_2445 = vector.shape_cast %add3A_2440 : vector<16xi32> to vector<1x16xi32>
      tpu.vector_store %arg5[%swap3A_2441, %swap3A_2442], %swap3A_2445 {strides = array<i32>} : memref<26x512xi32, #tpu.memory_space<vmem>>, vector<1x16xi32>,
      %scan3A_2446 = arith.constant 0 : i32
      scf.yield %scan3A_2446 : i32
    }
    %scan3A_54 = arith.constant 32 : i32
    %scan3A_55 = arith.constant 0 : i32
    %scan3A_56 = arith.constant 0 : i32
    %scan3A_57 = arith.constant 32 : i32
    %scan3A_58 = arith.addi %scan3A_56, %scan3A_57 : i32
    %scan3A_59 = arith.constant 1 : i32
    %scan3A_60 = scf.for %scan3A_2430 = %scan3A_56 to %scan3A_58 step %scan3A_59 iter_args(%scan3A_2431 = %scan3A_55) -> (i32)  : i32 {
      %mul3A_2432 = arith.constant 16 : i32
      %mul3A_2433 = arith.muli %scan3A_2430, %mul3A_2432 : i32
      %get3A = arith.constant 3 : i32
      %get3A_2434 = arith.index_cast %get3A : i32 to index
      %get3A_2435 = arith.index_cast %mul3A_2433 : i32 to index
      %get3A_2436 = tpu.vector_load %arg5[%get3A_2434, %get3A_2435] {strides = array<i32>} : memref<26x512xi32, #tpu.memory_space<vmem>>, vector<1x16xi32>,
      %get3A_2437 = vector.shape_cast %get3A_2436 : vector<1x16xi32> to vector<16xi32>
      %add3A_2438 = arith.constant 300000 : i32
      %add3A_2439 = vector.broadcast %add3A_2438 : i32 to vector<16xi32>
      %add3A_2440 = arith.addi %get3A_2437, %add3A_2439 : vector<16xi32>
      %swap3A = arith.constant 3 : i32
      %swap3A_2441 = arith.index_cast %swap3A : i32 to index
      %swap3A_2442 = arith.index_cast %mul3A_2433 : i32 to index
      %swap3A_2443 = tpu.vector_load %arg5[%swap3A_2441, %swap3A_2442] {strides = array<i32>} : memref<26x512xi32, #tpu.memory_space<vmem>>, vector<1x16xi32>,
      %swap3A_2444 = vector.shape_cast %swap3A_2443 : vector<1x16xi32> to vector<16xi32>
      %swap3A_2445 = vector.shape_cast %add3A_2440 : vector<16xi32> to vector<1x16xi32>
      tpu.vector_store %arg5[%swap3A_2441, %swap3A_2442], %swap3A_2445 {strides = array<i32>} : memref<26x512xi32, #tpu.memory_space<vmem>>, vector<1x16xi32>,
      %scan3A_2446 = arith.constant 0 : i32
      scf.yield %scan3A_2446 : i32
    }
    %scan3A_61 = arith.constant 32 : i32
    %scan3A_62 = arith.constant 0 : i32
    %scan3A_63 = arith.constant 0 : i32
    %scan3A_64 = arith.constant 32 : i32
    %scan3A_65 = arith.addi %scan3A_63, %scan3A_64 : i32
    %scan3A_66 = arith.constant 1 : i32
    %scan3A_67 = scf.for %scan3A_2430 = %scan3A_63 to %scan3A_65 step %scan3A_66 iter_args(%scan3A_2431 = %scan3A_62) -> (i32)  : i32 {
      %mul3A_2432 = arith.constant 16 : i32
      %mul3A_2433 = arith.muli %scan3A_2430, %mul3A_2432 : i32
      %get3A = arith.constant 4 : i32
      %get3A_2434 = arith.index_cast %get3A : i32 to index
      %get3A_2435 = arith.index_cast %mul3A_2433 : i32 to index
      %get3A_2436 = tpu.vector_load %arg5[%get3A_2434, %get3A_2435] {strides = array<i32>} : memref<26x512xi32, #tpu.memory_space<vmem>>, vector<1x16xi32>,
      %get3A_2437 = vector.shape_cast %get3A_2436 : vector<1x16xi32> to vector<16xi32>
      %add3A_2438 = arith.constant 400000 : i32
      %add3A_2439 = vector.broadcast %add3A_2438 : i32 to vector<16xi32>
      %add3A_2440 = arith.addi %get3A_2437, %add3A_2439 : vector<16xi32>
      %swap3A = arith.constant 4 : i32
      %swap3A_2441 = arith.index_cast %swap3A : i32 to index
      %swap3A_2442 = arith.index_cast %mul3A_2433 : i32 to index
      %swap3A_2443 = tpu.vector_load %arg5[%swap3A_2441, %swap3A_2442] {strides = array<i32>} : memref<26x512xi32, #tpu.memory_space<vmem>>, vector<1x16xi32>,
      %swap3A_2444 = vector.shape_cast %swap3A_2443 : vector<1x16xi32> to vector<16xi32>
      %swap3A_2445 = vector.shape_cast %add3A_2440 : vector<16xi32> to vector<1x16xi32>
      tpu.vector_store %arg5[%swap3A_2441, %swap3A_2442], %swap3A_2445 {strides = array<i32>} : memref<26x512xi32, #tpu.memory_space<vmem>>, vector<1x16xi32>,
      %scan3A_2446 = arith.constant 0 : i32
      scf.yield %scan3A_2446 : i32
    }
    %scan3A_68 = arith.constant 32 : i32
    %scan3A_69 = arith.constant 0 : i32
    %scan3A_70 = arith.constant 0 : i32
    %scan3A_71 = arith.constant 32 : i32
    %scan3A_72 = arith.addi %scan3A_70, %scan3A_71 : i32
    %scan3A_73 = arith.constant 1 : i32
    %scan3A_74 = scf.for %scan3A_2430 = %scan3A_70 to %scan3A_72 step %scan3A_73 iter_args(%scan3A_2431 = %scan3A_69) -> (i32)  : i32 {
      %mul3A_2432 = arith.constant 16 : i32
      %mul3A_2433 = arith.muli %scan3A_2430, %mul3A_2432 : i32
      %get3A = arith.constant 5 : i32
      %get3A_2434 = arith.index_cast %get3A : i32 to index
      %get3A_2435 = arith.index_cast %mul3A_2433 : i32 to index
      %get3A_2436 = tpu.vector_load %arg5[%get3A_2434, %get3A_2435] {strides = array<i32>} : memref<26x512xi32, #tpu.memory_space<vmem>>, vector<1x16xi32>,
      %get3A_2437 = vector.shape_cast %get3A_2436 : vector<1x16xi32> to vector<16xi32>
      %add3A_2438 = arith.constant 500000 : i32
      %add3A_2439 = vector.broadcast %add3A_2438 : i32 to vector<16xi32>
      %add3A_2440 = arith.addi %get3A_2437, %add3A_2439 : vector<16xi32>
      %swap3A = arith.constant 5 : i32
      %swap3A_2441 = arith.index_cast %swap3A : i32 to index
      %swap3A_2442 = arith.index_cast %mul3A_2433 : i32 to index
      %swap3A_2443 = tpu.vector_load %arg5[%swap3A_2441, %swap3A_2442] {strides = array<i32>} : memref<26x512xi32, #tpu.memory_space<vmem>>, vector<1x16xi32>,
      %swap3A_2444 = vector.shape_cast %swap3A_2443 : vector<1x16xi32> to vector<16xi32>
      %swap3A_2445 = vector.shape_cast %add3A_2440 : vector<16xi32> to vector<1x16xi32>
      tpu.vector_store %arg5[%swap3A_2441, %swap3A_2442], %swap3A_2445 {strides = array<i32>} : memref<26x512xi32, #tpu.memory_space<vmem>>, vector<1x16xi32>,
      %scan3A_2446 = arith.constant 0 : i32
      scf.yield %scan3A_2446 : i32
    }
    %scan3A_75 = arith.constant 32 : i32
    %scan3A_76 = arith.constant 0 : i32
    %scan3A_77 = arith.constant 0 : i32
    %scan3A_78 = arith.constant 32 : i32
    %scan3A_79 = arith.addi %scan3A_77, %scan3A_78 : i32
    %scan3A_80 = arith.constant 1 : i32
    %scan3A_81 = scf.for %scan3A_2430 = %scan3A_77 to %scan3A_79 step %scan3A_80 iter_args(%scan3A_2431 = %scan3A_76) -> (i32)  : i32 {
      %mul3A_2432 = arith.constant 16 : i32
      %mul3A_2433 = arith.muli %scan3A_2430, %mul3A_2432 : i32
      %get3A = arith.constant 6 : i32
      %get3A_2434 = arith.index_cast %get3A : i32 to index
      %get3A_2435 = arith.index_cast %mul3A_2433 : i32 to index
      %get3A_2436 = tpu.vector_load %arg5[%get3A_2434, %get3A_2435] {strides = array<i32>} : memref<26x512xi32, #tpu.memory_space<vmem>>, vector<1x16xi32>,
      %get3A_2437 = vector.shape_cast %get3A_2436 : vector<1x16xi32> to vector<16xi32>
      %add3A_2438 = arith.constant 600000 : i32
      %add3A_2439 = vector.broadcast %add3A_2438 : i32 to vector<16xi32>
      %add3A_2440 = arith.addi %get3A_2437, %add3A_2439 : vector<16xi32>
      %swap3A = arith.constant 6 : i32
      %swap3A_2441 = arith.index_cast %swap3A : i32 to index
      %swap3A_2442 = arith.index_cast %mul3A_2433 : i32 to index
      %swap3A_2443 = tpu.vector_load %arg5[%swap3A_2441, %swap3A_2442] {strides = array<i32>} : memref<26x512xi32, #tpu.memory_space<vmem>>, vector<1x16xi32>,
      %swap3A_2444 = vector.shape_cast %swap3A_2443 : vector<1x16xi32> to vector<16xi32>
      %swap3A_2445 = vector.shape_cast %add3A_2440 : vector<16xi32> to vector<1x16xi32>
      tpu.vector_store %arg5[%swap3A_2441, %swap3A_2442], %swap3A_2445 {strides = array<i32>} : memref<26x512xi32, #tpu.memory_space<vmem>>, vector<1x16xi32>,
      %scan3A_2446 = arith.constant 0 : i32
      scf.yield %scan3A_2446 : i32
    }
    %scan3A_82 = arith.constant 32 : i32
    %scan3A_83 = arith.constant 0 : i32
    %scan3A_84 = arith.constant 0 : i32
    %scan3A_85 = arith.constant 32 : i32
    %scan3A_86 = arith.addi %scan3A_84, %scan3A_85 : i32
    %scan3A_87 = arith.constant 1 : i32
    %scan3A_88 = scf.for %scan3A_2430 = %scan3A_84 to %scan3A_86 step %scan3A_87 iter_args(%scan3A_2431 = %scan3A_83) -> (i32)  : i32 {
      %mul3A_2432 = arith.constant 16 : i32
      %mul3A_2433 = arith.muli %scan3A_2430, %mul3A_2432 : i32
      %get3A = arith.constant 7 : i32
      %get3A_2434 = arith.index_cast %get3A : i32 to index
      %get3A_2435 = arith.index_cast %mul3A_2433 : i32 to index
      %get3A_2436 = tpu.vector_load %arg5[%get3A_2434, %get3A_2435] {strides = array<i32>} : memref<26x512xi32, #tpu.memory_space<vmem>>, vector<1x16xi32>,
      %get3A_2437 = vector.shape_cast %get3A_2436 : vector<1x16xi32> to vector<16xi32>
      %add3A_2438 = arith.constant 700000 : i32
      %add3A_2439 = vector.broadcast %add3A_2438 : i32 to vector<16xi32>
      %add3A_2440 = arith.addi %get3A_2437, %add3A_2439 : vector<16xi32>
      %swap3A = arith.constant 7 : i32
      %swap3A_2441 = arith.index_cast %swap3A : i32 to index
      %swap3A_2442 = arith.index_cast %mul3A_2433 : i32 to index
      %swap3A_2443 = tpu.vector_load %arg5[%swap3A_2441, %swap3A_2442] {strides = array<i32>} : memref<26x512xi32, #tpu.memory_space<vmem>>, vector<1x16xi32>,
      %swap3A_2444 = vector.shape_cast %swap3A_2443 : vector<1x16xi32> to vector<16xi32>
      %swap3A_2445 = vector.shape_cast %add3A_2440 : vector<16xi32> to vector<1x16xi32>
      tpu.vector_store %arg5[%swap3A_2441, %swap3A_2442], %swap3A_2445 {strides = array<i32>} : memref<26x512xi32, #tpu.memory_space<vmem>>, vector<1x16xi32>,
      %scan3A_2446 = arith.constant 0 : i32
      scf.yield %scan3A_2446 : i32
    }
    %scan3A_89 = arith.constant 32 : i32
    %scan3A_90 = arith.constant 0 : i32
    %scan3A_91 = arith.constant 0 : i32
    %scan3A_92 = arith.constant 32 : i32
    %scan3A_93 = arith.addi %scan3A_91, %scan3A_92 : i32
    %scan3A_94 = arith.constant 1 : i32
    %scan3A_95 = scf.for %scan3A_2430 = %scan3A_91 to %scan3A_93 step %scan3A_94 iter_args(%scan3A_2431 = %scan3A_90) -> (i32)  : i32 {
      %mul3A_2432 = arith.constant 16 : i32
      %mul3A_2433 = arith.muli %scan3A_2430, %mul3A_2432 : i32
      %get3A = arith.constant 8 : i32
      %get3A_2434 = arith.index_cast %get3A : i32 to index
      %get3A_2435 = arith.index_cast %mul3A_2433 : i32 to index
      %get3A_2436 = tpu.vector_load %arg5[%get3A_2434, %get3A_2435] {strides = array<i32>} : memref<26x512xi32, #tpu.memory_space<vmem>>, vector<1x16xi32>,
      %get3A_2437 = vector.shape_cast %get3A_2436 : vector<1x16xi32> to vector<16xi32>
      %add3A_2438 = arith.constant 800000 : i32
      %add3A_2439 = vector.broadcast %add3A_2438 : i32 to vector<16xi32>
      %add3A_2440 = arith.addi %get3A_2437, %add3A_2439 : vector<16xi32>
      %swap3A = arith.constant 8 : i32
      %swap3A_2441 = arith.index_cast %swap3A : i32 to index
      %swap3A_2442 = arith.index_cast %mul3A_2433 : i32 to index
      %swap3A_2443 = tpu.vector_load %arg5[%swap3A_2441, %swap3A_2442] {strides = array<i32>} : memref<26x512xi32, #tpu.memory_space<vmem>>, vector<1x16xi32>,
      %swap3A_2444 = vector.shape_cast %swap3A_2443 : vector<1x16xi32> to vector<16xi32>
      %swap3A_2445 = vector.shape_cast %add3A_2440 : vector<16xi32> to vector<1x16xi32>
      tpu.vector_store %arg5[%swap3A_2441, %swap3A_2442], %swap3A_2445 {strides = array<i32>} : memref<26x512xi32, #tpu.memory_space<vmem>>, vector<1x16xi32>,
      %scan3A_2446 = arith.constant 0 : i32
      scf.yield %scan3A_2446 : i32
    }
    %scan3A_96 = arith.constant 32 : i32
    %scan3A_97 = arith.constant 0 : i32
    %scan3A_98 = arith.constant 0 : i32
    %scan3A_99 = arith.constant 32 : i32
    %scan3A_100 = arith.addi %scan3A_98, %scan3A_99 : i32
    %scan3A_101 = arith.constant 1 : i32
    %scan3A_102 = scf.for %scan3A_2430 = %scan3A_98 to %scan3A_100 step %scan3A_101 iter_args(%scan3A_2431 = %scan3A_97) -> (i32)  : i32 {
      %mul3A_2432 = arith.constant 16 : i32
      %mul3A_2433 = arith.muli %scan3A_2430, %mul3A_2432 : i32
      %get3A = arith.constant 9 : i32
      %get3A_2434 = arith.index_cast %get3A : i32 to index
      %get3A_2435 = arith.index_cast %mul3A_2433 : i32 to index
      %get3A_2436 = tpu.vector_load %arg5[%get3A_2434, %get3A_2435] {strides = array<i32>} : memref<26x512xi32, #tpu.memory_space<vmem>>, vector<1x16xi32>,
      %get3A_2437 = vector.shape_cast %get3A_2436 : vector<1x16xi32> to vector<16xi32>
      %add3A_2438 = arith.constant 900000 : i32
      %add3A_2439 = vector.broadcast %add3A_2438 : i32 to vector<16xi32>
      %add3A_2440 = arith.addi %get3A_2437, %add3A_2439 : vector<16xi32>
      %swap3A = arith.constant 9 : i32
      %swap3A_2441 = arith.index_cast %swap3A : i32 to index
      %swap3A_2442 = arith.index_cast %mul3A_2433 : i32 to index
      %swap3A_2443 = tpu.vector_load %arg5[%swap3A_2441, %swap3A_2442] {strides = array<i32>} : memref<26x512xi32, #tpu.memory_space<vmem>>, vector<1x16xi32>,
      %swap3A_2444 = vector.shape_cast %swap3A_2443 : vector<1x16xi32> to vector<16xi32>
      %swap3A_2445 = vector.shape_cast %add3A_2440 : vector<16xi32> to vector<1x16xi32>
      tpu.vector_store %arg5[%swap3A_2441, %swap3A_2442], %swap3A_2445 {strides = array<i32>} : memref<26x512xi32, #tpu.memory_space<vmem>>, vector<1x16xi32>,
      %scan3A_2446 = arith.constant 0 : i32
      scf.yield %scan3A_2446 : i32
    }
    %scan3A_103 = arith.constant 32 : i32
    %scan3A_104 = arith.constant 0 : i32
    %scan3A_105 = arith.constant 0 : i32
    %scan3A_106 = arith.constant 32 : i32
    %scan3A_107 = arith.addi %scan3A_105, %scan3A_106 : i32
    %scan3A_108 = arith.constant 1 : i32
    %scan3A_109 = scf.for %scan3A_2430 = %scan3A_105 to %scan3A_107 step %scan3A_108 iter_args(%scan3A_2431 = %scan3A_104) -> (i32)  : i32 {
      %mul3A_2432 = arith.constant 16 : i32
      %mul3A_2433 = arith.muli %scan3A_2430, %mul3A_2432 : i32
      %get3A = arith.constant 10 : i32
      %get3A_2434 = arith.index_cast %get3A : i32 to index
      %get3A_2435 = arith.index_cast %mul3A_2433 : i32 to index
      %get3A_2436 = tpu.vector_load %arg5[%get3A_2434, %get3A_2435] {strides = array<i32>} : memref<26x512xi32, #tpu.memory_space<vmem>>, vector<1x16xi32>,
      %get3A_2437 = vector.shape_cast %get3A_2436 : vector<1x16xi32> to vector<16xi32>
      %add3A_2438 = arith.constant 1000000 : i32
      %add3A_2439 = vector.broadcast %add3A_2438 : i32 to vector<16xi32>
      %add3A_2440 = arith.addi %get3A_2437, %add3A_2439 : vector<16xi32>
      %swap3A = arith.constant 10 : i32
      %swap3A_2441 = arith.index_cast %swap3A : i32 to index
      %swap3A_2442 = arith.index_cast %mul3A_2433 : i32 to index
      %swap3A_2443 = tpu.vector_load %arg5[%swap3A_2441, %swap3A_2442] {strides = array<i32>} : memref<26x512xi32, #tpu.memory_space<vmem>>, vector<1x16xi32>,
      %swap3A_2444 = vector.shape_cast %swap3A_2443 : vector<1x16xi32> to vector<16xi32>
      %swap3A_2445 = vector.shape_cast %add3A_2440 : vector<16xi32> to vector<1x16xi32>
      tpu.vector_store %arg5[%swap3A_2441, %swap3A_2442], %swap3A_2445 {strides = array<i32>} : memref<26x512xi32, #tpu.memory_space<vmem>>, vector<1x16xi32>,
      %scan3A_2446 = arith.constant 0 : i32
      scf.yield %scan3A_2446 : i32
    }
    %scan3A_110 = arith.constant 32 : i32
    %scan3A_111 = arith.constant 0 : i32
    %scan3A_112 = arith.constant 0 : i32
    %scan3A_113 = arith.constant 32 : i32
    %scan3A_114 = arith.addi %scan3A_112, %scan3A_113 : i32
    %scan3A_115 = arith.constant 1 : i32
    %scan3A_116 = scf.for %scan3A_2430 = %scan3A_112 to %scan3A_114 step %scan3A_115 iter_args(%scan3A_2431 = %scan3A_111) -> (i32)  : i32 {
      %mul3A_2432 = arith.constant 16 : i32
      %mul3A_2433 = arith.muli %scan3A_2430, %mul3A_2432 : i32
      %get3A = arith.constant 11 : i32
      %get3A_2434 = arith.index_cast %get3A : i32 to index
      %get3A_2435 = arith.index_cast %mul3A_2433 : i32 to index
      %get3A_2436 = tpu.vector_load %arg5[%get3A_2434, %get3A_2435] {strides = array<i32>} : memref<26x512xi32, #tpu.memory_space<vmem>>, vector<1x16xi32>,
      %get3A_2437 = vector.shape_cast %get3A_2436 : vector<1x16xi32> to vector<16xi32>
      %add3A_2438 = arith.constant 1100000 : i32
      %add3A_2439 = vector.broadcast %add3A_2438 : i32 to vector<16xi32>
      %add3A_2440 = arith.addi %get3A_2437, %add3A_2439 : vector<16xi32>
      %swap3A = arith.constant 11 : i32
      %swap3A_2441 = arith.index_cast %swap3A : i32 to index
      %swap3A_2442 = arith.index_cast %mul3A_2433 : i32 to index
      %swap3A_2443 = tpu.vector_load %arg5[%swap3A_2441, %swap3A_2442] {strides = array<i32>} : memref<26x512xi32, #tpu.memory_space<vmem>>, vector<1x16xi32>,
      %swap3A_2444 = vector.shape_cast %swap3A_2443 : vector<1x16xi32> to vector<16xi32>
      %swap3A_2445 = vector.shape_cast %add3A_2440 : vector<16xi32> to vector<1x16xi32>
      tpu.vector_store %arg5[%swap3A_2441, %swap3A_2442], %swap3A_2445 {strides = array<i32>} : memref<26x512xi32, #tpu.memory_space<vmem>>, vector<1x16xi32>,
      %scan3A_2446 = arith.constant 0 : i32
      scf.yield %scan3A_2446 : i32
    }
    %scan3A_117 = arith.constant 32 : i32
    %scan3A_118 = arith.constant 0 : i32
    %scan3A_119 = arith.constant 0 : i32
    %scan3A_120 = arith.constant 32 : i32
    %scan3A_121 = arith.addi %scan3A_119, %scan3A_120 : i32
    %scan3A_122 = arith.constant 1 : i32
    %scan3A_123 = scf.for %scan3A_2430 = %scan3A_119 to %scan3A_121 step %scan3A_122 iter_args(%scan3A_2431 = %scan3A_118) -> (i32)  : i32 {
      %mul3A_2432 = arith.constant 16 : i32
      %mul3A_2433 = arith.muli %scan3A_2430, %mul3A_2432 : i32
      %get3A = arith.constant 12 : i32
      %get3A_2434 = arith.index_cast %get3A : i32 to index
      %get3A_2435 = arith.index_cast %mul3A_2433 : i32 to index
      %get3A_2436 = tpu.vector_load %arg5[%get3A_2434, %get3A_2435] {strides = array<i32>} : memref<26x512xi32, #tpu.memory_space<vmem>>, vector<1x16xi32>,
      %get3A_2437 = vector.shape_cast %get3A_2436 : vector<1x16xi32> to vector<16xi32>
      %add3A_2438 = arith.constant 1200000 : i32
      %add3A_2439 = vector.broadcast %add3A_2438 : i32 to vector<16xi32>
      %add3A_2440 = arith.addi %get3A_2437, %add3A_2439 : vector<16xi32>
      %swap3A = arith.constant 12 : i32
      %swap3A_2441 = arith.index_cast %swap3A : i32 to index
      %swap3A_2442 = arith.index_cast %mul3A_2433 : i32 to index
      %swap3A_2443 = tpu.vector_load %arg5[%swap3A_2441, %swap3A_2442] {strides = array<i32>} : memref<26x512xi32, #tpu.memory_space<vmem>>, vector<1x16xi32>,
      %swap3A_2444 = vector.shape_cast %swap3A_2443 : vector<1x16xi32> to vector<16xi32>
      %swap3A_2445 = vector.shape_cast %add3A_2440 : vector<16xi32> to vector<1x16xi32>
      tpu.vector_store %arg5[%swap3A_2441, %swap3A_2442], %swap3A_2445 {strides = array<i32>} : memref<26x512xi32, #tpu.memory_space<vmem>>, vector<1x16xi32>,
      %scan3A_2446 = arith.constant 0 : i32
      scf.yield %scan3A_2446 : i32
    }
    %scan3A_124 = arith.constant 32 : i32
    %scan3A_125 = arith.constant 0 : i32
    %scan3A_126 = arith.constant 0 : i32
    %scan3A_127 = arith.constant 32 : i32
    %scan3A_128 = arith.addi %scan3A_126, %scan3A_127 : i32
    %scan3A_129 = arith.constant 1 : i32
    %scan3A_130 = scf.for %scan3A_2430 = %scan3A_126 to %scan3A_128 step %scan3A_129 iter_args(%scan3A_2431 = %scan3A_125) -> (i32)  : i32 {
      %mul3A_2432 = arith.constant 16 : i32
      %mul3A_2433 = arith.muli %scan3A_2430, %mul3A_2432 : i32
      %get3A = arith.constant 13 : i32
      %get3A_2434 = arith.index_cast %get3A : i32 to index
      %get3A_2435 = arith.index_cast %mul3A_2433 : i32 to index
      %get3A_2436 = tpu.vector_load %arg5[%get3A_2434, %get3A_2435] {strides = array<i32>} : memref<26x512xi32, #tpu.memory_space<vmem>>, vector<1x16xi32>,
      %get3A_2437 = vector.shape_cast %get3A_2436 : vector<1x16xi32> to vector<16xi32>
      %add3A_2438 = arith.constant 1300000 : i32
      %add3A_2439 = vector.broadcast %add3A_2438 : i32 to vector<16xi32>
      %add3A_2440 = arith.addi %get3A_2437, %add3A_2439 : vector<16xi32>
      %swap3A = arith.constant 13 : i32
      %swap3A_2441 = arith.index_cast %swap3A : i32 to index
      %swap3A_2442 = arith.index_cast %mul3A_2433 : i32 to index
      %swap3A_2443 = tpu.vector_load %arg5[%swap3A_2441, %swap3A_2442] {strides = array<i32>} : memref<26x512xi32, #tpu.memory_space<vmem>>, vector<1x16xi32>,
      %swap3A_2444 = vector.shape_cast %swap3A_2443 : vector<1x16xi32> to vector<16xi32>
      %swap3A_2445 = vector.shape_cast %add3A_2440 : vector<16xi32> to vector<1x16xi32>
      tpu.vector_store %arg5[%swap3A_2441, %swap3A_2442], %swap3A_2445 {strides = array<i32>} : memref<26x512xi32, #tpu.memory_space<vmem>>, vector<1x16xi32>,
      %scan3A_2446 = arith.constant 0 : i32
      scf.yield %scan3A_2446 : i32
    }
    %scan3A_131 = arith.constant 32 : i32
    %scan3A_132 = arith.constant 0 : i32
    %scan3A_133 = arith.constant 0 : i32
    %scan3A_134 = arith.constant 32 : i32
    %scan3A_135 = arith.addi %scan3A_133, %scan3A_134 : i32
    %scan3A_136 = arith.constant 1 : i32
    %scan3A_137 = scf.for %scan3A_2430 = %scan3A_133 to %scan3A_135 step %scan3A_136 iter_args(%scan3A_2431 = %scan3A_132) -> (i32)  : i32 {
      %mul3A_2432 = arith.constant 16 : i32
      %mul3A_2433 = arith.muli %scan3A_2430, %mul3A_2432 : i32
      %get3A = arith.constant 14 : i32
      %get3A_2434 = arith.index_cast %get3A : i32 to index
      %get3A_2435 = arith.index_cast %mul3A_2433 : i32 to index
      %get3A_2436 = tpu.vector_load %arg5[%get3A_2434, %get3A_2435] {strides = array<i32>} : memref<26x512xi32, #tpu.memory_space<vmem>>, vector<1x16xi32>,
      %get3A_2437 = vector.shape_cast %get3A_2436 : vector<1x16xi32> to vector<16xi32>
      %add3A_2438 = arith.constant 1400000 : i32
      %add3A_2439 = vector.broadcast %add3A_2438 : i32 to vector<16xi32>
      %add3A_2440 = arith.addi %get3A_2437, %add3A_2439 : vector<16xi32>
      %swap3A = arith.constant 14 : i32
      %swap3A_2441 = arith.index_cast %swap3A : i32 to index
      %swap3A_2442 = arith.index_cast %mul3A_2433 : i32 to index
      %swap3A_2443 = tpu.vector_load %arg5[%swap3A_2441, %swap3A_2442] {strides = array<i32>} : memref<26x512xi32, #tpu.memory_space<vmem>>, vector<1x16xi32>,
      %swap3A_2444 = vector.shape_cast %swap3A_2443 : vector<1x16xi32> to vector<16xi32>
      %swap3A_2445 = vector.shape_cast %add3A_2440 : vector<16xi32> to vector<1x16xi32>
      tpu.vector_store %arg5[%swap3A_2441, %swap3A_2442], %swap3A_2445 {strides = array<i32>} : memref<26x512xi32, #tpu.memory_space<vmem>>, vector<1x16xi32>,
      %scan3A_2446 = arith.constant 0 : i32
      scf.yield %scan3A_2446 : i32
    }
    %scan3A_138 = arith.constant 32 : i32
    %scan3A_139 = arith.constant 0 : i32
    %scan3A_140 = arith.constant 0 : i32
    %scan3A_141 = arith.constant 32 : i32
    %scan3A_142 = arith.addi %scan3A_140, %scan3A_141 : i32
    %scan3A_143 = arith.constant 1 : i32
    %scan3A_144 = scf.for %scan3A_2430 = %scan3A_140 to %scan3A_142 step %scan3A_143 iter_args(%scan3A_2431 = %scan3A_139) -> (i32)  : i32 {
      %mul3A_2432 = arith.constant 16 : i32
      %mul3A_2433 = arith.muli %scan3A_2430, %mul3A_2432 : i32
      %get3A = arith.constant 15 : i32
      %get3A_2434 = arith.index_cast %get3A : i32 to index
      %get3A_2435 = arith.index_cast %mul3A_2433 : i32 to index
      %get3A_2436 = tpu.vector_load %arg5[%get3A_2434, %get3A_2435] {strides = array<i32>} : memref<26x512xi32, #tpu.memory_space<vmem>>, vector<1x16xi32>,
      %get3A_2437 = vector.shape_cast %get3A_2436 : vector<1x16xi32> to vector<16xi32>
      %add3A_2438 = arith.constant 1500000 : i32
      %add3A_2439 = vector.broadcast %add3A_2438 : i32 to vector<16xi32>
      %add3A_2440 = arith.addi %get3A_2437, %add3A_2439 : vector<16xi32>
      %swap3A = arith.constant 15 : i32
      %swap3A_2441 = arith.index_cast %swap3A : i32 to index
      %swap3A_2442 = arith.index_cast %mul3A_2433 : i32 to index
      %swap3A_2443 = tpu.vector_load %arg5[%swap3A_2441, %swap3A_2442] {strides = array<i32>} : memref<26x512xi32, #tpu.memory_space<vmem>>, vector<1x16xi32>,
      %swap3A_2444 = vector.shape_cast %swap3A_2443 : vector<1x16xi32> to vector<16xi32>
      %swap3A_2445 = vector.shape_cast %add3A_2440 : vector<16xi32> to vector<1x16xi32>
      tpu.vector_store %arg5[%swap3A_2441, %swap3A_2442], %swap3A_2445 {strides = array<i32>} : memref<26x512xi32, #tpu.memory_space<vmem>>, vector<1x16xi32>,
      %scan3A_2446 = arith.constant 0 : i32
      scf.yield %scan3A_2446 : i32
    }
    %scan3A_145 = arith.constant 32 : i32
    %scan3A_146 = arith.constant 0 : i32
    %scan3A_147 = arith.constant 0 : i32
    %scan3A_148 = arith.constant 32 : i32
    %scan3A_149 = arith.addi %scan3A_147, %scan3A_148 : i32
    %scan3A_150 = arith.constant 1 : i32
    %scan3A_151 = scf.for %scan3A_2430 = %scan3A_147 to %scan3A_149 step %scan3A_150 iter_args(%scan3A_2431 = %scan3A_146) -> (i32)  : i32 {
      %mul3A_2432 = arith.constant 16 : i32
      %mul3A_2433 = arith.muli %scan3A_2430, %mul3A_2432 : i32
      %get3A = arith.constant 16 : i32
      %get3A_2434 = arith.index_cast %get3A : i32 to index
      %get3A_2435 = arith.index_cast %mul3A_2433 : i32 to index
      %get3A_2436 = tpu.vector_load %arg5[%get3A_2434, %get3A_2435] {strides = array<i32>} : memref<26x512xi32, #tpu.memory_space<vmem>>, vector<1x16xi32>,
      %get3A_2437 = vector.shape_cast %get3A_2436 : vector<1x16xi32> to vector<16xi32>
      %add3A_2438 = arith.constant 1600000 : i32
      %add3A_2439 = vector.broadcast %add3A_2438 : i32 to vector<16xi32>
      %add3A_2440 = arith.addi %get3A_2437, %add3A_2439 : vector<16xi32>
      %swap3A = arith.constant 16 : i32
      %swap3A_2441 = arith.index_cast %swap3A : i32 to index
      %swap3A_2442 = arith.index_cast %mul3A_2433 : i32 to index
      %swap3A_2443 = tpu.vector_load %arg5[%swap3A_2441, %swap3A_2442] {strides = array<i32>} : memref<26x512xi32, #tpu.memory_space<vmem>>, vector<1x16xi32>,
      %swap3A_2444 = vector.shape_cast %swap3A_2443 : vector<1x16xi32> to vector<16xi32>
      %swap3A_2445 = vector.shape_cast %add3A_2440 : vector<16xi32> to vector<1x16xi32>
      tpu.vector_store %arg5[%swap3A_2441, %swap3A_2442], %swap3A_2445 {strides = array<i32>} : memref<26x512xi32, #tpu.memory_space<vmem>>, vector<1x16xi32>,
      %scan3A_2446 = arith.constant 0 : i32
      scf.yield %scan3A_2446 : i32
    }
    %scan3A_152 = arith.constant 32 : i32
    %scan3A_153 = arith.constant 0 : i32
    %scan3A_154 = arith.constant 0 : i32
    %scan3A_155 = arith.constant 32 : i32
    %scan3A_156 = arith.addi %scan3A_154, %scan3A_155 : i32
    %scan3A_157 = arith.constant 1 : i32
    %scan3A_158 = scf.for %scan3A_2430 = %scan3A_154 to %scan3A_156 step %scan3A_157 iter_args(%scan3A_2431 = %scan3A_153) -> (i32)  : i32 {
      %mul3A_2432 = arith.constant 16 : i32
      %mul3A_2433 = arith.muli %scan3A_2430, %mul3A_2432 : i32
      %get3A = arith.constant 17 : i32
      %get3A_2434 = arith.index_cast %get3A : i32 to index
      %get3A_2435 = arith.index_cast %mul3A_2433 : i32 to index
      %get3A_2436 = tpu.vector_load %arg5[%get3A_2434, %get3A_2435] {strides = array<i32>} : memref<26x512xi32, #tpu.memory_space<vmem>>, vector<1x16xi32>,
      %get3A_2437 = vector.shape_cast %get3A_2436 : vector<1x16xi32> to vector<16xi32>
      %add3A_2438 = arith.constant 1700000 : i32
      %add3A_2439 = vector.broadcast %add3A_2438 : i32 to vector<16xi32>
      %add3A_2440 = arith.addi %get3A_2437, %add3A_2439 : vector<16xi32>
      %swap3A = arith.constant 17 : i32
      %swap3A_2441 = arith.index_cast %swap3A : i32 to index
      %swap3A_2442 = arith.index_cast %mul3A_2433 : i32 to index
      %swap3A_2443 = tpu.vector_load %arg5[%swap3A_2441, %swap3A_2442] {strides = array<i32>} : memref<26x512xi32, #tpu.memory_space<vmem>>, vector<1x16xi32>,
      %swap3A_2444 = vector.shape_cast %swap3A_2443 : vector<1x16xi32> to vector<16xi32>
      %swap3A_2445 = vector.shape_cast %add3A_2440 : vector<16xi32> to vector<1x16xi32>
      tpu.vector_store %arg5[%swap3A_2441, %swap3A_2442], %swap3A_2445 {strides = array<i32>} : memref<26x512xi32, #tpu.memory_space<vmem>>, vector<1x16xi32>,
      %scan3A_2446 = arith.constant 0 : i32
      scf.yield %scan3A_2446 : i32
    }
    %scan3A_159 = arith.constant 32 : i32
    %scan3A_160 = arith.constant 0 : i32
    %scan3A_161 = arith.constant 0 : i32
    %scan3A_162 = arith.constant 32 : i32
    %scan3A_163 = arith.addi %scan3A_161, %scan3A_162 : i32
    %scan3A_164 = arith.constant 1 : i32
    %scan3A_165 = scf.for %scan3A_2430 = %scan3A_161 to %scan3A_163 step %scan3A_164 iter_args(%scan3A_2431 = %scan3A_160) -> (i32)  : i32 {
      %mul3A_2432 = arith.constant 16 : i32
      %mul3A_2433 = arith.muli %scan3A_2430, %mul3A_2432 : i32
      %get3A = arith.constant 18 : i32
      %get3A_2434 = arith.index_cast %get3A : i32 to index
      %get3A_2435 = arith.index_cast %mul3A_2433 : i32 to index
      %get3A_2436 = tpu.vector_load %arg5[%get3A_2434, %get3A_2435] {strides = array<i32>} : memref<26x512xi32, #tpu.memory_space<vmem>>, vector<1x16xi32>,
      %get3A_2437 = vector.shape_cast %get3A_2436 : vector<1x16xi32> to vector<16xi32>
      %add3A_2438 = arith.constant 1800000 : i32
      %add3A_2439 = vector.broadcast %add3A_2438 : i32 to vector<16xi32>
      %add3A_2440 = arith.addi %get3A_2437, %add3A_2439 : vector<16xi32>
      %swap3A = arith.constant 18 : i32
      %swap3A_2441 = arith.index_cast %swap3A : i32 to index
      %swap3A_2442 = arith.index_cast %mul3A_2433 : i32 to index
      %swap3A_2443 = tpu.vector_load %arg5[%swap3A_2441, %swap3A_2442] {strides = array<i32>} : memref<26x512xi32, #tpu.memory_space<vmem>>, vector<1x16xi32>,
      %swap3A_2444 = vector.shape_cast %swap3A_2443 : vector<1x16xi32> to vector<16xi32>
      %swap3A_2445 = vector.shape_cast %add3A_2440 : vector<16xi32> to vector<1x16xi32>
      tpu.vector_store %arg5[%swap3A_2441, %swap3A_2442], %swap3A_2445 {strides = array<i32>} : memref<26x512xi32, #tpu.memory_space<vmem>>, vector<1x16xi32>,
      %scan3A_2446 = arith.constant 0 : i32
      scf.yield %scan3A_2446 : i32
    }
    %scan3A_166 = arith.constant 32 : i32
    %scan3A_167 = arith.constant 0 : i32
    %scan3A_168 = arith.constant 0 : i32
    %scan3A_169 = arith.constant 32 : i32
    %scan3A_170 = arith.addi %scan3A_168, %scan3A_169 : i32
    %scan3A_171 = arith.constant 1 : i32
    %scan3A_172 = scf.for %scan3A_2430 = %scan3A_168 to %scan3A_170 step %scan3A_171 iter_args(%scan3A_2431 = %scan3A_167) -> (i32)  : i32 {
      %mul3A_2432 = arith.constant 16 : i32
      %mul3A_2433 = arith.muli %scan3A_2430, %mul3A_2432 : i32
      %get3A = arith.constant 19 : i32
      %get3A_2434 = arith.index_cast %get3A : i32 to index
      %get3A_2435 = arith.index_cast %mul3A_2433 : i32 to index
      %get3A_2436 = tpu.vector_load %arg5[%get3A_2434, %get3A_2435] {strides = array<i32>} : memref<26x512xi32, #tpu.memory_space<vmem>>, vector<1x16xi32>,
      %get3A_2437 = vector.shape_cast %get3A_2436 : vector<1x16xi32> to vector<16xi32>
      %add3A_2438 = arith.constant 1900000 : i32
      %add3A_2439 = vector.broadcast %add3A_2438 : i32 to vector<16xi32>
      %add3A_2440 = arith.addi %get3A_2437, %add3A_2439 : vector<16xi32>
      %swap3A = arith.constant 19 : i32
      %swap3A_2441 = arith.index_cast %swap3A : i32 to index
      %swap3A_2442 = arith.index_cast %mul3A_2433 : i32 to index
      %swap3A_2443 = tpu.vector_load %arg5[%swap3A_2441, %swap3A_2442] {strides = array<i32>} : memref<26x512xi32, #tpu.memory_space<vmem>>, vector<1x16xi32>,
      %swap3A_2444 = vector.shape_cast %swap3A_2443 : vector<1x16xi32> to vector<16xi32>
      %swap3A_2445 = vector.shape_cast %add3A_2440 : vector<16xi32> to vector<1x16xi32>
      tpu.vector_store %arg5[%swap3A_2441, %swap3A_2442], %swap3A_2445 {strides = array<i32>} : memref<26x512xi32, #tpu.memory_space<vmem>>, vector<1x16xi32>,
      %scan3A_2446 = arith.constant 0 : i32
      scf.yield %scan3A_2446 : i32
    }
    %scan3A_173 = arith.constant 32 : i32
    %scan3A_174 = arith.constant 0 : i32
    %scan3A_175 = arith.constant 0 : i32
    %scan3A_176 = arith.constant 32 : i32
    %scan3A_177 = arith.addi %scan3A_175, %scan3A_176 : i32
    %scan3A_178 = arith.constant 1 : i32
    %scan3A_179 = scf.for %scan3A_2430 = %scan3A_175 to %scan3A_177 step %scan3A_178 iter_args(%scan3A_2431 = %scan3A_174) -> (i32)  : i32 {
      %mul3A_2432 = arith.constant 16 : i32
      %mul3A_2433 = arith.muli %scan3A_2430, %mul3A_2432 : i32
      %get3A = arith.constant 20 : i32
      %get3A_2434 = arith.index_cast %get3A : i32 to index
      %get3A_2435 = arith.index_cast %mul3A_2433 : i32 to index
      %get3A_2436 = tpu.vector_load %arg5[%get3A_2434, %get3A_2435] {strides = array<i32>} : memref<26x512xi32, #tpu.memory_space<vmem>>, vector<1x16xi32>,
      %get3A_2437 = vector.shape_cast %get3A_2436 : vector<1x16xi32> to vector<16xi32>
      %add3A_2438 = arith.constant 2000000 : i32
      %add3A_2439 = vector.broadcast %add3A_2438 : i32 to vector<16xi32>
      %add3A_2440 = arith.addi %get3A_2437, %add3A_2439 : vector<16xi32>
      %swap3A = arith.constant 20 : i32
      %swap3A_2441 = arith.index_cast %swap3A : i32 to index
      %swap3A_2442 = arith.index_cast %mul3A_2433 : i32 to index
      %swap3A_2443 = tpu.vector_load %arg5[%swap3A_2441, %swap3A_2442] {strides = array<i32>} : memref<26x512xi32, #tpu.memory_space<vmem>>, vector<1x16xi32>,
      %swap3A_2444 = vector.shape_cast %swap3A_2443 : vector<1x16xi32> to vector<16xi32>
      %swap3A_2445 = vector.shape_cast %add3A_2440 : vector<16xi32> to vector<1x16xi32>
      tpu.vector_store %arg5[%swap3A_2441, %swap3A_2442], %swap3A_2445 {strides = array<i32>} : memref<26x512xi32, #tpu.memory_space<vmem>>, vector<1x16xi32>,
      %scan3A_2446 = arith.constant 0 : i32
      scf.yield %scan3A_2446 : i32
    }
    %scan3A_180 = arith.constant 32 : i32
    %scan3A_181 = arith.constant 0 : i32
    %scan3A_182 = arith.constant 0 : i32
    %scan3A_183 = arith.constant 32 : i32
    %scan3A_184 = arith.addi %scan3A_182, %scan3A_183 : i32
    %scan3A_185 = arith.constant 1 : i32
    %scan3A_186 = scf.for %scan3A_2430 = %scan3A_182 to %scan3A_184 step %scan3A_185 iter_args(%scan3A_2431 = %scan3A_181) -> (i32)  : i32 {
      %mul3A_2432 = arith.constant 16 : i32
      %mul3A_2433 = arith.muli %scan3A_2430, %mul3A_2432 : i32
      %get3A = arith.constant 21 : i32
      %get3A_2434 = arith.index_cast %get3A : i32 to index
      %get3A_2435 = arith.index_cast %mul3A_2433 : i32 to index
      %get3A_2436 = tpu.vector_load %arg5[%get3A_2434, %get3A_2435] {strides = array<i32>} : memref<26x512xi32, #tpu.memory_space<vmem>>, vector<1x16xi32>,
      %get3A_2437 = vector.shape_cast %get3A_2436 : vector<1x16xi32> to vector<16xi32>
      %add3A_2438 = arith.constant 2100000 : i32
      %add3A_2439 = vector.broadcast %add3A_2438 : i32 to vector<16xi32>
      %add3A_2440 = arith.addi %get3A_2437, %add3A_2439 : vector<16xi32>
      %swap3A = arith.constant 21 : i32
      %swap3A_2441 = arith.index_cast %swap3A : i32 to index
      %swap3A_2442 = arith.index_cast %mul3A_2433 : i32 to index
      %swap3A_2443 = tpu.vector_load %arg5[%swap3A_2441, %swap3A_2442] {strides = array<i32>} : memref<26x512xi32, #tpu.memory_space<vmem>>, vector<1x16xi32>,
      %swap3A_2444 = vector.shape_cast %swap3A_2443 : vector<1x16xi32> to vector<16xi32>
      %swap3A_2445 = vector.shape_cast %add3A_2440 : vector<16xi32> to vector<1x16xi32>
      tpu.vector_store %arg5[%swap3A_2441, %swap3A_2442], %swap3A_2445 {strides = array<i32>} : memref<26x512xi32, #tpu.memory_space<vmem>>, vector<1x16xi32>,
      %scan3A_2446 = arith.constant 0 : i32
      scf.yield %scan3A_2446 : i32
    }
    %scan3A_187 = arith.constant 32 : i32
    %scan3A_188 = arith.constant 0 : i32
    %scan3A_189 = arith.constant 0 : i32
    %scan3A_190 = arith.constant 32 : i32
    %scan3A_191 = arith.addi %scan3A_189, %scan3A_190 : i32
    %scan3A_192 = arith.constant 1 : i32
    %scan3A_193 = scf.for %scan3A_2430 = %scan3A_189 to %scan3A_191 step %scan3A_192 iter_args(%scan3A_2431 = %scan3A_188) -> (i32)  : i32 {
      %mul3A_2432 = arith.constant 16 : i32
      %mul3A_2433 = arith.muli %scan3A_2430, %mul3A_2432 : i32
      %get3A = arith.constant 22 : i32
      %get3A_2434 = arith.index_cast %get3A : i32 to index
      %get3A_2435 = arith.index_cast %mul3A_2433 : i32 to index
      %get3A_2436 = tpu.vector_load %arg5[%get3A_2434, %get3A_2435] {strides = array<i32>} : memref<26x512xi32, #tpu.memory_space<vmem>>, vector<1x16xi32>,
      %get3A_2437 = vector.shape_cast %get3A_2436 : vector<1x16xi32> to vector<16xi32>
      %add3A_2438 = arith.constant 2200000 : i32
      %add3A_2439 = vector.broadcast %add3A_2438 : i32 to vector<16xi32>
      %add3A_2440 = arith.addi %get3A_2437, %add3A_2439 : vector<16xi32>
      %swap3A = arith.constant 22 : i32
      %swap3A_2441 = arith.index_cast %swap3A : i32 to index
      %swap3A_2442 = arith.index_cast %mul3A_2433 : i32 to index
      %swap3A_2443 = tpu.vector_load %arg5[%swap3A_2441, %swap3A_2442] {strides = array<i32>} : memref<26x512xi32, #tpu.memory_space<vmem>>, vector<1x16xi32>,
      %swap3A_2444 = vector.shape_cast %swap3A_2443 : vector<1x16xi32> to vector<16xi32>
      %swap3A_2445 = vector.shape_cast %add3A_2440 : vector<16xi32> to vector<1x16xi32>
      tpu.vector_store %arg5[%swap3A_2441, %swap3A_2442], %swap3A_2445 {strides = array<i32>} : memref<26x512xi32, #tpu.memory_space<vmem>>, vector<1x16xi32>,
      %scan3A_2446 = arith.constant 0 : i32
      scf.yield %scan3A_2446 : i32
    }
    %scan3A_194 = arith.constant 32 : i32
    %scan3A_195 = arith.constant 0 : i32
    %scan3A_196 = arith.constant 0 : i32
    %scan3A_197 = arith.constant 32 : i32
    %scan3A_198 = arith.addi %scan3A_196, %scan3A_197 : i32
    %scan3A_199 = arith.constant 1 : i32
    %scan3A_200 = scf.for %scan3A_2430 = %scan3A_196 to %scan3A_198 step %scan3A_199 iter_args(%scan3A_2431 = %scan3A_195) -> (i32)  : i32 {
      %mul3A_2432 = arith.constant 16 : i32
      %mul3A_2433 = arith.muli %scan3A_2430, %mul3A_2432 : i32
      %get3A = arith.constant 23 : i32
      %get3A_2434 = arith.index_cast %get3A : i32 to index
      %get3A_2435 = arith.index_cast %mul3A_2433 : i32 to index
      %get3A_2436 = tpu.vector_load %arg5[%get3A_2434, %get3A_2435] {strides = array<i32>} : memref<26x512xi32, #tpu.memory_space<vmem>>, vector<1x16xi32>,
      %get3A_2437 = vector.shape_cast %get3A_2436 : vector<1x16xi32> to vector<16xi32>
      %add3A_2438 = arith.constant 2300000 : i32
      %add3A_2439 = vector.broadcast %add3A_2438 : i32 to vector<16xi32>
      %add3A_2440 = arith.addi %get3A_2437, %add3A_2439 : vector<16xi32>
      %swap3A = arith.constant 23 : i32
      %swap3A_2441 = arith.index_cast %swap3A : i32 to index
      %swap3A_2442 = arith.index_cast %mul3A_2433 : i32 to index
      %swap3A_2443 = tpu.vector_load %arg5[%swap3A_2441, %swap3A_2442] {strides = array<i32>} : memref<26x512xi32, #tpu.memory_space<vmem>>, vector<1x16xi32>,
      %swap3A_2444 = vector.shape_cast %swap3A_2443 : vector<1x16xi32> to vector<16xi32>
      %swap3A_2445 = vector.shape_cast %add3A_2440 : vector<16xi32> to vector<1x16xi32>
      tpu.vector_store %arg5[%swap3A_2441, %swap3A_2442], %swap3A_2445 {strides = array<i32>} : memref<26x512xi32, #tpu.memory_space<vmem>>, vector<1x16xi32>,
      %scan3A_2446 = arith.constant 0 : i32
      scf.yield %scan3A_2446 : i32
    }
    %scan3A_201 = arith.constant 32 : i32
    %scan3A_202 = arith.constant 0 : i32
    %scan3A_203 = arith.constant 0 : i32
    %scan3A_204 = arith.constant 32 : i32
    %scan3A_205 = arith.addi %scan3A_203, %scan3A_204 : i32
    %scan3A_206 = arith.constant 1 : i32
    %scan3A_207 = scf.for %scan3A_2430 = %scan3A_203 to %scan3A_205 step %scan3A_206 iter_args(%scan3A_2431 = %scan3A_202) -> (i32)  : i32 {
      %mul3A_2432 = arith.constant 16 : i32
      %mul3A_2433 = arith.muli %scan3A_2430, %mul3A_2432 : i32
      %get3A = arith.constant 24 : i32
      %get3A_2434 = arith.index_cast %get3A : i32 to index
      %get3A_2435 = arith.index_cast %mul3A_2433 : i32 to index
      %get3A_2436 = tpu.vector_load %arg5[%get3A_2434, %get3A_2435] {strides = array<i32>} : memref<26x512xi32, #tpu.memory_space<vmem>>, vector<1x16xi32>,
      %get3A_2437 = vector.shape_cast %get3A_2436 : vector<1x16xi32> to vector<16xi32>
      %add3A_2438 = arith.constant 2400000 : i32
      %add3A_2439 = vector.broadcast %add3A_2438 : i32 to vector<16xi32>
      %add3A_2440 = arith.addi %get3A_2437, %add3A_2439 : vector<16xi32>
      %swap3A = arith.constant 24 : i32
      %swap3A_2441 = arith.index_cast %swap3A : i32 to index
      %swap3A_2442 = arith.index_cast %mul3A_2433 : i32 to index
      %swap3A_2443 = tpu.vector_load %arg5[%swap3A_2441, %swap3A_2442] {strides = array<i32>} : memref<26x512xi32, #tpu.memory_space<vmem>>, vector<1x16xi32>,
      %swap3A_2444 = vector.shape_cast %swap3A_2443 : vector<1x16xi32> to vector<16xi32>
      %swap3A_2445 = vector.shape_cast %add3A_2440 : vector<16xi32> to vector<1x16xi32>
      tpu.vector_store %arg5[%swap3A_2441, %swap3A_2442], %swap3A_2445 {strides = array<i32>} : memref<26x512xi32, #tpu.memory_space<vmem>>, vector<1x16xi32>,
      %scan3A_2446 = arith.constant 0 : i32
      scf.yield %scan3A_2446 : i32
    }
    %scan3A_208 = arith.constant 32 : i32
    %scan3A_209 = arith.constant 0 : i32
    %scan3A_210 = arith.constant 0 : i32
    %scan3A_211 = arith.constant 32 : i32
    %scan3A_212 = arith.addi %scan3A_210, %scan3A_211 : i32
    %scan3A_213 = arith.constant 1 : i32
    %scan3A_214 = scf.for %scan3A_2430 = %scan3A_210 to %scan3A_212 step %scan3A_213 iter_args(%scan3A_2431 = %scan3A_209) -> (i32)  : i32 {
      %mul3A_2432 = arith.constant 16 : i32
      %mul3A_2433 = arith.muli %scan3A_2430, %mul3A_2432 : i32
      %get3A = arith.constant 25 : i32
      %get3A_2434 = arith.index_cast %get3A : i32 to index
      %get3A_2435 = arith.index_cast %mul3A_2433 : i32 to index
      %get3A_2436 = tpu.vector_load %arg5[%get3A_2434, %get3A_2435] {strides = array<i32>} : memref<26x512xi32, #tpu.memory_space<vmem>>, vector<1x16xi32>,
      %get3A_2437 = vector.shape_cast %get3A_2436 : vector<1x16xi32> to vector<16xi32>
      %add3A_2438 = arith.constant 2500000 : i32
      %add3A_2439 = vector.broadcast %add3A_2438 : i32 to vector<16xi32>
      %add3A_2440 = arith.addi %get3A_2437, %add3A_2439 : vector<16xi32>
      %swap3A = arith.constant 25 : i32
      %swap3A_2441 = arith.index_cast %swap3A : i32 to index
      %swap3A_2442 = arith.index_cast %mul3A_2433 : i32 to index
      %swap3A_2443 = tpu.vector_load %arg5[%swap3A_2441, %swap3A_2442] {strides = array<i32>} : memref<26x512xi32, #tpu.memory_space<vmem>>, vector<1x16xi32>,
      %swap3A_2444 = vector.shape_cast %swap3A_2443 : vector<1x16xi32> to vector<16xi32>
      %swap3A_2445 = vector.shape_cast %add3A_2440 : vector<16xi32> to vector<1x16xi32>
      tpu.vector_store %arg5[%swap3A_2441, %swap3A_2442], %swap3A_2445 {strides = array<i32>} : memref<26x512xi32, #tpu.memory_space<vmem>>, vector<1x16xi32>,
      %scan3A_2446 = arith.constant 0 : i32
      scf.yield %scan3A_2446 : i32
    }
    %scan3A_215 = arith.constant 32 : i32
    %dma_start3A_216 = arith.constant 1 : i32
    %dma_start3A_217 = arith.constant 0 : i32
    %dma_start3A_218 = arith.constant 0 : i32
    %dma_start3A_219 = tpu.memref_slice %arg7[%dma_start3A_217, %dma_start3A_218] : memref<512x64xf32, #tpu.memory_space<vmem>> -> memref<128x64xf32, #tpu.memory_space<vmem>>
    %dma_start3A_220 = arith.constant 0 : i32
    %dma_start3A_221 = tpu.memref_slice %arg5[%dma_start3A_216, %dma_start3A_220] : memref<26x512xi32, #tpu.memory_space<vmem>> -> memref<1x128xi32, #tpu.memory_space<vmem>>
    %dma_start3A_222 = tpu.memref_squeeze %dma_start3A_221 : memref<1x128xi32, #tpu.memory_space<vmem>> -> memref<128xi32, #tpu.memory_space<vmem>>
    %dma_start3A_223 = arith.constant 0 : i32
    %dma_start3A_224 = arith.constant 0 : i32
    %dma_start3A_225 = tpu.memref_slice %arg2[%dma_start3A_223, %dma_start3A_224] : memref<2600000x64xf32, #tpu.memory_space<hbm>> -> memref<2600000x64xf32, #tpu.memory_space<hbm>>
    tpu.enqueue_indirect_dma source(%dma_start3A_225 : memref<2600000x64xf32, #tpu.memory_space<hbm>>) target(%dma_start3A_219 : memref<128x64xf32, #tpu.memory_space<vmem>>) offsets(%dma_start3A_222 : memref<128xi32, #tpu.memory_space<vmem>>) semaphore(%arg10 : memref<!tpu.dma_semaphore, #tpu.memory_space<semaphore_mem>>)
    %dma_start3A_226 = arith.constant 1 : i32
    %dma_start3A_227 = arith.constant 128 : i32
    %dma_start3A_228 = arith.constant 0 : i32
    %dma_start3A_229 = tpu.memref_slice %arg7[%dma_start3A_227, %dma_start3A_228] : memref<512x64xf32, #tpu.memory_space<vmem>> -> memref<128x64xf32, #tpu.memory_space<vmem>>
    %dma_start3A_230 = arith.constant 128 : i32
    %dma_start3A_231 = tpu.memref_slice %arg5[%dma_start3A_226, %dma_start3A_230] : memref<26x512xi32, #tpu.memory_space<vmem>> -> memref<1x128xi32, #tpu.memory_space<vmem>>
    %dma_start3A_232 = tpu.memref_squeeze %dma_start3A_231 : memref<1x128xi32, #tpu.memory_space<vmem>> -> memref<128xi32, #tpu.memory_space<vmem>>
    %dma_start3A_233 = arith.constant 0 : i32
    %dma_start3A_234 = arith.constant 0 : i32
    %dma_start3A_235 = tpu.memref_slice %arg2[%dma_start3A_233, %dma_start3A_234] : memref<2600000x64xf32, #tpu.memory_space<hbm>> -> memref<2600000x64xf32, #tpu.memory_space<hbm>>
    tpu.enqueue_indirect_dma source(%dma_start3A_235 : memref<2600000x64xf32, #tpu.memory_space<hbm>>) target(%dma_start3A_229 : memref<128x64xf32, #tpu.memory_space<vmem>>) offsets(%dma_start3A_232 : memref<128xi32, #tpu.memory_space<vmem>>) semaphore(%arg10 : memref<!tpu.dma_semaphore, #tpu.memory_space<semaphore_mem>>)
    %dma_start3A_236 = arith.constant 1 : i32
    %dma_start3A_237 = arith.constant 256 : i32
    %dma_start3A_238 = arith.constant 0 : i32
    %dma_start3A_239 = tpu.memref_slice %arg7[%dma_start3A_237, %dma_start3A_238] : memref<512x64xf32, #tpu.memory_space<vmem>> -> memref<128x64xf32, #tpu.memory_space<vmem>>
    %dma_start3A_240 = arith.constant 256 : i32
    %dma_start3A_241 = tpu.memref_slice %arg5[%dma_start3A_236, %dma_start3A_240] : memref<26x512xi32, #tpu.memory_space<vmem>> -> memref<1x128xi32, #tpu.memory_space<vmem>>
    %dma_start3A_242 = tpu.memref_squeeze %dma_start3A_241 : memref<1x128xi32, #tpu.memory_space<vmem>> -> memref<128xi32, #tpu.memory_space<vmem>>
    %dma_start3A_243 = arith.constant 0 : i32
    %dma_start3A_244 = arith.constant 0 : i32
    %dma_start3A_245 = tpu.memref_slice %arg2[%dma_start3A_243, %dma_start3A_244] : memref<2600000x64xf32, #tpu.memory_space<hbm>> -> memref<2600000x64xf32, #tpu.memory_space<hbm>>
    tpu.enqueue_indirect_dma source(%dma_start3A_245 : memref<2600000x64xf32, #tpu.memory_space<hbm>>) target(%dma_start3A_239 : memref<128x64xf32, #tpu.memory_space<vmem>>) offsets(%dma_start3A_242 : memref<128xi32, #tpu.memory_space<vmem>>) semaphore(%arg10 : memref<!tpu.dma_semaphore, #tpu.memory_space<semaphore_mem>>)
    %dma_start3A_246 = arith.constant 1 : i32
    %dma_start3A_247 = arith.constant 384 : i32
    %dma_start3A_248 = arith.constant 0 : i32
    %dma_start3A_249 = tpu.memref_slice %arg7[%dma_start3A_247, %dma_start3A_248] : memref<512x64xf32, #tpu.memory_space<vmem>> -> memref<128x64xf32, #tpu.memory_space<vmem>>
    %dma_start3A_250 = arith.constant 384 : i32
    %dma_start3A_251 = tpu.memref_slice %arg5[%dma_start3A_246, %dma_start3A_250] : memref<26x512xi32, #tpu.memory_space<vmem>> -> memref<1x128xi32, #tpu.memory_space<vmem>>
    %dma_start3A_252 = tpu.memref_squeeze %dma_start3A_251 : memref<1x128xi32, #tpu.memory_space<vmem>> -> memref<128xi32, #tpu.memory_space<vmem>>
    %dma_start3A_253 = arith.constant 0 : i32
    %dma_start3A_254 = arith.constant 0 : i32
    %dma_start3A_255 = tpu.memref_slice %arg2[%dma_start3A_253, %dma_start3A_254] : memref<2600000x64xf32, #tpu.memory_space<hbm>> -> memref<2600000x64xf32, #tpu.memory_space<hbm>>
    tpu.enqueue_indirect_dma source(%dma_start3A_255 : memref<2600000x64xf32, #tpu.memory_space<hbm>>) target(%dma_start3A_249 : memref<128x64xf32, #tpu.memory_space<vmem>>) offsets(%dma_start3A_252 : memref<128xi32, #tpu.memory_space<vmem>>) semaphore(%arg10 : memref<!tpu.dma_semaphore, #tpu.memory_space<semaphore_mem>>)
    %dma_wait3A = arith.constant 0 : i32
    %dma_wait3A_256 = arith.constant 0 : i32
    %dma_wait3A_257 = arith.constant 0 : i32
    %dma_wait3A_258 = tpu.memref_slice %arg8[%dma_wait3A_256, %dma_wait3A_257] : memref<512x64xf32, #tpu.memory_space<vmem>> -> memref<128x64xf32, #tpu.memory_space<vmem>>
    %dma_wait3A_259 = arith.constant 0 : i32
    %dma_wait3A_260 = tpu.memref_slice %arg5[%dma_wait3A, %dma_wait3A_259] : memref<26x512xi32, #tpu.memory_space<vmem>> -> memref<1x128xi32, #tpu.memory_space<vmem>>
    %dma_wait3A_261 = tpu.memref_squeeze %dma_wait3A_260 : memref<1x128xi32, #tpu.memory_space<vmem>> -> memref<128xi32, #tpu.memory_space<vmem>>
    %dma_wait3A_262 = arith.constant 0 : i32
    %dma_wait3A_263 = arith.constant 0 : i32
    %dma_wait3A_264 = tpu.memref_slice %arg2[%dma_wait3A_262, %dma_wait3A_263] : memref<2600000x64xf32, #tpu.memory_space<hbm>> -> memref<2600000x64xf32, #tpu.memory_space<hbm>>
    tpu.wait_indirect_dma semaphore(%arg11 : memref<!tpu.dma_semaphore, #tpu.memory_space<semaphore_mem>>) src(%dma_wait3A_264 : memref<2600000x64xf32, #tpu.memory_space<hbm>>) dst(%dma_wait3A_258 : memref<128x64xf32, #tpu.memory_space<vmem>>)
    %dma_wait3A_265 = arith.constant 0 : i32
    %dma_wait3A_266 = arith.constant 128 : i32
    %dma_wait3A_267 = arith.constant 0 : i32
    %dma_wait3A_268 = tpu.memref_slice %arg8[%dma_wait3A_266, %dma_wait3A_267] : memref<512x64xf32, #tpu.memory_space<vmem>> -> memref<128x64xf32, #tpu.memory_space<vmem>>
    %dma_wait3A_269 = arith.constant 128 : i32
    %dma_wait3A_270 = tpu.memref_slice %arg5[%dma_wait3A_265, %dma_wait3A_269] : memref<26x512xi32, #tpu.memory_space<vmem>> -> memref<1x128xi32, #tpu.memory_space<vmem>>
    %dma_wait3A_271 = tpu.memref_squeeze %dma_wait3A_270 : memref<1x128xi32, #tpu.memory_space<vmem>> -> memref<128xi32, #tpu.memory_space<vmem>>
    %dma_wait3A_272 = arith.constant 0 : i32
    %dma_wait3A_273 = arith.constant 0 : i32
    %dma_wait3A_274 = tpu.memref_slice %arg2[%dma_wait3A_272, %dma_wait3A_273] : memref<2600000x64xf32, #tpu.memory_space<hbm>> -> memref<2600000x64xf32, #tpu.memory_space<hbm>>
    tpu.wait_indirect_dma semaphore(%arg11 : memref<!tpu.dma_semaphore, #tpu.memory_space<semaphore_mem>>) src(%dma_wait3A_274 : memref<2600000x64xf32, #tpu.memory_space<hbm>>) dst(%dma_wait3A_268 : memref<128x64xf32, #tpu.memory_space<vmem>>)
    %dma_wait3A_275 = arith.constant 0 : i32
    %dma_wait3A_276 = arith.constant 256 : i32
    %dma_wait3A_277 = arith.constant 0 : i32
    %dma_wait3A_278 = tpu.memref_slice %arg8[%dma_wait3A_276, %dma_wait3A_277] : memref<512x64xf32, #tpu.memory_space<vmem>> -> memref<128x64xf32, #tpu.memory_space<vmem>>
    %dma_wait3A_279 = arith.constant 256 : i32
    %dma_wait3A_280 = tpu.memref_slice %arg5[%dma_wait3A_275, %dma_wait3A_279] : memref<26x512xi32, #tpu.memory_space<vmem>> -> memref<1x128xi32, #tpu.memory_space<vmem>>
    %dma_wait3A_281 = tpu.memref_squeeze %dma_wait3A_280 : memref<1x128xi32, #tpu.memory_space<vmem>> -> memref<128xi32, #tpu.memory_space<vmem>>
    %dma_wait3A_282 = arith.constant 0 : i32
    %dma_wait3A_283 = arith.constant 0 : i32
    %dma_wait3A_284 = tpu.memref_slice %arg2[%dma_wait3A_282, %dma_wait3A_283] : memref<2600000x64xf32, #tpu.memory_space<hbm>> -> memref<2600000x64xf32, #tpu.memory_space<hbm>>
    tpu.wait_indirect_dma semaphore(%arg11 : memref<!tpu.dma_semaphore, #tpu.memory_space<semaphore_mem>>) src(%dma_wait3A_284 : memref<2600000x64xf32, #tpu.memory_space<hbm>>) dst(%dma_wait3A_278 : memref<128x64xf32, #tpu.memory_space<vmem>>)
    %dma_wait3A_285 = arith.constant 0 : i32
    %dma_wait3A_286 = arith.constant 384 : i32
    %dma_wait3A_287 = arith.constant 0 : i32
    %dma_wait3A_288 = tpu.memref_slice %arg8[%dma_wait3A_286, %dma_wait3A_287] : memref<512x64xf32, #tpu.memory_space<vmem>> -> memref<128x64xf32, #tpu.memory_space<vmem>>
    %dma_wait3A_289 = arith.constant 384 : i32
    %dma_wait3A_290 = tpu.memref_slice %arg5[%dma_wait3A_285, %dma_wait3A_289] : memref<26x512xi32, #tpu.memory_space<vmem>> -> memref<1x128xi32, #tpu.memory_space<vmem>>
    %dma_wait3A_291 = tpu.memref_squeeze %dma_wait3A_290 : memref<1x128xi32, #tpu.memory_space<vmem>> -> memref<128xi32, #tpu.memory_space<vmem>>
    %dma_wait3A_292 = arith.constant 0 : i32
    %dma_wait3A_293 = arith.constant 0 : i32
    %dma_wait3A_294 = tpu.memref_slice %arg2[%dma_wait3A_292, %dma_wait3A_293] : memref<2600000x64xf32, #tpu.memory_space<hbm>> -> memref<2600000x64xf32, #tpu.memory_space<hbm>>
    tpu.wait_indirect_dma semaphore(%arg11 : memref<!tpu.dma_semaphore, #tpu.memory_space<semaphore_mem>>) src(%dma_wait3A_294 : memref<2600000x64xf32, #tpu.memory_space<hbm>>) dst(%dma_wait3A_288 : memref<128x64xf32, #tpu.memory_space<vmem>>)
    %dma_start3A_295 = arith.constant 2 : i32
    %dma_start3A_296 = arith.constant 0 : i32
    %dma_start3A_297 = arith.constant 0 : i32
    %dma_start3A_298 = tpu.memref_slice %arg6[%dma_start3A_296, %dma_start3A_297] : memref<512x64xf32, #tpu.memory_space<vmem>> -> memref<128x64xf32, #tpu.memory_space<vmem>>
    %dma_start3A_299 = arith.constant 0 : i32
    %dma_start3A_300 = tpu.memref_slice %arg5[%dma_start3A_295, %dma_start3A_299] : memref<26x512xi32, #tpu.memory_space<vmem>> -> memref<1x128xi32, #tpu.memory_space<vmem>>
    %dma_start3A_301 = tpu.memref_squeeze %dma_start3A_300 : memref<1x128xi32, #tpu.memory_space<vmem>> -> memref<128xi32, #tpu.memory_space<vmem>>
    %dma_start3A_302 = arith.constant 0 : i32
    %dma_start3A_303 = arith.constant 0 : i32
    %dma_start3A_304 = tpu.memref_slice %arg2[%dma_start3A_302, %dma_start3A_303] : memref<2600000x64xf32, #tpu.memory_space<hbm>> -> memref<2600000x64xf32, #tpu.memory_space<hbm>>
    tpu.enqueue_indirect_dma source(%dma_start3A_304 : memref<2600000x64xf32, #tpu.memory_space<hbm>>) target(%dma_start3A_298 : memref<128x64xf32, #tpu.memory_space<vmem>>) offsets(%dma_start3A_301 : memref<128xi32, #tpu.memory_space<vmem>>) semaphore(%arg9 : memref<!tpu.dma_semaphore, #tpu.memory_space<semaphore_mem>>)
    %dma_start3A_305 = arith.constant 2 : i32
    %dma_start3A_306 = arith.constant 128 : i32
    %dma_start3A_307 = arith.constant 0 : i32
    %dma_start3A_308 = tpu.memref_slice %arg6[%dma_start3A_306, %dma_start3A_307] : memref<512x64xf32, #tpu.memory_space<vmem>> -> memref<128x64xf32, #tpu.memory_space<vmem>>
    %dma_start3A_309 = arith.constant 128 : i32
    %dma_start3A_310 = tpu.memref_slice %arg5[%dma_start3A_305, %dma_start3A_309] : memref<26x512xi32, #tpu.memory_space<vmem>> -> memref<1x128xi32, #tpu.memory_space<vmem>>
    %dma_start3A_311 = tpu.memref_squeeze %dma_start3A_310 : memref<1x128xi32, #tpu.memory_space<vmem>> -> memref<128xi32, #tpu.memory_space<vmem>>
    %dma_start3A_312 = arith.constant 0 : i32
    %dma_start3A_313 = arith.constant 0 : i32
    %dma_start3A_314 = tpu.memref_slice %arg2[%dma_start3A_312, %dma_start3A_313] : memref<2600000x64xf32, #tpu.memory_space<hbm>> -> memref<2600000x64xf32, #tpu.memory_space<hbm>>
    tpu.enqueue_indirect_dma source(%dma_start3A_314 : memref<2600000x64xf32, #tpu.memory_space<hbm>>) target(%dma_start3A_308 : memref<128x64xf32, #tpu.memory_space<vmem>>) offsets(%dma_start3A_311 : memref<128xi32, #tpu.memory_space<vmem>>) semaphore(%arg9 : memref<!tpu.dma_semaphore, #tpu.memory_space<semaphore_mem>>)
    %dma_start3A_315 = arith.constant 2 : i32
    %dma_start3A_316 = arith.constant 256 : i32
    %dma_start3A_317 = arith.constant 0 : i32
    %dma_start3A_318 = tpu.memref_slice %arg6[%dma_start3A_316, %dma_start3A_317] : memref<512x64xf32, #tpu.memory_space<vmem>> -> memref<128x64xf32, #tpu.memory_space<vmem>>
    %dma_start3A_319 = arith.constant 256 : i32
    %dma_start3A_320 = tpu.memref_slice %arg5[%dma_start3A_315, %dma_start3A_319] : memref<26x512xi32, #tpu.memory_space<vmem>> -> memref<1x128xi32, #tpu.memory_space<vmem>>
    %dma_start3A_321 = tpu.memref_squeeze %dma_start3A_320 : memref<1x128xi32, #tpu.memory_space<vmem>> -> memref<128xi32, #tpu.memory_space<vmem>>
    %dma_start3A_322 = arith.constant 0 : i32
    %dma_start3A_323 = arith.constant 0 : i32
    %dma_start3A_324 = tpu.memref_slice %arg2[%dma_start3A_322, %dma_start3A_323] : memref<2600000x64xf32, #tpu.memory_space<hbm>> -> memref<2600000x64xf32, #tpu.memory_space<hbm>>
    tpu.enqueue_indirect_dma source(%dma_start3A_324 : memref<2600000x64xf32, #tpu.memory_space<hbm>>) target(%dma_start3A_318 : memref<128x64xf32, #tpu.memory_space<vmem>>) offsets(%dma_start3A_321 : memref<128xi32, #tpu.memory_space<vmem>>) semaphore(%arg9 : memref<!tpu.dma_semaphore, #tpu.memory_space<semaphore_mem>>)
    %dma_start3A_325 = arith.constant 2 : i32
    %dma_start3A_326 = arith.constant 384 : i32
    %dma_start3A_327 = arith.constant 0 : i32
    %dma_start3A_328 = tpu.memref_slice %arg6[%dma_start3A_326, %dma_start3A_327] : memref<512x64xf32, #tpu.memory_space<vmem>> -> memref<128x64xf32, #tpu.memory_space<vmem>>
    %dma_start3A_329 = arith.constant 384 : i32
    %dma_start3A_330 = tpu.memref_slice %arg5[%dma_start3A_325, %dma_start3A_329] : memref<26x512xi32, #tpu.memory_space<vmem>> -> memref<1x128xi32, #tpu.memory_space<vmem>>
    %dma_start3A_331 = tpu.memref_squeeze %dma_start3A_330 : memref<1x128xi32, #tpu.memory_space<vmem>> -> memref<128xi32, #tpu.memory_space<vmem>>
    %dma_start3A_332 = arith.constant 0 : i32
    %dma_start3A_333 = arith.constant 0 : i32
    %dma_start3A_334 = tpu.memref_slice %arg2[%dma_start3A_332, %dma_start3A_333] : memref<2600000x64xf32, #tpu.memory_space<hbm>> -> memref<2600000x64xf32, #tpu.memory_space<hbm>>
    tpu.enqueue_indirect_dma source(%dma_start3A_334 : memref<2600000x64xf32, #tpu.memory_space<hbm>>) target(%dma_start3A_328 : memref<128x64xf32, #tpu.memory_space<vmem>>) offsets(%dma_start3A_331 : memref<128xi32, #tpu.memory_space<vmem>>) semaphore(%arg9 : memref<!tpu.dma_semaphore, #tpu.memory_space<semaphore_mem>>)
    %dma_wait3A_335 = arith.constant 1 : i32
    %dma_wait3A_336 = arith.constant 0 : i32
    %dma_wait3A_337 = arith.constant 0 : i32
    %dma_wait3A_338 = tpu.memref_slice %arg7[%dma_wait3A_336, %dma_wait3A_337] : memref<512x64xf32, #tpu.memory_space<vmem>> -> memref<128x64xf32, #tpu.memory_space<vmem>>
    %dma_wait3A_339 = arith.constant 0 : i32
    %dma_wait3A_340 = tpu.memref_slice %arg5[%dma_wait3A_335, %dma_wait3A_339] : memref<26x512xi32, #tpu.memory_space<vmem>> -> memref<1x128xi32, #tpu.memory_space<vmem>>
    %dma_wait3A_341 = tpu.memref_squeeze %dma_wait3A_340 : memref<1x128xi32, #tpu.memory_space<vmem>> -> memref<128xi32, #tpu.memory_space<vmem>>
    %dma_wait3A_342 = arith.constant 0 : i32
    %dma_wait3A_343 = arith.constant 0 : i32
    %dma_wait3A_344 = tpu.memref_slice %arg2[%dma_wait3A_342, %dma_wait3A_343] : memref<2600000x64xf32, #tpu.memory_space<hbm>> -> memref<2600000x64xf32, #tpu.memory_space<hbm>>
    tpu.wait_indirect_dma semaphore(%arg10 : memref<!tpu.dma_semaphore, #tpu.memory_space<semaphore_mem>>) src(%dma_wait3A_344 : memref<2600000x64xf32, #tpu.memory_space<hbm>>) dst(%dma_wait3A_338 : memref<128x64xf32, #tpu.memory_space<vmem>>)
    %dma_wait3A_345 = arith.constant 1 : i32
    %dma_wait3A_346 = arith.constant 128 : i32
    %dma_wait3A_347 = arith.constant 0 : i32
    %dma_wait3A_348 = tpu.memref_slice %arg7[%dma_wait3A_346, %dma_wait3A_347] : memref<512x64xf32, #tpu.memory_space<vmem>> -> memref<128x64xf32, #tpu.memory_space<vmem>>
    %dma_wait3A_349 = arith.constant 128 : i32
    %dma_wait3A_350 = tpu.memref_slice %arg5[%dma_wait3A_345, %dma_wait3A_349] : memref<26x512xi32, #tpu.memory_space<vmem>> -> memref<1x128xi32, #tpu.memory_space<vmem>>
    %dma_wait3A_351 = tpu.memref_squeeze %dma_wait3A_350 : memref<1x128xi32, #tpu.memory_space<vmem>> -> memref<128xi32, #tpu.memory_space<vmem>>
    %dma_wait3A_352 = arith.constant 0 : i32
    %dma_wait3A_353 = arith.constant 0 : i32
    %dma_wait3A_354 = tpu.memref_slice %arg2[%dma_wait3A_352, %dma_wait3A_353] : memref<2600000x64xf32, #tpu.memory_space<hbm>> -> memref<2600000x64xf32, #tpu.memory_space<hbm>>
    tpu.wait_indirect_dma semaphore(%arg10 : memref<!tpu.dma_semaphore, #tpu.memory_space<semaphore_mem>>) src(%dma_wait3A_354 : memref<2600000x64xf32, #tpu.memory_space<hbm>>) dst(%dma_wait3A_348 : memref<128x64xf32, #tpu.memory_space<vmem>>)
    %dma_wait3A_355 = arith.constant 1 : i32
    %dma_wait3A_356 = arith.constant 256 : i32
    %dma_wait3A_357 = arith.constant 0 : i32
    %dma_wait3A_358 = tpu.memref_slice %arg7[%dma_wait3A_356, %dma_wait3A_357] : memref<512x64xf32, #tpu.memory_space<vmem>> -> memref<128x64xf32, #tpu.memory_space<vmem>>
    %dma_wait3A_359 = arith.constant 256 : i32
    %dma_wait3A_360 = tpu.memref_slice %arg5[%dma_wait3A_355, %dma_wait3A_359] : memref<26x512xi32, #tpu.memory_space<vmem>> -> memref<1x128xi32, #tpu.memory_space<vmem>>
    %dma_wait3A_361 = tpu.memref_squeeze %dma_wait3A_360 : memref<1x128xi32, #tpu.memory_space<vmem>> -> memref<128xi32, #tpu.memory_space<vmem>>
    %dma_wait3A_362 = arith.constant 0 : i32
    %dma_wait3A_363 = arith.constant 0 : i32
    %dma_wait3A_364 = tpu.memref_slice %arg2[%dma_wait3A_362, %dma_wait3A_363] : memref<2600000x64xf32, #tpu.memory_space<hbm>> -> memref<2600000x64xf32, #tpu.memory_space<hbm>>
    tpu.wait_indirect_dma semaphore(%arg10 : memref<!tpu.dma_semaphore, #tpu.memory_space<semaphore_mem>>) src(%dma_wait3A_364 : memref<2600000x64xf32, #tpu.memory_space<hbm>>) dst(%dma_wait3A_358 : memref<128x64xf32, #tpu.memory_space<vmem>>)
    %dma_wait3A_365 = arith.constant 1 : i32
    %dma_wait3A_366 = arith.constant 384 : i32
    %dma_wait3A_367 = arith.constant 0 : i32
    %dma_wait3A_368 = tpu.memref_slice %arg7[%dma_wait3A_366, %dma_wait3A_367] : memref<512x64xf32, #tpu.memory_space<vmem>> -> memref<128x64xf32, #tpu.memory_space<vmem>>
    %dma_wait3A_369 = arith.constant 384 : i32
    %dma_wait3A_370 = tpu.memref_slice %arg5[%dma_wait3A_365, %dma_wait3A_369] : memref<26x512xi32, #tpu.memory_space<vmem>> -> memref<1x128xi32, #tpu.memory_space<vmem>>
    %dma_wait3A_371 = tpu.memref_squeeze %dma_wait3A_370 : memref<1x128xi32, #tpu.memory_space<vmem>> -> memref<128xi32, #tpu.memory_space<vmem>>
    %dma_wait3A_372 = arith.constant 0 : i32
    %dma_wait3A_373 = arith.constant 0 : i32
    %dma_wait3A_374 = tpu.memref_slice %arg2[%dma_wait3A_372, %dma_wait3A_373] : memref<2600000x64xf32, #tpu.memory_space<hbm>> -> memref<2600000x64xf32, #tpu.memory_space<hbm>>
    tpu.wait_indirect_dma semaphore(%arg10 : memref<!tpu.dma_semaphore, #tpu.memory_space<semaphore_mem>>) src(%dma_wait3A_374 : memref<2600000x64xf32, #tpu.memory_space<hbm>>) dst(%dma_wait3A_368 : memref<128x64xf32, #tpu.memory_space<vmem>>)
    %scan3A_375 = arith.constant 0 : i32
    %scan3A_376 = arith.constant 0 : i32
    %scan3A_377 = arith.constant 512 : i32
    %scan3A_378 = arith.addi %scan3A_376, %scan3A_377 : i32
    %scan3A_379 = arith.constant 1 : i32
    %scan3A_380 = scf.for %scan3A_2430 = %scan3A_376 to %scan3A_378 step %scan3A_379 iter_args(%scan3A_2431 = %scan3A_375) -> (i32)  : i32 {
      %get3A = arith.index_cast %scan3A_2430 : i32 to index
      %get3A_2432 = arith.constant 0 : index
      %get3A_2433 = tpu.vector_load %arg7[%get3A, %get3A_2432] {strides = array<i32>} : memref<512x64xf32, #tpu.memory_space<vmem>>, vector<1x16xf32>,
      %get3A_2434 = vector.shape_cast %get3A_2433 : vector<1x16xf32> to vector<16xf32>
      %swap3A = arith.index_cast %scan3A_2430 : i32 to index
      %swap3A_2435 = arith.constant 0 : index
      %swap3A_2436 = tpu.vector_load %arg8[%swap3A, %swap3A_2435] {strides = array<i32>} : memref<512x64xf32, #tpu.memory_space<vmem>>, vector<1x16xf32>,
      %swap3A_2437 = vector.shape_cast %swap3A_2436 : vector<1x16xf32> to vector<16xf32>
      %swap3A_2438 = vector.shape_cast %get3A_2434 : vector<16xf32> to vector<1x16xf32>
      tpu.vector_store %arg8[%swap3A, %swap3A_2435], %swap3A_2438 {add = true, strides = array<i32>} : memref<512x64xf32, #tpu.memory_space<vmem>>, vector<1x16xf32>,
      %get3A_2439 = arith.index_cast %scan3A_2430 : i32 to index
      %get3A_2440 = arith.constant 16 : index
      %get3A_2441 = tpu.vector_load %arg7[%get3A_2439, %get3A_2440] {strides = array<i32>} : memref<512x64xf32, #tpu.memory_space<vmem>>, vector<1x16xf32>,
      %get3A_2442 = vector.shape_cast %get3A_2441 : vector<1x16xf32> to vector<16xf32>
      %swap3A_2443 = arith.index_cast %scan3A_2430 : i32 to index
      %swap3A_2444 = arith.constant 16 : index
      %swap3A_2445 = tpu.vector_load %arg8[%swap3A_2443, %swap3A_2444] {strides = array<i32>} : memref<512x64xf32, #tpu.memory_space<vmem>>, vector<1x16xf32>,
      %swap3A_2446 = vector.shape_cast %swap3A_2445 : vector<1x16xf32> to vector<16xf32>
      %swap3A_2447 = vector.shape_cast %get3A_2442 : vector<16xf32> to vector<1x16xf32>
      tpu.vector_store %arg8[%swap3A_2443, %swap3A_2444], %swap3A_2447 {add = true, strides = array<i32>} : memref<512x64xf32, #tpu.memory_space<vmem>>, vector<1x16xf32>,
      %get3A_2448 = arith.index_cast %scan3A_2430 : i32 to index
      %get3A_2449 = arith.constant 32 : index
      %get3A_2450 = tpu.vector_load %arg7[%get3A_2448, %get3A_2449] {strides = array<i32>} : memref<512x64xf32, #tpu.memory_space<vmem>>, vector<1x16xf32>,
      %get3A_2451 = vector.shape_cast %get3A_2450 : vector<1x16xf32> to vector<16xf32>
      %swap3A_2452 = arith.index_cast %scan3A_2430 : i32 to index
      %swap3A_2453 = arith.constant 32 : index
      %swap3A_2454 = tpu.vector_load %arg8[%swap3A_2452, %swap3A_2453] {strides = array<i32>} : memref<512x64xf32, #tpu.memory_space<vmem>>, vector<1x16xf32>,
      %swap3A_2455 = vector.shape_cast %swap3A_2454 : vector<1x16xf32> to vector<16xf32>
      %swap3A_2456 = vector.shape_cast %get3A_2451 : vector<16xf32> to vector<1x16xf32>
      tpu.vector_store %arg8[%swap3A_2452, %swap3A_2453], %swap3A_2456 {add = true, strides = array<i32>} : memref<512x64xf32, #tpu.memory_space<vmem>>, vector<1x16xf32>,
      %get3A_2457 = arith.index_cast %scan3A_2430 : i32 to index
      %get3A_2458 = arith.constant 48 : index
      %get3A_2459 = tpu.vector_load %arg7[%get3A_2457, %get3A_2458] {strides = array<i32>} : memref<512x64xf32, #tpu.memory_space<vmem>>, vector<1x16xf32>,
      %get3A_2460 = vector.shape_cast %get3A_2459 : vector<1x16xf32> to vector<16xf32>
      %swap3A_2461 = arith.index_cast %scan3A_2430 : i32 to index
      %swap3A_2462 = arith.constant 48 : index
      %swap3A_2463 = tpu.vector_load %arg8[%swap3A_2461, %swap3A_2462] {strides = array<i32>} : memref<512x64xf32, #tpu.memory_space<vmem>>, vector<1x16xf32>,
      %swap3A_2464 = vector.shape_cast %swap3A_2463 : vector<1x16xf32> to vector<16xf32>
      %swap3A_2465 = vector.shape_cast %get3A_2460 : vector<16xf32> to vector<1x16xf32>
      tpu.vector_store %arg8[%swap3A_2461, %swap3A_2462], %swap3A_2465 {add = true, strides = array<i32>} : memref<512x64xf32, #tpu.memory_space<vmem>>, vector<1x16xf32>,
      %scan3A_2466 = arith.constant 0 : i32
      scf.yield %scan3A_2466 : i32
    }
    %scan3A_381 = arith.constant 512 : i32
    %dma_start3A_382 = arith.constant 3 : i32
    %dma_start3A_383 = arith.constant 0 : i32
    %dma_start3A_384 = arith.constant 0 : i32
    %dma_start3A_385 = tpu.memref_slice %arg7[%dma_start3A_383, %dma_start3A_384] : memref<512x64xf32, #tpu.memory_space<vmem>> -> memref<128x64xf32, #tpu.memory_space<vmem>>
    %dma_start3A_386 = arith.constant 0 : i32
    %dma_start3A_387 = tpu.memref_slice %arg5[%dma_start3A_382, %dma_start3A_386] : memref<26x512xi32, #tpu.memory_space<vmem>> -> memref<1x128xi32, #tpu.memory_space<vmem>>
    %dma_start3A_388 = tpu.memref_squeeze %dma_start3A_387 : memref<1x128xi32, #tpu.memory_space<vmem>> -> memref<128xi32, #tpu.memory_space<vmem>>
    %dma_start3A_389 = arith.constant 0 : i32
    %dma_start3A_390 = arith.constant 0 : i32
    %dma_start3A_391 = tpu.memref_slice %arg2[%dma_start3A_389, %dma_start3A_390] : memref<2600000x64xf32, #tpu.memory_space<hbm>> -> memref<2600000x64xf32, #tpu.memory_space<hbm>>
    tpu.enqueue_indirect_dma source(%dma_start3A_391 : memref<2600000x64xf32, #tpu.memory_space<hbm>>) target(%dma_start3A_385 : memref<128x64xf32, #tpu.memory_space<vmem>>) offsets(%dma_start3A_388 : memref<128xi32, #tpu.memory_space<vmem>>) semaphore(%arg10 : memref<!tpu.dma_semaphore, #tpu.memory_space<semaphore_mem>>)
    %dma_start3A_392 = arith.constant 3 : i32
    %dma_start3A_393 = arith.constant 128 : i32
    %dma_start3A_394 = arith.constant 0 : i32
    %dma_start3A_395 = tpu.memref_slice %arg7[%dma_start3A_393, %dma_start3A_394] : memref<512x64xf32, #tpu.memory_space<vmem>> -> memref<128x64xf32, #tpu.memory_space<vmem>>
    %dma_start3A_396 = arith.constant 128 : i32
    %dma_start3A_397 = tpu.memref_slice %arg5[%dma_start3A_392, %dma_start3A_396] : memref<26x512xi32, #tpu.memory_space<vmem>> -> memref<1x128xi32, #tpu.memory_space<vmem>>
    %dma_start3A_398 = tpu.memref_squeeze %dma_start3A_397 : memref<1x128xi32, #tpu.memory_space<vmem>> -> memref<128xi32, #tpu.memory_space<vmem>>
    %dma_start3A_399 = arith.constant 0 : i32
    %dma_start3A_400 = arith.constant 0 : i32
    %dma_start3A_401 = tpu.memref_slice %arg2[%dma_start3A_399, %dma_start3A_400] : memref<2600000x64xf32, #tpu.memory_space<hbm>> -> memref<2600000x64xf32, #tpu.memory_space<hbm>>
    tpu.enqueue_indirect_dma source(%dma_start3A_401 : memref<2600000x64xf32, #tpu.memory_space<hbm>>) target(%dma_start3A_395 : memref<128x64xf32, #tpu.memory_space<vmem>>) offsets(%dma_start3A_398 : memref<128xi32, #tpu.memory_space<vmem>>) semaphore(%arg10 : memref<!tpu.dma_semaphore, #tpu.memory_space<semaphore_mem>>)
    %dma_start3A_402 = arith.constant 3 : i32
    %dma_start3A_403 = arith.constant 256 : i32
    %dma_start3A_404 = arith.constant 0 : i32
    %dma_start3A_405 = tpu.memref_slice %arg7[%dma_start3A_403, %dma_start3A_404] : memref<512x64xf32, #tpu.memory_space<vmem>> -> memref<128x64xf32, #tpu.memory_space<vmem>>
    %dma_start3A_406 = arith.constant 256 : i32
    %dma_start3A_407 = tpu.memref_slice %arg5[%dma_start3A_402, %dma_start3A_406] : memref<26x512xi32, #tpu.memory_space<vmem>> -> memref<1x128xi32, #tpu.memory_space<vmem>>
    %dma_start3A_408 = tpu.memref_squeeze %dma_start3A_407 : memref<1x128xi32, #tpu.memory_space<vmem>> -> memref<128xi32, #tpu.memory_space<vmem>>
    %dma_start3A_409 = arith.constant 0 : i32
    %dma_start3A_410 = arith.constant 0 : i32
    %dma_start3A_411 = tpu.memref_slice %arg2[%dma_start3A_409, %dma_start3A_410] : memref<2600000x64xf32, #tpu.memory_space<hbm>> -> memref<2600000x64xf32, #tpu.memory_space<hbm>>
    tpu.enqueue_indirect_dma source(%dma_start3A_411 : memref<2600000x64xf32, #tpu.memory_space<hbm>>) target(%dma_start3A_405 : memref<128x64xf32, #tpu.memory_space<vmem>>) offsets(%dma_start3A_408 : memref<128xi32, #tpu.memory_space<vmem>>) semaphore(%arg10 : memref<!tpu.dma_semaphore, #tpu.memory_space<semaphore_mem>>)
    %dma_start3A_412 = arith.constant 3 : i32
    %dma_start3A_413 = arith.constant 384 : i32
    %dma_start3A_414 = arith.constant 0 : i32
    %dma_start3A_415 = tpu.memref_slice %arg7[%dma_start3A_413, %dma_start3A_414] : memref<512x64xf32, #tpu.memory_space<vmem>> -> memref<128x64xf32, #tpu.memory_space<vmem>>
    %dma_start3A_416 = arith.constant 384 : i32
    %dma_start3A_417 = tpu.memref_slice %arg5[%dma_start3A_412, %dma_start3A_416] : memref<26x512xi32, #tpu.memory_space<vmem>> -> memref<1x128xi32, #tpu.memory_space<vmem>>
    %dma_start3A_418 = tpu.memref_squeeze %dma_start3A_417 : memref<1x128xi32, #tpu.memory_space<vmem>> -> memref<128xi32, #tpu.memory_space<vmem>>
    %dma_start3A_419 = arith.constant 0 : i32
    %dma_start3A_420 = arith.constant 0 : i32
    %dma_start3A_421 = tpu.memref_slice %arg2[%dma_start3A_419, %dma_start3A_420] : memref<2600000x64xf32, #tpu.memory_space<hbm>> -> memref<2600000x64xf32, #tpu.memory_space<hbm>>
    tpu.enqueue_indirect_dma source(%dma_start3A_421 : memref<2600000x64xf32, #tpu.memory_space<hbm>>) target(%dma_start3A_415 : memref<128x64xf32, #tpu.memory_space<vmem>>) offsets(%dma_start3A_418 : memref<128xi32, #tpu.memory_space<vmem>>) semaphore(%arg10 : memref<!tpu.dma_semaphore, #tpu.memory_space<semaphore_mem>>)
    %dma_wait3A_422 = arith.constant 2 : i32
    %dma_wait3A_423 = arith.constant 0 : i32
    %dma_wait3A_424 = arith.constant 0 : i32
    %dma_wait3A_425 = tpu.memref_slice %arg6[%dma_wait3A_423, %dma_wait3A_424] : memref<512x64xf32, #tpu.memory_space<vmem>> -> memref<128x64xf32, #tpu.memory_space<vmem>>
    %dma_wait3A_426 = arith.constant 0 : i32
    %dma_wait3A_427 = tpu.memref_slice %arg5[%dma_wait3A_422, %dma_wait3A_426] : memref<26x512xi32, #tpu.memory_space<vmem>> -> memref<1x128xi32, #tpu.memory_space<vmem>>
    %dma_wait3A_428 = tpu.memref_squeeze %dma_wait3A_427 : memref<1x128xi32, #tpu.memory_space<vmem>> -> memref<128xi32, #tpu.memory_space<vmem>>
    %dma_wait3A_429 = arith.constant 0 : i32
    %dma_wait3A_430 = arith.constant 0 : i32
    %dma_wait3A_431 = tpu.memref_slice %arg2[%dma_wait3A_429, %dma_wait3A_430] : memref<2600000x64xf32, #tpu.memory_space<hbm>> -> memref<2600000x64xf32, #tpu.memory_space<hbm>>
    tpu.wait_indirect_dma semaphore(%arg9 : memref<!tpu.dma_semaphore, #tpu.memory_space<semaphore_mem>>) src(%dma_wait3A_431 : memref<2600000x64xf32, #tpu.memory_space<hbm>>) dst(%dma_wait3A_425 : memref<128x64xf32, #tpu.memory_space<vmem>>)
    %dma_wait3A_432 = arith.constant 2 : i32
    %dma_wait3A_433 = arith.constant 128 : i32
    %dma_wait3A_434 = arith.constant 0 : i32
    %dma_wait3A_435 = tpu.memref_slice %arg6[%dma_wait3A_433, %dma_wait3A_434] : memref<512x64xf32, #tpu.memory_space<vmem>> -> memref<128x64xf32, #tpu.memory_space<vmem>>
    %dma_wait3A_436 = arith.constant 128 : i32
    %dma_wait3A_437 = tpu.memref_slice %arg5[%dma_wait3A_432, %dma_wait3A_436] : memref<26x512xi32, #tpu.memory_space<vmem>> -> memref<1x128xi32, #tpu.memory_space<vmem>>
    %dma_wait3A_438 = tpu.memref_squeeze %dma_wait3A_437 : memref<1x128xi32, #tpu.memory_space<vmem>> -> memref<128xi32, #tpu.memory_space<vmem>>
    %dma_wait3A_439 = arith.constant 0 : i32
    %dma_wait3A_440 = arith.constant 0 : i32
    %dma_wait3A_441 = tpu.memref_slice %arg2[%dma_wait3A_439, %dma_wait3A_440] : memref<2600000x64xf32, #tpu.memory_space<hbm>> -> memref<2600000x64xf32, #tpu.memory_space<hbm>>
    tpu.wait_indirect_dma semaphore(%arg9 : memref<!tpu.dma_semaphore, #tpu.memory_space<semaphore_mem>>) src(%dma_wait3A_441 : memref<2600000x64xf32, #tpu.memory_space<hbm>>) dst(%dma_wait3A_435 : memref<128x64xf32, #tpu.memory_space<vmem>>)
    %dma_wait3A_442 = arith.constant 2 : i32
    %dma_wait3A_443 = arith.constant 256 : i32
    %dma_wait3A_444 = arith.constant 0 : i32
    %dma_wait3A_445 = tpu.memref_slice %arg6[%dma_wait3A_443, %dma_wait3A_444] : memref<512x64xf32, #tpu.memory_space<vmem>> -> memref<128x64xf32, #tpu.memory_space<vmem>>
    %dma_wait3A_446 = arith.constant 256 : i32
    %dma_wait3A_447 = tpu.memref_slice %arg5[%dma_wait3A_442, %dma_wait3A_446] : memref<26x512xi32, #tpu.memory_space<vmem>> -> memref<1x128xi32, #tpu.memory_space<vmem>>
    %dma_wait3A_448 = tpu.memref_squeeze %dma_wait3A_447 : memref<1x128xi32, #tpu.memory_space<vmem>> -> memref<128xi32, #tpu.memory_space<vmem>>
    %dma_wait3A_449 = arith.constant 0 : i32
    %dma_wait3A_450 = arith.constant 0 : i32
    %dma_wait3A_451 = tpu.memref_slice %arg2[%dma_wait3A_449, %dma_wait3A_450] : memref<2600000x64xf32, #tpu.memory_space<hbm>> -> memref<2600000x64xf32, #tpu.memory_space<hbm>>
    tpu.wait_indirect_dma semaphore(%arg9 : memref<!tpu.dma_semaphore, #tpu.memory_space<semaphore_mem>>) src(%dma_wait3A_451 : memref<2600000x64xf32, #tpu.memory_space<hbm>>) dst(%dma_wait3A_445 : memref<128x64xf32, #tpu.memory_space<vmem>>)
    %dma_wait3A_452 = arith.constant 2 : i32
    %dma_wait3A_453 = arith.constant 384 : i32
    %dma_wait3A_454 = arith.constant 0 : i32
    %dma_wait3A_455 = tpu.memref_slice %arg6[%dma_wait3A_453, %dma_wait3A_454] : memref<512x64xf32, #tpu.memory_space<vmem>> -> memref<128x64xf32, #tpu.memory_space<vmem>>
    %dma_wait3A_456 = arith.constant 384 : i32
    %dma_wait3A_457 = tpu.memref_slice %arg5[%dma_wait3A_452, %dma_wait3A_456] : memref<26x512xi32, #tpu.memory_space<vmem>> -> memref<1x128xi32, #tpu.memory_space<vmem>>
    %dma_wait3A_458 = tpu.memref_squeeze %dma_wait3A_457 : memref<1x128xi32, #tpu.memory_space<vmem>> -> memref<128xi32, #tpu.memory_space<vmem>>
    %dma_wait3A_459 = arith.constant 0 : i32
    %dma_wait3A_460 = arith.constant 0 : i32
    %dma_wait3A_461 = tpu.memref_slice %arg2[%dma_wait3A_459, %dma_wait3A_460] : memref<2600000x64xf32, #tpu.memory_space<hbm>> -> memref<2600000x64xf32, #tpu.memory_space<hbm>>
    tpu.wait_indirect_dma semaphore(%arg9 : memref<!tpu.dma_semaphore, #tpu.memory_space<semaphore_mem>>) src(%dma_wait3A_461 : memref<2600000x64xf32, #tpu.memory_space<hbm>>) dst(%dma_wait3A_455 : memref<128x64xf32, #tpu.memory_space<vmem>>)
    %scan3A_462 = arith.constant 0 : i32
    %scan3A_463 = arith.constant 0 : i32
    %scan3A_464 = arith.constant 512 : i32
    %scan3A_465 = arith.addi %scan3A_463, %scan3A_464 : i32
    %scan3A_466 = arith.constant 1 : i32
    %scan3A_467 = scf.for %scan3A_2430 = %scan3A_463 to %scan3A_465 step %scan3A_466 iter_args(%scan3A_2431 = %scan3A_462) -> (i32)  : i32 {
      %get3A = arith.index_cast %scan3A_2430 : i32 to index
      %get3A_2432 = arith.constant 0 : index
      %get3A_2433 = tpu.vector_load %arg6[%get3A, %get3A_2432] {strides = array<i32>} : memref<512x64xf32, #tpu.memory_space<vmem>>, vector<1x16xf32>,
      %get3A_2434 = vector.shape_cast %get3A_2433 : vector<1x16xf32> to vector<16xf32>
      %swap3A = arith.index_cast %scan3A_2430 : i32 to index
      %swap3A_2435 = arith.constant 0 : index
      %swap3A_2436 = tpu.vector_load %arg8[%swap3A, %swap3A_2435] {strides = array<i32>} : memref<512x64xf32, #tpu.memory_space<vmem>>, vector<1x16xf32>,
      %swap3A_2437 = vector.shape_cast %swap3A_2436 : vector<1x16xf32> to vector<16xf32>
      %swap3A_2438 = vector.shape_cast %get3A_2434 : vector<16xf32> to vector<1x16xf32>
      tpu.vector_store %arg8[%swap3A, %swap3A_2435], %swap3A_2438 {add = true, strides = array<i32>} : memref<512x64xf32, #tpu.memory_space<vmem>>, vector<1x16xf32>,
      %get3A_2439 = arith.index_cast %scan3A_2430 : i32 to index
      %get3A_2440 = arith.constant 16 : index
      %get3A_2441 = tpu.vector_load %arg6[%get3A_2439, %get3A_2440] {strides = array<i32>} : memref<512x64xf32, #tpu.memory_space<vmem>>, vector<1x16xf32>,
      %get3A_2442 = vector.shape_cast %get3A_2441 : vector<1x16xf32> to vector<16xf32>
      %swap3A_2443 = arith.index_cast %scan3A_2430 : i32 to index
      %swap3A_2444 = arith.constant 16 : index
      %swap3A_2445 = tpu.vector_load %arg8[%swap3A_2443, %swap3A_2444] {strides = array<i32>} : memref<512x64xf32, #tpu.memory_space<vmem>>, vector<1x16xf32>,
      %swap3A_2446 = vector.shape_cast %swap3A_2445 : vector<1x16xf32> to vector<16xf32>
      %swap3A_2447 = vector.shape_cast %get3A_2442 : vector<16xf32> to vector<1x16xf32>
      tpu.vector_store %arg8[%swap3A_2443, %swap3A_2444], %swap3A_2447 {add = true, strides = array<i32>} : memref<512x64xf32, #tpu.memory_space<vmem>>, vector<1x16xf32>,
      %get3A_2448 = arith.index_cast %scan3A_2430 : i32 to index
      %get3A_2449 = arith.constant 32 : index
      %get3A_2450 = tpu.vector_load %arg6[%get3A_2448, %get3A_2449] {strides = array<i32>} : memref<512x64xf32, #tpu.memory_space<vmem>>, vector<1x16xf32>,
      %get3A_2451 = vector.shape_cast %get3A_2450 : vector<1x16xf32> to vector<16xf32>
      %swap3A_2452 = arith.index_cast %scan3A_2430 : i32 to index
      %swap3A_2453 = arith.constant 32 : index
      %swap3A_2454 = tpu.vector_load %arg8[%swap3A_2452, %swap3A_2453] {strides = array<i32>} : memref<512x64xf32, #tpu.memory_space<vmem>>, vector<1x16xf32>,
      %swap3A_2455 = vector.shape_cast %swap3A_2454 : vector<1x16xf32> to vector<16xf32>
      %swap3A_2456 = vector.shape_cast %get3A_2451 : vector<16xf32> to vector<1x16xf32>
      tpu.vector_store %arg8[%swap3A_2452, %swap3A_2453], %swap3A_2456 {add = true, strides = array<i32>} : memref<512x64xf32, #tpu.memory_space<vmem>>, vector<1x16xf32>,
      %get3A_2457 = arith.index_cast %scan3A_2430 : i32 to index
      %get3A_2458 = arith.constant 48 : index
      %get3A_2459 = tpu.vector_load %arg6[%get3A_2457, %get3A_2458] {strides = array<i32>} : memref<512x64xf32, #tpu.memory_space<vmem>>, vector<1x16xf32>,
      %get3A_2460 = vector.shape_cast %get3A_2459 : vector<1x16xf32> to vector<16xf32>
      %swap3A_2461 = arith.index_cast %scan3A_2430 : i32 to index
      %swap3A_2462 = arith.constant 48 : index
      %swap3A_2463 = tpu.vector_load %arg8[%swap3A_2461, %swap3A_2462] {strides = array<i32>} : memref<512x64xf32, #tpu.memory_space<vmem>>, vector<1x16xf32>,
      %swap3A_2464 = vector.shape_cast %swap3A_2463 : vector<1x16xf32> to vector<16xf32>
      %swap3A_2465 = vector.shape_cast %get3A_2460 : vector<16xf32> to vector<1x16xf32>
      tpu.vector_store %arg8[%swap3A_2461, %swap3A_2462], %swap3A_2465 {add = true, strides = array<i32>} : memref<512x64xf32, #tpu.memory_space<vmem>>, vector<1x16xf32>,
      %scan3A_2466 = arith.constant 0 : i32
      scf.yield %scan3A_2466 : i32
    }
    %scan3A_468 = arith.constant 512 : i32
    %dma_start3A_469 = arith.constant 4 : i32
    %dma_start3A_470 = arith.constant 0 : i32
    %dma_start3A_471 = arith.constant 0 : i32
    %dma_start3A_472 = tpu.memref_slice %arg6[%dma_start3A_470, %dma_start3A_471] : memref<512x64xf32, #tpu.memory_space<vmem>> -> memref<128x64xf32, #tpu.memory_space<vmem>>
    %dma_start3A_473 = arith.constant 0 : i32
    %dma_start3A_474 = tpu.memref_slice %arg5[%dma_start3A_469, %dma_start3A_473] : memref<26x512xi32, #tpu.memory_space<vmem>> -> memref<1x128xi32, #tpu.memory_space<vmem>>
    %dma_start3A_475 = tpu.memref_squeeze %dma_start3A_474 : memref<1x128xi32, #tpu.memory_space<vmem>> -> memref<128xi32, #tpu.memory_space<vmem>>
    %dma_start3A_476 = arith.constant 0 : i32
    %dma_start3A_477 = arith.constant 0 : i32
    %dma_start3A_478 = tpu.memref_slice %arg2[%dma_start3A_476, %dma_start3A_477] : memref<2600000x64xf32, #tpu.memory_space<hbm>> -> memref<2600000x64xf32, #tpu.memory_space<hbm>>
    tpu.enqueue_indirect_dma source(%dma_start3A_478 : memref<2600000x64xf32, #tpu.memory_space<hbm>>) target(%dma_start3A_472 : memref<128x64xf32, #tpu.memory_space<vmem>>) offsets(%dma_start3A_475 : memref<128xi32, #tpu.memory_space<vmem>>) semaphore(%arg9 : memref<!tpu.dma_semaphore, #tpu.memory_space<semaphore_mem>>)
    %dma_start3A_479 = arith.constant 4 : i32
    %dma_start3A_480 = arith.constant 128 : i32
    %dma_start3A_481 = arith.constant 0 : i32
    %dma_start3A_482 = tpu.memref_slice %arg6[%dma_start3A_480, %dma_start3A_481] : memref<512x64xf32, #tpu.memory_space<vmem>> -> memref<128x64xf32, #tpu.memory_space<vmem>>
    %dma_start3A_483 = arith.constant 128 : i32
    %dma_start3A_484 = tpu.memref_slice %arg5[%dma_start3A_479, %dma_start3A_483] : memref<26x512xi32, #tpu.memory_space<vmem>> -> memref<1x128xi32, #tpu.memory_space<vmem>>
    %dma_start3A_485 = tpu.memref_squeeze %dma_start3A_484 : memref<1x128xi32, #tpu.memory_space<vmem>> -> memref<128xi32, #tpu.memory_space<vmem>>
    %dma_start3A_486 = arith.constant 0 : i32
    %dma_start3A_487 = arith.constant 0 : i32
    %dma_start3A_488 = tpu.memref_slice %arg2[%dma_start3A_486, %dma_start3A_487] : memref<2600000x64xf32, #tpu.memory_space<hbm>> -> memref<2600000x64xf32, #tpu.memory_space<hbm>>
    tpu.enqueue_indirect_dma source(%dma_start3A_488 : memref<2600000x64xf32, #tpu.memory_space<hbm>>) target(%dma_start3A_482 : memref<128x64xf32, #tpu.memory_space<vmem>>) offsets(%dma_start3A_485 : memref<128xi32, #tpu.memory_space<vmem>>) semaphore(%arg9 : memref<!tpu.dma_semaphore, #tpu.memory_space<semaphore_mem>>)
    %dma_start3A_489 = arith.constant 4 : i32
    %dma_start3A_490 = arith.constant 256 : i32
    %dma_start3A_491 = arith.constant 0 : i32
    %dma_start3A_492 = tpu.memref_slice %arg6[%dma_start3A_490, %dma_start3A_491] : memref<512x64xf32, #tpu.memory_space<vmem>> -> memref<128x64xf32, #tpu.memory_space<vmem>>
    %dma_start3A_493 = arith.constant 256 : i32
    %dma_start3A_494 = tpu.memref_slice %arg5[%dma_start3A_489, %dma_start3A_493] : memref<26x512xi32, #tpu.memory_space<vmem>> -> memref<1x128xi32, #tpu.memory_space<vmem>>
    %dma_start3A_495 = tpu.memref_squeeze %dma_start3A_494 : memref<1x128xi32, #tpu.memory_space<vmem>> -> memref<128xi32, #tpu.memory_space<vmem>>
    %dma_start3A_496 = arith.constant 0 : i32
    %dma_start3A_497 = arith.constant 0 : i32
    %dma_start3A_498 = tpu.memref_slice %arg2[%dma_start3A_496, %dma_start3A_497] : memref<2600000x64xf32, #tpu.memory_space<hbm>> -> memref<2600000x64xf32, #tpu.memory_space<hbm>>
    tpu.enqueue_indirect_dma source(%dma_start3A_498 : memref<2600000x64xf32, #tpu.memory_space<hbm>>) target(%dma_start3A_492 : memref<128x64xf32, #tpu.memory_space<vmem>>) offsets(%dma_start3A_495 : memref<128xi32, #tpu.memory_space<vmem>>) semaphore(%arg9 : memref<!tpu.dma_semaphore, #tpu.memory_space<semaphore_mem>>)
    %dma_start3A_499 = arith.constant 4 : i32
    %dma_start3A_500 = arith.constant 384 : i32
    %dma_start3A_501 = arith.constant 0 : i32
    %dma_start3A_502 = tpu.memref_slice %arg6[%dma_start3A_500, %dma_start3A_501] : memref<512x64xf32, #tpu.memory_space<vmem>> -> memref<128x64xf32, #tpu.memory_space<vmem>>
    %dma_start3A_503 = arith.constant 384 : i32
    %dma_start3A_504 = tpu.memref_slice %arg5[%dma_start3A_499, %dma_start3A_503] : memref<26x512xi32, #tpu.memory_space<vmem>> -> memref<1x128xi32, #tpu.memory_space<vmem>>
    %dma_start3A_505 = tpu.memref_squeeze %dma_start3A_504 : memref<1x128xi32, #tpu.memory_space<vmem>> -> memref<128xi32, #tpu.memory_space<vmem>>
    %dma_start3A_506 = arith.constant 0 : i32
    %dma_start3A_507 = arith.constant 0 : i32
    %dma_start3A_508 = tpu.memref_slice %arg2[%dma_start3A_506, %dma_start3A_507] : memref<2600000x64xf32, #tpu.memory_space<hbm>> -> memref<2600000x64xf32, #tpu.memory_space<hbm>>
    tpu.enqueue_indirect_dma source(%dma_start3A_508 : memref<2600000x64xf32, #tpu.memory_space<hbm>>) target(%dma_start3A_502 : memref<128x64xf32, #tpu.memory_space<vmem>>) offsets(%dma_start3A_505 : memref<128xi32, #tpu.memory_space<vmem>>) semaphore(%arg9 : memref<!tpu.dma_semaphore, #tpu.memory_space<semaphore_mem>>)
    %dma_wait3A_509 = arith.constant 3 : i32
    %dma_wait3A_510 = arith.constant 0 : i32
    %dma_wait3A_511 = arith.constant 0 : i32
    %dma_wait3A_512 = tpu.memref_slice %arg7[%dma_wait3A_510, %dma_wait3A_511] : memref<512x64xf32, #tpu.memory_space<vmem>> -> memref<128x64xf32, #tpu.memory_space<vmem>>
    %dma_wait3A_513 = arith.constant 0 : i32
    %dma_wait3A_514 = tpu.memref_slice %arg5[%dma_wait3A_509, %dma_wait3A_513] : memref<26x512xi32, #tpu.memory_space<vmem>> -> memref<1x128xi32, #tpu.memory_space<vmem>>
    %dma_wait3A_515 = tpu.memref_squeeze %dma_wait3A_514 : memref<1x128xi32, #tpu.memory_space<vmem>> -> memref<128xi32, #tpu.memory_space<vmem>>
    %dma_wait3A_516 = arith.constant 0 : i32
    %dma_wait3A_517 = arith.constant 0 : i32
    %dma_wait3A_518 = tpu.memref_slice %arg2[%dma_wait3A_516, %dma_wait3A_517] : memref<2600000x64xf32, #tpu.memory_space<hbm>> -> memref<2600000x64xf32, #tpu.memory_space<hbm>>
    tpu.wait_indirect_dma semaphore(%arg10 : memref<!tpu.dma_semaphore, #tpu.memory_space<semaphore_mem>>) src(%dma_wait3A_518 : memref<2600000x64xf32, #tpu.memory_space<hbm>>) dst(%dma_wait3A_512 : memref<128x64xf32, #tpu.memory_space<vmem>>)
    %dma_wait3A_519 = arith.constant 3 : i32
    %dma_wait3A_520 = arith.constant 128 : i32
    %dma_wait3A_521 = arith.constant 0 : i32
    %dma_wait3A_522 = tpu.memref_slice %arg7[%dma_wait3A_520, %dma_wait3A_521] : memref<512x64xf32, #tpu.memory_space<vmem>> -> memref<128x64xf32, #tpu.memory_space<vmem>>
    %dma_wait3A_523 = arith.constant 128 : i32
    %dma_wait3A_524 = tpu.memref_slice %arg5[%dma_wait3A_519, %dma_wait3A_523] : memref<26x512xi32, #tpu.memory_space<vmem>> -> memref<1x128xi32, #tpu.memory_space<vmem>>
    %dma_wait3A_525 = tpu.memref_squeeze %dma_wait3A_524 : memref<1x128xi32, #tpu.memory_space<vmem>> -> memref<128xi32, #tpu.memory_space<vmem>>
    %dma_wait3A_526 = arith.constant 0 : i32
    %dma_wait3A_527 = arith.constant 0 : i32
    %dma_wait3A_528 = tpu.memref_slice %arg2[%dma_wait3A_526, %dma_wait3A_527] : memref<2600000x64xf32, #tpu.memory_space<hbm>> -> memref<2600000x64xf32, #tpu.memory_space<hbm>>
    tpu.wait_indirect_dma semaphore(%arg10 : memref<!tpu.dma_semaphore, #tpu.memory_space<semaphore_mem>>) src(%dma_wait3A_528 : memref<2600000x64xf32, #tpu.memory_space<hbm>>) dst(%dma_wait3A_522 : memref<128x64xf32, #tpu.memory_space<vmem>>)
    %dma_wait3A_529 = arith.constant 3 : i32
    %dma_wait3A_530 = arith.constant 256 : i32
    %dma_wait3A_531 = arith.constant 0 : i32
    %dma_wait3A_532 = tpu.memref_slice %arg7[%dma_wait3A_530, %dma_wait3A_531] : memref<512x64xf32, #tpu.memory_space<vmem>> -> memref<128x64xf32, #tpu.memory_space<vmem>>
    %dma_wait3A_533 = arith.constant 256 : i32
    %dma_wait3A_534 = tpu.memref_slice %arg5[%dma_wait3A_529, %dma_wait3A_533] : memref<26x512xi32, #tpu.memory_space<vmem>> -> memref<1x128xi32, #tpu.memory_space<vmem>>
    %dma_wait3A_535 = tpu.memref_squeeze %dma_wait3A_534 : memref<1x128xi32, #tpu.memory_space<vmem>> -> memref<128xi32, #tpu.memory_space<vmem>>
    %dma_wait3A_536 = arith.constant 0 : i32
    %dma_wait3A_537 = arith.constant 0 : i32
    %dma_wait3A_538 = tpu.memref_slice %arg2[%dma_wait3A_536, %dma_wait3A_537] : memref<2600000x64xf32, #tpu.memory_space<hbm>> -> memref<2600000x64xf32, #tpu.memory_space<hbm>>
    tpu.wait_indirect_dma semaphore(%arg10 : memref<!tpu.dma_semaphore, #tpu.memory_space<semaphore_mem>>) src(%dma_wait3A_538 : memref<2600000x64xf32, #tpu.memory_space<hbm>>) dst(%dma_wait3A_532 : memref<128x64xf32, #tpu.memory_space<vmem>>)
    %dma_wait3A_539 = arith.constant 3 : i32
    %dma_wait3A_540 = arith.constant 384 : i32
    %dma_wait3A_541 = arith.constant 0 : i32
    %dma_wait3A_542 = tpu.memref_slice %arg7[%dma_wait3A_540, %dma_wait3A_541] : memref<512x64xf32, #tpu.memory_space<vmem>> -> memref<128x64xf32, #tpu.memory_space<vmem>>
    %dma_wait3A_543 = arith.constant 384 : i32
    %dma_wait3A_544 = tpu.memref_slice %arg5[%dma_wait3A_539, %dma_wait3A_543] : memref<26x512xi32, #tpu.memory_space<vmem>> -> memref<1x128xi32, #tpu.memory_space<vmem>>
    %dma_wait3A_545 = tpu.memref_squeeze %dma_wait3A_544 : memref<1x128xi32, #tpu.memory_space<vmem>> -> memref<128xi32, #tpu.memory_space<vmem>>
    %dma_wait3A_546 = arith.constant 0 : i32
    %dma_wait3A_547 = arith.constant 0 : i32
    %dma_wait3A_548 = tpu.memref_slice %arg2[%dma_wait3A_546, %dma_wait3A_547] : memref<2600000x64xf32, #tpu.memory_space<hbm>> -> memref<2600000x64xf32, #tpu.memory_space<hbm>>
    tpu.wait_indirect_dma semaphore(%arg10 : memref<!tpu.dma_semaphore, #tpu.memory_space<semaphore_mem>>) src(%dma_wait3A_548 : memref<2600000x64xf32, #tpu.memory_space<hbm>>) dst(%dma_wait3A_542 : memref<128x64xf32, #tpu.memory_space<vmem>>)
    %scan3A_549 = arith.constant 0 : i32
    %scan3A_550 = arith.constant 0 : i32
    %scan3A_551 = arith.constant 512 : i32
    %scan3A_552 = arith.addi %scan3A_550, %scan3A_551 : i32
    %scan3A_553 = arith.constant 1 : i32
    %scan3A_554 = scf.for %scan3A_2430 = %scan3A_550 to %scan3A_552 step %scan3A_553 iter_args(%scan3A_2431 = %scan3A_549) -> (i32)  : i32 {
      %get3A = arith.index_cast %scan3A_2430 : i32 to index
      %get3A_2432 = arith.constant 0 : index
      %get3A_2433 = tpu.vector_load %arg7[%get3A, %get3A_2432] {strides = array<i32>} : memref<512x64xf32, #tpu.memory_space<vmem>>, vector<1x16xf32>,
      %get3A_2434 = vector.shape_cast %get3A_2433 : vector<1x16xf32> to vector<16xf32>
      %swap3A = arith.index_cast %scan3A_2430 : i32 to index
      %swap3A_2435 = arith.constant 0 : index
      %swap3A_2436 = tpu.vector_load %arg8[%swap3A, %swap3A_2435] {strides = array<i32>} : memref<512x64xf32, #tpu.memory_space<vmem>>, vector<1x16xf32>,
      %swap3A_2437 = vector.shape_cast %swap3A_2436 : vector<1x16xf32> to vector<16xf32>
      %swap3A_2438 = vector.shape_cast %get3A_2434 : vector<16xf32> to vector<1x16xf32>
      tpu.vector_store %arg8[%swap3A, %swap3A_2435], %swap3A_2438 {add = true, strides = array<i32>} : memref<512x64xf32, #tpu.memory_space<vmem>>, vector<1x16xf32>,
      %get3A_2439 = arith.index_cast %scan3A_2430 : i32 to index
      %get3A_2440 = arith.constant 16 : index
      %get3A_2441 = tpu.vector_load %arg7[%get3A_2439, %get3A_2440] {strides = array<i32>} : memref<512x64xf32, #tpu.memory_space<vmem>>, vector<1x16xf32>,
      %get3A_2442 = vector.shape_cast %get3A_2441 : vector<1x16xf32> to vector<16xf32>
      %swap3A_2443 = arith.index_cast %scan3A_2430 : i32 to index
      %swap3A_2444 = arith.constant 16 : index
      %swap3A_2445 = tpu.vector_load %arg8[%swap3A_2443, %swap3A_2444] {strides = array<i32>} : memref<512x64xf32, #tpu.memory_space<vmem>>, vector<1x16xf32>,
      %swap3A_2446 = vector.shape_cast %swap3A_2445 : vector<1x16xf32> to vector<16xf32>
      %swap3A_2447 = vector.shape_cast %get3A_2442 : vector<16xf32> to vector<1x16xf32>
      tpu.vector_store %arg8[%swap3A_2443, %swap3A_2444], %swap3A_2447 {add = true, strides = array<i32>} : memref<512x64xf32, #tpu.memory_space<vmem>>, vector<1x16xf32>,
      %get3A_2448 = arith.index_cast %scan3A_2430 : i32 to index
      %get3A_2449 = arith.constant 32 : index
      %get3A_2450 = tpu.vector_load %arg7[%get3A_2448, %get3A_2449] {strides = array<i32>} : memref<512x64xf32, #tpu.memory_space<vmem>>, vector<1x16xf32>,
      %get3A_2451 = vector.shape_cast %get3A_2450 : vector<1x16xf32> to vector<16xf32>
      %swap3A_2452 = arith.index_cast %scan3A_2430 : i32 to index
      %swap3A_2453 = arith.constant 32 : index
      %swap3A_2454 = tpu.vector_load %arg8[%swap3A_2452, %swap3A_2453] {strides = array<i32>} : memref<512x64xf32, #tpu.memory_space<vmem>>, vector<1x16xf32>,
      %swap3A_2455 = vector.shape_cast %swap3A_2454 : vector<1x16xf32> to vector<16xf32>
      %swap3A_2456 = vector.shape_cast %get3A_2451 : vector<16xf32> to vector<1x16xf32>
      tpu.vector_store %arg8[%swap3A_2452, %swap3A_2453], %swap3A_2456 {add = true, strides = array<i32>} : memref<512x64xf32, #tpu.memory_space<vmem>>, vector<1x16xf32>,
      %get3A_2457 = arith.index_cast %scan3A_2430 : i32 to index
      %get3A_2458 = arith.constant 48 : index
      %get3A_2459 = tpu.vector_load %arg7[%get3A_2457, %get3A_2458] {strides = array<i32>} : memref<512x64xf32, #tpu.memory_space<vmem>>, vector<1x16xf32>,
      %get3A_2460 = vector.shape_cast %get3A_2459 : vector<1x16xf32> to vector<16xf32>
      %swap3A_2461 = arith.index_cast %scan3A_2430 : i32 to index
      %swap3A_2462 = arith.constant 48 : index
      %swap3A_2463 = tpu.vector_load %arg8[%swap3A_2461, %swap3A_2462] {strides = array<i32>} : memref<512x64xf32, #tpu.memory_space<vmem>>, vector<1x16xf32>,
      %swap3A_2464 = vector.shape_cast %swap3A_2463 : vector<1x16xf32> to vector<16xf32>
      %swap3A_2465 = vector.shape_cast %get3A_2460 : vector<16xf32> to vector<1x16xf32>
      tpu.vector_store %arg8[%swap3A_2461, %swap3A_2462], %swap3A_2465 {add = true, strides = array<i32>} : memref<512x64xf32, #tpu.memory_space<vmem>>, vector<1x16xf32>,
      %scan3A_2466 = arith.constant 0 : i32
      scf.yield %scan3A_2466 : i32
    }
    %scan3A_555 = arith.constant 512 : i32
    %dma_start3A_556 = arith.constant 5 : i32
    %dma_start3A_557 = arith.constant 0 : i32
    %dma_start3A_558 = arith.constant 0 : i32
    %dma_start3A_559 = tpu.memref_slice %arg7[%dma_start3A_557, %dma_start3A_558] : memref<512x64xf32, #tpu.memory_space<vmem>> -> memref<128x64xf32, #tpu.memory_space<vmem>>
    %dma_start3A_560 = arith.constant 0 : i32
    %dma_start3A_561 = tpu.memref_slice %arg5[%dma_start3A_556, %dma_start3A_560] : memref<26x512xi32, #tpu.memory_space<vmem>> -> memref<1x128xi32, #tpu.memory_space<vmem>>
    %dma_start3A_562 = tpu.memref_squeeze %dma_start3A_561 : memref<1x128xi32, #tpu.memory_space<vmem>> -> memref<128xi32, #tpu.memory_space<vmem>>
    %dma_start3A_563 = arith.constant 0 : i32
    %dma_start3A_564 = arith.constant 0 : i32
    %dma_start3A_565 = tpu.memref_slice %arg2[%dma_start3A_563, %dma_start3A_564] : memref<2600000x64xf32, #tpu.memory_space<hbm>> -> memref<2600000x64xf32, #tpu.memory_space<hbm>>
    tpu.enqueue_indirect_dma source(%dma_start3A_565 : memref<2600000x64xf32, #tpu.memory_space<hbm>>) target(%dma_start3A_559 : memref<128x64xf32, #tpu.memory_space<vmem>>) offsets(%dma_start3A_562 : memref<128xi32, #tpu.memory_space<vmem>>) semaphore(%arg10 : memref<!tpu.dma_semaphore, #tpu.memory_space<semaphore_mem>>)
    %dma_start3A_566 = arith.constant 5 : i32
    %dma_start3A_567 = arith.constant 128 : i32
    %dma_start3A_568 = arith.constant 0 : i32
    %dma_start3A_569 = tpu.memref_slice %arg7[%dma_start3A_567, %dma_start3A_568] : memref<512x64xf32, #tpu.memory_space<vmem>> -> memref<128x64xf32, #tpu.memory_space<vmem>>
    %dma_start3A_570 = arith.constant 128 : i32
    %dma_start3A_571 = tpu.memref_slice %arg5[%dma_start3A_566, %dma_start3A_570] : memref<26x512xi32, #tpu.memory_space<vmem>> -> memref<1x128xi32, #tpu.memory_space<vmem>>
    %dma_start3A_572 = tpu.memref_squeeze %dma_start3A_571 : memref<1x128xi32, #tpu.memory_space<vmem>> -> memref<128xi32, #tpu.memory_space<vmem>>
    %dma_start3A_573 = arith.constant 0 : i32
    %dma_start3A_574 = arith.constant 0 : i32
    %dma_start3A_575 = tpu.memref_slice %arg2[%dma_start3A_573, %dma_start3A_574] : memref<2600000x64xf32, #tpu.memory_space<hbm>> -> memref<2600000x64xf32, #tpu.memory_space<hbm>>
    tpu.enqueue_indirect_dma source(%dma_start3A_575 : memref<2600000x64xf32, #tpu.memory_space<hbm>>) target(%dma_start3A_569 : memref<128x64xf32, #tpu.memory_space<vmem>>) offsets(%dma_start3A_572 : memref<128xi32, #tpu.memory_space<vmem>>) semaphore(%arg10 : memref<!tpu.dma_semaphore, #tpu.memory_space<semaphore_mem>>)
    %dma_start3A_576 = arith.constant 5 : i32
    %dma_start3A_577 = arith.constant 256 : i32
    %dma_start3A_578 = arith.constant 0 : i32
    %dma_start3A_579 = tpu.memref_slice %arg7[%dma_start3A_577, %dma_start3A_578] : memref<512x64xf32, #tpu.memory_space<vmem>> -> memref<128x64xf32, #tpu.memory_space<vmem>>
    %dma_start3A_580 = arith.constant 256 : i32
    %dma_start3A_581 = tpu.memref_slice %arg5[%dma_start3A_576, %dma_start3A_580] : memref<26x512xi32, #tpu.memory_space<vmem>> -> memref<1x128xi32, #tpu.memory_space<vmem>>
    %dma_start3A_582 = tpu.memref_squeeze %dma_start3A_581 : memref<1x128xi32, #tpu.memory_space<vmem>> -> memref<128xi32, #tpu.memory_space<vmem>>
    %dma_start3A_583 = arith.constant 0 : i32
    %dma_start3A_584 = arith.constant 0 : i32
    %dma_start3A_585 = tpu.memref_slice %arg2[%dma_start3A_583, %dma_start3A_584] : memref<2600000x64xf32, #tpu.memory_space<hbm>> -> memref<2600000x64xf32, #tpu.memory_space<hbm>>
    tpu.enqueue_indirect_dma source(%dma_start3A_585 : memref<2600000x64xf32, #tpu.memory_space<hbm>>) target(%dma_start3A_579 : memref<128x64xf32, #tpu.memory_space<vmem>>) offsets(%dma_start3A_582 : memref<128xi32, #tpu.memory_space<vmem>>) semaphore(%arg10 : memref<!tpu.dma_semaphore, #tpu.memory_space<semaphore_mem>>)
    %dma_start3A_586 = arith.constant 5 : i32
    %dma_start3A_587 = arith.constant 384 : i32
    %dma_start3A_588 = arith.constant 0 : i32
    %dma_start3A_589 = tpu.memref_slice %arg7[%dma_start3A_587, %dma_start3A_588] : memref<512x64xf32, #tpu.memory_space<vmem>> -> memref<128x64xf32, #tpu.memory_space<vmem>>
    %dma_start3A_590 = arith.constant 384 : i32
    %dma_start3A_591 = tpu.memref_slice %arg5[%dma_start3A_586, %dma_start3A_590] : memref<26x512xi32, #tpu.memory_space<vmem>> -> memref<1x128xi32, #tpu.memory_space<vmem>>
    %dma_start3A_592 = tpu.memref_squeeze %dma_start3A_591 : memref<1x128xi32, #tpu.memory_space<vmem>> -> memref<128xi32, #tpu.memory_space<vmem>>
    %dma_start3A_593 = arith.constant 0 : i32
    %dma_start3A_594 = arith.constant 0 : i32
    %dma_start3A_595 = tpu.memref_slice %arg2[%dma_start3A_593, %dma_start3A_594] : memref<2600000x64xf32, #tpu.memory_space<hbm>> -> memref<2600000x64xf32, #tpu.memory_space<hbm>>
    tpu.enqueue_indirect_dma source(%dma_start3A_595 : memref<2600000x64xf32, #tpu.memory_space<hbm>>) target(%dma_start3A_589 : memref<128x64xf32, #tpu.memory_space<vmem>>) offsets(%dma_start3A_592 : memref<128xi32, #tpu.memory_space<vmem>>) semaphore(%arg10 : memref<!tpu.dma_semaphore, #tpu.memory_space<semaphore_mem>>)
    %dma_wait3A_596 = arith.constant 4 : i32
    %dma_wait3A_597 = arith.constant 0 : i32
    %dma_wait3A_598 = arith.constant 0 : i32
    %dma_wait3A_599 = tpu.memref_slice %arg6[%dma_wait3A_597, %dma_wait3A_598] : memref<512x64xf32, #tpu.memory_space<vmem>> -> memref<128x64xf32, #tpu.memory_space<vmem>>
    %dma_wait3A_600 = arith.constant 0 : i32
    %dma_wait3A_601 = tpu.memref_slice %arg5[%dma_wait3A_596, %dma_wait3A_600] : memref<26x512xi32, #tpu.memory_space<vmem>> -> memref<1x128xi32, #tpu.memory_space<vmem>>
    %dma_wait3A_602 = tpu.memref_squeeze %dma_wait3A_601 : memref<1x128xi32, #tpu.memory_space<vmem>> -> memref<128xi32, #tpu.memory_space<vmem>>
    %dma_wait3A_603 = arith.constant 0 : i32
    %dma_wait3A_604 = arith.constant 0 : i32
    %dma_wait3A_605 = tpu.memref_slice %arg2[%dma_wait3A_603, %dma_wait3A_604] : memref<2600000x64xf32, #tpu.memory_space<hbm>> -> memref<2600000x64xf32, #tpu.memory_space<hbm>>
    tpu.wait_indirect_dma semaphore(%arg9 : memref<!tpu.dma_semaphore, #tpu.memory_space<semaphore_mem>>) src(%dma_wait3A_605 : memref<2600000x64xf32, #tpu.memory_space<hbm>>) dst(%dma_wait3A_599 : memref<128x64xf32, #tpu.memory_space<vmem>>)
    %dma_wait3A_606 = arith.constant 4 : i32
    %dma_wait3A_607 = arith.constant 128 : i32
    %dma_wait3A_608 = arith.constant 0 : i32
    %dma_wait3A_609 = tpu.memref_slice %arg6[%dma_wait3A_607, %dma_wait3A_608] : memref<512x64xf32, #tpu.memory_space<vmem>> -> memref<128x64xf32, #tpu.memory_space<vmem>>
    %dma_wait3A_610 = arith.constant 128 : i32
    %dma_wait3A_611 = tpu.memref_slice %arg5[%dma_wait3A_606, %dma_wait3A_610] : memref<26x512xi32, #tpu.memory_space<vmem>> -> memref<1x128xi32, #tpu.memory_space<vmem>>
    %dma_wait3A_612 = tpu.memref_squeeze %dma_wait3A_611 : memref<1x128xi32, #tpu.memory_space<vmem>> -> memref<128xi32, #tpu.memory_space<vmem>>
    %dma_wait3A_613 = arith.constant 0 : i32
    %dma_wait3A_614 = arith.constant 0 : i32
    %dma_wait3A_615 = tpu.memref_slice %arg2[%dma_wait3A_613, %dma_wait3A_614] : memref<2600000x64xf32, #tpu.memory_space<hbm>> -> memref<2600000x64xf32, #tpu.memory_space<hbm>>
    tpu.wait_indirect_dma semaphore(%arg9 : memref<!tpu.dma_semaphore, #tpu.memory_space<semaphore_mem>>) src(%dma_wait3A_615 : memref<2600000x64xf32, #tpu.memory_space<hbm>>) dst(%dma_wait3A_609 : memref<128x64xf32, #tpu.memory_space<vmem>>)
    %dma_wait3A_616 = arith.constant 4 : i32
    %dma_wait3A_617 = arith.constant 256 : i32
    %dma_wait3A_618 = arith.constant 0 : i32
    %dma_wait3A_619 = tpu.memref_slice %arg6[%dma_wait3A_617, %dma_wait3A_618] : memref<512x64xf32, #tpu.memory_space<vmem>> -> memref<128x64xf32, #tpu.memory_space<vmem>>
    %dma_wait3A_620 = arith.constant 256 : i32
    %dma_wait3A_621 = tpu.memref_slice %arg5[%dma_wait3A_616, %dma_wait3A_620] : memref<26x512xi32, #tpu.memory_space<vmem>> -> memref<1x128xi32, #tpu.memory_space<vmem>>
    %dma_wait3A_622 = tpu.memref_squeeze %dma_wait3A_621 : memref<1x128xi32, #tpu.memory_space<vmem>> -> memref<128xi32, #tpu.memory_space<vmem>>
    %dma_wait3A_623 = arith.constant 0 : i32
    %dma_wait3A_624 = arith.constant 0 : i32
    %dma_wait3A_625 = tpu.memref_slice %arg2[%dma_wait3A_623, %dma_wait3A_624] : memref<2600000x64xf32, #tpu.memory_space<hbm>> -> memref<2600000x64xf32, #tpu.memory_space<hbm>>
    tpu.wait_indirect_dma semaphore(%arg9 : memref<!tpu.dma_semaphore, #tpu.memory_space<semaphore_mem>>) src(%dma_wait3A_625 : memref<2600000x64xf32, #tpu.memory_space<hbm>>) dst(%dma_wait3A_619 : memref<128x64xf32, #tpu.memory_space<vmem>>)
    %dma_wait3A_626 = arith.constant 4 : i32
    %dma_wait3A_627 = arith.constant 384 : i32
    %dma_wait3A_628 = arith.constant 0 : i32
    %dma_wait3A_629 = tpu.memref_slice %arg6[%dma_wait3A_627, %dma_wait3A_628] : memref<512x64xf32, #tpu.memory_space<vmem>> -> memref<128x64xf32, #tpu.memory_space<vmem>>
    %dma_wait3A_630 = arith.constant 384 : i32
    %dma_wait3A_631 = tpu.memref_slice %arg5[%dma_wait3A_626, %dma_wait3A_630] : memref<26x512xi32, #tpu.memory_space<vmem>> -> memref<1x128xi32, #tpu.memory_space<vmem>>
    %dma_wait3A_632 = tpu.memref_squeeze %dma_wait3A_631 : memref<1x128xi32, #tpu.memory_space<vmem>> -> memref<128xi32, #tpu.memory_space<vmem>>
    %dma_wait3A_633 = arith.constant 0 : i32
    %dma_wait3A_634 = arith.constant 0 : i32
    %dma_wait3A_635 = tpu.memref_slice %arg2[%dma_wait3A_633, %dma_wait3A_634] : memref<2600000x64xf32, #tpu.memory_space<hbm>> -> memref<2600000x64xf32, #tpu.memory_space<hbm>>
    tpu.wait_indirect_dma semaphore(%arg9 : memref<!tpu.dma_semaphore, #tpu.memory_space<semaphore_mem>>) src(%dma_wait3A_635 : memref<2600000x64xf32, #tpu.memory_space<hbm>>) dst(%dma_wait3A_629 : memref<128x64xf32, #tpu.memory_space<vmem>>)
    %scan3A_636 = arith.constant 0 : i32
    %scan3A_637 = arith.constant 0 : i32
    %scan3A_638 = arith.constant 512 : i32
    %scan3A_639 = arith.addi %scan3A_637, %scan3A_638 : i32
    %scan3A_640 = arith.constant 1 : i32
    %scan3A_641 = scf.for %scan3A_2430 = %scan3A_637 to %scan3A_639 step %scan3A_640 iter_args(%scan3A_2431 = %scan3A_636) -> (i32)  : i32 {
      %get3A = arith.index_cast %scan3A_2430 : i32 to index
      %get3A_2432 = arith.constant 0 : index
      %get3A_2433 = tpu.vector_load %arg6[%get3A, %get3A_2432] {strides = array<i32>} : memref<512x64xf32, #tpu.memory_space<vmem>>, vector<1x16xf32>,
      %get3A_2434 = vector.shape_cast %get3A_2433 : vector<1x16xf32> to vector<16xf32>
      %swap3A = arith.index_cast %scan3A_2430 : i32 to index
      %swap3A_2435 = arith.constant 0 : index
      %swap3A_2436 = tpu.vector_load %arg8[%swap3A, %swap3A_2435] {strides = array<i32>} : memref<512x64xf32, #tpu.memory_space<vmem>>, vector<1x16xf32>,
      %swap3A_2437 = vector.shape_cast %swap3A_2436 : vector<1x16xf32> to vector<16xf32>
      %swap3A_2438 = vector.shape_cast %get3A_2434 : vector<16xf32> to vector<1x16xf32>
      tpu.vector_store %arg8[%swap3A, %swap3A_2435], %swap3A_2438 {add = true, strides = array<i32>} : memref<512x64xf32, #tpu.memory_space<vmem>>, vector<1x16xf32>,
      %get3A_2439 = arith.index_cast %scan3A_2430 : i32 to index
      %get3A_2440 = arith.constant 16 : index
      %get3A_2441 = tpu.vector_load %arg6[%get3A_2439, %get3A_2440] {strides = array<i32>} : memref<512x64xf32, #tpu.memory_space<vmem>>, vector<1x16xf32>,
      %get3A_2442 = vector.shape_cast %get3A_2441 : vector<1x16xf32> to vector<16xf32>
      %swap3A_2443 = arith.index_cast %scan3A_2430 : i32 to index
      %swap3A_2444 = arith.constant 16 : index
      %swap3A_2445 = tpu.vector_load %arg8[%swap3A_2443, %swap3A_2444] {strides = array<i32>} : memref<512x64xf32, #tpu.memory_space<vmem>>, vector<1x16xf32>,
      %swap3A_2446 = vector.shape_cast %swap3A_2445 : vector<1x16xf32> to vector<16xf32>
      %swap3A_2447 = vector.shape_cast %get3A_2442 : vector<16xf32> to vector<1x16xf32>
      tpu.vector_store %arg8[%swap3A_2443, %swap3A_2444], %swap3A_2447 {add = true, strides = array<i32>} : memref<512x64xf32, #tpu.memory_space<vmem>>, vector<1x16xf32>,
      %get3A_2448 = arith.index_cast %scan3A_2430 : i32 to index
      %get3A_2449 = arith.constant 32 : index
      %get3A_2450 = tpu.vector_load %arg6[%get3A_2448, %get3A_2449] {strides = array<i32>} : memref<512x64xf32, #tpu.memory_space<vmem>>, vector<1x16xf32>,
      %get3A_2451 = vector.shape_cast %get3A_2450 : vector<1x16xf32> to vector<16xf32>
      %swap3A_2452 = arith.index_cast %scan3A_2430 : i32 to index
      %swap3A_2453 = arith.constant 32 : index
      %swap3A_2454 = tpu.vector_load %arg8[%swap3A_2452, %swap3A_2453] {strides = array<i32>} : memref<512x64xf32, #tpu.memory_space<vmem>>, vector<1x16xf32>,
      %swap3A_2455 = vector.shape_cast %swap3A_2454 : vector<1x16xf32> to vector<16xf32>
      %swap3A_2456 = vector.shape_cast %get3A_2451 : vector<16xf32> to vector<1x16xf32>
      tpu.vector_store %arg8[%swap3A_2452, %swap3A_2453], %swap3A_2456 {add = true, strides = array<i32>} : memref<512x64xf32, #tpu.memory_space<vmem>>, vector<1x16xf32>,
      %get3A_2457 = arith.index_cast %scan3A_2430 : i32 to index
      %get3A_2458 = arith.constant 48 : index
      %get3A_2459 = tpu.vector_load %arg6[%get3A_2457, %get3A_2458] {strides = array<i32>} : memref<512x64xf32, #tpu.memory_space<vmem>>, vector<1x16xf32>,
      %get3A_2460 = vector.shape_cast %get3A_2459 : vector<1x16xf32> to vector<16xf32>
      %swap3A_2461 = arith.index_cast %scan3A_2430 : i32 to index
      %swap3A_2462 = arith.constant 48 : index
      %swap3A_2463 = tpu.vector_load %arg8[%swap3A_2461, %swap3A_2462] {strides = array<i32>} : memref<512x64xf32, #tpu.memory_space<vmem>>, vector<1x16xf32>,
      %swap3A_2464 = vector.shape_cast %swap3A_2463 : vector<1x16xf32> to vector<16xf32>
      %swap3A_2465 = vector.shape_cast %get3A_2460 : vector<16xf32> to vector<1x16xf32>
      tpu.vector_store %arg8[%swap3A_2461, %swap3A_2462], %swap3A_2465 {add = true, strides = array<i32>} : memref<512x64xf32, #tpu.memory_space<vmem>>, vector<1x16xf32>,
      %scan3A_2466 = arith.constant 0 : i32
      scf.yield %scan3A_2466 : i32
    }
    %scan3A_642 = arith.constant 512 : i32
    %dma_start3A_643 = arith.constant 6 : i32
    %dma_start3A_644 = arith.constant 0 : i32
    %dma_start3A_645 = arith.constant 0 : i32
    %dma_start3A_646 = tpu.memref_slice %arg6[%dma_start3A_644, %dma_start3A_645] : memref<512x64xf32, #tpu.memory_space<vmem>> -> memref<128x64xf32, #tpu.memory_space<vmem>>
    %dma_start3A_647 = arith.constant 0 : i32
    %dma_start3A_648 = tpu.memref_slice %arg5[%dma_start3A_643, %dma_start3A_647] : memref<26x512xi32, #tpu.memory_space<vmem>> -> memref<1x128xi32, #tpu.memory_space<vmem>>
    %dma_start3A_649 = tpu.memref_squeeze %dma_start3A_648 : memref<1x128xi32, #tpu.memory_space<vmem>> -> memref<128xi32, #tpu.memory_space<vmem>>
    %dma_start3A_650 = arith.constant 0 : i32
    %dma_start3A_651 = arith.constant 0 : i32
    %dma_start3A_652 = tpu.memref_slice %arg2[%dma_start3A_650, %dma_start3A_651] : memref<2600000x64xf32, #tpu.memory_space<hbm>> -> memref<2600000x64xf32, #tpu.memory_space<hbm>>
    tpu.enqueue_indirect_dma source(%dma_start3A_652 : memref<2600000x64xf32, #tpu.memory_space<hbm>>) target(%dma_start3A_646 : memref<128x64xf32, #tpu.memory_space<vmem>>) offsets(%dma_start3A_649 : memref<128xi32, #tpu.memory_space<vmem>>) semaphore(%arg9 : memref<!tpu.dma_semaphore, #tpu.memory_space<semaphore_mem>>)
    %dma_start3A_653 = arith.constant 6 : i32
    %dma_start3A_654 = arith.constant 128 : i32
    %dma_start3A_655 = arith.constant 0 : i32
    %dma_start3A_656 = tpu.memref_slice %arg6[%dma_start3A_654, %dma_start3A_655] : memref<512x64xf32, #tpu.memory_space<vmem>> -> memref<128x64xf32, #tpu.memory_space<vmem>>
    %dma_start3A_657 = arith.constant 128 : i32
    %dma_start3A_658 = tpu.memref_slice %arg5[%dma_start3A_653, %dma_start3A_657] : memref<26x512xi32, #tpu.memory_space<vmem>> -> memref<1x128xi32, #tpu.memory_space<vmem>>
    %dma_start3A_659 = tpu.memref_squeeze %dma_start3A_658 : memref<1x128xi32, #tpu.memory_space<vmem>> -> memref<128xi32, #tpu.memory_space<vmem>>
    %dma_start3A_660 = arith.constant 0 : i32
    %dma_start3A_661 = arith.constant 0 : i32
    %dma_start3A_662 = tpu.memref_slice %arg2[%dma_start3A_660, %dma_start3A_661] : memref<2600000x64xf32, #tpu.memory_space<hbm>> -> memref<2600000x64xf32, #tpu.memory_space<hbm>>
    tpu.enqueue_indirect_dma source(%dma_start3A_662 : memref<2600000x64xf32, #tpu.memory_space<hbm>>) target(%dma_start3A_656 : memref<128x64xf32, #tpu.memory_space<vmem>>) offsets(%dma_start3A_659 : memref<128xi32, #tpu.memory_space<vmem>>) semaphore(%arg9 : memref<!tpu.dma_semaphore, #tpu.memory_space<semaphore_mem>>)
    %dma_start3A_663 = arith.constant 6 : i32
    %dma_start3A_664 = arith.constant 256 : i32
    %dma_start3A_665 = arith.constant 0 : i32
    %dma_start3A_666 = tpu.memref_slice %arg6[%dma_start3A_664, %dma_start3A_665] : memref<512x64xf32, #tpu.memory_space<vmem>> -> memref<128x64xf32, #tpu.memory_space<vmem>>
    %dma_start3A_667 = arith.constant 256 : i32
    %dma_start3A_668 = tpu.memref_slice %arg5[%dma_start3A_663, %dma_start3A_667] : memref<26x512xi32, #tpu.memory_space<vmem>> -> memref<1x128xi32, #tpu.memory_space<vmem>>
    %dma_start3A_669 = tpu.memref_squeeze %dma_start3A_668 : memref<1x128xi32, #tpu.memory_space<vmem>> -> memref<128xi32, #tpu.memory_space<vmem>>
    %dma_start3A_670 = arith.constant 0 : i32
    %dma_start3A_671 = arith.constant 0 : i32
    %dma_start3A_672 = tpu.memref_slice %arg2[%dma_start3A_670, %dma_start3A_671] : memref<2600000x64xf32, #tpu.memory_space<hbm>> -> memref<2600000x64xf32, #tpu.memory_space<hbm>>
    tpu.enqueue_indirect_dma source(%dma_start3A_672 : memref<2600000x64xf32, #tpu.memory_space<hbm>>) target(%dma_start3A_666 : memref<128x64xf32, #tpu.memory_space<vmem>>) offsets(%dma_start3A_669 : memref<128xi32, #tpu.memory_space<vmem>>) semaphore(%arg9 : memref<!tpu.dma_semaphore, #tpu.memory_space<semaphore_mem>>)
    %dma_start3A_673 = arith.constant 6 : i32
    %dma_start3A_674 = arith.constant 384 : i32
    %dma_start3A_675 = arith.constant 0 : i32
    %dma_start3A_676 = tpu.memref_slice %arg6[%dma_start3A_674, %dma_start3A_675] : memref<512x64xf32, #tpu.memory_space<vmem>> -> memref<128x64xf32, #tpu.memory_space<vmem>>
    %dma_start3A_677 = arith.constant 384 : i32
    %dma_start3A_678 = tpu.memref_slice %arg5[%dma_start3A_673, %dma_start3A_677] : memref<26x512xi32, #tpu.memory_space<vmem>> -> memref<1x128xi32, #tpu.memory_space<vmem>>
    %dma_start3A_679 = tpu.memref_squeeze %dma_start3A_678 : memref<1x128xi32, #tpu.memory_space<vmem>> -> memref<128xi32, #tpu.memory_space<vmem>>
    %dma_start3A_680 = arith.constant 0 : i32
    %dma_start3A_681 = arith.constant 0 : i32
    %dma_start3A_682 = tpu.memref_slice %arg2[%dma_start3A_680, %dma_start3A_681] : memref<2600000x64xf32, #tpu.memory_space<hbm>> -> memref<2600000x64xf32, #tpu.memory_space<hbm>>
    tpu.enqueue_indirect_dma source(%dma_start3A_682 : memref<2600000x64xf32, #tpu.memory_space<hbm>>) target(%dma_start3A_676 : memref<128x64xf32, #tpu.memory_space<vmem>>) offsets(%dma_start3A_679 : memref<128xi32, #tpu.memory_space<vmem>>) semaphore(%arg9 : memref<!tpu.dma_semaphore, #tpu.memory_space<semaphore_mem>>)
    %dma_wait3A_683 = arith.constant 5 : i32
    %dma_wait3A_684 = arith.constant 0 : i32
    %dma_wait3A_685 = arith.constant 0 : i32
    %dma_wait3A_686 = tpu.memref_slice %arg7[%dma_wait3A_684, %dma_wait3A_685] : memref<512x64xf32, #tpu.memory_space<vmem>> -> memref<128x64xf32, #tpu.memory_space<vmem>>
    %dma_wait3A_687 = arith.constant 0 : i32
    %dma_wait3A_688 = tpu.memref_slice %arg5[%dma_wait3A_683, %dma_wait3A_687] : memref<26x512xi32, #tpu.memory_space<vmem>> -> memref<1x128xi32, #tpu.memory_space<vmem>>
    %dma_wait3A_689 = tpu.memref_squeeze %dma_wait3A_688 : memref<1x128xi32, #tpu.memory_space<vmem>> -> memref<128xi32, #tpu.memory_space<vmem>>
    %dma_wait3A_690 = arith.constant 0 : i32
    %dma_wait3A_691 = arith.constant 0 : i32
    %dma_wait3A_692 = tpu.memref_slice %arg2[%dma_wait3A_690, %dma_wait3A_691] : memref<2600000x64xf32, #tpu.memory_space<hbm>> -> memref<2600000x64xf32, #tpu.memory_space<hbm>>
    tpu.wait_indirect_dma semaphore(%arg10 : memref<!tpu.dma_semaphore, #tpu.memory_space<semaphore_mem>>) src(%dma_wait3A_692 : memref<2600000x64xf32, #tpu.memory_space<hbm>>) dst(%dma_wait3A_686 : memref<128x64xf32, #tpu.memory_space<vmem>>)
    %dma_wait3A_693 = arith.constant 5 : i32
    %dma_wait3A_694 = arith.constant 128 : i32
    %dma_wait3A_695 = arith.constant 0 : i32
    %dma_wait3A_696 = tpu.memref_slice %arg7[%dma_wait3A_694, %dma_wait3A_695] : memref<512x64xf32, #tpu.memory_space<vmem>> -> memref<128x64xf32, #tpu.memory_space<vmem>>
    %dma_wait3A_697 = arith.constant 128 : i32
    %dma_wait3A_698 = tpu.memref_slice %arg5[%dma_wait3A_693, %dma_wait3A_697] : memref<26x512xi32, #tpu.memory_space<vmem>> -> memref<1x128xi32, #tpu.memory_space<vmem>>
    %dma_wait3A_699 = tpu.memref_squeeze %dma_wait3A_698 : memref<1x128xi32, #tpu.memory_space<vmem>> -> memref<128xi32, #tpu.memory_space<vmem>>
    %dma_wait3A_700 = arith.constant 0 : i32
    %dma_wait3A_701 = arith.constant 0 : i32
    %dma_wait3A_702 = tpu.memref_slice %arg2[%dma_wait3A_700, %dma_wait3A_701] : memref<2600000x64xf32, #tpu.memory_space<hbm>> -> memref<2600000x64xf32, #tpu.memory_space<hbm>>
    tpu.wait_indirect_dma semaphore(%arg10 : memref<!tpu.dma_semaphore, #tpu.memory_space<semaphore_mem>>) src(%dma_wait3A_702 : memref<2600000x64xf32, #tpu.memory_space<hbm>>) dst(%dma_wait3A_696 : memref<128x64xf32, #tpu.memory_space<vmem>>)
    %dma_wait3A_703 = arith.constant 5 : i32
    %dma_wait3A_704 = arith.constant 256 : i32
    %dma_wait3A_705 = arith.constant 0 : i32
    %dma_wait3A_706 = tpu.memref_slice %arg7[%dma_wait3A_704, %dma_wait3A_705] : memref<512x64xf32, #tpu.memory_space<vmem>> -> memref<128x64xf32, #tpu.memory_space<vmem>>
    %dma_wait3A_707 = arith.constant 256 : i32
    %dma_wait3A_708 = tpu.memref_slice %arg5[%dma_wait3A_703, %dma_wait3A_707] : memref<26x512xi32, #tpu.memory_space<vmem>> -> memref<1x128xi32, #tpu.memory_space<vmem>>
    %dma_wait3A_709 = tpu.memref_squeeze %dma_wait3A_708 : memref<1x128xi32, #tpu.memory_space<vmem>> -> memref<128xi32, #tpu.memory_space<vmem>>
    %dma_wait3A_710 = arith.constant 0 : i32
    %dma_wait3A_711 = arith.constant 0 : i32
    %dma_wait3A_712 = tpu.memref_slice %arg2[%dma_wait3A_710, %dma_wait3A_711] : memref<2600000x64xf32, #tpu.memory_space<hbm>> -> memref<2600000x64xf32, #tpu.memory_space<hbm>>
    tpu.wait_indirect_dma semaphore(%arg10 : memref<!tpu.dma_semaphore, #tpu.memory_space<semaphore_mem>>) src(%dma_wait3A_712 : memref<2600000x64xf32, #tpu.memory_space<hbm>>) dst(%dma_wait3A_706 : memref<128x64xf32, #tpu.memory_space<vmem>>)
    %dma_wait3A_713 = arith.constant 5 : i32
    %dma_wait3A_714 = arith.constant 384 : i32
    %dma_wait3A_715 = arith.constant 0 : i32
    %dma_wait3A_716 = tpu.memref_slice %arg7[%dma_wait3A_714, %dma_wait3A_715] : memref<512x64xf32, #tpu.memory_space<vmem>> -> memref<128x64xf32, #tpu.memory_space<vmem>>
    %dma_wait3A_717 = arith.constant 384 : i32
    %dma_wait3A_718 = tpu.memref_slice %arg5[%dma_wait3A_713, %dma_wait3A_717] : memref<26x512xi32, #tpu.memory_space<vmem>> -> memref<1x128xi32, #tpu.memory_space<vmem>>
    %dma_wait3A_719 = tpu.memref_squeeze %dma_wait3A_718 : memref<1x128xi32, #tpu.memory_space<vmem>> -> memref<128xi32, #tpu.memory_space<vmem>>
    %dma_wait3A_720 = arith.constant 0 : i32
    %dma_wait3A_721 = arith.constant 0 : i32
    %dma_wait3A_722 = tpu.memref_slice %arg2[%dma_wait3A_720, %dma_wait3A_721] : memref<2600000x64xf32, #tpu.memory_space<hbm>> -> memref<2600000x64xf32, #tpu.memory_space<hbm>>
    tpu.wait_indirect_dma semaphore(%arg10 : memref<!tpu.dma_semaphore, #tpu.memory_space<semaphore_mem>>) src(%dma_wait3A_722 : memref<2600000x64xf32, #tpu.memory_space<hbm>>) dst(%dma_wait3A_716 : memref<128x64xf32, #tpu.memory_space<vmem>>)
    %scan3A_723 = arith.constant 0 : i32
    %scan3A_724 = arith.constant 0 : i32
    %scan3A_725 = arith.constant 512 : i32
    %scan3A_726 = arith.addi %scan3A_724, %scan3A_725 : i32
    %scan3A_727 = arith.constant 1 : i32
    %scan3A_728 = scf.for %scan3A_2430 = %scan3A_724 to %scan3A_726 step %scan3A_727 iter_args(%scan3A_2431 = %scan3A_723) -> (i32)  : i32 {
      %get3A = arith.index_cast %scan3A_2430 : i32 to index
      %get3A_2432 = arith.constant 0 : index
      %get3A_2433 = tpu.vector_load %arg7[%get3A, %get3A_2432] {strides = array<i32>} : memref<512x64xf32, #tpu.memory_space<vmem>>, vector<1x16xf32>,
      %get3A_2434 = vector.shape_cast %get3A_2433 : vector<1x16xf32> to vector<16xf32>
      %swap3A = arith.index_cast %scan3A_2430 : i32 to index
      %swap3A_2435 = arith.constant 0 : index
      %swap3A_2436 = tpu.vector_load %arg8[%swap3A, %swap3A_2435] {strides = array<i32>} : memref<512x64xf32, #tpu.memory_space<vmem>>, vector<1x16xf32>,
      %swap3A_2437 = vector.shape_cast %swap3A_2436 : vector<1x16xf32> to vector<16xf32>
      %swap3A_2438 = vector.shape_cast %get3A_2434 : vector<16xf32> to vector<1x16xf32>
      tpu.vector_store %arg8[%swap3A, %swap3A_2435], %swap3A_2438 {add = true, strides = array<i32>} : memref<512x64xf32, #tpu.memory_space<vmem>>, vector<1x16xf32>,
      %get3A_2439 = arith.index_cast %scan3A_2430 : i32 to index
      %get3A_2440 = arith.constant 16 : index
      %get3A_2441 = tpu.vector_load %arg7[%get3A_2439, %get3A_2440] {strides = array<i32>} : memref<512x64xf32, #tpu.memory_space<vmem>>, vector<1x16xf32>,
      %get3A_2442 = vector.shape_cast %get3A_2441 : vector<1x16xf32> to vector<16xf32>
      %swap3A_2443 = arith.index_cast %scan3A_2430 : i32 to index
      %swap3A_2444 = arith.constant 16 : index
      %swap3A_2445 = tpu.vector_load %arg8[%swap3A_2443, %swap3A_2444] {strides = array<i32>} : memref<512x64xf32, #tpu.memory_space<vmem>>, vector<1x16xf32>,
      %swap3A_2446 = vector.shape_cast %swap3A_2445 : vector<1x16xf32> to vector<16xf32>
      %swap3A_2447 = vector.shape_cast %get3A_2442 : vector<16xf32> to vector<1x16xf32>
      tpu.vector_store %arg8[%swap3A_2443, %swap3A_2444], %swap3A_2447 {add = true, strides = array<i32>} : memref<512x64xf32, #tpu.memory_space<vmem>>, vector<1x16xf32>,
      %get3A_2448 = arith.index_cast %scan3A_2430 : i32 to index
      %get3A_2449 = arith.constant 32 : index
      %get3A_2450 = tpu.vector_load %arg7[%get3A_2448, %get3A_2449] {strides = array<i32>} : memref<512x64xf32, #tpu.memory_space<vmem>>, vector<1x16xf32>,
      %get3A_2451 = vector.shape_cast %get3A_2450 : vector<1x16xf32> to vector<16xf32>
      %swap3A_2452 = arith.index_cast %scan3A_2430 : i32 to index
      %swap3A_2453 = arith.constant 32 : index
      %swap3A_2454 = tpu.vector_load %arg8[%swap3A_2452, %swap3A_2453] {strides = array<i32>} : memref<512x64xf32, #tpu.memory_space<vmem>>, vector<1x16xf32>,
      %swap3A_2455 = vector.shape_cast %swap3A_2454 : vector<1x16xf32> to vector<16xf32>
      %swap3A_2456 = vector.shape_cast %get3A_2451 : vector<16xf32> to vector<1x16xf32>
      tpu.vector_store %arg8[%swap3A_2452, %swap3A_2453], %swap3A_2456 {add = true, strides = array<i32>} : memref<512x64xf32, #tpu.memory_space<vmem>>, vector<1x16xf32>,
      %get3A_2457 = arith.index_cast %scan3A_2430 : i32 to index
      %get3A_2458 = arith.constant 48 : index
      %get3A_2459 = tpu.vector_load %arg7[%get3A_2457, %get3A_2458] {strides = array<i32>} : memref<512x64xf32, #tpu.memory_space<vmem>>, vector<1x16xf32>,
      %get3A_2460 = vector.shape_cast %get3A_2459 : vector<1x16xf32> to vector<16xf32>
      %swap3A_2461 = arith.index_cast %scan3A_2430 : i32 to index
      %swap3A_2462 = arith.constant 48 : index
      %swap3A_2463 = tpu.vector_load %arg8[%swap3A_2461, %swap3A_2462] {strides = array<i32>} : memref<512x64xf32, #tpu.memory_space<vmem>>, vector<1x16xf32>,
      %swap3A_2464 = vector.shape_cast %swap3A_2463 : vector<1x16xf32> to vector<16xf32>
      %swap3A_2465 = vector.shape_cast %get3A_2460 : vector<16xf32> to vector<1x16xf32>
      tpu.vector_store %arg8[%swap3A_2461, %swap3A_2462], %swap3A_2465 {add = true, strides = array<i32>} : memref<512x64xf32, #tpu.memory_space<vmem>>, vector<1x16xf32>,
      %scan3A_2466 = arith.constant 0 : i32
      scf.yield %scan3A_2466 : i32
    }
    %scan3A_729 = arith.constant 512 : i32
    %dma_start3A_730 = arith.constant 7 : i32
    %dma_start3A_731 = arith.constant 0 : i32
    %dma_start3A_732 = arith.constant 0 : i32
    %dma_start3A_733 = tpu.memref_slice %arg7[%dma_start3A_731, %dma_start3A_732] : memref<512x64xf32, #tpu.memory_space<vmem>> -> memref<128x64xf32, #tpu.memory_space<vmem>>
    %dma_start3A_734 = arith.constant 0 : i32
    %dma_start3A_735 = tpu.memref_slice %arg5[%dma_start3A_730, %dma_start3A_734] : memref<26x512xi32, #tpu.memory_space<vmem>> -> memref<1x128xi32, #tpu.memory_space<vmem>>
    %dma_start3A_736 = tpu.memref_squeeze %dma_start3A_735 : memref<1x128xi32, #tpu.memory_space<vmem>> -> memref<128xi32, #tpu.memory_space<vmem>>
    %dma_start3A_737 = arith.constant 0 : i32
    %dma_start3A_738 = arith.constant 0 : i32
    %dma_start3A_739 = tpu.memref_slice %arg2[%dma_start3A_737, %dma_start3A_738] : memref<2600000x64xf32, #tpu.memory_space<hbm>> -> memref<2600000x64xf32, #tpu.memory_space<hbm>>
    tpu.enqueue_indirect_dma source(%dma_start3A_739 : memref<2600000x64xf32, #tpu.memory_space<hbm>>) target(%dma_start3A_733 : memref<128x64xf32, #tpu.memory_space<vmem>>) offsets(%dma_start3A_736 : memref<128xi32, #tpu.memory_space<vmem>>) semaphore(%arg10 : memref<!tpu.dma_semaphore, #tpu.memory_space<semaphore_mem>>)
    %dma_start3A_740 = arith.constant 7 : i32
    %dma_start3A_741 = arith.constant 128 : i32
    %dma_start3A_742 = arith.constant 0 : i32
    %dma_start3A_743 = tpu.memref_slice %arg7[%dma_start3A_741, %dma_start3A_742] : memref<512x64xf32, #tpu.memory_space<vmem>> -> memref<128x64xf32, #tpu.memory_space<vmem>>
    %dma_start3A_744 = arith.constant 128 : i32
    %dma_start3A_745 = tpu.memref_slice %arg5[%dma_start3A_740, %dma_start3A_744] : memref<26x512xi32, #tpu.memory_space<vmem>> -> memref<1x128xi32, #tpu.memory_space<vmem>>
    %dma_start3A_746 = tpu.memref_squeeze %dma_start3A_745 : memref<1x128xi32, #tpu.memory_space<vmem>> -> memref<128xi32, #tpu.memory_space<vmem>>
    %dma_start3A_747 = arith.constant 0 : i32
    %dma_start3A_748 = arith.constant 0 : i32
    %dma_start3A_749 = tpu.memref_slice %arg2[%dma_start3A_747, %dma_start3A_748] : memref<2600000x64xf32, #tpu.memory_space<hbm>> -> memref<2600000x64xf32, #tpu.memory_space<hbm>>
    tpu.enqueue_indirect_dma source(%dma_start3A_749 : memref<2600000x64xf32, #tpu.memory_space<hbm>>) target(%dma_start3A_743 : memref<128x64xf32, #tpu.memory_space<vmem>>) offsets(%dma_start3A_746 : memref<128xi32, #tpu.memory_space<vmem>>) semaphore(%arg10 : memref<!tpu.dma_semaphore, #tpu.memory_space<semaphore_mem>>)
    %dma_start3A_750 = arith.constant 7 : i32
    %dma_start3A_751 = arith.constant 256 : i32
    %dma_start3A_752 = arith.constant 0 : i32
    %dma_start3A_753 = tpu.memref_slice %arg7[%dma_start3A_751, %dma_start3A_752] : memref<512x64xf32, #tpu.memory_space<vmem>> -> memref<128x64xf32, #tpu.memory_space<vmem>>
    %dma_start3A_754 = arith.constant 256 : i32
    %dma_start3A_755 = tpu.memref_slice %arg5[%dma_start3A_750, %dma_start3A_754] : memref<26x512xi32, #tpu.memory_space<vmem>> -> memref<1x128xi32, #tpu.memory_space<vmem>>
    %dma_start3A_756 = tpu.memref_squeeze %dma_start3A_755 : memref<1x128xi32, #tpu.memory_space<vmem>> -> memref<128xi32, #tpu.memory_space<vmem>>
    %dma_start3A_757 = arith.constant 0 : i32
    %dma_start3A_758 = arith.constant 0 : i32
    %dma_start3A_759 = tpu.memref_slice %arg2[%dma_start3A_757, %dma_start3A_758] : memref<2600000x64xf32, #tpu.memory_space<hbm>> -> memref<2600000x64xf32, #tpu.memory_space<hbm>>
    tpu.enqueue_indirect_dma source(%dma_start3A_759 : memref<2600000x64xf32, #tpu.memory_space<hbm>>) target(%dma_start3A_753 : memref<128x64xf32, #tpu.memory_space<vmem>>) offsets(%dma_start3A_756 : memref<128xi32, #tpu.memory_space<vmem>>) semaphore(%arg10 : memref<!tpu.dma_semaphore, #tpu.memory_space<semaphore_mem>>)
    %dma_start3A_760 = arith.constant 7 : i32
    %dma_start3A_761 = arith.constant 384 : i32
    %dma_start3A_762 = arith.constant 0 : i32
    %dma_start3A_763 = tpu.memref_slice %arg7[%dma_start3A_761, %dma_start3A_762] : memref<512x64xf32, #tpu.memory_space<vmem>> -> memref<128x64xf32, #tpu.memory_space<vmem>>
    %dma_start3A_764 = arith.constant 384 : i32
    %dma_start3A_765 = tpu.memref_slice %arg5[%dma_start3A_760, %dma_start3A_764] : memref<26x512xi32, #tpu.memory_space<vmem>> -> memref<1x128xi32, #tpu.memory_space<vmem>>
    %dma_start3A_766 = tpu.memref_squeeze %dma_start3A_765 : memref<1x128xi32, #tpu.memory_space<vmem>> -> memref<128xi32, #tpu.memory_space<vmem>>
    %dma_start3A_767 = arith.constant 0 : i32
    %dma_start3A_768 = arith.constant 0 : i32
    %dma_start3A_769 = tpu.memref_slice %arg2[%dma_start3A_767, %dma_start3A_768] : memref<2600000x64xf32, #tpu.memory_space<hbm>> -> memref<2600000x64xf32, #tpu.memory_space<hbm>>
    tpu.enqueue_indirect_dma source(%dma_start3A_769 : memref<2600000x64xf32, #tpu.memory_space<hbm>>) target(%dma_start3A_763 : memref<128x64xf32, #tpu.memory_space<vmem>>) offsets(%dma_start3A_766 : memref<128xi32, #tpu.memory_space<vmem>>) semaphore(%arg10 : memref<!tpu.dma_semaphore, #tpu.memory_space<semaphore_mem>>)
    %dma_wait3A_770 = arith.constant 6 : i32
    %dma_wait3A_771 = arith.constant 0 : i32
    %dma_wait3A_772 = arith.constant 0 : i32
    %dma_wait3A_773 = tpu.memref_slice %arg6[%dma_wait3A_771, %dma_wait3A_772] : memref<512x64xf32, #tpu.memory_space<vmem>> -> memref<128x64xf32, #tpu.memory_space<vmem>>
    %dma_wait3A_774 = arith.constant 0 : i32
    %dma_wait3A_775 = tpu.memref_slice %arg5[%dma_wait3A_770, %dma_wait3A_774] : memref<26x512xi32, #tpu.memory_space<vmem>> -> memref<1x128xi32, #tpu.memory_space<vmem>>
    %dma_wait3A_776 = tpu.memref_squeeze %dma_wait3A_775 : memref<1x128xi32, #tpu.memory_space<vmem>> -> memref<128xi32, #tpu.memory_space<vmem>>
    %dma_wait3A_777 = arith.constant 0 : i32
    %dma_wait3A_778 = arith.constant 0 : i32
    %dma_wait3A_779 = tpu.memref_slice %arg2[%dma_wait3A_777, %dma_wait3A_778] : memref<2600000x64xf32, #tpu.memory_space<hbm>> -> memref<2600000x64xf32, #tpu.memory_space<hbm>>
    tpu.wait_indirect_dma semaphore(%arg9 : memref<!tpu.dma_semaphore, #tpu.memory_space<semaphore_mem>>) src(%dma_wait3A_779 : memref<2600000x64xf32, #tpu.memory_space<hbm>>) dst(%dma_wait3A_773 : memref<128x64xf32, #tpu.memory_space<vmem>>)
    %dma_wait3A_780 = arith.constant 6 : i32
    %dma_wait3A_781 = arith.constant 128 : i32
    %dma_wait3A_782 = arith.constant 0 : i32
    %dma_wait3A_783 = tpu.memref_slice %arg6[%dma_wait3A_781, %dma_wait3A_782] : memref<512x64xf32, #tpu.memory_space<vmem>> -> memref<128x64xf32, #tpu.memory_space<vmem>>
    %dma_wait3A_784 = arith.constant 128 : i32
    %dma_wait3A_785 = tpu.memref_slice %arg5[%dma_wait3A_780, %dma_wait3A_784] : memref<26x512xi32, #tpu.memory_space<vmem>> -> memref<1x128xi32, #tpu.memory_space<vmem>>
    %dma_wait3A_786 = tpu.memref_squeeze %dma_wait3A_785 : memref<1x128xi32, #tpu.memory_space<vmem>> -> memref<128xi32, #tpu.memory_space<vmem>>
    %dma_wait3A_787 = arith.constant 0 : i32
    %dma_wait3A_788 = arith.constant 0 : i32
    %dma_wait3A_789 = tpu.memref_slice %arg2[%dma_wait3A_787, %dma_wait3A_788] : memref<2600000x64xf32, #tpu.memory_space<hbm>> -> memref<2600000x64xf32, #tpu.memory_space<hbm>>
    tpu.wait_indirect_dma semaphore(%arg9 : memref<!tpu.dma_semaphore, #tpu.memory_space<semaphore_mem>>) src(%dma_wait3A_789 : memref<2600000x64xf32, #tpu.memory_space<hbm>>) dst(%dma_wait3A_783 : memref<128x64xf32, #tpu.memory_space<vmem>>)
    %dma_wait3A_790 = arith.constant 6 : i32
    %dma_wait3A_791 = arith.constant 256 : i32
    %dma_wait3A_792 = arith.constant 0 : i32
    %dma_wait3A_793 = tpu.memref_slice %arg6[%dma_wait3A_791, %dma_wait3A_792] : memref<512x64xf32, #tpu.memory_space<vmem>> -> memref<128x64xf32, #tpu.memory_space<vmem>>
    %dma_wait3A_794 = arith.constant 256 : i32
    %dma_wait3A_795 = tpu.memref_slice %arg5[%dma_wait3A_790, %dma_wait3A_794] : memref<26x512xi32, #tpu.memory_space<vmem>> -> memref<1x128xi32, #tpu.memory_space<vmem>>
    %dma_wait3A_796 = tpu.memref_squeeze %dma_wait3A_795 : memref<1x128xi32, #tpu.memory_space<vmem>> -> memref<128xi32, #tpu.memory_space<vmem>>
    %dma_wait3A_797 = arith.constant 0 : i32
    %dma_wait3A_798 = arith.constant 0 : i32
    %dma_wait3A_799 = tpu.memref_slice %arg2[%dma_wait3A_797, %dma_wait3A_798] : memref<2600000x64xf32, #tpu.memory_space<hbm>> -> memref<2600000x64xf32, #tpu.memory_space<hbm>>
    tpu.wait_indirect_dma semaphore(%arg9 : memref<!tpu.dma_semaphore, #tpu.memory_space<semaphore_mem>>) src(%dma_wait3A_799 : memref<2600000x64xf32, #tpu.memory_space<hbm>>) dst(%dma_wait3A_793 : memref<128x64xf32, #tpu.memory_space<vmem>>)
    %dma_wait3A_800 = arith.constant 6 : i32
    %dma_wait3A_801 = arith.constant 384 : i32
    %dma_wait3A_802 = arith.constant 0 : i32
    %dma_wait3A_803 = tpu.memref_slice %arg6[%dma_wait3A_801, %dma_wait3A_802] : memref<512x64xf32, #tpu.memory_space<vmem>> -> memref<128x64xf32, #tpu.memory_space<vmem>>
    %dma_wait3A_804 = arith.constant 384 : i32
    %dma_wait3A_805 = tpu.memref_slice %arg5[%dma_wait3A_800, %dma_wait3A_804] : memref<26x512xi32, #tpu.memory_space<vmem>> -> memref<1x128xi32, #tpu.memory_space<vmem>>
    %dma_wait3A_806 = tpu.memref_squeeze %dma_wait3A_805 : memref<1x128xi32, #tpu.memory_space<vmem>> -> memref<128xi32, #tpu.memory_space<vmem>>
    %dma_wait3A_807 = arith.constant 0 : i32
    %dma_wait3A_808 = arith.constant 0 : i32
    %dma_wait3A_809 = tpu.memref_slice %arg2[%dma_wait3A_807, %dma_wait3A_808] : memref<2600000x64xf32, #tpu.memory_space<hbm>> -> memref<2600000x64xf32, #tpu.memory_space<hbm>>
    tpu.wait_indirect_dma semaphore(%arg9 : memref<!tpu.dma_semaphore, #tpu.memory_space<semaphore_mem>>) src(%dma_wait3A_809 : memref<2600000x64xf32, #tpu.memory_space<hbm>>) dst(%dma_wait3A_803 : memref<128x64xf32, #tpu.memory_space<vmem>>)
    %scan3A_810 = arith.constant 0 : i32
    %scan3A_811 = arith.constant 0 : i32
    %scan3A_812 = arith.constant 512 : i32
    %scan3A_813 = arith.addi %scan3A_811, %scan3A_812 : i32
    %scan3A_814 = arith.constant 1 : i32
    %scan3A_815 = scf.for %scan3A_2430 = %scan3A_811 to %scan3A_813 step %scan3A_814 iter_args(%scan3A_2431 = %scan3A_810) -> (i32)  : i32 {
      %get3A = arith.index_cast %scan3A_2430 : i32 to index
      %get3A_2432 = arith.constant 0 : index
      %get3A_2433 = tpu.vector_load %arg6[%get3A, %get3A_2432] {strides = array<i32>} : memref<512x64xf32, #tpu.memory_space<vmem>>, vector<1x16xf32>,
      %get3A_2434 = vector.shape_cast %get3A_2433 : vector<1x16xf32> to vector<16xf32>
      %swap3A = arith.index_cast %scan3A_2430 : i32 to index
      %swap3A_2435 = arith.constant 0 : index
      %swap3A_2436 = tpu.vector_load %arg8[%swap3A, %swap3A_2435] {strides = array<i32>} : memref<512x64xf32, #tpu.memory_space<vmem>>, vector<1x16xf32>,
      %swap3A_2437 = vector.shape_cast %swap3A_2436 : vector<1x16xf32> to vector<16xf32>
      %swap3A_2438 = vector.shape_cast %get3A_2434 : vector<16xf32> to vector<1x16xf32>
      tpu.vector_store %arg8[%swap3A, %swap3A_2435], %swap3A_2438 {add = true, strides = array<i32>} : memref<512x64xf32, #tpu.memory_space<vmem>>, vector<1x16xf32>,
      %get3A_2439 = arith.index_cast %scan3A_2430 : i32 to index
      %get3A_2440 = arith.constant 16 : index
      %get3A_2441 = tpu.vector_load %arg6[%get3A_2439, %get3A_2440] {strides = array<i32>} : memref<512x64xf32, #tpu.memory_space<vmem>>, vector<1x16xf32>,
      %get3A_2442 = vector.shape_cast %get3A_2441 : vector<1x16xf32> to vector<16xf32>
      %swap3A_2443 = arith.index_cast %scan3A_2430 : i32 to index
      %swap3A_2444 = arith.constant 16 : index
      %swap3A_2445 = tpu.vector_load %arg8[%swap3A_2443, %swap3A_2444] {strides = array<i32>} : memref<512x64xf32, #tpu.memory_space<vmem>>, vector<1x16xf32>,
      %swap3A_2446 = vector.shape_cast %swap3A_2445 : vector<1x16xf32> to vector<16xf32>
      %swap3A_2447 = vector.shape_cast %get3A_2442 : vector<16xf32> to vector<1x16xf32>
      tpu.vector_store %arg8[%swap3A_2443, %swap3A_2444], %swap3A_2447 {add = true, strides = array<i32>} : memref<512x64xf32, #tpu.memory_space<vmem>>, vector<1x16xf32>,
      %get3A_2448 = arith.index_cast %scan3A_2430 : i32 to index
      %get3A_2449 = arith.constant 32 : index
      %get3A_2450 = tpu.vector_load %arg6[%get3A_2448, %get3A_2449] {strides = array<i32>} : memref<512x64xf32, #tpu.memory_space<vmem>>, vector<1x16xf32>,
      %get3A_2451 = vector.shape_cast %get3A_2450 : vector<1x16xf32> to vector<16xf32>
      %swap3A_2452 = arith.index_cast %scan3A_2430 : i32 to index
      %swap3A_2453 = arith.constant 32 : index
      %swap3A_2454 = tpu.vector_load %arg8[%swap3A_2452, %swap3A_2453] {strides = array<i32>} : memref<512x64xf32, #tpu.memory_space<vmem>>, vector<1x16xf32>,
      %swap3A_2455 = vector.shape_cast %swap3A_2454 : vector<1x16xf32> to vector<16xf32>
      %swap3A_2456 = vector.shape_cast %get3A_2451 : vector<16xf32> to vector<1x16xf32>
      tpu.vector_store %arg8[%swap3A_2452, %swap3A_2453], %swap3A_2456 {add = true, strides = array<i32>} : memref<512x64xf32, #tpu.memory_space<vmem>>, vector<1x16xf32>,
      %get3A_2457 = arith.index_cast %scan3A_2430 : i32 to index
      %get3A_2458 = arith.constant 48 : index
      %get3A_2459 = tpu.vector_load %arg6[%get3A_2457, %get3A_2458] {strides = array<i32>} : memref<512x64xf32, #tpu.memory_space<vmem>>, vector<1x16xf32>,
      %get3A_2460 = vector.shape_cast %get3A_2459 : vector<1x16xf32> to vector<16xf32>
      %swap3A_2461 = arith.index_cast %scan3A_2430 : i32 to index
      %swap3A_2462 = arith.constant 48 : index
      %swap3A_2463 = tpu.vector_load %arg8[%swap3A_2461, %swap3A_2462] {strides = array<i32>} : memref<512x64xf32, #tpu.memory_space<vmem>>, vector<1x16xf32>,
      %swap3A_2464 = vector.shape_cast %swap3A_2463 : vector<1x16xf32> to vector<16xf32>
      %swap3A_2465 = vector.shape_cast %get3A_2460 : vector<16xf32> to vector<1x16xf32>
      tpu.vector_store %arg8[%swap3A_2461, %swap3A_2462], %swap3A_2465 {add = true, strides = array<i32>} : memref<512x64xf32, #tpu.memory_space<vmem>>, vector<1x16xf32>,
      %scan3A_2466 = arith.constant 0 : i32
      scf.yield %scan3A_2466 : i32
    }
    %scan3A_816 = arith.constant 512 : i32
    %dma_start3A_817 = arith.constant 8 : i32
    %dma_start3A_818 = arith.constant 0 : i32
    %dma_start3A_819 = arith.constant 0 : i32
    %dma_start3A_820 = tpu.memref_slice %arg6[%dma_start3A_818, %dma_start3A_819] : memref<512x64xf32, #tpu.memory_space<vmem>> -> memref<128x64xf32, #tpu.memory_space<vmem>>
    %dma_start3A_821 = arith.constant 0 : i32
    %dma_start3A_822 = tpu.memref_slice %arg5[%dma_start3A_817, %dma_start3A_821] : memref<26x512xi32, #tpu.memory_space<vmem>> -> memref<1x128xi32, #tpu.memory_space<vmem>>
    %dma_start3A_823 = tpu.memref_squeeze %dma_start3A_822 : memref<1x128xi32, #tpu.memory_space<vmem>> -> memref<128xi32, #tpu.memory_space<vmem>>
    %dma_start3A_824 = arith.constant 0 : i32
    %dma_start3A_825 = arith.constant 0 : i32
    %dma_start3A_826 = tpu.memref_slice %arg2[%dma_start3A_824, %dma_start3A_825] : memref<2600000x64xf32, #tpu.memory_space<hbm>> -> memref<2600000x64xf32, #tpu.memory_space<hbm>>
    tpu.enqueue_indirect_dma source(%dma_start3A_826 : memref<2600000x64xf32, #tpu.memory_space<hbm>>) target(%dma_start3A_820 : memref<128x64xf32, #tpu.memory_space<vmem>>) offsets(%dma_start3A_823 : memref<128xi32, #tpu.memory_space<vmem>>) semaphore(%arg9 : memref<!tpu.dma_semaphore, #tpu.memory_space<semaphore_mem>>)
    %dma_start3A_827 = arith.constant 8 : i32
    %dma_start3A_828 = arith.constant 128 : i32
    %dma_start3A_829 = arith.constant 0 : i32
    %dma_start3A_830 = tpu.memref_slice %arg6[%dma_start3A_828, %dma_start3A_829] : memref<512x64xf32, #tpu.memory_space<vmem>> -> memref<128x64xf32, #tpu.memory_space<vmem>>
    %dma_start3A_831 = arith.constant 128 : i32
    %dma_start3A_832 = tpu.memref_slice %arg5[%dma_start3A_827, %dma_start3A_831] : memref<26x512xi32, #tpu.memory_space<vmem>> -> memref<1x128xi32, #tpu.memory_space<vmem>>
    %dma_start3A_833 = tpu.memref_squeeze %dma_start3A_832 : memref<1x128xi32, #tpu.memory_space<vmem>> -> memref<128xi32, #tpu.memory_space<vmem>>
    %dma_start3A_834 = arith.constant 0 : i32
    %dma_start3A_835 = arith.constant 0 : i32
    %dma_start3A_836 = tpu.memref_slice %arg2[%dma_start3A_834, %dma_start3A_835] : memref<2600000x64xf32, #tpu.memory_space<hbm>> -> memref<2600000x64xf32, #tpu.memory_space<hbm>>
    tpu.enqueue_indirect_dma source(%dma_start3A_836 : memref<2600000x64xf32, #tpu.memory_space<hbm>>) target(%dma_start3A_830 : memref<128x64xf32, #tpu.memory_space<vmem>>) offsets(%dma_start3A_833 : memref<128xi32, #tpu.memory_space<vmem>>) semaphore(%arg9 : memref<!tpu.dma_semaphore, #tpu.memory_space<semaphore_mem>>)
    %dma_start3A_837 = arith.constant 8 : i32
    %dma_start3A_838 = arith.constant 256 : i32
    %dma_start3A_839 = arith.constant 0 : i32
    %dma_start3A_840 = tpu.memref_slice %arg6[%dma_start3A_838, %dma_start3A_839] : memref<512x64xf32, #tpu.memory_space<vmem>> -> memref<128x64xf32, #tpu.memory_space<vmem>>
    %dma_start3A_841 = arith.constant 256 : i32
    %dma_start3A_842 = tpu.memref_slice %arg5[%dma_start3A_837, %dma_start3A_841] : memref<26x512xi32, #tpu.memory_space<vmem>> -> memref<1x128xi32, #tpu.memory_space<vmem>>
    %dma_start3A_843 = tpu.memref_squeeze %dma_start3A_842 : memref<1x128xi32, #tpu.memory_space<vmem>> -> memref<128xi32, #tpu.memory_space<vmem>>
    %dma_start3A_844 = arith.constant 0 : i32
    %dma_start3A_845 = arith.constant 0 : i32
    %dma_start3A_846 = tpu.memref_slice %arg2[%dma_start3A_844, %dma_start3A_845] : memref<2600000x64xf32, #tpu.memory_space<hbm>> -> memref<2600000x64xf32, #tpu.memory_space<hbm>>
    tpu.enqueue_indirect_dma source(%dma_start3A_846 : memref<2600000x64xf32, #tpu.memory_space<hbm>>) target(%dma_start3A_840 : memref<128x64xf32, #tpu.memory_space<vmem>>) offsets(%dma_start3A_843 : memref<128xi32, #tpu.memory_space<vmem>>) semaphore(%arg9 : memref<!tpu.dma_semaphore, #tpu.memory_space<semaphore_mem>>)
    %dma_start3A_847 = arith.constant 8 : i32
    %dma_start3A_848 = arith.constant 384 : i32
    %dma_start3A_849 = arith.constant 0 : i32
    %dma_start3A_850 = tpu.memref_slice %arg6[%dma_start3A_848, %dma_start3A_849] : memref<512x64xf32, #tpu.memory_space<vmem>> -> memref<128x64xf32, #tpu.memory_space<vmem>>
    %dma_start3A_851 = arith.constant 384 : i32
    %dma_start3A_852 = tpu.memref_slice %arg5[%dma_start3A_847, %dma_start3A_851] : memref<26x512xi32, #tpu.memory_space<vmem>> -> memref<1x128xi32, #tpu.memory_space<vmem>>
    %dma_start3A_853 = tpu.memref_squeeze %dma_start3A_852 : memref<1x128xi32, #tpu.memory_space<vmem>> -> memref<128xi32, #tpu.memory_space<vmem>>
    %dma_start3A_854 = arith.constant 0 : i32
    %dma_start3A_855 = arith.constant 0 : i32
    %dma_start3A_856 = tpu.memref_slice %arg2[%dma_start3A_854, %dma_start3A_855] : memref<2600000x64xf32, #tpu.memory_space<hbm>> -> memref<2600000x64xf32, #tpu.memory_space<hbm>>
    tpu.enqueue_indirect_dma source(%dma_start3A_856 : memref<2600000x64xf32, #tpu.memory_space<hbm>>) target(%dma_start3A_850 : memref<128x64xf32, #tpu.memory_space<vmem>>) offsets(%dma_start3A_853 : memref<128xi32, #tpu.memory_space<vmem>>) semaphore(%arg9 : memref<!tpu.dma_semaphore, #tpu.memory_space<semaphore_mem>>)
    %dma_wait3A_857 = arith.constant 7 : i32
    %dma_wait3A_858 = arith.constant 0 : i32
    %dma_wait3A_859 = arith.constant 0 : i32
    %dma_wait3A_860 = tpu.memref_slice %arg7[%dma_wait3A_858, %dma_wait3A_859] : memref<512x64xf32, #tpu.memory_space<vmem>> -> memref<128x64xf32, #tpu.memory_space<vmem>>
    %dma_wait3A_861 = arith.constant 0 : i32
    %dma_wait3A_862 = tpu.memref_slice %arg5[%dma_wait3A_857, %dma_wait3A_861] : memref<26x512xi32, #tpu.memory_space<vmem>> -> memref<1x128xi32, #tpu.memory_space<vmem>>
    %dma_wait3A_863 = tpu.memref_squeeze %dma_wait3A_862 : memref<1x128xi32, #tpu.memory_space<vmem>> -> memref<128xi32, #tpu.memory_space<vmem>>
    %dma_wait3A_864 = arith.constant 0 : i32
    %dma_wait3A_865 = arith.constant 0 : i32
    %dma_wait3A_866 = tpu.memref_slice %arg2[%dma_wait3A_864, %dma_wait3A_865] : memref<2600000x64xf32, #tpu.memory_space<hbm>> -> memref<2600000x64xf32, #tpu.memory_space<hbm>>
    tpu.wait_indirect_dma semaphore(%arg10 : memref<!tpu.dma_semaphore, #tpu.memory_space<semaphore_mem>>) src(%dma_wait3A_866 : memref<2600000x64xf32, #tpu.memory_space<hbm>>) dst(%dma_wait3A_860 : memref<128x64xf32, #tpu.memory_space<vmem>>)
    %dma_wait3A_867 = arith.constant 7 : i32
    %dma_wait3A_868 = arith.constant 128 : i32
    %dma_wait3A_869 = arith.constant 0 : i32
    %dma_wait3A_870 = tpu.memref_slice %arg7[%dma_wait3A_868, %dma_wait3A_869] : memref<512x64xf32, #tpu.memory_space<vmem>> -> memref<128x64xf32, #tpu.memory_space<vmem>>
    %dma_wait3A_871 = arith.constant 128 : i32
    %dma_wait3A_872 = tpu.memref_slice %arg5[%dma_wait3A_867, %dma_wait3A_871] : memref<26x512xi32, #tpu.memory_space<vmem>> -> memref<1x128xi32, #tpu.memory_space<vmem>>
    %dma_wait3A_873 = tpu.memref_squeeze %dma_wait3A_872 : memref<1x128xi32, #tpu.memory_space<vmem>> -> memref<128xi32, #tpu.memory_space<vmem>>
    %dma_wait3A_874 = arith.constant 0 : i32
    %dma_wait3A_875 = arith.constant 0 : i32
    %dma_wait3A_876 = tpu.memref_slice %arg2[%dma_wait3A_874, %dma_wait3A_875] : memref<2600000x64xf32, #tpu.memory_space<hbm>> -> memref<2600000x64xf32, #tpu.memory_space<hbm>>
    tpu.wait_indirect_dma semaphore(%arg10 : memref<!tpu.dma_semaphore, #tpu.memory_space<semaphore_mem>>) src(%dma_wait3A_876 : memref<2600000x64xf32, #tpu.memory_space<hbm>>) dst(%dma_wait3A_870 : memref<128x64xf32, #tpu.memory_space<vmem>>)
    %dma_wait3A_877 = arith.constant 7 : i32
    %dma_wait3A_878 = arith.constant 256 : i32
    %dma_wait3A_879 = arith.constant 0 : i32
    %dma_wait3A_880 = tpu.memref_slice %arg7[%dma_wait3A_878, %dma_wait3A_879] : memref<512x64xf32, #tpu.memory_space<vmem>> -> memref<128x64xf32, #tpu.memory_space<vmem>>
    %dma_wait3A_881 = arith.constant 256 : i32
    %dma_wait3A_882 = tpu.memref_slice %arg5[%dma_wait3A_877, %dma_wait3A_881] : memref<26x512xi32, #tpu.memory_space<vmem>> -> memref<1x128xi32, #tpu.memory_space<vmem>>
    %dma_wait3A_883 = tpu.memref_squeeze %dma_wait3A_882 : memref<1x128xi32, #tpu.memory_space<vmem>> -> memref<128xi32, #tpu.memory_space<vmem>>
    %dma_wait3A_884 = arith.constant 0 : i32
    %dma_wait3A_885 = arith.constant 0 : i32
    %dma_wait3A_886 = tpu.memref_slice %arg2[%dma_wait3A_884, %dma_wait3A_885] : memref<2600000x64xf32, #tpu.memory_space<hbm>> -> memref<2600000x64xf32, #tpu.memory_space<hbm>>
    tpu.wait_indirect_dma semaphore(%arg10 : memref<!tpu.dma_semaphore, #tpu.memory_space<semaphore_mem>>) src(%dma_wait3A_886 : memref<2600000x64xf32, #tpu.memory_space<hbm>>) dst(%dma_wait3A_880 : memref<128x64xf32, #tpu.memory_space<vmem>>)
    %dma_wait3A_887 = arith.constant 7 : i32
    %dma_wait3A_888 = arith.constant 384 : i32
    %dma_wait3A_889 = arith.constant 0 : i32
    %dma_wait3A_890 = tpu.memref_slice %arg7[%dma_wait3A_888, %dma_wait3A_889] : memref<512x64xf32, #tpu.memory_space<vmem>> -> memref<128x64xf32, #tpu.memory_space<vmem>>
    %dma_wait3A_891 = arith.constant 384 : i32
    %dma_wait3A_892 = tpu.memref_slice %arg5[%dma_wait3A_887, %dma_wait3A_891] : memref<26x512xi32, #tpu.memory_space<vmem>> -> memref<1x128xi32, #tpu.memory_space<vmem>>
    %dma_wait3A_893 = tpu.memref_squeeze %dma_wait3A_892 : memref<1x128xi32, #tpu.memory_space<vmem>> -> memref<128xi32, #tpu.memory_space<vmem>>
    %dma_wait3A_894 = arith.constant 0 : i32
    %dma_wait3A_895 = arith.constant 0 : i32
    %dma_wait3A_896 = tpu.memref_slice %arg2[%dma_wait3A_894, %dma_wait3A_895] : memref<2600000x64xf32, #tpu.memory_space<hbm>> -> memref<2600000x64xf32, #tpu.memory_space<hbm>>
    tpu.wait_indirect_dma semaphore(%arg10 : memref<!tpu.dma_semaphore, #tpu.memory_space<semaphore_mem>>) src(%dma_wait3A_896 : memref<2600000x64xf32, #tpu.memory_space<hbm>>) dst(%dma_wait3A_890 : memref<128x64xf32, #tpu.memory_space<vmem>>)
    %scan3A_897 = arith.constant 0 : i32
    %scan3A_898 = arith.constant 0 : i32
    %scan3A_899 = arith.constant 512 : i32
    %scan3A_900 = arith.addi %scan3A_898, %scan3A_899 : i32
    %scan3A_901 = arith.constant 1 : i32
    %scan3A_902 = scf.for %scan3A_2430 = %scan3A_898 to %scan3A_900 step %scan3A_901 iter_args(%scan3A_2431 = %scan3A_897) -> (i32)  : i32 {
      %get3A = arith.index_cast %scan3A_2430 : i32 to index
      %get3A_2432 = arith.constant 0 : index
      %get3A_2433 = tpu.vector_load %arg7[%get3A, %get3A_2432] {strides = array<i32>} : memref<512x64xf32, #tpu.memory_space<vmem>>, vector<1x16xf32>,
      %get3A_2434 = vector.shape_cast %get3A_2433 : vector<1x16xf32> to vector<16xf32>
      %swap3A = arith.index_cast %scan3A_2430 : i32 to index
      %swap3A_2435 = arith.constant 0 : index
      %swap3A_2436 = tpu.vector_load %arg8[%swap3A, %swap3A_2435] {strides = array<i32>} : memref<512x64xf32, #tpu.memory_space<vmem>>, vector<1x16xf32>,
      %swap3A_2437 = vector.shape_cast %swap3A_2436 : vector<1x16xf32> to vector<16xf32>
      %swap3A_2438 = vector.shape_cast %get3A_2434 : vector<16xf32> to vector<1x16xf32>
      tpu.vector_store %arg8[%swap3A, %swap3A_2435], %swap3A_2438 {add = true, strides = array<i32>} : memref<512x64xf32, #tpu.memory_space<vmem>>, vector<1x16xf32>,
      %get3A_2439 = arith.index_cast %scan3A_2430 : i32 to index
      %get3A_2440 = arith.constant 16 : index
      %get3A_2441 = tpu.vector_load %arg7[%get3A_2439, %get3A_2440] {strides = array<i32>} : memref<512x64xf32, #tpu.memory_space<vmem>>, vector<1x16xf32>,
      %get3A_2442 = vector.shape_cast %get3A_2441 : vector<1x16xf32> to vector<16xf32>
      %swap3A_2443 = arith.index_cast %scan3A_2430 : i32 to index
      %swap3A_2444 = arith.constant 16 : index
      %swap3A_2445 = tpu.vector_load %arg8[%swap3A_2443, %swap3A_2444] {strides = array<i32>} : memref<512x64xf32, #tpu.memory_space<vmem>>, vector<1x16xf32>,
      %swap3A_2446 = vector.shape_cast %swap3A_2445 : vector<1x16xf32> to vector<16xf32>
      %swap3A_2447 = vector.shape_cast %get3A_2442 : vector<16xf32> to vector<1x16xf32>
      tpu.vector_store %arg8[%swap3A_2443, %swap3A_2444], %swap3A_2447 {add = true, strides = array<i32>} : memref<512x64xf32, #tpu.memory_space<vmem>>, vector<1x16xf32>,
      %get3A_2448 = arith.index_cast %scan3A_2430 : i32 to index
      %get3A_2449 = arith.constant 32 : index
      %get3A_2450 = tpu.vector_load %arg7[%get3A_2448, %get3A_2449] {strides = array<i32>} : memref<512x64xf32, #tpu.memory_space<vmem>>, vector<1x16xf32>,
      %get3A_2451 = vector.shape_cast %get3A_2450 : vector<1x16xf32> to vector<16xf32>
      %swap3A_2452 = arith.index_cast %scan3A_2430 : i32 to index
      %swap3A_2453 = arith.constant 32 : index
      %swap3A_2454 = tpu.vector_load %arg8[%swap3A_2452, %swap3A_2453] {strides = array<i32>} : memref<512x64xf32, #tpu.memory_space<vmem>>, vector<1x16xf32>,
      %swap3A_2455 = vector.shape_cast %swap3A_2454 : vector<1x16xf32> to vector<16xf32>
      %swap3A_2456 = vector.shape_cast %get3A_2451 : vector<16xf32> to vector<1x16xf32>
      tpu.vector_store %arg8[%swap3A_2452, %swap3A_2453], %swap3A_2456 {add = true, strides = array<i32>} : memref<512x64xf32, #tpu.memory_space<vmem>>, vector<1x16xf32>,
      %get3A_2457 = arith.index_cast %scan3A_2430 : i32 to index
      %get3A_2458 = arith.constant 48 : index
      %get3A_2459 = tpu.vector_load %arg7[%get3A_2457, %get3A_2458] {strides = array<i32>} : memref<512x64xf32, #tpu.memory_space<vmem>>, vector<1x16xf32>,
      %get3A_2460 = vector.shape_cast %get3A_2459 : vector<1x16xf32> to vector<16xf32>
      %swap3A_2461 = arith.index_cast %scan3A_2430 : i32 to index
      %swap3A_2462 = arith.constant 48 : index
      %swap3A_2463 = tpu.vector_load %arg8[%swap3A_2461, %swap3A_2462] {strides = array<i32>} : memref<512x64xf32, #tpu.memory_space<vmem>>, vector<1x16xf32>,
      %swap3A_2464 = vector.shape_cast %swap3A_2463 : vector<1x16xf32> to vector<16xf32>
      %swap3A_2465 = vector.shape_cast %get3A_2460 : vector<16xf32> to vector<1x16xf32>
      tpu.vector_store %arg8[%swap3A_2461, %swap3A_2462], %swap3A_2465 {add = true, strides = array<i32>} : memref<512x64xf32, #tpu.memory_space<vmem>>, vector<1x16xf32>,
      %scan3A_2466 = arith.constant 0 : i32
      scf.yield %scan3A_2466 : i32
    }
    %scan3A_903 = arith.constant 512 : i32
    %dma_start3A_904 = arith.constant 9 : i32
    %dma_start3A_905 = arith.constant 0 : i32
    %dma_start3A_906 = arith.constant 0 : i32
    %dma_start3A_907 = tpu.memref_slice %arg7[%dma_start3A_905, %dma_start3A_906] : memref<512x64xf32, #tpu.memory_space<vmem>> -> memref<128x64xf32, #tpu.memory_space<vmem>>
    %dma_start3A_908 = arith.constant 0 : i32
    %dma_start3A_909 = tpu.memref_slice %arg5[%dma_start3A_904, %dma_start3A_908] : memref<26x512xi32, #tpu.memory_space<vmem>> -> memref<1x128xi32, #tpu.memory_space<vmem>>
    %dma_start3A_910 = tpu.memref_squeeze %dma_start3A_909 : memref<1x128xi32, #tpu.memory_space<vmem>> -> memref<128xi32, #tpu.memory_space<vmem>>
    %dma_start3A_911 = arith.constant 0 : i32
    %dma_start3A_912 = arith.constant 0 : i32
    %dma_start3A_913 = tpu.memref_slice %arg2[%dma_start3A_911, %dma_start3A_912] : memref<2600000x64xf32, #tpu.memory_space<hbm>> -> memref<2600000x64xf32, #tpu.memory_space<hbm>>
    tpu.enqueue_indirect_dma source(%dma_start3A_913 : memref<2600000x64xf32, #tpu.memory_space<hbm>>) target(%dma_start3A_907 : memref<128x64xf32, #tpu.memory_space<vmem>>) offsets(%dma_start3A_910 : memref<128xi32, #tpu.memory_space<vmem>>) semaphore(%arg10 : memref<!tpu.dma_semaphore, #tpu.memory_space<semaphore_mem>>)
    %dma_start3A_914 = arith.constant 9 : i32
    %dma_start3A_915 = arith.constant 128 : i32
    %dma_start3A_916 = arith.constant 0 : i32
    %dma_start3A_917 = tpu.memref_slice %arg7[%dma_start3A_915, %dma_start3A_916] : memref<512x64xf32, #tpu.memory_space<vmem>> -> memref<128x64xf32, #tpu.memory_space<vmem>>
    %dma_start3A_918 = arith.constant 128 : i32
    %dma_start3A_919 = tpu.memref_slice %arg5[%dma_start3A_914, %dma_start3A_918] : memref<26x512xi32, #tpu.memory_space<vmem>> -> memref<1x128xi32, #tpu.memory_space<vmem>>
    %dma_start3A_920 = tpu.memref_squeeze %dma_start3A_919 : memref<1x128xi32, #tpu.memory_space<vmem>> -> memref<128xi32, #tpu.memory_space<vmem>>
    %dma_start3A_921 = arith.constant 0 : i32
    %dma_start3A_922 = arith.constant 0 : i32
    %dma_start3A_923 = tpu.memref_slice %arg2[%dma_start3A_921, %dma_start3A_922] : memref<2600000x64xf32, #tpu.memory_space<hbm>> -> memref<2600000x64xf32, #tpu.memory_space<hbm>>
    tpu.enqueue_indirect_dma source(%dma_start3A_923 : memref<2600000x64xf32, #tpu.memory_space<hbm>>) target(%dma_start3A_917 : memref<128x64xf32, #tpu.memory_space<vmem>>) offsets(%dma_start3A_920 : memref<128xi32, #tpu.memory_space<vmem>>) semaphore(%arg10 : memref<!tpu.dma_semaphore, #tpu.memory_space<semaphore_mem>>)
    %dma_start3A_924 = arith.constant 9 : i32
    %dma_start3A_925 = arith.constant 256 : i32
    %dma_start3A_926 = arith.constant 0 : i32
    %dma_start3A_927 = tpu.memref_slice %arg7[%dma_start3A_925, %dma_start3A_926] : memref<512x64xf32, #tpu.memory_space<vmem>> -> memref<128x64xf32, #tpu.memory_space<vmem>>
    %dma_start3A_928 = arith.constant 256 : i32
    %dma_start3A_929 = tpu.memref_slice %arg5[%dma_start3A_924, %dma_start3A_928] : memref<26x512xi32, #tpu.memory_space<vmem>> -> memref<1x128xi32, #tpu.memory_space<vmem>>
    %dma_start3A_930 = tpu.memref_squeeze %dma_start3A_929 : memref<1x128xi32, #tpu.memory_space<vmem>> -> memref<128xi32, #tpu.memory_space<vmem>>
    %dma_start3A_931 = arith.constant 0 : i32
    %dma_start3A_932 = arith.constant 0 : i32
    %dma_start3A_933 = tpu.memref_slice %arg2[%dma_start3A_931, %dma_start3A_932] : memref<2600000x64xf32, #tpu.memory_space<hbm>> -> memref<2600000x64xf32, #tpu.memory_space<hbm>>
    tpu.enqueue_indirect_dma source(%dma_start3A_933 : memref<2600000x64xf32, #tpu.memory_space<hbm>>) target(%dma_start3A_927 : memref<128x64xf32, #tpu.memory_space<vmem>>) offsets(%dma_start3A_930 : memref<128xi32, #tpu.memory_space<vmem>>) semaphore(%arg10 : memref<!tpu.dma_semaphore, #tpu.memory_space<semaphore_mem>>)
    %dma_start3A_934 = arith.constant 9 : i32
    %dma_start3A_935 = arith.constant 384 : i32
    %dma_start3A_936 = arith.constant 0 : i32
    %dma_start3A_937 = tpu.memref_slice %arg7[%dma_start3A_935, %dma_start3A_936] : memref<512x64xf32, #tpu.memory_space<vmem>> -> memref<128x64xf32, #tpu.memory_space<vmem>>
    %dma_start3A_938 = arith.constant 384 : i32
    %dma_start3A_939 = tpu.memref_slice %arg5[%dma_start3A_934, %dma_start3A_938] : memref<26x512xi32, #tpu.memory_space<vmem>> -> memref<1x128xi32, #tpu.memory_space<vmem>>
    %dma_start3A_940 = tpu.memref_squeeze %dma_start3A_939 : memref<1x128xi32, #tpu.memory_space<vmem>> -> memref<128xi32, #tpu.memory_space<vmem>>
    %dma_start3A_941 = arith.constant 0 : i32
    %dma_start3A_942 = arith.constant 0 : i32
    %dma_start3A_943 = tpu.memref_slice %arg2[%dma_start3A_941, %dma_start3A_942] : memref<2600000x64xf32, #tpu.memory_space<hbm>> -> memref<2600000x64xf32, #tpu.memory_space<hbm>>
    tpu.enqueue_indirect_dma source(%dma_start3A_943 : memref<2600000x64xf32, #tpu.memory_space<hbm>>) target(%dma_start3A_937 : memref<128x64xf32, #tpu.memory_space<vmem>>) offsets(%dma_start3A_940 : memref<128xi32, #tpu.memory_space<vmem>>) semaphore(%arg10 : memref<!tpu.dma_semaphore, #tpu.memory_space<semaphore_mem>>)
    %dma_wait3A_944 = arith.constant 8 : i32
    %dma_wait3A_945 = arith.constant 0 : i32
    %dma_wait3A_946 = arith.constant 0 : i32
    %dma_wait3A_947 = tpu.memref_slice %arg6[%dma_wait3A_945, %dma_wait3A_946] : memref<512x64xf32, #tpu.memory_space<vmem>> -> memref<128x64xf32, #tpu.memory_space<vmem>>
    %dma_wait3A_948 = arith.constant 0 : i32
    %dma_wait3A_949 = tpu.memref_slice %arg5[%dma_wait3A_944, %dma_wait3A_948] : memref<26x512xi32, #tpu.memory_space<vmem>> -> memref<1x128xi32, #tpu.memory_space<vmem>>
    %dma_wait3A_950 = tpu.memref_squeeze %dma_wait3A_949 : memref<1x128xi32, #tpu.memory_space<vmem>> -> memref<128xi32, #tpu.memory_space<vmem>>
    %dma_wait3A_951 = arith.constant 0 : i32
    %dma_wait3A_952 = arith.constant 0 : i32
    %dma_wait3A_953 = tpu.memref_slice %arg2[%dma_wait3A_951, %dma_wait3A_952] : memref<2600000x64xf32, #tpu.memory_space<hbm>> -> memref<2600000x64xf32, #tpu.memory_space<hbm>>
    tpu.wait_indirect_dma semaphore(%arg9 : memref<!tpu.dma_semaphore, #tpu.memory_space<semaphore_mem>>) src(%dma_wait3A_953 : memref<2600000x64xf32, #tpu.memory_space<hbm>>) dst(%dma_wait3A_947 : memref<128x64xf32, #tpu.memory_space<vmem>>)
    %dma_wait3A_954 = arith.constant 8 : i32
    %dma_wait3A_955 = arith.constant 128 : i32
    %dma_wait3A_956 = arith.constant 0 : i32
    %dma_wait3A_957 = tpu.memref_slice %arg6[%dma_wait3A_955, %dma_wait3A_956] : memref<512x64xf32, #tpu.memory_space<vmem>> -> memref<128x64xf32, #tpu.memory_space<vmem>>
    %dma_wait3A_958 = arith.constant 128 : i32
    %dma_wait3A_959 = tpu.memref_slice %arg5[%dma_wait3A_954, %dma_wait3A_958] : memref<26x512xi32, #tpu.memory_space<vmem>> -> memref<1x128xi32, #tpu.memory_space<vmem>>
    %dma_wait3A_960 = tpu.memref_squeeze %dma_wait3A_959 : memref<1x128xi32, #tpu.memory_space<vmem>> -> memref<128xi32, #tpu.memory_space<vmem>>
    %dma_wait3A_961 = arith.constant 0 : i32
    %dma_wait3A_962 = arith.constant 0 : i32
    %dma_wait3A_963 = tpu.memref_slice %arg2[%dma_wait3A_961, %dma_wait3A_962] : memref<2600000x64xf32, #tpu.memory_space<hbm>> -> memref<2600000x64xf32, #tpu.memory_space<hbm>>
    tpu.wait_indirect_dma semaphore(%arg9 : memref<!tpu.dma_semaphore, #tpu.memory_space<semaphore_mem>>) src(%dma_wait3A_963 : memref<2600000x64xf32, #tpu.memory_space<hbm>>) dst(%dma_wait3A_957 : memref<128x64xf32, #tpu.memory_space<vmem>>)
    %dma_wait3A_964 = arith.constant 8 : i32
    %dma_wait3A_965 = arith.constant 256 : i32
    %dma_wait3A_966 = arith.constant 0 : i32
    %dma_wait3A_967 = tpu.memref_slice %arg6[%dma_wait3A_965, %dma_wait3A_966] : memref<512x64xf32, #tpu.memory_space<vmem>> -> memref<128x64xf32, #tpu.memory_space<vmem>>
    %dma_wait3A_968 = arith.constant 256 : i32
    %dma_wait3A_969 = tpu.memref_slice %arg5[%dma_wait3A_964, %dma_wait3A_968] : memref<26x512xi32, #tpu.memory_space<vmem>> -> memref<1x128xi32, #tpu.memory_space<vmem>>
    %dma_wait3A_970 = tpu.memref_squeeze %dma_wait3A_969 : memref<1x128xi32, #tpu.memory_space<vmem>> -> memref<128xi32, #tpu.memory_space<vmem>>
    %dma_wait3A_971 = arith.constant 0 : i32
    %dma_wait3A_972 = arith.constant 0 : i32
    %dma_wait3A_973 = tpu.memref_slice %arg2[%dma_wait3A_971, %dma_wait3A_972] : memref<2600000x64xf32, #tpu.memory_space<hbm>> -> memref<2600000x64xf32, #tpu.memory_space<hbm>>
    tpu.wait_indirect_dma semaphore(%arg9 : memref<!tpu.dma_semaphore, #tpu.memory_space<semaphore_mem>>) src(%dma_wait3A_973 : memref<2600000x64xf32, #tpu.memory_space<hbm>>) dst(%dma_wait3A_967 : memref<128x64xf32, #tpu.memory_space<vmem>>)
    %dma_wait3A_974 = arith.constant 8 : i32
    %dma_wait3A_975 = arith.constant 384 : i32
    %dma_wait3A_976 = arith.constant 0 : i32
    %dma_wait3A_977 = tpu.memref_slice %arg6[%dma_wait3A_975, %dma_wait3A_976] : memref<512x64xf32, #tpu.memory_space<vmem>> -> memref<128x64xf32, #tpu.memory_space<vmem>>
    %dma_wait3A_978 = arith.constant 384 : i32
    %dma_wait3A_979 = tpu.memref_slice %arg5[%dma_wait3A_974, %dma_wait3A_978] : memref<26x512xi32, #tpu.memory_space<vmem>> -> memref<1x128xi32, #tpu.memory_space<vmem>>
    %dma_wait3A_980 = tpu.memref_squeeze %dma_wait3A_979 : memref<1x128xi32, #tpu.memory_space<vmem>> -> memref<128xi32, #tpu.memory_space<vmem>>
    %dma_wait3A_981 = arith.constant 0 : i32
    %dma_wait3A_982 = arith.constant 0 : i32
    %dma_wait3A_983 = tpu.memref_slice %arg2[%dma_wait3A_981, %dma_wait3A_982] : memref<2600000x64xf32, #tpu.memory_space<hbm>> -> memref<2600000x64xf32, #tpu.memory_space<hbm>>
    tpu.wait_indirect_dma semaphore(%arg9 : memref<!tpu.dma_semaphore, #tpu.memory_space<semaphore_mem>>) src(%dma_wait3A_983 : memref<2600000x64xf32, #tpu.memory_space<hbm>>) dst(%dma_wait3A_977 : memref<128x64xf32, #tpu.memory_space<vmem>>)
    %scan3A_984 = arith.constant 0 : i32
    %scan3A_985 = arith.constant 0 : i32
    %scan3A_986 = arith.constant 512 : i32
    %scan3A_987 = arith.addi %scan3A_985, %scan3A_986 : i32
    %scan3A_988 = arith.constant 1 : i32
    %scan3A_989 = scf.for %scan3A_2430 = %scan3A_985 to %scan3A_987 step %scan3A_988 iter_args(%scan3A_2431 = %scan3A_984) -> (i32)  : i32 {
      %get3A = arith.index_cast %scan3A_2430 : i32 to index
      %get3A_2432 = arith.constant 0 : index
      %get3A_2433 = tpu.vector_load %arg6[%get3A, %get3A_2432] {strides = array<i32>} : memref<512x64xf32, #tpu.memory_space<vmem>>, vector<1x16xf32>,
      %get3A_2434 = vector.shape_cast %get3A_2433 : vector<1x16xf32> to vector<16xf32>
      %swap3A = arith.index_cast %scan3A_2430 : i32 to index
      %swap3A_2435 = arith.constant 0 : index
      %swap3A_2436 = tpu.vector_load %arg8[%swap3A, %swap3A_2435] {strides = array<i32>} : memref<512x64xf32, #tpu.memory_space<vmem>>, vector<1x16xf32>,
      %swap3A_2437 = vector.shape_cast %swap3A_2436 : vector<1x16xf32> to vector<16xf32>
      %swap3A_2438 = vector.shape_cast %get3A_2434 : vector<16xf32> to vector<1x16xf32>
      tpu.vector_store %arg8[%swap3A, %swap3A_2435], %swap3A_2438 {add = true, strides = array<i32>} : memref<512x64xf32, #tpu.memory_space<vmem>>, vector<1x16xf32>,
      %get3A_2439 = arith.index_cast %scan3A_2430 : i32 to index
      %get3A_2440 = arith.constant 16 : index
      %get3A_2441 = tpu.vector_load %arg6[%get3A_2439, %get3A_2440] {strides = array<i32>} : memref<512x64xf32, #tpu.memory_space<vmem>>, vector<1x16xf32>,
      %get3A_2442 = vector.shape_cast %get3A_2441 : vector<1x16xf32> to vector<16xf32>
      %swap3A_2443 = arith.index_cast %scan3A_2430 : i32 to index
      %swap3A_2444 = arith.constant 16 : index
      %swap3A_2445 = tpu.vector_load %arg8[%swap3A_2443, %swap3A_2444] {strides = array<i32>} : memref<512x64xf32, #tpu.memory_space<vmem>>, vector<1x16xf32>,
      %swap3A_2446 = vector.shape_cast %swap3A_2445 : vector<1x16xf32> to vector<16xf32>
      %swap3A_2447 = vector.shape_cast %get3A_2442 : vector<16xf32> to vector<1x16xf32>
      tpu.vector_store %arg8[%swap3A_2443, %swap3A_2444], %swap3A_2447 {add = true, strides = array<i32>} : memref<512x64xf32, #tpu.memory_space<vmem>>, vector<1x16xf32>,
      %get3A_2448 = arith.index_cast %scan3A_2430 : i32 to index
      %get3A_2449 = arith.constant 32 : index
      %get3A_2450 = tpu.vector_load %arg6[%get3A_2448, %get3A_2449] {strides = array<i32>} : memref<512x64xf32, #tpu.memory_space<vmem>>, vector<1x16xf32>,
      %get3A_2451 = vector.shape_cast %get3A_2450 : vector<1x16xf32> to vector<16xf32>
      %swap3A_2452 = arith.index_cast %scan3A_2430 : i32 to index
      %swap3A_2453 = arith.constant 32 : index
      %swap3A_2454 = tpu.vector_load %arg8[%swap3A_2452, %swap3A_2453] {strides = array<i32>} : memref<512x64xf32, #tpu.memory_space<vmem>>, vector<1x16xf32>,
      %swap3A_2455 = vector.shape_cast %swap3A_2454 : vector<1x16xf32> to vector<16xf32>
      %swap3A_2456 = vector.shape_cast %get3A_2451 : vector<16xf32> to vector<1x16xf32>
      tpu.vector_store %arg8[%swap3A_2452, %swap3A_2453], %swap3A_2456 {add = true, strides = array<i32>} : memref<512x64xf32, #tpu.memory_space<vmem>>, vector<1x16xf32>,
      %get3A_2457 = arith.index_cast %scan3A_2430 : i32 to index
      %get3A_2458 = arith.constant 48 : index
      %get3A_2459 = tpu.vector_load %arg6[%get3A_2457, %get3A_2458] {strides = array<i32>} : memref<512x64xf32, #tpu.memory_space<vmem>>, vector<1x16xf32>,
      %get3A_2460 = vector.shape_cast %get3A_2459 : vector<1x16xf32> to vector<16xf32>
      %swap3A_2461 = arith.index_cast %scan3A_2430 : i32 to index
      %swap3A_2462 = arith.constant 48 : index
      %swap3A_2463 = tpu.vector_load %arg8[%swap3A_2461, %swap3A_2462] {strides = array<i32>} : memref<512x64xf32, #tpu.memory_space<vmem>>, vector<1x16xf32>,
      %swap3A_2464 = vector.shape_cast %swap3A_2463 : vector<1x16xf32> to vector<16xf32>
      %swap3A_2465 = vector.shape_cast %get3A_2460 : vector<16xf32> to vector<1x16xf32>
      tpu.vector_store %arg8[%swap3A_2461, %swap3A_2462], %swap3A_2465 {add = true, strides = array<i32>} : memref<512x64xf32, #tpu.memory_space<vmem>>, vector<1x16xf32>,
      %scan3A_2466 = arith.constant 0 : i32
      scf.yield %scan3A_2466 : i32
    }
    %scan3A_990 = arith.constant 512 : i32
    %dma_start3A_991 = arith.constant 10 : i32
    %dma_start3A_992 = arith.constant 0 : i32
    %dma_start3A_993 = arith.constant 0 : i32
    %dma_start3A_994 = tpu.memref_slice %arg6[%dma_start3A_992, %dma_start3A_993] : memref<512x64xf32, #tpu.memory_space<vmem>> -> memref<128x64xf32, #tpu.memory_space<vmem>>
    %dma_start3A_995 = arith.constant 0 : i32
    %dma_start3A_996 = tpu.memref_slice %arg5[%dma_start3A_991, %dma_start3A_995] : memref<26x512xi32, #tpu.memory_space<vmem>> -> memref<1x128xi32, #tpu.memory_space<vmem>>
    %dma_start3A_997 = tpu.memref_squeeze %dma_start3A_996 : memref<1x128xi32, #tpu.memory_space<vmem>> -> memref<128xi32, #tpu.memory_space<vmem>>
    %dma_start3A_998 = arith.constant 0 : i32
    %dma_start3A_999 = arith.constant 0 : i32
    %dma_start3A_1000 = tpu.memref_slice %arg2[%dma_start3A_998, %dma_start3A_999] : memref<2600000x64xf32, #tpu.memory_space<hbm>> -> memref<2600000x64xf32, #tpu.memory_space<hbm>>
    tpu.enqueue_indirect_dma source(%dma_start3A_1000 : memref<2600000x64xf32, #tpu.memory_space<hbm>>) target(%dma_start3A_994 : memref<128x64xf32, #tpu.memory_space<vmem>>) offsets(%dma_start3A_997 : memref<128xi32, #tpu.memory_space<vmem>>) semaphore(%arg9 : memref<!tpu.dma_semaphore, #tpu.memory_space<semaphore_mem>>)
    %dma_start3A_1001 = arith.constant 10 : i32
    %dma_start3A_1002 = arith.constant 128 : i32
    %dma_start3A_1003 = arith.constant 0 : i32
    %dma_start3A_1004 = tpu.memref_slice %arg6[%dma_start3A_1002, %dma_start3A_1003] : memref<512x64xf32, #tpu.memory_space<vmem>> -> memref<128x64xf32, #tpu.memory_space<vmem>>
    %dma_start3A_1005 = arith.constant 128 : i32
    %dma_start3A_1006 = tpu.memref_slice %arg5[%dma_start3A_1001, %dma_start3A_1005] : memref<26x512xi32, #tpu.memory_space<vmem>> -> memref<1x128xi32, #tpu.memory_space<vmem>>
    %dma_start3A_1007 = tpu.memref_squeeze %dma_start3A_1006 : memref<1x128xi32, #tpu.memory_space<vmem>> -> memref<128xi32, #tpu.memory_space<vmem>>
    %dma_start3A_1008 = arith.constant 0 : i32
    %dma_start3A_1009 = arith.constant 0 : i32
    %dma_start3A_1010 = tpu.memref_slice %arg2[%dma_start3A_1008, %dma_start3A_1009] : memref<2600000x64xf32, #tpu.memory_space<hbm>> -> memref<2600000x64xf32, #tpu.memory_space<hbm>>
    tpu.enqueue_indirect_dma source(%dma_start3A_1010 : memref<2600000x64xf32, #tpu.memory_space<hbm>>) target(%dma_start3A_1004 : memref<128x64xf32, #tpu.memory_space<vmem>>) offsets(%dma_start3A_1007 : memref<128xi32, #tpu.memory_space<vmem>>) semaphore(%arg9 : memref<!tpu.dma_semaphore, #tpu.memory_space<semaphore_mem>>)
    %dma_start3A_1011 = arith.constant 10 : i32
    %dma_start3A_1012 = arith.constant 256 : i32
    %dma_start3A_1013 = arith.constant 0 : i32
    %dma_start3A_1014 = tpu.memref_slice %arg6[%dma_start3A_1012, %dma_start3A_1013] : memref<512x64xf32, #tpu.memory_space<vmem>> -> memref<128x64xf32, #tpu.memory_space<vmem>>
    %dma_start3A_1015 = arith.constant 256 : i32
    %dma_start3A_1016 = tpu.memref_slice %arg5[%dma_start3A_1011, %dma_start3A_1015] : memref<26x512xi32, #tpu.memory_space<vmem>> -> memref<1x128xi32, #tpu.memory_space<vmem>>
    %dma_start3A_1017 = tpu.memref_squeeze %dma_start3A_1016 : memref<1x128xi32, #tpu.memory_space<vmem>> -> memref<128xi32, #tpu.memory_space<vmem>>
    %dma_start3A_1018 = arith.constant 0 : i32
    %dma_start3A_1019 = arith.constant 0 : i32
    %dma_start3A_1020 = tpu.memref_slice %arg2[%dma_start3A_1018, %dma_start3A_1019] : memref<2600000x64xf32, #tpu.memory_space<hbm>> -> memref<2600000x64xf32, #tpu.memory_space<hbm>>
    tpu.enqueue_indirect_dma source(%dma_start3A_1020 : memref<2600000x64xf32, #tpu.memory_space<hbm>>) target(%dma_start3A_1014 : memref<128x64xf32, #tpu.memory_space<vmem>>) offsets(%dma_start3A_1017 : memref<128xi32, #tpu.memory_space<vmem>>) semaphore(%arg9 : memref<!tpu.dma_semaphore, #tpu.memory_space<semaphore_mem>>)
    %dma_start3A_1021 = arith.constant 10 : i32
    %dma_start3A_1022 = arith.constant 384 : i32
    %dma_start3A_1023 = arith.constant 0 : i32
    %dma_start3A_1024 = tpu.memref_slice %arg6[%dma_start3A_1022, %dma_start3A_1023] : memref<512x64xf32, #tpu.memory_space<vmem>> -> memref<128x64xf32, #tpu.memory_space<vmem>>
    %dma_start3A_1025 = arith.constant 384 : i32
    %dma_start3A_1026 = tpu.memref_slice %arg5[%dma_start3A_1021, %dma_start3A_1025] : memref<26x512xi32, #tpu.memory_space<vmem>> -> memref<1x128xi32, #tpu.memory_space<vmem>>
    %dma_start3A_1027 = tpu.memref_squeeze %dma_start3A_1026 : memref<1x128xi32, #tpu.memory_space<vmem>> -> memref<128xi32, #tpu.memory_space<vmem>>
    %dma_start3A_1028 = arith.constant 0 : i32
    %dma_start3A_1029 = arith.constant 0 : i32
    %dma_start3A_1030 = tpu.memref_slice %arg2[%dma_start3A_1028, %dma_start3A_1029] : memref<2600000x64xf32, #tpu.memory_space<hbm>> -> memref<2600000x64xf32, #tpu.memory_space<hbm>>
    tpu.enqueue_indirect_dma source(%dma_start3A_1030 : memref<2600000x64xf32, #tpu.memory_space<hbm>>) target(%dma_start3A_1024 : memref<128x64xf32, #tpu.memory_space<vmem>>) offsets(%dma_start3A_1027 : memref<128xi32, #tpu.memory_space<vmem>>) semaphore(%arg9 : memref<!tpu.dma_semaphore, #tpu.memory_space<semaphore_mem>>)
    %dma_wait3A_1031 = arith.constant 9 : i32
    %dma_wait3A_1032 = arith.constant 0 : i32
    %dma_wait3A_1033 = arith.constant 0 : i32
    %dma_wait3A_1034 = tpu.memref_slice %arg7[%dma_wait3A_1032, %dma_wait3A_1033] : memref<512x64xf32, #tpu.memory_space<vmem>> -> memref<128x64xf32, #tpu.memory_space<vmem>>
    %dma_wait3A_1035 = arith.constant 0 : i32
    %dma_wait3A_1036 = tpu.memref_slice %arg5[%dma_wait3A_1031, %dma_wait3A_1035] : memref<26x512xi32, #tpu.memory_space<vmem>> -> memref<1x128xi32, #tpu.memory_space<vmem>>
    %dma_wait3A_1037 = tpu.memref_squeeze %dma_wait3A_1036 : memref<1x128xi32, #tpu.memory_space<vmem>> -> memref<128xi32, #tpu.memory_space<vmem>>
    %dma_wait3A_1038 = arith.constant 0 : i32
    %dma_wait3A_1039 = arith.constant 0 : i32
    %dma_wait3A_1040 = tpu.memref_slice %arg2[%dma_wait3A_1038, %dma_wait3A_1039] : memref<2600000x64xf32, #tpu.memory_space<hbm>> -> memref<2600000x64xf32, #tpu.memory_space<hbm>>
    tpu.wait_indirect_dma semaphore(%arg10 : memref<!tpu.dma_semaphore, #tpu.memory_space<semaphore_mem>>) src(%dma_wait3A_1040 : memref<2600000x64xf32, #tpu.memory_space<hbm>>) dst(%dma_wait3A_1034 : memref<128x64xf32, #tpu.memory_space<vmem>>)
    %dma_wait3A_1041 = arith.constant 9 : i32
    %dma_wait3A_1042 = arith.constant 128 : i32
    %dma_wait3A_1043 = arith.constant 0 : i32
    %dma_wait3A_1044 = tpu.memref_slice %arg7[%dma_wait3A_1042, %dma_wait3A_1043] : memref<512x64xf32, #tpu.memory_space<vmem>> -> memref<128x64xf32, #tpu.memory_space<vmem>>
    %dma_wait3A_1045 = arith.constant 128 : i32
    %dma_wait3A_1046 = tpu.memref_slice %arg5[%dma_wait3A_1041, %dma_wait3A_1045] : memref<26x512xi32, #tpu.memory_space<vmem>> -> memref<1x128xi32, #tpu.memory_space<vmem>>
    %dma_wait3A_1047 = tpu.memref_squeeze %dma_wait3A_1046 : memref<1x128xi32, #tpu.memory_space<vmem>> -> memref<128xi32, #tpu.memory_space<vmem>>
    %dma_wait3A_1048 = arith.constant 0 : i32
    %dma_wait3A_1049 = arith.constant 0 : i32
    %dma_wait3A_1050 = tpu.memref_slice %arg2[%dma_wait3A_1048, %dma_wait3A_1049] : memref<2600000x64xf32, #tpu.memory_space<hbm>> -> memref<2600000x64xf32, #tpu.memory_space<hbm>>
    tpu.wait_indirect_dma semaphore(%arg10 : memref<!tpu.dma_semaphore, #tpu.memory_space<semaphore_mem>>) src(%dma_wait3A_1050 : memref<2600000x64xf32, #tpu.memory_space<hbm>>) dst(%dma_wait3A_1044 : memref<128x64xf32, #tpu.memory_space<vmem>>)
    %dma_wait3A_1051 = arith.constant 9 : i32
    %dma_wait3A_1052 = arith.constant 256 : i32
    %dma_wait3A_1053 = arith.constant 0 : i32
    %dma_wait3A_1054 = tpu.memref_slice %arg7[%dma_wait3A_1052, %dma_wait3A_1053] : memref<512x64xf32, #tpu.memory_space<vmem>> -> memref<128x64xf32, #tpu.memory_space<vmem>>
    %dma_wait3A_1055 = arith.constant 256 : i32
    %dma_wait3A_1056 = tpu.memref_slice %arg5[%dma_wait3A_1051, %dma_wait3A_1055] : memref<26x512xi32, #tpu.memory_space<vmem>> -> memref<1x128xi32, #tpu.memory_space<vmem>>
    %dma_wait3A_1057 = tpu.memref_squeeze %dma_wait3A_1056 : memref<1x128xi32, #tpu.memory_space<vmem>> -> memref<128xi32, #tpu.memory_space<vmem>>
    %dma_wait3A_1058 = arith.constant 0 : i32
    %dma_wait3A_1059 = arith.constant 0 : i32
    %dma_wait3A_1060 = tpu.memref_slice %arg2[%dma_wait3A_1058, %dma_wait3A_1059] : memref<2600000x64xf32, #tpu.memory_space<hbm>> -> memref<2600000x64xf32, #tpu.memory_space<hbm>>
    tpu.wait_indirect_dma semaphore(%arg10 : memref<!tpu.dma_semaphore, #tpu.memory_space<semaphore_mem>>) src(%dma_wait3A_1060 : memref<2600000x64xf32, #tpu.memory_space<hbm>>) dst(%dma_wait3A_1054 : memref<128x64xf32, #tpu.memory_space<vmem>>)
    %dma_wait3A_1061 = arith.constant 9 : i32
    %dma_wait3A_1062 = arith.constant 384 : i32
    %dma_wait3A_1063 = arith.constant 0 : i32
    %dma_wait3A_1064 = tpu.memref_slice %arg7[%dma_wait3A_1062, %dma_wait3A_1063] : memref<512x64xf32, #tpu.memory_space<vmem>> -> memref<128x64xf32, #tpu.memory_space<vmem>>
    %dma_wait3A_1065 = arith.constant 384 : i32
    %dma_wait3A_1066 = tpu.memref_slice %arg5[%dma_wait3A_1061, %dma_wait3A_1065] : memref<26x512xi32, #tpu.memory_space<vmem>> -> memref<1x128xi32, #tpu.memory_space<vmem>>
    %dma_wait3A_1067 = tpu.memref_squeeze %dma_wait3A_1066 : memref<1x128xi32, #tpu.memory_space<vmem>> -> memref<128xi32, #tpu.memory_space<vmem>>
    %dma_wait3A_1068 = arith.constant 0 : i32
    %dma_wait3A_1069 = arith.constant 0 : i32
    %dma_wait3A_1070 = tpu.memref_slice %arg2[%dma_wait3A_1068, %dma_wait3A_1069] : memref<2600000x64xf32, #tpu.memory_space<hbm>> -> memref<2600000x64xf32, #tpu.memory_space<hbm>>
    tpu.wait_indirect_dma semaphore(%arg10 : memref<!tpu.dma_semaphore, #tpu.memory_space<semaphore_mem>>) src(%dma_wait3A_1070 : memref<2600000x64xf32, #tpu.memory_space<hbm>>) dst(%dma_wait3A_1064 : memref<128x64xf32, #tpu.memory_space<vmem>>)
    %scan3A_1071 = arith.constant 0 : i32
    %scan3A_1072 = arith.constant 0 : i32
    %scan3A_1073 = arith.constant 512 : i32
    %scan3A_1074 = arith.addi %scan3A_1072, %scan3A_1073 : i32
    %scan3A_1075 = arith.constant 1 : i32
    %scan3A_1076 = scf.for %scan3A_2430 = %scan3A_1072 to %scan3A_1074 step %scan3A_1075 iter_args(%scan3A_2431 = %scan3A_1071) -> (i32)  : i32 {
      %get3A = arith.index_cast %scan3A_2430 : i32 to index
      %get3A_2432 = arith.constant 0 : index
      %get3A_2433 = tpu.vector_load %arg7[%get3A, %get3A_2432] {strides = array<i32>} : memref<512x64xf32, #tpu.memory_space<vmem>>, vector<1x16xf32>,
      %get3A_2434 = vector.shape_cast %get3A_2433 : vector<1x16xf32> to vector<16xf32>
      %swap3A = arith.index_cast %scan3A_2430 : i32 to index
      %swap3A_2435 = arith.constant 0 : index
      %swap3A_2436 = tpu.vector_load %arg8[%swap3A, %swap3A_2435] {strides = array<i32>} : memref<512x64xf32, #tpu.memory_space<vmem>>, vector<1x16xf32>,
      %swap3A_2437 = vector.shape_cast %swap3A_2436 : vector<1x16xf32> to vector<16xf32>
      %swap3A_2438 = vector.shape_cast %get3A_2434 : vector<16xf32> to vector<1x16xf32>
      tpu.vector_store %arg8[%swap3A, %swap3A_2435], %swap3A_2438 {add = true, strides = array<i32>} : memref<512x64xf32, #tpu.memory_space<vmem>>, vector<1x16xf32>,
      %get3A_2439 = arith.index_cast %scan3A_2430 : i32 to index
      %get3A_2440 = arith.constant 16 : index
      %get3A_2441 = tpu.vector_load %arg7[%get3A_2439, %get3A_2440] {strides = array<i32>} : memref<512x64xf32, #tpu.memory_space<vmem>>, vector<1x16xf32>,
      %get3A_2442 = vector.shape_cast %get3A_2441 : vector<1x16xf32> to vector<16xf32>
      %swap3A_2443 = arith.index_cast %scan3A_2430 : i32 to index
      %swap3A_2444 = arith.constant 16 : index
      %swap3A_2445 = tpu.vector_load %arg8[%swap3A_2443, %swap3A_2444] {strides = array<i32>} : memref<512x64xf32, #tpu.memory_space<vmem>>, vector<1x16xf32>,
      %swap3A_2446 = vector.shape_cast %swap3A_2445 : vector<1x16xf32> to vector<16xf32>
      %swap3A_2447 = vector.shape_cast %get3A_2442 : vector<16xf32> to vector<1x16xf32>
      tpu.vector_store %arg8[%swap3A_2443, %swap3A_2444], %swap3A_2447 {add = true, strides = array<i32>} : memref<512x64xf32, #tpu.memory_space<vmem>>, vector<1x16xf32>,
      %get3A_2448 = arith.index_cast %scan3A_2430 : i32 to index
      %get3A_2449 = arith.constant 32 : index
      %get3A_2450 = tpu.vector_load %arg7[%get3A_2448, %get3A_2449] {strides = array<i32>} : memref<512x64xf32, #tpu.memory_space<vmem>>, vector<1x16xf32>,
      %get3A_2451 = vector.shape_cast %get3A_2450 : vector<1x16xf32> to vector<16xf32>
      %swap3A_2452 = arith.index_cast %scan3A_2430 : i32 to index
      %swap3A_2453 = arith.constant 32 : index
      %swap3A_2454 = tpu.vector_load %arg8[%swap3A_2452, %swap3A_2453] {strides = array<i32>} : memref<512x64xf32, #tpu.memory_space<vmem>>, vector<1x16xf32>,
      %swap3A_2455 = vector.shape_cast %swap3A_2454 : vector<1x16xf32> to vector<16xf32>
      %swap3A_2456 = vector.shape_cast %get3A_2451 : vector<16xf32> to vector<1x16xf32>
      tpu.vector_store %arg8[%swap3A_2452, %swap3A_2453], %swap3A_2456 {add = true, strides = array<i32>} : memref<512x64xf32, #tpu.memory_space<vmem>>, vector<1x16xf32>,
      %get3A_2457 = arith.index_cast %scan3A_2430 : i32 to index
      %get3A_2458 = arith.constant 48 : index
      %get3A_2459 = tpu.vector_load %arg7[%get3A_2457, %get3A_2458] {strides = array<i32>} : memref<512x64xf32, #tpu.memory_space<vmem>>, vector<1x16xf32>,
      %get3A_2460 = vector.shape_cast %get3A_2459 : vector<1x16xf32> to vector<16xf32>
      %swap3A_2461 = arith.index_cast %scan3A_2430 : i32 to index
      %swap3A_2462 = arith.constant 48 : index
      %swap3A_2463 = tpu.vector_load %arg8[%swap3A_2461, %swap3A_2462] {strides = array<i32>} : memref<512x64xf32, #tpu.memory_space<vmem>>, vector<1x16xf32>,
      %swap3A_2464 = vector.shape_cast %swap3A_2463 : vector<1x16xf32> to vector<16xf32>
      %swap3A_2465 = vector.shape_cast %get3A_2460 : vector<16xf32> to vector<1x16xf32>
      tpu.vector_store %arg8[%swap3A_2461, %swap3A_2462], %swap3A_2465 {add = true, strides = array<i32>} : memref<512x64xf32, #tpu.memory_space<vmem>>, vector<1x16xf32>,
      %scan3A_2466 = arith.constant 0 : i32
      scf.yield %scan3A_2466 : i32
    }
    %scan3A_1077 = arith.constant 512 : i32
    %dma_start3A_1078 = arith.constant 11 : i32
    %dma_start3A_1079 = arith.constant 0 : i32
    %dma_start3A_1080 = arith.constant 0 : i32
    %dma_start3A_1081 = tpu.memref_slice %arg7[%dma_start3A_1079, %dma_start3A_1080] : memref<512x64xf32, #tpu.memory_space<vmem>> -> memref<128x64xf32, #tpu.memory_space<vmem>>
    %dma_start3A_1082 = arith.constant 0 : i32
    %dma_start3A_1083 = tpu.memref_slice %arg5[%dma_start3A_1078, %dma_start3A_1082] : memref<26x512xi32, #tpu.memory_space<vmem>> -> memref<1x128xi32, #tpu.memory_space<vmem>>
    %dma_start3A_1084 = tpu.memref_squeeze %dma_start3A_1083 : memref<1x128xi32, #tpu.memory_space<vmem>> -> memref<128xi32, #tpu.memory_space<vmem>>
    %dma_start3A_1085 = arith.constant 0 : i32
    %dma_start3A_1086 = arith.constant 0 : i32
    %dma_start3A_1087 = tpu.memref_slice %arg2[%dma_start3A_1085, %dma_start3A_1086] : memref<2600000x64xf32, #tpu.memory_space<hbm>> -> memref<2600000x64xf32, #tpu.memory_space<hbm>>
    tpu.enqueue_indirect_dma source(%dma_start3A_1087 : memref<2600000x64xf32, #tpu.memory_space<hbm>>) target(%dma_start3A_1081 : memref<128x64xf32, #tpu.memory_space<vmem>>) offsets(%dma_start3A_1084 : memref<128xi32, #tpu.memory_space<vmem>>) semaphore(%arg10 : memref<!tpu.dma_semaphore, #tpu.memory_space<semaphore_mem>>)
    %dma_start3A_1088 = arith.constant 11 : i32
    %dma_start3A_1089 = arith.constant 128 : i32
    %dma_start3A_1090 = arith.constant 0 : i32
    %dma_start3A_1091 = tpu.memref_slice %arg7[%dma_start3A_1089, %dma_start3A_1090] : memref<512x64xf32, #tpu.memory_space<vmem>> -> memref<128x64xf32, #tpu.memory_space<vmem>>
    %dma_start3A_1092 = arith.constant 128 : i32
    %dma_start3A_1093 = tpu.memref_slice %arg5[%dma_start3A_1088, %dma_start3A_1092] : memref<26x512xi32, #tpu.memory_space<vmem>> -> memref<1x128xi32, #tpu.memory_space<vmem>>
    %dma_start3A_1094 = tpu.memref_squeeze %dma_start3A_1093 : memref<1x128xi32, #tpu.memory_space<vmem>> -> memref<128xi32, #tpu.memory_space<vmem>>
    %dma_start3A_1095 = arith.constant 0 : i32
    %dma_start3A_1096 = arith.constant 0 : i32
    %dma_start3A_1097 = tpu.memref_slice %arg2[%dma_start3A_1095, %dma_start3A_1096] : memref<2600000x64xf32, #tpu.memory_space<hbm>> -> memref<2600000x64xf32, #tpu.memory_space<hbm>>
    tpu.enqueue_indirect_dma source(%dma_start3A_1097 : memref<2600000x64xf32, #tpu.memory_space<hbm>>) target(%dma_start3A_1091 : memref<128x64xf32, #tpu.memory_space<vmem>>) offsets(%dma_start3A_1094 : memref<128xi32, #tpu.memory_space<vmem>>) semaphore(%arg10 : memref<!tpu.dma_semaphore, #tpu.memory_space<semaphore_mem>>)
    %dma_start3A_1098 = arith.constant 11 : i32
    %dma_start3A_1099 = arith.constant 256 : i32
    %dma_start3A_1100 = arith.constant 0 : i32
    %dma_start3A_1101 = tpu.memref_slice %arg7[%dma_start3A_1099, %dma_start3A_1100] : memref<512x64xf32, #tpu.memory_space<vmem>> -> memref<128x64xf32, #tpu.memory_space<vmem>>
    %dma_start3A_1102 = arith.constant 256 : i32
    %dma_start3A_1103 = tpu.memref_slice %arg5[%dma_start3A_1098, %dma_start3A_1102] : memref<26x512xi32, #tpu.memory_space<vmem>> -> memref<1x128xi32, #tpu.memory_space<vmem>>
    %dma_start3A_1104 = tpu.memref_squeeze %dma_start3A_1103 : memref<1x128xi32, #tpu.memory_space<vmem>> -> memref<128xi32, #tpu.memory_space<vmem>>
    %dma_start3A_1105 = arith.constant 0 : i32
    %dma_start3A_1106 = arith.constant 0 : i32
    %dma_start3A_1107 = tpu.memref_slice %arg2[%dma_start3A_1105, %dma_start3A_1106] : memref<2600000x64xf32, #tpu.memory_space<hbm>> -> memref<2600000x64xf32, #tpu.memory_space<hbm>>
    tpu.enqueue_indirect_dma source(%dma_start3A_1107 : memref<2600000x64xf32, #tpu.memory_space<hbm>>) target(%dma_start3A_1101 : memref<128x64xf32, #tpu.memory_space<vmem>>) offsets(%dma_start3A_1104 : memref<128xi32, #tpu.memory_space<vmem>>) semaphore(%arg10 : memref<!tpu.dma_semaphore, #tpu.memory_space<semaphore_mem>>)
    %dma_start3A_1108 = arith.constant 11 : i32
    %dma_start3A_1109 = arith.constant 384 : i32
    %dma_start3A_1110 = arith.constant 0 : i32
    %dma_start3A_1111 = tpu.memref_slice %arg7[%dma_start3A_1109, %dma_start3A_1110] : memref<512x64xf32, #tpu.memory_space<vmem>> -> memref<128x64xf32, #tpu.memory_space<vmem>>
    %dma_start3A_1112 = arith.constant 384 : i32
    %dma_start3A_1113 = tpu.memref_slice %arg5[%dma_start3A_1108, %dma_start3A_1112] : memref<26x512xi32, #tpu.memory_space<vmem>> -> memref<1x128xi32, #tpu.memory_space<vmem>>
    %dma_start3A_1114 = tpu.memref_squeeze %dma_start3A_1113 : memref<1x128xi32, #tpu.memory_space<vmem>> -> memref<128xi32, #tpu.memory_space<vmem>>
    %dma_start3A_1115 = arith.constant 0 : i32
    %dma_start3A_1116 = arith.constant 0 : i32
    %dma_start3A_1117 = tpu.memref_slice %arg2[%dma_start3A_1115, %dma_start3A_1116] : memref<2600000x64xf32, #tpu.memory_space<hbm>> -> memref<2600000x64xf32, #tpu.memory_space<hbm>>
    tpu.enqueue_indirect_dma source(%dma_start3A_1117 : memref<2600000x64xf32, #tpu.memory_space<hbm>>) target(%dma_start3A_1111 : memref<128x64xf32, #tpu.memory_space<vmem>>) offsets(%dma_start3A_1114 : memref<128xi32, #tpu.memory_space<vmem>>) semaphore(%arg10 : memref<!tpu.dma_semaphore, #tpu.memory_space<semaphore_mem>>)
    %dma_wait3A_1118 = arith.constant 10 : i32
    %dma_wait3A_1119 = arith.constant 0 : i32
    %dma_wait3A_1120 = arith.constant 0 : i32
    %dma_wait3A_1121 = tpu.memref_slice %arg6[%dma_wait3A_1119, %dma_wait3A_1120] : memref<512x64xf32, #tpu.memory_space<vmem>> -> memref<128x64xf32, #tpu.memory_space<vmem>>
    %dma_wait3A_1122 = arith.constant 0 : i32
    %dma_wait3A_1123 = tpu.memref_slice %arg5[%dma_wait3A_1118, %dma_wait3A_1122] : memref<26x512xi32, #tpu.memory_space<vmem>> -> memref<1x128xi32, #tpu.memory_space<vmem>>
    %dma_wait3A_1124 = tpu.memref_squeeze %dma_wait3A_1123 : memref<1x128xi32, #tpu.memory_space<vmem>> -> memref<128xi32, #tpu.memory_space<vmem>>
    %dma_wait3A_1125 = arith.constant 0 : i32
    %dma_wait3A_1126 = arith.constant 0 : i32
    %dma_wait3A_1127 = tpu.memref_slice %arg2[%dma_wait3A_1125, %dma_wait3A_1126] : memref<2600000x64xf32, #tpu.memory_space<hbm>> -> memref<2600000x64xf32, #tpu.memory_space<hbm>>
    tpu.wait_indirect_dma semaphore(%arg9 : memref<!tpu.dma_semaphore, #tpu.memory_space<semaphore_mem>>) src(%dma_wait3A_1127 : memref<2600000x64xf32, #tpu.memory_space<hbm>>) dst(%dma_wait3A_1121 : memref<128x64xf32, #tpu.memory_space<vmem>>)
    %dma_wait3A_1128 = arith.constant 10 : i32
    %dma_wait3A_1129 = arith.constant 128 : i32
    %dma_wait3A_1130 = arith.constant 0 : i32
    %dma_wait3A_1131 = tpu.memref_slice %arg6[%dma_wait3A_1129, %dma_wait3A_1130] : memref<512x64xf32, #tpu.memory_space<vmem>> -> memref<128x64xf32, #tpu.memory_space<vmem>>
    %dma_wait3A_1132 = arith.constant 128 : i32
    %dma_wait3A_1133 = tpu.memref_slice %arg5[%dma_wait3A_1128, %dma_wait3A_1132] : memref<26x512xi32, #tpu.memory_space<vmem>> -> memref<1x128xi32, #tpu.memory_space<vmem>>
    %dma_wait3A_1134 = tpu.memref_squeeze %dma_wait3A_1133 : memref<1x128xi32, #tpu.memory_space<vmem>> -> memref<128xi32, #tpu.memory_space<vmem>>
    %dma_wait3A_1135 = arith.constant 0 : i32
    %dma_wait3A_1136 = arith.constant 0 : i32
    %dma_wait3A_1137 = tpu.memref_slice %arg2[%dma_wait3A_1135, %dma_wait3A_1136] : memref<2600000x64xf32, #tpu.memory_space<hbm>> -> memref<2600000x64xf32, #tpu.memory_space<hbm>>
    tpu.wait_indirect_dma semaphore(%arg9 : memref<!tpu.dma_semaphore, #tpu.memory_space<semaphore_mem>>) src(%dma_wait3A_1137 : memref<2600000x64xf32, #tpu.memory_space<hbm>>) dst(%dma_wait3A_1131 : memref<128x64xf32, #tpu.memory_space<vmem>>)
    %dma_wait3A_1138 = arith.constant 10 : i32
    %dma_wait3A_1139 = arith.constant 256 : i32
    %dma_wait3A_1140 = arith.constant 0 : i32
    %dma_wait3A_1141 = tpu.memref_slice %arg6[%dma_wait3A_1139, %dma_wait3A_1140] : memref<512x64xf32, #tpu.memory_space<vmem>> -> memref<128x64xf32, #tpu.memory_space<vmem>>
    %dma_wait3A_1142 = arith.constant 256 : i32
    %dma_wait3A_1143 = tpu.memref_slice %arg5[%dma_wait3A_1138, %dma_wait3A_1142] : memref<26x512xi32, #tpu.memory_space<vmem>> -> memref<1x128xi32, #tpu.memory_space<vmem>>
    %dma_wait3A_1144 = tpu.memref_squeeze %dma_wait3A_1143 : memref<1x128xi32, #tpu.memory_space<vmem>> -> memref<128xi32, #tpu.memory_space<vmem>>
    %dma_wait3A_1145 = arith.constant 0 : i32
    %dma_wait3A_1146 = arith.constant 0 : i32
    %dma_wait3A_1147 = tpu.memref_slice %arg2[%dma_wait3A_1145, %dma_wait3A_1146] : memref<2600000x64xf32, #tpu.memory_space<hbm>> -> memref<2600000x64xf32, #tpu.memory_space<hbm>>
    tpu.wait_indirect_dma semaphore(%arg9 : memref<!tpu.dma_semaphore, #tpu.memory_space<semaphore_mem>>) src(%dma_wait3A_1147 : memref<2600000x64xf32, #tpu.memory_space<hbm>>) dst(%dma_wait3A_1141 : memref<128x64xf32, #tpu.memory_space<vmem>>)
    %dma_wait3A_1148 = arith.constant 10 : i32
    %dma_wait3A_1149 = arith.constant 384 : i32
    %dma_wait3A_1150 = arith.constant 0 : i32
    %dma_wait3A_1151 = tpu.memref_slice %arg6[%dma_wait3A_1149, %dma_wait3A_1150] : memref<512x64xf32, #tpu.memory_space<vmem>> -> memref<128x64xf32, #tpu.memory_space<vmem>>
    %dma_wait3A_1152 = arith.constant 384 : i32
    %dma_wait3A_1153 = tpu.memref_slice %arg5[%dma_wait3A_1148, %dma_wait3A_1152] : memref<26x512xi32, #tpu.memory_space<vmem>> -> memref<1x128xi32, #tpu.memory_space<vmem>>
    %dma_wait3A_1154 = tpu.memref_squeeze %dma_wait3A_1153 : memref<1x128xi32, #tpu.memory_space<vmem>> -> memref<128xi32, #tpu.memory_space<vmem>>
    %dma_wait3A_1155 = arith.constant 0 : i32
    %dma_wait3A_1156 = arith.constant 0 : i32
    %dma_wait3A_1157 = tpu.memref_slice %arg2[%dma_wait3A_1155, %dma_wait3A_1156] : memref<2600000x64xf32, #tpu.memory_space<hbm>> -> memref<2600000x64xf32, #tpu.memory_space<hbm>>
    tpu.wait_indirect_dma semaphore(%arg9 : memref<!tpu.dma_semaphore, #tpu.memory_space<semaphore_mem>>) src(%dma_wait3A_1157 : memref<2600000x64xf32, #tpu.memory_space<hbm>>) dst(%dma_wait3A_1151 : memref<128x64xf32, #tpu.memory_space<vmem>>)
    %scan3A_1158 = arith.constant 0 : i32
    %scan3A_1159 = arith.constant 0 : i32
    %scan3A_1160 = arith.constant 512 : i32
    %scan3A_1161 = arith.addi %scan3A_1159, %scan3A_1160 : i32
    %scan3A_1162 = arith.constant 1 : i32
    %scan3A_1163 = scf.for %scan3A_2430 = %scan3A_1159 to %scan3A_1161 step %scan3A_1162 iter_args(%scan3A_2431 = %scan3A_1158) -> (i32)  : i32 {
      %get3A = arith.index_cast %scan3A_2430 : i32 to index
      %get3A_2432 = arith.constant 0 : index
      %get3A_2433 = tpu.vector_load %arg6[%get3A, %get3A_2432] {strides = array<i32>} : memref<512x64xf32, #tpu.memory_space<vmem>>, vector<1x16xf32>,
      %get3A_2434 = vector.shape_cast %get3A_2433 : vector<1x16xf32> to vector<16xf32>
      %swap3A = arith.index_cast %scan3A_2430 : i32 to index
      %swap3A_2435 = arith.constant 0 : index
      %swap3A_2436 = tpu.vector_load %arg8[%swap3A, %swap3A_2435] {strides = array<i32>} : memref<512x64xf32, #tpu.memory_space<vmem>>, vector<1x16xf32>,
      %swap3A_2437 = vector.shape_cast %swap3A_2436 : vector<1x16xf32> to vector<16xf32>
      %swap3A_2438 = vector.shape_cast %get3A_2434 : vector<16xf32> to vector<1x16xf32>
      tpu.vector_store %arg8[%swap3A, %swap3A_2435], %swap3A_2438 {add = true, strides = array<i32>} : memref<512x64xf32, #tpu.memory_space<vmem>>, vector<1x16xf32>,
      %get3A_2439 = arith.index_cast %scan3A_2430 : i32 to index
      %get3A_2440 = arith.constant 16 : index
      %get3A_2441 = tpu.vector_load %arg6[%get3A_2439, %get3A_2440] {strides = array<i32>} : memref<512x64xf32, #tpu.memory_space<vmem>>, vector<1x16xf32>,
      %get3A_2442 = vector.shape_cast %get3A_2441 : vector<1x16xf32> to vector<16xf32>
      %swap3A_2443 = arith.index_cast %scan3A_2430 : i32 to index
      %swap3A_2444 = arith.constant 16 : index
      %swap3A_2445 = tpu.vector_load %arg8[%swap3A_2443, %swap3A_2444] {strides = array<i32>} : memref<512x64xf32, #tpu.memory_space<vmem>>, vector<1x16xf32>,
      %swap3A_2446 = vector.shape_cast %swap3A_2445 : vector<1x16xf32> to vector<16xf32>
      %swap3A_2447 = vector.shape_cast %get3A_2442 : vector<16xf32> to vector<1x16xf32>
      tpu.vector_store %arg8[%swap3A_2443, %swap3A_2444], %swap3A_2447 {add = true, strides = array<i32>} : memref<512x64xf32, #tpu.memory_space<vmem>>, vector<1x16xf32>,
      %get3A_2448 = arith.index_cast %scan3A_2430 : i32 to index
      %get3A_2449 = arith.constant 32 : index
      %get3A_2450 = tpu.vector_load %arg6[%get3A_2448, %get3A_2449] {strides = array<i32>} : memref<512x64xf32, #tpu.memory_space<vmem>>, vector<1x16xf32>,
      %get3A_2451 = vector.shape_cast %get3A_2450 : vector<1x16xf32> to vector<16xf32>
      %swap3A_2452 = arith.index_cast %scan3A_2430 : i32 to index
      %swap3A_2453 = arith.constant 32 : index
      %swap3A_2454 = tpu.vector_load %arg8[%swap3A_2452, %swap3A_2453] {strides = array<i32>} : memref<512x64xf32, #tpu.memory_space<vmem>>, vector<1x16xf32>,
      %swap3A_2455 = vector.shape_cast %swap3A_2454 : vector<1x16xf32> to vector<16xf32>
      %swap3A_2456 = vector.shape_cast %get3A_2451 : vector<16xf32> to vector<1x16xf32>
      tpu.vector_store %arg8[%swap3A_2452, %swap3A_2453], %swap3A_2456 {add = true, strides = array<i32>} : memref<512x64xf32, #tpu.memory_space<vmem>>, vector<1x16xf32>,
      %get3A_2457 = arith.index_cast %scan3A_2430 : i32 to index
      %get3A_2458 = arith.constant 48 : index
      %get3A_2459 = tpu.vector_load %arg6[%get3A_2457, %get3A_2458] {strides = array<i32>} : memref<512x64xf32, #tpu.memory_space<vmem>>, vector<1x16xf32>,
      %get3A_2460 = vector.shape_cast %get3A_2459 : vector<1x16xf32> to vector<16xf32>
      %swap3A_2461 = arith.index_cast %scan3A_2430 : i32 to index
      %swap3A_2462 = arith.constant 48 : index
      %swap3A_2463 = tpu.vector_load %arg8[%swap3A_2461, %swap3A_2462] {strides = array<i32>} : memref<512x64xf32, #tpu.memory_space<vmem>>, vector<1x16xf32>,
      %swap3A_2464 = vector.shape_cast %swap3A_2463 : vector<1x16xf32> to vector<16xf32>
      %swap3A_2465 = vector.shape_cast %get3A_2460 : vector<16xf32> to vector<1x16xf32>
      tpu.vector_store %arg8[%swap3A_2461, %swap3A_2462], %swap3A_2465 {add = true, strides = array<i32>} : memref<512x64xf32, #tpu.memory_space<vmem>>, vector<1x16xf32>,
      %scan3A_2466 = arith.constant 0 : i32
      scf.yield %scan3A_2466 : i32
    }
    %scan3A_1164 = arith.constant 512 : i32
    %dma_start3A_1165 = arith.constant 12 : i32
    %dma_start3A_1166 = arith.constant 0 : i32
    %dma_start3A_1167 = arith.constant 0 : i32
    %dma_start3A_1168 = tpu.memref_slice %arg6[%dma_start3A_1166, %dma_start3A_1167] : memref<512x64xf32, #tpu.memory_space<vmem>> -> memref<128x64xf32, #tpu.memory_space<vmem>>
    %dma_start3A_1169 = arith.constant 0 : i32
    %dma_start3A_1170 = tpu.memref_slice %arg5[%dma_start3A_1165, %dma_start3A_1169] : memref<26x512xi32, #tpu.memory_space<vmem>> -> memref<1x128xi32, #tpu.memory_space<vmem>>
    %dma_start3A_1171 = tpu.memref_squeeze %dma_start3A_1170 : memref<1x128xi32, #tpu.memory_space<vmem>> -> memref<128xi32, #tpu.memory_space<vmem>>
    %dma_start3A_1172 = arith.constant 0 : i32
    %dma_start3A_1173 = arith.constant 0 : i32
    %dma_start3A_1174 = tpu.memref_slice %arg2[%dma_start3A_1172, %dma_start3A_1173] : memref<2600000x64xf32, #tpu.memory_space<hbm>> -> memref<2600000x64xf32, #tpu.memory_space<hbm>>
    tpu.enqueue_indirect_dma source(%dma_start3A_1174 : memref<2600000x64xf32, #tpu.memory_space<hbm>>) target(%dma_start3A_1168 : memref<128x64xf32, #tpu.memory_space<vmem>>) offsets(%dma_start3A_1171 : memref<128xi32, #tpu.memory_space<vmem>>) semaphore(%arg9 : memref<!tpu.dma_semaphore, #tpu.memory_space<semaphore_mem>>)
    %dma_start3A_1175 = arith.constant 12 : i32
    %dma_start3A_1176 = arith.constant 128 : i32
    %dma_start3A_1177 = arith.constant 0 : i32
    %dma_start3A_1178 = tpu.memref_slice %arg6[%dma_start3A_1176, %dma_start3A_1177] : memref<512x64xf32, #tpu.memory_space<vmem>> -> memref<128x64xf32, #tpu.memory_space<vmem>>
    %dma_start3A_1179 = arith.constant 128 : i32
    %dma_start3A_1180 = tpu.memref_slice %arg5[%dma_start3A_1175, %dma_start3A_1179] : memref<26x512xi32, #tpu.memory_space<vmem>> -> memref<1x128xi32, #tpu.memory_space<vmem>>
    %dma_start3A_1181 = tpu.memref_squeeze %dma_start3A_1180 : memref<1x128xi32, #tpu.memory_space<vmem>> -> memref<128xi32, #tpu.memory_space<vmem>>
    %dma_start3A_1182 = arith.constant 0 : i32
    %dma_start3A_1183 = arith.constant 0 : i32
    %dma_start3A_1184 = tpu.memref_slice %arg2[%dma_start3A_1182, %dma_start3A_1183] : memref<2600000x64xf32, #tpu.memory_space<hbm>> -> memref<2600000x64xf32, #tpu.memory_space<hbm>>
    tpu.enqueue_indirect_dma source(%dma_start3A_1184 : memref<2600000x64xf32, #tpu.memory_space<hbm>>) target(%dma_start3A_1178 : memref<128x64xf32, #tpu.memory_space<vmem>>) offsets(%dma_start3A_1181 : memref<128xi32, #tpu.memory_space<vmem>>) semaphore(%arg9 : memref<!tpu.dma_semaphore, #tpu.memory_space<semaphore_mem>>)
    %dma_start3A_1185 = arith.constant 12 : i32
    %dma_start3A_1186 = arith.constant 256 : i32
    %dma_start3A_1187 = arith.constant 0 : i32
    %dma_start3A_1188 = tpu.memref_slice %arg6[%dma_start3A_1186, %dma_start3A_1187] : memref<512x64xf32, #tpu.memory_space<vmem>> -> memref<128x64xf32, #tpu.memory_space<vmem>>
    %dma_start3A_1189 = arith.constant 256 : i32
    %dma_start3A_1190 = tpu.memref_slice %arg5[%dma_start3A_1185, %dma_start3A_1189] : memref<26x512xi32, #tpu.memory_space<vmem>> -> memref<1x128xi32, #tpu.memory_space<vmem>>
    %dma_start3A_1191 = tpu.memref_squeeze %dma_start3A_1190 : memref<1x128xi32, #tpu.memory_space<vmem>> -> memref<128xi32, #tpu.memory_space<vmem>>
    %dma_start3A_1192 = arith.constant 0 : i32
    %dma_start3A_1193 = arith.constant 0 : i32
    %dma_start3A_1194 = tpu.memref_slice %arg2[%dma_start3A_1192, %dma_start3A_1193] : memref<2600000x64xf32, #tpu.memory_space<hbm>> -> memref<2600000x64xf32, #tpu.memory_space<hbm>>
    tpu.enqueue_indirect_dma source(%dma_start3A_1194 : memref<2600000x64xf32, #tpu.memory_space<hbm>>) target(%dma_start3A_1188 : memref<128x64xf32, #tpu.memory_space<vmem>>) offsets(%dma_start3A_1191 : memref<128xi32, #tpu.memory_space<vmem>>) semaphore(%arg9 : memref<!tpu.dma_semaphore, #tpu.memory_space<semaphore_mem>>)
    %dma_start3A_1195 = arith.constant 12 : i32
    %dma_start3A_1196 = arith.constant 384 : i32
    %dma_start3A_1197 = arith.constant 0 : i32
    %dma_start3A_1198 = tpu.memref_slice %arg6[%dma_start3A_1196, %dma_start3A_1197] : memref<512x64xf32, #tpu.memory_space<vmem>> -> memref<128x64xf32, #tpu.memory_space<vmem>>
    %dma_start3A_1199 = arith.constant 384 : i32
    %dma_start3A_1200 = tpu.memref_slice %arg5[%dma_start3A_1195, %dma_start3A_1199] : memref<26x512xi32, #tpu.memory_space<vmem>> -> memref<1x128xi32, #tpu.memory_space<vmem>>
    %dma_start3A_1201 = tpu.memref_squeeze %dma_start3A_1200 : memref<1x128xi32, #tpu.memory_space<vmem>> -> memref<128xi32, #tpu.memory_space<vmem>>
    %dma_start3A_1202 = arith.constant 0 : i32
    %dma_start3A_1203 = arith.constant 0 : i32
    %dma_start3A_1204 = tpu.memref_slice %arg2[%dma_start3A_1202, %dma_start3A_1203] : memref<2600000x64xf32, #tpu.memory_space<hbm>> -> memref<2600000x64xf32, #tpu.memory_space<hbm>>
    tpu.enqueue_indirect_dma source(%dma_start3A_1204 : memref<2600000x64xf32, #tpu.memory_space<hbm>>) target(%dma_start3A_1198 : memref<128x64xf32, #tpu.memory_space<vmem>>) offsets(%dma_start3A_1201 : memref<128xi32, #tpu.memory_space<vmem>>) semaphore(%arg9 : memref<!tpu.dma_semaphore, #tpu.memory_space<semaphore_mem>>)
    %dma_wait3A_1205 = arith.constant 11 : i32
    %dma_wait3A_1206 = arith.constant 0 : i32
    %dma_wait3A_1207 = arith.constant 0 : i32
    %dma_wait3A_1208 = tpu.memref_slice %arg7[%dma_wait3A_1206, %dma_wait3A_1207] : memref<512x64xf32, #tpu.memory_space<vmem>> -> memref<128x64xf32, #tpu.memory_space<vmem>>
    %dma_wait3A_1209 = arith.constant 0 : i32
    %dma_wait3A_1210 = tpu.memref_slice %arg5[%dma_wait3A_1205, %dma_wait3A_1209] : memref<26x512xi32, #tpu.memory_space<vmem>> -> memref<1x128xi32, #tpu.memory_space<vmem>>
    %dma_wait3A_1211 = tpu.memref_squeeze %dma_wait3A_1210 : memref<1x128xi32, #tpu.memory_space<vmem>> -> memref<128xi32, #tpu.memory_space<vmem>>
    %dma_wait3A_1212 = arith.constant 0 : i32
    %dma_wait3A_1213 = arith.constant 0 : i32
    %dma_wait3A_1214 = tpu.memref_slice %arg2[%dma_wait3A_1212, %dma_wait3A_1213] : memref<2600000x64xf32, #tpu.memory_space<hbm>> -> memref<2600000x64xf32, #tpu.memory_space<hbm>>
    tpu.wait_indirect_dma semaphore(%arg10 : memref<!tpu.dma_semaphore, #tpu.memory_space<semaphore_mem>>) src(%dma_wait3A_1214 : memref<2600000x64xf32, #tpu.memory_space<hbm>>) dst(%dma_wait3A_1208 : memref<128x64xf32, #tpu.memory_space<vmem>>)
    %dma_wait3A_1215 = arith.constant 11 : i32
    %dma_wait3A_1216 = arith.constant 128 : i32
    %dma_wait3A_1217 = arith.constant 0 : i32
    %dma_wait3A_1218 = tpu.memref_slice %arg7[%dma_wait3A_1216, %dma_wait3A_1217] : memref<512x64xf32, #tpu.memory_space<vmem>> -> memref<128x64xf32, #tpu.memory_space<vmem>>
    %dma_wait3A_1219 = arith.constant 128 : i32
    %dma_wait3A_1220 = tpu.memref_slice %arg5[%dma_wait3A_1215, %dma_wait3A_1219] : memref<26x512xi32, #tpu.memory_space<vmem>> -> memref<1x128xi32, #tpu.memory_space<vmem>>
    %dma_wait3A_1221 = tpu.memref_squeeze %dma_wait3A_1220 : memref<1x128xi32, #tpu.memory_space<vmem>> -> memref<128xi32, #tpu.memory_space<vmem>>
    %dma_wait3A_1222 = arith.constant 0 : i32
    %dma_wait3A_1223 = arith.constant 0 : i32
    %dma_wait3A_1224 = tpu.memref_slice %arg2[%dma_wait3A_1222, %dma_wait3A_1223] : memref<2600000x64xf32, #tpu.memory_space<hbm>> -> memref<2600000x64xf32, #tpu.memory_space<hbm>>
    tpu.wait_indirect_dma semaphore(%arg10 : memref<!tpu.dma_semaphore, #tpu.memory_space<semaphore_mem>>) src(%dma_wait3A_1224 : memref<2600000x64xf32, #tpu.memory_space<hbm>>) dst(%dma_wait3A_1218 : memref<128x64xf32, #tpu.memory_space<vmem>>)
    %dma_wait3A_1225 = arith.constant 11 : i32
    %dma_wait3A_1226 = arith.constant 256 : i32
    %dma_wait3A_1227 = arith.constant 0 : i32
    %dma_wait3A_1228 = tpu.memref_slice %arg7[%dma_wait3A_1226, %dma_wait3A_1227] : memref<512x64xf32, #tpu.memory_space<vmem>> -> memref<128x64xf32, #tpu.memory_space<vmem>>
    %dma_wait3A_1229 = arith.constant 256 : i32
    %dma_wait3A_1230 = tpu.memref_slice %arg5[%dma_wait3A_1225, %dma_wait3A_1229] : memref<26x512xi32, #tpu.memory_space<vmem>> -> memref<1x128xi32, #tpu.memory_space<vmem>>
    %dma_wait3A_1231 = tpu.memref_squeeze %dma_wait3A_1230 : memref<1x128xi32, #tpu.memory_space<vmem>> -> memref<128xi32, #tpu.memory_space<vmem>>
    %dma_wait3A_1232 = arith.constant 0 : i32
    %dma_wait3A_1233 = arith.constant 0 : i32
    %dma_wait3A_1234 = tpu.memref_slice %arg2[%dma_wait3A_1232, %dma_wait3A_1233] : memref<2600000x64xf32, #tpu.memory_space<hbm>> -> memref<2600000x64xf32, #tpu.memory_space<hbm>>
    tpu.wait_indirect_dma semaphore(%arg10 : memref<!tpu.dma_semaphore, #tpu.memory_space<semaphore_mem>>) src(%dma_wait3A_1234 : memref<2600000x64xf32, #tpu.memory_space<hbm>>) dst(%dma_wait3A_1228 : memref<128x64xf32, #tpu.memory_space<vmem>>)
    %dma_wait3A_1235 = arith.constant 11 : i32
    %dma_wait3A_1236 = arith.constant 384 : i32
    %dma_wait3A_1237 = arith.constant 0 : i32
    %dma_wait3A_1238 = tpu.memref_slice %arg7[%dma_wait3A_1236, %dma_wait3A_1237] : memref<512x64xf32, #tpu.memory_space<vmem>> -> memref<128x64xf32, #tpu.memory_space<vmem>>
    %dma_wait3A_1239 = arith.constant 384 : i32
    %dma_wait3A_1240 = tpu.memref_slice %arg5[%dma_wait3A_1235, %dma_wait3A_1239] : memref<26x512xi32, #tpu.memory_space<vmem>> -> memref<1x128xi32, #tpu.memory_space<vmem>>
    %dma_wait3A_1241 = tpu.memref_squeeze %dma_wait3A_1240 : memref<1x128xi32, #tpu.memory_space<vmem>> -> memref<128xi32, #tpu.memory_space<vmem>>
    %dma_wait3A_1242 = arith.constant 0 : i32
    %dma_wait3A_1243 = arith.constant 0 : i32
    %dma_wait3A_1244 = tpu.memref_slice %arg2[%dma_wait3A_1242, %dma_wait3A_1243] : memref<2600000x64xf32, #tpu.memory_space<hbm>> -> memref<2600000x64xf32, #tpu.memory_space<hbm>>
    tpu.wait_indirect_dma semaphore(%arg10 : memref<!tpu.dma_semaphore, #tpu.memory_space<semaphore_mem>>) src(%dma_wait3A_1244 : memref<2600000x64xf32, #tpu.memory_space<hbm>>) dst(%dma_wait3A_1238 : memref<128x64xf32, #tpu.memory_space<vmem>>)
    %scan3A_1245 = arith.constant 0 : i32
    %scan3A_1246 = arith.constant 0 : i32
    %scan3A_1247 = arith.constant 512 : i32
    %scan3A_1248 = arith.addi %scan3A_1246, %scan3A_1247 : i32
    %scan3A_1249 = arith.constant 1 : i32
    %scan3A_1250 = scf.for %scan3A_2430 = %scan3A_1246 to %scan3A_1248 step %scan3A_1249 iter_args(%scan3A_2431 = %scan3A_1245) -> (i32)  : i32 {
      %get3A = arith.index_cast %scan3A_2430 : i32 to index
      %get3A_2432 = arith.constant 0 : index
      %get3A_2433 = tpu.vector_load %arg7[%get3A, %get3A_2432] {strides = array<i32>} : memref<512x64xf32, #tpu.memory_space<vmem>>, vector<1x16xf32>,
      %get3A_2434 = vector.shape_cast %get3A_2433 : vector<1x16xf32> to vector<16xf32>
      %swap3A = arith.index_cast %scan3A_2430 : i32 to index
      %swap3A_2435 = arith.constant 0 : index
      %swap3A_2436 = tpu.vector_load %arg8[%swap3A, %swap3A_2435] {strides = array<i32>} : memref<512x64xf32, #tpu.memory_space<vmem>>, vector<1x16xf32>,
      %swap3A_2437 = vector.shape_cast %swap3A_2436 : vector<1x16xf32> to vector<16xf32>
      %swap3A_2438 = vector.shape_cast %get3A_2434 : vector<16xf32> to vector<1x16xf32>
      tpu.vector_store %arg8[%swap3A, %swap3A_2435], %swap3A_2438 {add = true, strides = array<i32>} : memref<512x64xf32, #tpu.memory_space<vmem>>, vector<1x16xf32>,
      %get3A_2439 = arith.index_cast %scan3A_2430 : i32 to index
      %get3A_2440 = arith.constant 16 : index
      %get3A_2441 = tpu.vector_load %arg7[%get3A_2439, %get3A_2440] {strides = array<i32>} : memref<512x64xf32, #tpu.memory_space<vmem>>, vector<1x16xf32>,
      %get3A_2442 = vector.shape_cast %get3A_2441 : vector<1x16xf32> to vector<16xf32>
      %swap3A_2443 = arith.index_cast %scan3A_2430 : i32 to index
      %swap3A_2444 = arith.constant 16 : index
      %swap3A_2445 = tpu.vector_load %arg8[%swap3A_2443, %swap3A_2444] {strides = array<i32>} : memref<512x64xf32, #tpu.memory_space<vmem>>, vector<1x16xf32>,
      %swap3A_2446 = vector.shape_cast %swap3A_2445 : vector<1x16xf32> to vector<16xf32>
      %swap3A_2447 = vector.shape_cast %get3A_2442 : vector<16xf32> to vector<1x16xf32>
      tpu.vector_store %arg8[%swap3A_2443, %swap3A_2444], %swap3A_2447 {add = true, strides = array<i32>} : memref<512x64xf32, #tpu.memory_space<vmem>>, vector<1x16xf32>,
      %get3A_2448 = arith.index_cast %scan3A_2430 : i32 to index
      %get3A_2449 = arith.constant 32 : index
      %get3A_2450 = tpu.vector_load %arg7[%get3A_2448, %get3A_2449] {strides = array<i32>} : memref<512x64xf32, #tpu.memory_space<vmem>>, vector<1x16xf32>,
      %get3A_2451 = vector.shape_cast %get3A_2450 : vector<1x16xf32> to vector<16xf32>
      %swap3A_2452 = arith.index_cast %scan3A_2430 : i32 to index
      %swap3A_2453 = arith.constant 32 : index
      %swap3A_2454 = tpu.vector_load %arg8[%swap3A_2452, %swap3A_2453] {strides = array<i32>} : memref<512x64xf32, #tpu.memory_space<vmem>>, vector<1x16xf32>,
      %swap3A_2455 = vector.shape_cast %swap3A_2454 : vector<1x16xf32> to vector<16xf32>
      %swap3A_2456 = vector.shape_cast %get3A_2451 : vector<16xf32> to vector<1x16xf32>
      tpu.vector_store %arg8[%swap3A_2452, %swap3A_2453], %swap3A_2456 {add = true, strides = array<i32>} : memref<512x64xf32, #tpu.memory_space<vmem>>, vector<1x16xf32>,
      %get3A_2457 = arith.index_cast %scan3A_2430 : i32 to index
      %get3A_2458 = arith.constant 48 : index
      %get3A_2459 = tpu.vector_load %arg7[%get3A_2457, %get3A_2458] {strides = array<i32>} : memref<512x64xf32, #tpu.memory_space<vmem>>, vector<1x16xf32>,
      %get3A_2460 = vector.shape_cast %get3A_2459 : vector<1x16xf32> to vector<16xf32>
      %swap3A_2461 = arith.index_cast %scan3A_2430 : i32 to index
      %swap3A_2462 = arith.constant 48 : index
      %swap3A_2463 = tpu.vector_load %arg8[%swap3A_2461, %swap3A_2462] {strides = array<i32>} : memref<512x64xf32, #tpu.memory_space<vmem>>, vector<1x16xf32>,
      %swap3A_2464 = vector.shape_cast %swap3A_2463 : vector<1x16xf32> to vector<16xf32>
      %swap3A_2465 = vector.shape_cast %get3A_2460 : vector<16xf32> to vector<1x16xf32>
      tpu.vector_store %arg8[%swap3A_2461, %swap3A_2462], %swap3A_2465 {add = true, strides = array<i32>} : memref<512x64xf32, #tpu.memory_space<vmem>>, vector<1x16xf32>,
      %scan3A_2466 = arith.constant 0 : i32
      scf.yield %scan3A_2466 : i32
    }
    %scan3A_1251 = arith.constant 512 : i32
    %dma_start3A_1252 = arith.constant 13 : i32
    %dma_start3A_1253 = arith.constant 0 : i32
    %dma_start3A_1254 = arith.constant 0 : i32
    %dma_start3A_1255 = tpu.memref_slice %arg7[%dma_start3A_1253, %dma_start3A_1254] : memref<512x64xf32, #tpu.memory_space<vmem>> -> memref<128x64xf32, #tpu.memory_space<vmem>>
    %dma_start3A_1256 = arith.constant 0 : i32
    %dma_start3A_1257 = tpu.memref_slice %arg5[%dma_start3A_1252, %dma_start3A_1256] : memref<26x512xi32, #tpu.memory_space<vmem>> -> memref<1x128xi32, #tpu.memory_space<vmem>>
    %dma_start3A_1258 = tpu.memref_squeeze %dma_start3A_1257 : memref<1x128xi32, #tpu.memory_space<vmem>> -> memref<128xi32, #tpu.memory_space<vmem>>
    %dma_start3A_1259 = arith.constant 0 : i32
    %dma_start3A_1260 = arith.constant 0 : i32
    %dma_start3A_1261 = tpu.memref_slice %arg2[%dma_start3A_1259, %dma_start3A_1260] : memref<2600000x64xf32, #tpu.memory_space<hbm>> -> memref<2600000x64xf32, #tpu.memory_space<hbm>>
    tpu.enqueue_indirect_dma source(%dma_start3A_1261 : memref<2600000x64xf32, #tpu.memory_space<hbm>>) target(%dma_start3A_1255 : memref<128x64xf32, #tpu.memory_space<vmem>>) offsets(%dma_start3A_1258 : memref<128xi32, #tpu.memory_space<vmem>>) semaphore(%arg10 : memref<!tpu.dma_semaphore, #tpu.memory_space<semaphore_mem>>)
    %dma_start3A_1262 = arith.constant 13 : i32
    %dma_start3A_1263 = arith.constant 128 : i32
    %dma_start3A_1264 = arith.constant 0 : i32
    %dma_start3A_1265 = tpu.memref_slice %arg7[%dma_start3A_1263, %dma_start3A_1264] : memref<512x64xf32, #tpu.memory_space<vmem>> -> memref<128x64xf32, #tpu.memory_space<vmem>>
    %dma_start3A_1266 = arith.constant 128 : i32
    %dma_start3A_1267 = tpu.memref_slice %arg5[%dma_start3A_1262, %dma_start3A_1266] : memref<26x512xi32, #tpu.memory_space<vmem>> -> memref<1x128xi32, #tpu.memory_space<vmem>>
    %dma_start3A_1268 = tpu.memref_squeeze %dma_start3A_1267 : memref<1x128xi32, #tpu.memory_space<vmem>> -> memref<128xi32, #tpu.memory_space<vmem>>
    %dma_start3A_1269 = arith.constant 0 : i32
    %dma_start3A_1270 = arith.constant 0 : i32
    %dma_start3A_1271 = tpu.memref_slice %arg2[%dma_start3A_1269, %dma_start3A_1270] : memref<2600000x64xf32, #tpu.memory_space<hbm>> -> memref<2600000x64xf32, #tpu.memory_space<hbm>>
    tpu.enqueue_indirect_dma source(%dma_start3A_1271 : memref<2600000x64xf32, #tpu.memory_space<hbm>>) target(%dma_start3A_1265 : memref<128x64xf32, #tpu.memory_space<vmem>>) offsets(%dma_start3A_1268 : memref<128xi32, #tpu.memory_space<vmem>>) semaphore(%arg10 : memref<!tpu.dma_semaphore, #tpu.memory_space<semaphore_mem>>)
    %dma_start3A_1272 = arith.constant 13 : i32
    %dma_start3A_1273 = arith.constant 256 : i32
    %dma_start3A_1274 = arith.constant 0 : i32
    %dma_start3A_1275 = tpu.memref_slice %arg7[%dma_start3A_1273, %dma_start3A_1274] : memref<512x64xf32, #tpu.memory_space<vmem>> -> memref<128x64xf32, #tpu.memory_space<vmem>>
    %dma_start3A_1276 = arith.constant 256 : i32
    %dma_start3A_1277 = tpu.memref_slice %arg5[%dma_start3A_1272, %dma_start3A_1276] : memref<26x512xi32, #tpu.memory_space<vmem>> -> memref<1x128xi32, #tpu.memory_space<vmem>>
    %dma_start3A_1278 = tpu.memref_squeeze %dma_start3A_1277 : memref<1x128xi32, #tpu.memory_space<vmem>> -> memref<128xi32, #tpu.memory_space<vmem>>
    %dma_start3A_1279 = arith.constant 0 : i32
    %dma_start3A_1280 = arith.constant 0 : i32
    %dma_start3A_1281 = tpu.memref_slice %arg2[%dma_start3A_1279, %dma_start3A_1280] : memref<2600000x64xf32, #tpu.memory_space<hbm>> -> memref<2600000x64xf32, #tpu.memory_space<hbm>>
    tpu.enqueue_indirect_dma source(%dma_start3A_1281 : memref<2600000x64xf32, #tpu.memory_space<hbm>>) target(%dma_start3A_1275 : memref<128x64xf32, #tpu.memory_space<vmem>>) offsets(%dma_start3A_1278 : memref<128xi32, #tpu.memory_space<vmem>>) semaphore(%arg10 : memref<!tpu.dma_semaphore, #tpu.memory_space<semaphore_mem>>)
    %dma_start3A_1282 = arith.constant 13 : i32
    %dma_start3A_1283 = arith.constant 384 : i32
    %dma_start3A_1284 = arith.constant 0 : i32
    %dma_start3A_1285 = tpu.memref_slice %arg7[%dma_start3A_1283, %dma_start3A_1284] : memref<512x64xf32, #tpu.memory_space<vmem>> -> memref<128x64xf32, #tpu.memory_space<vmem>>
    %dma_start3A_1286 = arith.constant 384 : i32
    %dma_start3A_1287 = tpu.memref_slice %arg5[%dma_start3A_1282, %dma_start3A_1286] : memref<26x512xi32, #tpu.memory_space<vmem>> -> memref<1x128xi32, #tpu.memory_space<vmem>>
    %dma_start3A_1288 = tpu.memref_squeeze %dma_start3A_1287 : memref<1x128xi32, #tpu.memory_space<vmem>> -> memref<128xi32, #tpu.memory_space<vmem>>
    %dma_start3A_1289 = arith.constant 0 : i32
    %dma_start3A_1290 = arith.constant 0 : i32
    %dma_start3A_1291 = tpu.memref_slice %arg2[%dma_start3A_1289, %dma_start3A_1290] : memref<2600000x64xf32, #tpu.memory_space<hbm>> -> memref<2600000x64xf32, #tpu.memory_space<hbm>>
    tpu.enqueue_indirect_dma source(%dma_start3A_1291 : memref<2600000x64xf32, #tpu.memory_space<hbm>>) target(%dma_start3A_1285 : memref<128x64xf32, #tpu.memory_space<vmem>>) offsets(%dma_start3A_1288 : memref<128xi32, #tpu.memory_space<vmem>>) semaphore(%arg10 : memref<!tpu.dma_semaphore, #tpu.memory_space<semaphore_mem>>)
    %dma_wait3A_1292 = arith.constant 12 : i32
    %dma_wait3A_1293 = arith.constant 0 : i32
    %dma_wait3A_1294 = arith.constant 0 : i32
    %dma_wait3A_1295 = tpu.memref_slice %arg6[%dma_wait3A_1293, %dma_wait3A_1294] : memref<512x64xf32, #tpu.memory_space<vmem>> -> memref<128x64xf32, #tpu.memory_space<vmem>>
    %dma_wait3A_1296 = arith.constant 0 : i32
    %dma_wait3A_1297 = tpu.memref_slice %arg5[%dma_wait3A_1292, %dma_wait3A_1296] : memref<26x512xi32, #tpu.memory_space<vmem>> -> memref<1x128xi32, #tpu.memory_space<vmem>>
    %dma_wait3A_1298 = tpu.memref_squeeze %dma_wait3A_1297 : memref<1x128xi32, #tpu.memory_space<vmem>> -> memref<128xi32, #tpu.memory_space<vmem>>
    %dma_wait3A_1299 = arith.constant 0 : i32
    %dma_wait3A_1300 = arith.constant 0 : i32
    %dma_wait3A_1301 = tpu.memref_slice %arg2[%dma_wait3A_1299, %dma_wait3A_1300] : memref<2600000x64xf32, #tpu.memory_space<hbm>> -> memref<2600000x64xf32, #tpu.memory_space<hbm>>
    tpu.wait_indirect_dma semaphore(%arg9 : memref<!tpu.dma_semaphore, #tpu.memory_space<semaphore_mem>>) src(%dma_wait3A_1301 : memref<2600000x64xf32, #tpu.memory_space<hbm>>) dst(%dma_wait3A_1295 : memref<128x64xf32, #tpu.memory_space<vmem>>)
    %dma_wait3A_1302 = arith.constant 12 : i32
    %dma_wait3A_1303 = arith.constant 128 : i32
    %dma_wait3A_1304 = arith.constant 0 : i32
    %dma_wait3A_1305 = tpu.memref_slice %arg6[%dma_wait3A_1303, %dma_wait3A_1304] : memref<512x64xf32, #tpu.memory_space<vmem>> -> memref<128x64xf32, #tpu.memory_space<vmem>>
    %dma_wait3A_1306 = arith.constant 128 : i32
    %dma_wait3A_1307 = tpu.memref_slice %arg5[%dma_wait3A_1302, %dma_wait3A_1306] : memref<26x512xi32, #tpu.memory_space<vmem>> -> memref<1x128xi32, #tpu.memory_space<vmem>>
    %dma_wait3A_1308 = tpu.memref_squeeze %dma_wait3A_1307 : memref<1x128xi32, #tpu.memory_space<vmem>> -> memref<128xi32, #tpu.memory_space<vmem>>
    %dma_wait3A_1309 = arith.constant 0 : i32
    %dma_wait3A_1310 = arith.constant 0 : i32
    %dma_wait3A_1311 = tpu.memref_slice %arg2[%dma_wait3A_1309, %dma_wait3A_1310] : memref<2600000x64xf32, #tpu.memory_space<hbm>> -> memref<2600000x64xf32, #tpu.memory_space<hbm>>
    tpu.wait_indirect_dma semaphore(%arg9 : memref<!tpu.dma_semaphore, #tpu.memory_space<semaphore_mem>>) src(%dma_wait3A_1311 : memref<2600000x64xf32, #tpu.memory_space<hbm>>) dst(%dma_wait3A_1305 : memref<128x64xf32, #tpu.memory_space<vmem>>)
    %dma_wait3A_1312 = arith.constant 12 : i32
    %dma_wait3A_1313 = arith.constant 256 : i32
    %dma_wait3A_1314 = arith.constant 0 : i32
    %dma_wait3A_1315 = tpu.memref_slice %arg6[%dma_wait3A_1313, %dma_wait3A_1314] : memref<512x64xf32, #tpu.memory_space<vmem>> -> memref<128x64xf32, #tpu.memory_space<vmem>>
    %dma_wait3A_1316 = arith.constant 256 : i32
    %dma_wait3A_1317 = tpu.memref_slice %arg5[%dma_wait3A_1312, %dma_wait3A_1316] : memref<26x512xi32, #tpu.memory_space<vmem>> -> memref<1x128xi32, #tpu.memory_space<vmem>>
    %dma_wait3A_1318 = tpu.memref_squeeze %dma_wait3A_1317 : memref<1x128xi32, #tpu.memory_space<vmem>> -> memref<128xi32, #tpu.memory_space<vmem>>
    %dma_wait3A_1319 = arith.constant 0 : i32
    %dma_wait3A_1320 = arith.constant 0 : i32
    %dma_wait3A_1321 = tpu.memref_slice %arg2[%dma_wait3A_1319, %dma_wait3A_1320] : memref<2600000x64xf32, #tpu.memory_space<hbm>> -> memref<2600000x64xf32, #tpu.memory_space<hbm>>
    tpu.wait_indirect_dma semaphore(%arg9 : memref<!tpu.dma_semaphore, #tpu.memory_space<semaphore_mem>>) src(%dma_wait3A_1321 : memref<2600000x64xf32, #tpu.memory_space<hbm>>) dst(%dma_wait3A_1315 : memref<128x64xf32, #tpu.memory_space<vmem>>)
    %dma_wait3A_1322 = arith.constant 12 : i32
    %dma_wait3A_1323 = arith.constant 384 : i32
    %dma_wait3A_1324 = arith.constant 0 : i32
    %dma_wait3A_1325 = tpu.memref_slice %arg6[%dma_wait3A_1323, %dma_wait3A_1324] : memref<512x64xf32, #tpu.memory_space<vmem>> -> memref<128x64xf32, #tpu.memory_space<vmem>>
    %dma_wait3A_1326 = arith.constant 384 : i32
    %dma_wait3A_1327 = tpu.memref_slice %arg5[%dma_wait3A_1322, %dma_wait3A_1326] : memref<26x512xi32, #tpu.memory_space<vmem>> -> memref<1x128xi32, #tpu.memory_space<vmem>>
    %dma_wait3A_1328 = tpu.memref_squeeze %dma_wait3A_1327 : memref<1x128xi32, #tpu.memory_space<vmem>> -> memref<128xi32, #tpu.memory_space<vmem>>
    %dma_wait3A_1329 = arith.constant 0 : i32
    %dma_wait3A_1330 = arith.constant 0 : i32
    %dma_wait3A_1331 = tpu.memref_slice %arg2[%dma_wait3A_1329, %dma_wait3A_1330] : memref<2600000x64xf32, #tpu.memory_space<hbm>> -> memref<2600000x64xf32, #tpu.memory_space<hbm>>
    tpu.wait_indirect_dma semaphore(%arg9 : memref<!tpu.dma_semaphore, #tpu.memory_space<semaphore_mem>>) src(%dma_wait3A_1331 : memref<2600000x64xf32, #tpu.memory_space<hbm>>) dst(%dma_wait3A_1325 : memref<128x64xf32, #tpu.memory_space<vmem>>)
    %scan3A_1332 = arith.constant 0 : i32
    %scan3A_1333 = arith.constant 0 : i32
    %scan3A_1334 = arith.constant 512 : i32
    %scan3A_1335 = arith.addi %scan3A_1333, %scan3A_1334 : i32
    %scan3A_1336 = arith.constant 1 : i32
    %scan3A_1337 = scf.for %scan3A_2430 = %scan3A_1333 to %scan3A_1335 step %scan3A_1336 iter_args(%scan3A_2431 = %scan3A_1332) -> (i32)  : i32 {
      %get3A = arith.index_cast %scan3A_2430 : i32 to index
      %get3A_2432 = arith.constant 0 : index
      %get3A_2433 = tpu.vector_load %arg6[%get3A, %get3A_2432] {strides = array<i32>} : memref<512x64xf32, #tpu.memory_space<vmem>>, vector<1x16xf32>,
      %get3A_2434 = vector.shape_cast %get3A_2433 : vector<1x16xf32> to vector<16xf32>
      %swap3A = arith.index_cast %scan3A_2430 : i32 to index
      %swap3A_2435 = arith.constant 0 : index
      %swap3A_2436 = tpu.vector_load %arg8[%swap3A, %swap3A_2435] {strides = array<i32>} : memref<512x64xf32, #tpu.memory_space<vmem>>, vector<1x16xf32>,
      %swap3A_2437 = vector.shape_cast %swap3A_2436 : vector<1x16xf32> to vector<16xf32>
      %swap3A_2438 = vector.shape_cast %get3A_2434 : vector<16xf32> to vector<1x16xf32>
      tpu.vector_store %arg8[%swap3A, %swap3A_2435], %swap3A_2438 {add = true, strides = array<i32>} : memref<512x64xf32, #tpu.memory_space<vmem>>, vector<1x16xf32>,
      %get3A_2439 = arith.index_cast %scan3A_2430 : i32 to index
      %get3A_2440 = arith.constant 16 : index
      %get3A_2441 = tpu.vector_load %arg6[%get3A_2439, %get3A_2440] {strides = array<i32>} : memref<512x64xf32, #tpu.memory_space<vmem>>, vector<1x16xf32>,
      %get3A_2442 = vector.shape_cast %get3A_2441 : vector<1x16xf32> to vector<16xf32>
      %swap3A_2443 = arith.index_cast %scan3A_2430 : i32 to index
      %swap3A_2444 = arith.constant 16 : index
      %swap3A_2445 = tpu.vector_load %arg8[%swap3A_2443, %swap3A_2444] {strides = array<i32>} : memref<512x64xf32, #tpu.memory_space<vmem>>, vector<1x16xf32>,
      %swap3A_2446 = vector.shape_cast %swap3A_2445 : vector<1x16xf32> to vector<16xf32>
      %swap3A_2447 = vector.shape_cast %get3A_2442 : vector<16xf32> to vector<1x16xf32>
      tpu.vector_store %arg8[%swap3A_2443, %swap3A_2444], %swap3A_2447 {add = true, strides = array<i32>} : memref<512x64xf32, #tpu.memory_space<vmem>>, vector<1x16xf32>,
      %get3A_2448 = arith.index_cast %scan3A_2430 : i32 to index
      %get3A_2449 = arith.constant 32 : index
      %get3A_2450 = tpu.vector_load %arg6[%get3A_2448, %get3A_2449] {strides = array<i32>} : memref<512x64xf32, #tpu.memory_space<vmem>>, vector<1x16xf32>,
      %get3A_2451 = vector.shape_cast %get3A_2450 : vector<1x16xf32> to vector<16xf32>
      %swap3A_2452 = arith.index_cast %scan3A_2430 : i32 to index
      %swap3A_2453 = arith.constant 32 : index
      %swap3A_2454 = tpu.vector_load %arg8[%swap3A_2452, %swap3A_2453] {strides = array<i32>} : memref<512x64xf32, #tpu.memory_space<vmem>>, vector<1x16xf32>,
      %swap3A_2455 = vector.shape_cast %swap3A_2454 : vector<1x16xf32> to vector<16xf32>
      %swap3A_2456 = vector.shape_cast %get3A_2451 : vector<16xf32> to vector<1x16xf32>
      tpu.vector_store %arg8[%swap3A_2452, %swap3A_2453], %swap3A_2456 {add = true, strides = array<i32>} : memref<512x64xf32, #tpu.memory_space<vmem>>, vector<1x16xf32>,
      %get3A_2457 = arith.index_cast %scan3A_2430 : i32 to index
      %get3A_2458 = arith.constant 48 : index
      %get3A_2459 = tpu.vector_load %arg6[%get3A_2457, %get3A_2458] {strides = array<i32>} : memref<512x64xf32, #tpu.memory_space<vmem>>, vector<1x16xf32>,
      %get3A_2460 = vector.shape_cast %get3A_2459 : vector<1x16xf32> to vector<16xf32>
      %swap3A_2461 = arith.index_cast %scan3A_2430 : i32 to index
      %swap3A_2462 = arith.constant 48 : index
      %swap3A_2463 = tpu.vector_load %arg8[%swap3A_2461, %swap3A_2462] {strides = array<i32>} : memref<512x64xf32, #tpu.memory_space<vmem>>, vector<1x16xf32>,
      %swap3A_2464 = vector.shape_cast %swap3A_2463 : vector<1x16xf32> to vector<16xf32>
      %swap3A_2465 = vector.shape_cast %get3A_2460 : vector<16xf32> to vector<1x16xf32>
      tpu.vector_store %arg8[%swap3A_2461, %swap3A_2462], %swap3A_2465 {add = true, strides = array<i32>} : memref<512x64xf32, #tpu.memory_space<vmem>>, vector<1x16xf32>,
      %scan3A_2466 = arith.constant 0 : i32
      scf.yield %scan3A_2466 : i32
    }
    %scan3A_1338 = arith.constant 512 : i32
    %dma_start3A_1339 = arith.constant 14 : i32
    %dma_start3A_1340 = arith.constant 0 : i32
    %dma_start3A_1341 = arith.constant 0 : i32
    %dma_start3A_1342 = tpu.memref_slice %arg6[%dma_start3A_1340, %dma_start3A_1341] : memref<512x64xf32, #tpu.memory_space<vmem>> -> memref<128x64xf32, #tpu.memory_space<vmem>>
    %dma_start3A_1343 = arith.constant 0 : i32
    %dma_start3A_1344 = tpu.memref_slice %arg5[%dma_start3A_1339, %dma_start3A_1343] : memref<26x512xi32, #tpu.memory_space<vmem>> -> memref<1x128xi32, #tpu.memory_space<vmem>>
    %dma_start3A_1345 = tpu.memref_squeeze %dma_start3A_1344 : memref<1x128xi32, #tpu.memory_space<vmem>> -> memref<128xi32, #tpu.memory_space<vmem>>
    %dma_start3A_1346 = arith.constant 0 : i32
    %dma_start3A_1347 = arith.constant 0 : i32
    %dma_start3A_1348 = tpu.memref_slice %arg2[%dma_start3A_1346, %dma_start3A_1347] : memref<2600000x64xf32, #tpu.memory_space<hbm>> -> memref<2600000x64xf32, #tpu.memory_space<hbm>>
    tpu.enqueue_indirect_dma source(%dma_start3A_1348 : memref<2600000x64xf32, #tpu.memory_space<hbm>>) target(%dma_start3A_1342 : memref<128x64xf32, #tpu.memory_space<vmem>>) offsets(%dma_start3A_1345 : memref<128xi32, #tpu.memory_space<vmem>>) semaphore(%arg9 : memref<!tpu.dma_semaphore, #tpu.memory_space<semaphore_mem>>)
    %dma_start3A_1349 = arith.constant 14 : i32
    %dma_start3A_1350 = arith.constant 128 : i32
    %dma_start3A_1351 = arith.constant 0 : i32
    %dma_start3A_1352 = tpu.memref_slice %arg6[%dma_start3A_1350, %dma_start3A_1351] : memref<512x64xf32, #tpu.memory_space<vmem>> -> memref<128x64xf32, #tpu.memory_space<vmem>>
    %dma_start3A_1353 = arith.constant 128 : i32
    %dma_start3A_1354 = tpu.memref_slice %arg5[%dma_start3A_1349, %dma_start3A_1353] : memref<26x512xi32, #tpu.memory_space<vmem>> -> memref<1x128xi32, #tpu.memory_space<vmem>>
    %dma_start3A_1355 = tpu.memref_squeeze %dma_start3A_1354 : memref<1x128xi32, #tpu.memory_space<vmem>> -> memref<128xi32, #tpu.memory_space<vmem>>
    %dma_start3A_1356 = arith.constant 0 : i32
    %dma_start3A_1357 = arith.constant 0 : i32
    %dma_start3A_1358 = tpu.memref_slice %arg2[%dma_start3A_1356, %dma_start3A_1357] : memref<2600000x64xf32, #tpu.memory_space<hbm>> -> memref<2600000x64xf32, #tpu.memory_space<hbm>>
    tpu.enqueue_indirect_dma source(%dma_start3A_1358 : memref<2600000x64xf32, #tpu.memory_space<hbm>>) target(%dma_start3A_1352 : memref<128x64xf32, #tpu.memory_space<vmem>>) offsets(%dma_start3A_1355 : memref<128xi32, #tpu.memory_space<vmem>>) semaphore(%arg9 : memref<!tpu.dma_semaphore, #tpu.memory_space<semaphore_mem>>)
    %dma_start3A_1359 = arith.constant 14 : i32
    %dma_start3A_1360 = arith.constant 256 : i32
    %dma_start3A_1361 = arith.constant 0 : i32
    %dma_start3A_1362 = tpu.memref_slice %arg6[%dma_start3A_1360, %dma_start3A_1361] : memref<512x64xf32, #tpu.memory_space<vmem>> -> memref<128x64xf32, #tpu.memory_space<vmem>>
    %dma_start3A_1363 = arith.constant 256 : i32
    %dma_start3A_1364 = tpu.memref_slice %arg5[%dma_start3A_1359, %dma_start3A_1363] : memref<26x512xi32, #tpu.memory_space<vmem>> -> memref<1x128xi32, #tpu.memory_space<vmem>>
    %dma_start3A_1365 = tpu.memref_squeeze %dma_start3A_1364 : memref<1x128xi32, #tpu.memory_space<vmem>> -> memref<128xi32, #tpu.memory_space<vmem>>
    %dma_start3A_1366 = arith.constant 0 : i32
    %dma_start3A_1367 = arith.constant 0 : i32
    %dma_start3A_1368 = tpu.memref_slice %arg2[%dma_start3A_1366, %dma_start3A_1367] : memref<2600000x64xf32, #tpu.memory_space<hbm>> -> memref<2600000x64xf32, #tpu.memory_space<hbm>>
    tpu.enqueue_indirect_dma source(%dma_start3A_1368 : memref<2600000x64xf32, #tpu.memory_space<hbm>>) target(%dma_start3A_1362 : memref<128x64xf32, #tpu.memory_space<vmem>>) offsets(%dma_start3A_1365 : memref<128xi32, #tpu.memory_space<vmem>>) semaphore(%arg9 : memref<!tpu.dma_semaphore, #tpu.memory_space<semaphore_mem>>)
    %dma_start3A_1369 = arith.constant 14 : i32
    %dma_start3A_1370 = arith.constant 384 : i32
    %dma_start3A_1371 = arith.constant 0 : i32
    %dma_start3A_1372 = tpu.memref_slice %arg6[%dma_start3A_1370, %dma_start3A_1371] : memref<512x64xf32, #tpu.memory_space<vmem>> -> memref<128x64xf32, #tpu.memory_space<vmem>>
    %dma_start3A_1373 = arith.constant 384 : i32
    %dma_start3A_1374 = tpu.memref_slice %arg5[%dma_start3A_1369, %dma_start3A_1373] : memref<26x512xi32, #tpu.memory_space<vmem>> -> memref<1x128xi32, #tpu.memory_space<vmem>>
    %dma_start3A_1375 = tpu.memref_squeeze %dma_start3A_1374 : memref<1x128xi32, #tpu.memory_space<vmem>> -> memref<128xi32, #tpu.memory_space<vmem>>
    %dma_start3A_1376 = arith.constant 0 : i32
    %dma_start3A_1377 = arith.constant 0 : i32
    %dma_start3A_1378 = tpu.memref_slice %arg2[%dma_start3A_1376, %dma_start3A_1377] : memref<2600000x64xf32, #tpu.memory_space<hbm>> -> memref<2600000x64xf32, #tpu.memory_space<hbm>>
    tpu.enqueue_indirect_dma source(%dma_start3A_1378 : memref<2600000x64xf32, #tpu.memory_space<hbm>>) target(%dma_start3A_1372 : memref<128x64xf32, #tpu.memory_space<vmem>>) offsets(%dma_start3A_1375 : memref<128xi32, #tpu.memory_space<vmem>>) semaphore(%arg9 : memref<!tpu.dma_semaphore, #tpu.memory_space<semaphore_mem>>)
    %dma_wait3A_1379 = arith.constant 13 : i32
    %dma_wait3A_1380 = arith.constant 0 : i32
    %dma_wait3A_1381 = arith.constant 0 : i32
    %dma_wait3A_1382 = tpu.memref_slice %arg7[%dma_wait3A_1380, %dma_wait3A_1381] : memref<512x64xf32, #tpu.memory_space<vmem>> -> memref<128x64xf32, #tpu.memory_space<vmem>>
    %dma_wait3A_1383 = arith.constant 0 : i32
    %dma_wait3A_1384 = tpu.memref_slice %arg5[%dma_wait3A_1379, %dma_wait3A_1383] : memref<26x512xi32, #tpu.memory_space<vmem>> -> memref<1x128xi32, #tpu.memory_space<vmem>>
    %dma_wait3A_1385 = tpu.memref_squeeze %dma_wait3A_1384 : memref<1x128xi32, #tpu.memory_space<vmem>> -> memref<128xi32, #tpu.memory_space<vmem>>
    %dma_wait3A_1386 = arith.constant 0 : i32
    %dma_wait3A_1387 = arith.constant 0 : i32
    %dma_wait3A_1388 = tpu.memref_slice %arg2[%dma_wait3A_1386, %dma_wait3A_1387] : memref<2600000x64xf32, #tpu.memory_space<hbm>> -> memref<2600000x64xf32, #tpu.memory_space<hbm>>
    tpu.wait_indirect_dma semaphore(%arg10 : memref<!tpu.dma_semaphore, #tpu.memory_space<semaphore_mem>>) src(%dma_wait3A_1388 : memref<2600000x64xf32, #tpu.memory_space<hbm>>) dst(%dma_wait3A_1382 : memref<128x64xf32, #tpu.memory_space<vmem>>)
    %dma_wait3A_1389 = arith.constant 13 : i32
    %dma_wait3A_1390 = arith.constant 128 : i32
    %dma_wait3A_1391 = arith.constant 0 : i32
    %dma_wait3A_1392 = tpu.memref_slice %arg7[%dma_wait3A_1390, %dma_wait3A_1391] : memref<512x64xf32, #tpu.memory_space<vmem>> -> memref<128x64xf32, #tpu.memory_space<vmem>>
    %dma_wait3A_1393 = arith.constant 128 : i32
    %dma_wait3A_1394 = tpu.memref_slice %arg5[%dma_wait3A_1389, %dma_wait3A_1393] : memref<26x512xi32, #tpu.memory_space<vmem>> -> memref<1x128xi32, #tpu.memory_space<vmem>>
    %dma_wait3A_1395 = tpu.memref_squeeze %dma_wait3A_1394 : memref<1x128xi32, #tpu.memory_space<vmem>> -> memref<128xi32, #tpu.memory_space<vmem>>
    %dma_wait3A_1396 = arith.constant 0 : i32
    %dma_wait3A_1397 = arith.constant 0 : i32
    %dma_wait3A_1398 = tpu.memref_slice %arg2[%dma_wait3A_1396, %dma_wait3A_1397] : memref<2600000x64xf32, #tpu.memory_space<hbm>> -> memref<2600000x64xf32, #tpu.memory_space<hbm>>
    tpu.wait_indirect_dma semaphore(%arg10 : memref<!tpu.dma_semaphore, #tpu.memory_space<semaphore_mem>>) src(%dma_wait3A_1398 : memref<2600000x64xf32, #tpu.memory_space<hbm>>) dst(%dma_wait3A_1392 : memref<128x64xf32, #tpu.memory_space<vmem>>)
    %dma_wait3A_1399 = arith.constant 13 : i32
    %dma_wait3A_1400 = arith.constant 256 : i32
    %dma_wait3A_1401 = arith.constant 0 : i32
    %dma_wait3A_1402 = tpu.memref_slice %arg7[%dma_wait3A_1400, %dma_wait3A_1401] : memref<512x64xf32, #tpu.memory_space<vmem>> -> memref<128x64xf32, #tpu.memory_space<vmem>>
    %dma_wait3A_1403 = arith.constant 256 : i32
    %dma_wait3A_1404 = tpu.memref_slice %arg5[%dma_wait3A_1399, %dma_wait3A_1403] : memref<26x512xi32, #tpu.memory_space<vmem>> -> memref<1x128xi32, #tpu.memory_space<vmem>>
    %dma_wait3A_1405 = tpu.memref_squeeze %dma_wait3A_1404 : memref<1x128xi32, #tpu.memory_space<vmem>> -> memref<128xi32, #tpu.memory_space<vmem>>
    %dma_wait3A_1406 = arith.constant 0 : i32
    %dma_wait3A_1407 = arith.constant 0 : i32
    %dma_wait3A_1408 = tpu.memref_slice %arg2[%dma_wait3A_1406, %dma_wait3A_1407] : memref<2600000x64xf32, #tpu.memory_space<hbm>> -> memref<2600000x64xf32, #tpu.memory_space<hbm>>
    tpu.wait_indirect_dma semaphore(%arg10 : memref<!tpu.dma_semaphore, #tpu.memory_space<semaphore_mem>>) src(%dma_wait3A_1408 : memref<2600000x64xf32, #tpu.memory_space<hbm>>) dst(%dma_wait3A_1402 : memref<128x64xf32, #tpu.memory_space<vmem>>)
    %dma_wait3A_1409 = arith.constant 13 : i32
    %dma_wait3A_1410 = arith.constant 384 : i32
    %dma_wait3A_1411 = arith.constant 0 : i32
    %dma_wait3A_1412 = tpu.memref_slice %arg7[%dma_wait3A_1410, %dma_wait3A_1411] : memref<512x64xf32, #tpu.memory_space<vmem>> -> memref<128x64xf32, #tpu.memory_space<vmem>>
    %dma_wait3A_1413 = arith.constant 384 : i32
    %dma_wait3A_1414 = tpu.memref_slice %arg5[%dma_wait3A_1409, %dma_wait3A_1413] : memref<26x512xi32, #tpu.memory_space<vmem>> -> memref<1x128xi32, #tpu.memory_space<vmem>>
    %dma_wait3A_1415 = tpu.memref_squeeze %dma_wait3A_1414 : memref<1x128xi32, #tpu.memory_space<vmem>> -> memref<128xi32, #tpu.memory_space<vmem>>
    %dma_wait3A_1416 = arith.constant 0 : i32
    %dma_wait3A_1417 = arith.constant 0 : i32
    %dma_wait3A_1418 = tpu.memref_slice %arg2[%dma_wait3A_1416, %dma_wait3A_1417] : memref<2600000x64xf32, #tpu.memory_space<hbm>> -> memref<2600000x64xf32, #tpu.memory_space<hbm>>
    tpu.wait_indirect_dma semaphore(%arg10 : memref<!tpu.dma_semaphore, #tpu.memory_space<semaphore_mem>>) src(%dma_wait3A_1418 : memref<2600000x64xf32, #tpu.memory_space<hbm>>) dst(%dma_wait3A_1412 : memref<128x64xf32, #tpu.memory_space<vmem>>)
    %scan3A_1419 = arith.constant 0 : i32
    %scan3A_1420 = arith.constant 0 : i32
    %scan3A_1421 = arith.constant 512 : i32
    %scan3A_1422 = arith.addi %scan3A_1420, %scan3A_1421 : i32
    %scan3A_1423 = arith.constant 1 : i32
    %scan3A_1424 = scf.for %scan3A_2430 = %scan3A_1420 to %scan3A_1422 step %scan3A_1423 iter_args(%scan3A_2431 = %scan3A_1419) -> (i32)  : i32 {
      %get3A = arith.index_cast %scan3A_2430 : i32 to index
      %get3A_2432 = arith.constant 0 : index
      %get3A_2433 = tpu.vector_load %arg7[%get3A, %get3A_2432] {strides = array<i32>} : memref<512x64xf32, #tpu.memory_space<vmem>>, vector<1x16xf32>,
      %get3A_2434 = vector.shape_cast %get3A_2433 : vector<1x16xf32> to vector<16xf32>
      %swap3A = arith.index_cast %scan3A_2430 : i32 to index
      %swap3A_2435 = arith.constant 0 : index
      %swap3A_2436 = tpu.vector_load %arg8[%swap3A, %swap3A_2435] {strides = array<i32>} : memref<512x64xf32, #tpu.memory_space<vmem>>, vector<1x16xf32>,
      %swap3A_2437 = vector.shape_cast %swap3A_2436 : vector<1x16xf32> to vector<16xf32>
      %swap3A_2438 = vector.shape_cast %get3A_2434 : vector<16xf32> to vector<1x16xf32>
      tpu.vector_store %arg8[%swap3A, %swap3A_2435], %swap3A_2438 {add = true, strides = array<i32>} : memref<512x64xf32, #tpu.memory_space<vmem>>, vector<1x16xf32>,
      %get3A_2439 = arith.index_cast %scan3A_2430 : i32 to index
      %get3A_2440 = arith.constant 16 : index
      %get3A_2441 = tpu.vector_load %arg7[%get3A_2439, %get3A_2440] {strides = array<i32>} : memref<512x64xf32, #tpu.memory_space<vmem>>, vector<1x16xf32>,
      %get3A_2442 = vector.shape_cast %get3A_2441 : vector<1x16xf32> to vector<16xf32>
      %swap3A_2443 = arith.index_cast %scan3A_2430 : i32 to index
      %swap3A_2444 = arith.constant 16 : index
      %swap3A_2445 = tpu.vector_load %arg8[%swap3A_2443, %swap3A_2444] {strides = array<i32>} : memref<512x64xf32, #tpu.memory_space<vmem>>, vector<1x16xf32>,
      %swap3A_2446 = vector.shape_cast %swap3A_2445 : vector<1x16xf32> to vector<16xf32>
      %swap3A_2447 = vector.shape_cast %get3A_2442 : vector<16xf32> to vector<1x16xf32>
      tpu.vector_store %arg8[%swap3A_2443, %swap3A_2444], %swap3A_2447 {add = true, strides = array<i32>} : memref<512x64xf32, #tpu.memory_space<vmem>>, vector<1x16xf32>,
      %get3A_2448 = arith.index_cast %scan3A_2430 : i32 to index
      %get3A_2449 = arith.constant 32 : index
      %get3A_2450 = tpu.vector_load %arg7[%get3A_2448, %get3A_2449] {strides = array<i32>} : memref<512x64xf32, #tpu.memory_space<vmem>>, vector<1x16xf32>,
      %get3A_2451 = vector.shape_cast %get3A_2450 : vector<1x16xf32> to vector<16xf32>
      %swap3A_2452 = arith.index_cast %scan3A_2430 : i32 to index
      %swap3A_2453 = arith.constant 32 : index
      %swap3A_2454 = tpu.vector_load %arg8[%swap3A_2452, %swap3A_2453] {strides = array<i32>} : memref<512x64xf32, #tpu.memory_space<vmem>>, vector<1x16xf32>,
      %swap3A_2455 = vector.shape_cast %swap3A_2454 : vector<1x16xf32> to vector<16xf32>
      %swap3A_2456 = vector.shape_cast %get3A_2451 : vector<16xf32> to vector<1x16xf32>
      tpu.vector_store %arg8[%swap3A_2452, %swap3A_2453], %swap3A_2456 {add = true, strides = array<i32>} : memref<512x64xf32, #tpu.memory_space<vmem>>, vector<1x16xf32>,
      %get3A_2457 = arith.index_cast %scan3A_2430 : i32 to index
      %get3A_2458 = arith.constant 48 : index
      %get3A_2459 = tpu.vector_load %arg7[%get3A_2457, %get3A_2458] {strides = array<i32>} : memref<512x64xf32, #tpu.memory_space<vmem>>, vector<1x16xf32>,
      %get3A_2460 = vector.shape_cast %get3A_2459 : vector<1x16xf32> to vector<16xf32>
      %swap3A_2461 = arith.index_cast %scan3A_2430 : i32 to index
      %swap3A_2462 = arith.constant 48 : index
      %swap3A_2463 = tpu.vector_load %arg8[%swap3A_2461, %swap3A_2462] {strides = array<i32>} : memref<512x64xf32, #tpu.memory_space<vmem>>, vector<1x16xf32>,
      %swap3A_2464 = vector.shape_cast %swap3A_2463 : vector<1x16xf32> to vector<16xf32>
      %swap3A_2465 = vector.shape_cast %get3A_2460 : vector<16xf32> to vector<1x16xf32>
      tpu.vector_store %arg8[%swap3A_2461, %swap3A_2462], %swap3A_2465 {add = true, strides = array<i32>} : memref<512x64xf32, #tpu.memory_space<vmem>>, vector<1x16xf32>,
      %scan3A_2466 = arith.constant 0 : i32
      scf.yield %scan3A_2466 : i32
    }
    %scan3A_1425 = arith.constant 512 : i32
    %dma_start3A_1426 = arith.constant 15 : i32
    %dma_start3A_1427 = arith.constant 0 : i32
    %dma_start3A_1428 = arith.constant 0 : i32
    %dma_start3A_1429 = tpu.memref_slice %arg7[%dma_start3A_1427, %dma_start3A_1428] : memref<512x64xf32, #tpu.memory_space<vmem>> -> memref<128x64xf32, #tpu.memory_space<vmem>>
    %dma_start3A_1430 = arith.constant 0 : i32
    %dma_start3A_1431 = tpu.memref_slice %arg5[%dma_start3A_1426, %dma_start3A_1430] : memref<26x512xi32, #tpu.memory_space<vmem>> -> memref<1x128xi32, #tpu.memory_space<vmem>>
    %dma_start3A_1432 = tpu.memref_squeeze %dma_start3A_1431 : memref<1x128xi32, #tpu.memory_space<vmem>> -> memref<128xi32, #tpu.memory_space<vmem>>
    %dma_start3A_1433 = arith.constant 0 : i32
    %dma_start3A_1434 = arith.constant 0 : i32
    %dma_start3A_1435 = tpu.memref_slice %arg2[%dma_start3A_1433, %dma_start3A_1434] : memref<2600000x64xf32, #tpu.memory_space<hbm>> -> memref<2600000x64xf32, #tpu.memory_space<hbm>>
    tpu.enqueue_indirect_dma source(%dma_start3A_1435 : memref<2600000x64xf32, #tpu.memory_space<hbm>>) target(%dma_start3A_1429 : memref<128x64xf32, #tpu.memory_space<vmem>>) offsets(%dma_start3A_1432 : memref<128xi32, #tpu.memory_space<vmem>>) semaphore(%arg10 : memref<!tpu.dma_semaphore, #tpu.memory_space<semaphore_mem>>)
    %dma_start3A_1436 = arith.constant 15 : i32
    %dma_start3A_1437 = arith.constant 128 : i32
    %dma_start3A_1438 = arith.constant 0 : i32
    %dma_start3A_1439 = tpu.memref_slice %arg7[%dma_start3A_1437, %dma_start3A_1438] : memref<512x64xf32, #tpu.memory_space<vmem>> -> memref<128x64xf32, #tpu.memory_space<vmem>>
    %dma_start3A_1440 = arith.constant 128 : i32
    %dma_start3A_1441 = tpu.memref_slice %arg5[%dma_start3A_1436, %dma_start3A_1440] : memref<26x512xi32, #tpu.memory_space<vmem>> -> memref<1x128xi32, #tpu.memory_space<vmem>>
    %dma_start3A_1442 = tpu.memref_squeeze %dma_start3A_1441 : memref<1x128xi32, #tpu.memory_space<vmem>> -> memref<128xi32, #tpu.memory_space<vmem>>
    %dma_start3A_1443 = arith.constant 0 : i32
    %dma_start3A_1444 = arith.constant 0 : i32
    %dma_start3A_1445 = tpu.memref_slice %arg2[%dma_start3A_1443, %dma_start3A_1444] : memref<2600000x64xf32, #tpu.memory_space<hbm>> -> memref<2600000x64xf32, #tpu.memory_space<hbm>>
    tpu.enqueue_indirect_dma source(%dma_start3A_1445 : memref<2600000x64xf32, #tpu.memory_space<hbm>>) target(%dma_start3A_1439 : memref<128x64xf32, #tpu.memory_space<vmem>>) offsets(%dma_start3A_1442 : memref<128xi32, #tpu.memory_space<vmem>>) semaphore(%arg10 : memref<!tpu.dma_semaphore, #tpu.memory_space<semaphore_mem>>)
    %dma_start3A_1446 = arith.constant 15 : i32
    %dma_start3A_1447 = arith.constant 256 : i32
    %dma_start3A_1448 = arith.constant 0 : i32
    %dma_start3A_1449 = tpu.memref_slice %arg7[%dma_start3A_1447, %dma_start3A_1448] : memref<512x64xf32, #tpu.memory_space<vmem>> -> memref<128x64xf32, #tpu.memory_space<vmem>>
    %dma_start3A_1450 = arith.constant 256 : i32
    %dma_start3A_1451 = tpu.memref_slice %arg5[%dma_start3A_1446, %dma_start3A_1450] : memref<26x512xi32, #tpu.memory_space<vmem>> -> memref<1x128xi32, #tpu.memory_space<vmem>>
    %dma_start3A_1452 = tpu.memref_squeeze %dma_start3A_1451 : memref<1x128xi32, #tpu.memory_space<vmem>> -> memref<128xi32, #tpu.memory_space<vmem>>
    %dma_start3A_1453 = arith.constant 0 : i32
    %dma_start3A_1454 = arith.constant 0 : i32
    %dma_start3A_1455 = tpu.memref_slice %arg2[%dma_start3A_1453, %dma_start3A_1454] : memref<2600000x64xf32, #tpu.memory_space<hbm>> -> memref<2600000x64xf32, #tpu.memory_space<hbm>>
    tpu.enqueue_indirect_dma source(%dma_start3A_1455 : memref<2600000x64xf32, #tpu.memory_space<hbm>>) target(%dma_start3A_1449 : memref<128x64xf32, #tpu.memory_space<vmem>>) offsets(%dma_start3A_1452 : memref<128xi32, #tpu.memory_space<vmem>>) semaphore(%arg10 : memref<!tpu.dma_semaphore, #tpu.memory_space<semaphore_mem>>)
    %dma_start3A_1456 = arith.constant 15 : i32
    %dma_start3A_1457 = arith.constant 384 : i32
    %dma_start3A_1458 = arith.constant 0 : i32
    %dma_start3A_1459 = tpu.memref_slice %arg7[%dma_start3A_1457, %dma_start3A_1458] : memref<512x64xf32, #tpu.memory_space<vmem>> -> memref<128x64xf32, #tpu.memory_space<vmem>>
    %dma_start3A_1460 = arith.constant 384 : i32
    %dma_start3A_1461 = tpu.memref_slice %arg5[%dma_start3A_1456, %dma_start3A_1460] : memref<26x512xi32, #tpu.memory_space<vmem>> -> memref<1x128xi32, #tpu.memory_space<vmem>>
    %dma_start3A_1462 = tpu.memref_squeeze %dma_start3A_1461 : memref<1x128xi32, #tpu.memory_space<vmem>> -> memref<128xi32, #tpu.memory_space<vmem>>
    %dma_start3A_1463 = arith.constant 0 : i32
    %dma_start3A_1464 = arith.constant 0 : i32
    %dma_start3A_1465 = tpu.memref_slice %arg2[%dma_start3A_1463, %dma_start3A_1464] : memref<2600000x64xf32, #tpu.memory_space<hbm>> -> memref<2600000x64xf32, #tpu.memory_space<hbm>>
    tpu.enqueue_indirect_dma source(%dma_start3A_1465 : memref<2600000x64xf32, #tpu.memory_space<hbm>>) target(%dma_start3A_1459 : memref<128x64xf32, #tpu.memory_space<vmem>>) offsets(%dma_start3A_1462 : memref<128xi32, #tpu.memory_space<vmem>>) semaphore(%arg10 : memref<!tpu.dma_semaphore, #tpu.memory_space<semaphore_mem>>)
    %dma_wait3A_1466 = arith.constant 14 : i32
    %dma_wait3A_1467 = arith.constant 0 : i32
    %dma_wait3A_1468 = arith.constant 0 : i32
    %dma_wait3A_1469 = tpu.memref_slice %arg6[%dma_wait3A_1467, %dma_wait3A_1468] : memref<512x64xf32, #tpu.memory_space<vmem>> -> memref<128x64xf32, #tpu.memory_space<vmem>>
    %dma_wait3A_1470 = arith.constant 0 : i32
    %dma_wait3A_1471 = tpu.memref_slice %arg5[%dma_wait3A_1466, %dma_wait3A_1470] : memref<26x512xi32, #tpu.memory_space<vmem>> -> memref<1x128xi32, #tpu.memory_space<vmem>>
    %dma_wait3A_1472 = tpu.memref_squeeze %dma_wait3A_1471 : memref<1x128xi32, #tpu.memory_space<vmem>> -> memref<128xi32, #tpu.memory_space<vmem>>
    %dma_wait3A_1473 = arith.constant 0 : i32
    %dma_wait3A_1474 = arith.constant 0 : i32
    %dma_wait3A_1475 = tpu.memref_slice %arg2[%dma_wait3A_1473, %dma_wait3A_1474] : memref<2600000x64xf32, #tpu.memory_space<hbm>> -> memref<2600000x64xf32, #tpu.memory_space<hbm>>
    tpu.wait_indirect_dma semaphore(%arg9 : memref<!tpu.dma_semaphore, #tpu.memory_space<semaphore_mem>>) src(%dma_wait3A_1475 : memref<2600000x64xf32, #tpu.memory_space<hbm>>) dst(%dma_wait3A_1469 : memref<128x64xf32, #tpu.memory_space<vmem>>)
    %dma_wait3A_1476 = arith.constant 14 : i32
    %dma_wait3A_1477 = arith.constant 128 : i32
    %dma_wait3A_1478 = arith.constant 0 : i32
    %dma_wait3A_1479 = tpu.memref_slice %arg6[%dma_wait3A_1477, %dma_wait3A_1478] : memref<512x64xf32, #tpu.memory_space<vmem>> -> memref<128x64xf32, #tpu.memory_space<vmem>>
    %dma_wait3A_1480 = arith.constant 128 : i32
    %dma_wait3A_1481 = tpu.memref_slice %arg5[%dma_wait3A_1476, %dma_wait3A_1480] : memref<26x512xi32, #tpu.memory_space<vmem>> -> memref<1x128xi32, #tpu.memory_space<vmem>>
    %dma_wait3A_1482 = tpu.memref_squeeze %dma_wait3A_1481 : memref<1x128xi32, #tpu.memory_space<vmem>> -> memref<128xi32, #tpu.memory_space<vmem>>
    %dma_wait3A_1483 = arith.constant 0 : i32
    %dma_wait3A_1484 = arith.constant 0 : i32
    %dma_wait3A_1485 = tpu.memref_slice %arg2[%dma_wait3A_1483, %dma_wait3A_1484] : memref<2600000x64xf32, #tpu.memory_space<hbm>> -> memref<2600000x64xf32, #tpu.memory_space<hbm>>
    tpu.wait_indirect_dma semaphore(%arg9 : memref<!tpu.dma_semaphore, #tpu.memory_space<semaphore_mem>>) src(%dma_wait3A_1485 : memref<2600000x64xf32, #tpu.memory_space<hbm>>) dst(%dma_wait3A_1479 : memref<128x64xf32, #tpu.memory_space<vmem>>)
    %dma_wait3A_1486 = arith.constant 14 : i32
    %dma_wait3A_1487 = arith.constant 256 : i32
    %dma_wait3A_1488 = arith.constant 0 : i32
    %dma_wait3A_1489 = tpu.memref_slice %arg6[%dma_wait3A_1487, %dma_wait3A_1488] : memref<512x64xf32, #tpu.memory_space<vmem>> -> memref<128x64xf32, #tpu.memory_space<vmem>>
    %dma_wait3A_1490 = arith.constant 256 : i32
    %dma_wait3A_1491 = tpu.memref_slice %arg5[%dma_wait3A_1486, %dma_wait3A_1490] : memref<26x512xi32, #tpu.memory_space<vmem>> -> memref<1x128xi32, #tpu.memory_space<vmem>>
    %dma_wait3A_1492 = tpu.memref_squeeze %dma_wait3A_1491 : memref<1x128xi32, #tpu.memory_space<vmem>> -> memref<128xi32, #tpu.memory_space<vmem>>
    %dma_wait3A_1493 = arith.constant 0 : i32
    %dma_wait3A_1494 = arith.constant 0 : i32
    %dma_wait3A_1495 = tpu.memref_slice %arg2[%dma_wait3A_1493, %dma_wait3A_1494] : memref<2600000x64xf32, #tpu.memory_space<hbm>> -> memref<2600000x64xf32, #tpu.memory_space<hbm>>
    tpu.wait_indirect_dma semaphore(%arg9 : memref<!tpu.dma_semaphore, #tpu.memory_space<semaphore_mem>>) src(%dma_wait3A_1495 : memref<2600000x64xf32, #tpu.memory_space<hbm>>) dst(%dma_wait3A_1489 : memref<128x64xf32, #tpu.memory_space<vmem>>)
    %dma_wait3A_1496 = arith.constant 14 : i32
    %dma_wait3A_1497 = arith.constant 384 : i32
    %dma_wait3A_1498 = arith.constant 0 : i32
    %dma_wait3A_1499 = tpu.memref_slice %arg6[%dma_wait3A_1497, %dma_wait3A_1498] : memref<512x64xf32, #tpu.memory_space<vmem>> -> memref<128x64xf32, #tpu.memory_space<vmem>>
    %dma_wait3A_1500 = arith.constant 384 : i32
    %dma_wait3A_1501 = tpu.memref_slice %arg5[%dma_wait3A_1496, %dma_wait3A_1500] : memref<26x512xi32, #tpu.memory_space<vmem>> -> memref<1x128xi32, #tpu.memory_space<vmem>>
    %dma_wait3A_1502 = tpu.memref_squeeze %dma_wait3A_1501 : memref<1x128xi32, #tpu.memory_space<vmem>> -> memref<128xi32, #tpu.memory_space<vmem>>
    %dma_wait3A_1503 = arith.constant 0 : i32
    %dma_wait3A_1504 = arith.constant 0 : i32
    %dma_wait3A_1505 = tpu.memref_slice %arg2[%dma_wait3A_1503, %dma_wait3A_1504] : memref<2600000x64xf32, #tpu.memory_space<hbm>> -> memref<2600000x64xf32, #tpu.memory_space<hbm>>
    tpu.wait_indirect_dma semaphore(%arg9 : memref<!tpu.dma_semaphore, #tpu.memory_space<semaphore_mem>>) src(%dma_wait3A_1505 : memref<2600000x64xf32, #tpu.memory_space<hbm>>) dst(%dma_wait3A_1499 : memref<128x64xf32, #tpu.memory_space<vmem>>)
    %scan3A_1506 = arith.constant 0 : i32
    %scan3A_1507 = arith.constant 0 : i32
    %scan3A_1508 = arith.constant 512 : i32
    %scan3A_1509 = arith.addi %scan3A_1507, %scan3A_1508 : i32
    %scan3A_1510 = arith.constant 1 : i32
    %scan3A_1511 = scf.for %scan3A_2430 = %scan3A_1507 to %scan3A_1509 step %scan3A_1510 iter_args(%scan3A_2431 = %scan3A_1506) -> (i32)  : i32 {
      %get3A = arith.index_cast %scan3A_2430 : i32 to index
      %get3A_2432 = arith.constant 0 : index
      %get3A_2433 = tpu.vector_load %arg6[%get3A, %get3A_2432] {strides = array<i32>} : memref<512x64xf32, #tpu.memory_space<vmem>>, vector<1x16xf32>,
      %get3A_2434 = vector.shape_cast %get3A_2433 : vector<1x16xf32> to vector<16xf32>
      %swap3A = arith.index_cast %scan3A_2430 : i32 to index
      %swap3A_2435 = arith.constant 0 : index
      %swap3A_2436 = tpu.vector_load %arg8[%swap3A, %swap3A_2435] {strides = array<i32>} : memref<512x64xf32, #tpu.memory_space<vmem>>, vector<1x16xf32>,
      %swap3A_2437 = vector.shape_cast %swap3A_2436 : vector<1x16xf32> to vector<16xf32>
      %swap3A_2438 = vector.shape_cast %get3A_2434 : vector<16xf32> to vector<1x16xf32>
      tpu.vector_store %arg8[%swap3A, %swap3A_2435], %swap3A_2438 {add = true, strides = array<i32>} : memref<512x64xf32, #tpu.memory_space<vmem>>, vector<1x16xf32>,
      %get3A_2439 = arith.index_cast %scan3A_2430 : i32 to index
      %get3A_2440 = arith.constant 16 : index
      %get3A_2441 = tpu.vector_load %arg6[%get3A_2439, %get3A_2440] {strides = array<i32>} : memref<512x64xf32, #tpu.memory_space<vmem>>, vector<1x16xf32>,
      %get3A_2442 = vector.shape_cast %get3A_2441 : vector<1x16xf32> to vector<16xf32>
      %swap3A_2443 = arith.index_cast %scan3A_2430 : i32 to index
      %swap3A_2444 = arith.constant 16 : index
      %swap3A_2445 = tpu.vector_load %arg8[%swap3A_2443, %swap3A_2444] {strides = array<i32>} : memref<512x64xf32, #tpu.memory_space<vmem>>, vector<1x16xf32>,
      %swap3A_2446 = vector.shape_cast %swap3A_2445 : vector<1x16xf32> to vector<16xf32>
      %swap3A_2447 = vector.shape_cast %get3A_2442 : vector<16xf32> to vector<1x16xf32>
      tpu.vector_store %arg8[%swap3A_2443, %swap3A_2444], %swap3A_2447 {add = true, strides = array<i32>} : memref<512x64xf32, #tpu.memory_space<vmem>>, vector<1x16xf32>,
      %get3A_2448 = arith.index_cast %scan3A_2430 : i32 to index
      %get3A_2449 = arith.constant 32 : index
      %get3A_2450 = tpu.vector_load %arg6[%get3A_2448, %get3A_2449] {strides = array<i32>} : memref<512x64xf32, #tpu.memory_space<vmem>>, vector<1x16xf32>,
      %get3A_2451 = vector.shape_cast %get3A_2450 : vector<1x16xf32> to vector<16xf32>
      %swap3A_2452 = arith.index_cast %scan3A_2430 : i32 to index
      %swap3A_2453 = arith.constant 32 : index
      %swap3A_2454 = tpu.vector_load %arg8[%swap3A_2452, %swap3A_2453] {strides = array<i32>} : memref<512x64xf32, #tpu.memory_space<vmem>>, vector<1x16xf32>,
      %swap3A_2455 = vector.shape_cast %swap3A_2454 : vector<1x16xf32> to vector<16xf32>
      %swap3A_2456 = vector.shape_cast %get3A_2451 : vector<16xf32> to vector<1x16xf32>
      tpu.vector_store %arg8[%swap3A_2452, %swap3A_2453], %swap3A_2456 {add = true, strides = array<i32>} : memref<512x64xf32, #tpu.memory_space<vmem>>, vector<1x16xf32>,
      %get3A_2457 = arith.index_cast %scan3A_2430 : i32 to index
      %get3A_2458 = arith.constant 48 : index
      %get3A_2459 = tpu.vector_load %arg6[%get3A_2457, %get3A_2458] {strides = array<i32>} : memref<512x64xf32, #tpu.memory_space<vmem>>, vector<1x16xf32>,
      %get3A_2460 = vector.shape_cast %get3A_2459 : vector<1x16xf32> to vector<16xf32>
      %swap3A_2461 = arith.index_cast %scan3A_2430 : i32 to index
      %swap3A_2462 = arith.constant 48 : index
      %swap3A_2463 = tpu.vector_load %arg8[%swap3A_2461, %swap3A_2462] {strides = array<i32>} : memref<512x64xf32, #tpu.memory_space<vmem>>, vector<1x16xf32>,
      %swap3A_2464 = vector.shape_cast %swap3A_2463 : vector<1x16xf32> to vector<16xf32>
      %swap3A_2465 = vector.shape_cast %get3A_2460 : vector<16xf32> to vector<1x16xf32>
      tpu.vector_store %arg8[%swap3A_2461, %swap3A_2462], %swap3A_2465 {add = true, strides = array<i32>} : memref<512x64xf32, #tpu.memory_space<vmem>>, vector<1x16xf32>,
      %scan3A_2466 = arith.constant 0 : i32
      scf.yield %scan3A_2466 : i32
    }
    %scan3A_1512 = arith.constant 512 : i32
    %dma_start3A_1513 = arith.constant 16 : i32
    %dma_start3A_1514 = arith.constant 0 : i32
    %dma_start3A_1515 = arith.constant 0 : i32
    %dma_start3A_1516 = tpu.memref_slice %arg6[%dma_start3A_1514, %dma_start3A_1515] : memref<512x64xf32, #tpu.memory_space<vmem>> -> memref<128x64xf32, #tpu.memory_space<vmem>>
    %dma_start3A_1517 = arith.constant 0 : i32
    %dma_start3A_1518 = tpu.memref_slice %arg5[%dma_start3A_1513, %dma_start3A_1517] : memref<26x512xi32, #tpu.memory_space<vmem>> -> memref<1x128xi32, #tpu.memory_space<vmem>>
    %dma_start3A_1519 = tpu.memref_squeeze %dma_start3A_1518 : memref<1x128xi32, #tpu.memory_space<vmem>> -> memref<128xi32, #tpu.memory_space<vmem>>
    %dma_start3A_1520 = arith.constant 0 : i32
    %dma_start3A_1521 = arith.constant 0 : i32
    %dma_start3A_1522 = tpu.memref_slice %arg2[%dma_start3A_1520, %dma_start3A_1521] : memref<2600000x64xf32, #tpu.memory_space<hbm>> -> memref<2600000x64xf32, #tpu.memory_space<hbm>>
    tpu.enqueue_indirect_dma source(%dma_start3A_1522 : memref<2600000x64xf32, #tpu.memory_space<hbm>>) target(%dma_start3A_1516 : memref<128x64xf32, #tpu.memory_space<vmem>>) offsets(%dma_start3A_1519 : memref<128xi32, #tpu.memory_space<vmem>>) semaphore(%arg9 : memref<!tpu.dma_semaphore, #tpu.memory_space<semaphore_mem>>)
    %dma_start3A_1523 = arith.constant 16 : i32
    %dma_start3A_1524 = arith.constant 128 : i32
    %dma_start3A_1525 = arith.constant 0 : i32
    %dma_start3A_1526 = tpu.memref_slice %arg6[%dma_start3A_1524, %dma_start3A_1525] : memref<512x64xf32, #tpu.memory_space<vmem>> -> memref<128x64xf32, #tpu.memory_space<vmem>>
    %dma_start3A_1527 = arith.constant 128 : i32
    %dma_start3A_1528 = tpu.memref_slice %arg5[%dma_start3A_1523, %dma_start3A_1527] : memref<26x512xi32, #tpu.memory_space<vmem>> -> memref<1x128xi32, #tpu.memory_space<vmem>>
    %dma_start3A_1529 = tpu.memref_squeeze %dma_start3A_1528 : memref<1x128xi32, #tpu.memory_space<vmem>> -> memref<128xi32, #tpu.memory_space<vmem>>
    %dma_start3A_1530 = arith.constant 0 : i32
    %dma_start3A_1531 = arith.constant 0 : i32
    %dma_start3A_1532 = tpu.memref_slice %arg2[%dma_start3A_1530, %dma_start3A_1531] : memref<2600000x64xf32, #tpu.memory_space<hbm>> -> memref<2600000x64xf32, #tpu.memory_space<hbm>>
    tpu.enqueue_indirect_dma source(%dma_start3A_1532 : memref<2600000x64xf32, #tpu.memory_space<hbm>>) target(%dma_start3A_1526 : memref<128x64xf32, #tpu.memory_space<vmem>>) offsets(%dma_start3A_1529 : memref<128xi32, #tpu.memory_space<vmem>>) semaphore(%arg9 : memref<!tpu.dma_semaphore, #tpu.memory_space<semaphore_mem>>)
    %dma_start3A_1533 = arith.constant 16 : i32
    %dma_start3A_1534 = arith.constant 256 : i32
    %dma_start3A_1535 = arith.constant 0 : i32
    %dma_start3A_1536 = tpu.memref_slice %arg6[%dma_start3A_1534, %dma_start3A_1535] : memref<512x64xf32, #tpu.memory_space<vmem>> -> memref<128x64xf32, #tpu.memory_space<vmem>>
    %dma_start3A_1537 = arith.constant 256 : i32
    %dma_start3A_1538 = tpu.memref_slice %arg5[%dma_start3A_1533, %dma_start3A_1537] : memref<26x512xi32, #tpu.memory_space<vmem>> -> memref<1x128xi32, #tpu.memory_space<vmem>>
    %dma_start3A_1539 = tpu.memref_squeeze %dma_start3A_1538 : memref<1x128xi32, #tpu.memory_space<vmem>> -> memref<128xi32, #tpu.memory_space<vmem>>
    %dma_start3A_1540 = arith.constant 0 : i32
    %dma_start3A_1541 = arith.constant 0 : i32
    %dma_start3A_1542 = tpu.memref_slice %arg2[%dma_start3A_1540, %dma_start3A_1541] : memref<2600000x64xf32, #tpu.memory_space<hbm>> -> memref<2600000x64xf32, #tpu.memory_space<hbm>>
    tpu.enqueue_indirect_dma source(%dma_start3A_1542 : memref<2600000x64xf32, #tpu.memory_space<hbm>>) target(%dma_start3A_1536 : memref<128x64xf32, #tpu.memory_space<vmem>>) offsets(%dma_start3A_1539 : memref<128xi32, #tpu.memory_space<vmem>>) semaphore(%arg9 : memref<!tpu.dma_semaphore, #tpu.memory_space<semaphore_mem>>)
    %dma_start3A_1543 = arith.constant 16 : i32
    %dma_start3A_1544 = arith.constant 384 : i32
    %dma_start3A_1545 = arith.constant 0 : i32
    %dma_start3A_1546 = tpu.memref_slice %arg6[%dma_start3A_1544, %dma_start3A_1545] : memref<512x64xf32, #tpu.memory_space<vmem>> -> memref<128x64xf32, #tpu.memory_space<vmem>>
    %dma_start3A_1547 = arith.constant 384 : i32
    %dma_start3A_1548 = tpu.memref_slice %arg5[%dma_start3A_1543, %dma_start3A_1547] : memref<26x512xi32, #tpu.memory_space<vmem>> -> memref<1x128xi32, #tpu.memory_space<vmem>>
    %dma_start3A_1549 = tpu.memref_squeeze %dma_start3A_1548 : memref<1x128xi32, #tpu.memory_space<vmem>> -> memref<128xi32, #tpu.memory_space<vmem>>
    %dma_start3A_1550 = arith.constant 0 : i32
    %dma_start3A_1551 = arith.constant 0 : i32
    %dma_start3A_1552 = tpu.memref_slice %arg2[%dma_start3A_1550, %dma_start3A_1551] : memref<2600000x64xf32, #tpu.memory_space<hbm>> -> memref<2600000x64xf32, #tpu.memory_space<hbm>>
    tpu.enqueue_indirect_dma source(%dma_start3A_1552 : memref<2600000x64xf32, #tpu.memory_space<hbm>>) target(%dma_start3A_1546 : memref<128x64xf32, #tpu.memory_space<vmem>>) offsets(%dma_start3A_1549 : memref<128xi32, #tpu.memory_space<vmem>>) semaphore(%arg9 : memref<!tpu.dma_semaphore, #tpu.memory_space<semaphore_mem>>)
    %dma_wait3A_1553 = arith.constant 15 : i32
    %dma_wait3A_1554 = arith.constant 0 : i32
    %dma_wait3A_1555 = arith.constant 0 : i32
    %dma_wait3A_1556 = tpu.memref_slice %arg7[%dma_wait3A_1554, %dma_wait3A_1555] : memref<512x64xf32, #tpu.memory_space<vmem>> -> memref<128x64xf32, #tpu.memory_space<vmem>>
    %dma_wait3A_1557 = arith.constant 0 : i32
    %dma_wait3A_1558 = tpu.memref_slice %arg5[%dma_wait3A_1553, %dma_wait3A_1557] : memref<26x512xi32, #tpu.memory_space<vmem>> -> memref<1x128xi32, #tpu.memory_space<vmem>>
    %dma_wait3A_1559 = tpu.memref_squeeze %dma_wait3A_1558 : memref<1x128xi32, #tpu.memory_space<vmem>> -> memref<128xi32, #tpu.memory_space<vmem>>
    %dma_wait3A_1560 = arith.constant 0 : i32
    %dma_wait3A_1561 = arith.constant 0 : i32
    %dma_wait3A_1562 = tpu.memref_slice %arg2[%dma_wait3A_1560, %dma_wait3A_1561] : memref<2600000x64xf32, #tpu.memory_space<hbm>> -> memref<2600000x64xf32, #tpu.memory_space<hbm>>
    tpu.wait_indirect_dma semaphore(%arg10 : memref<!tpu.dma_semaphore, #tpu.memory_space<semaphore_mem>>) src(%dma_wait3A_1562 : memref<2600000x64xf32, #tpu.memory_space<hbm>>) dst(%dma_wait3A_1556 : memref<128x64xf32, #tpu.memory_space<vmem>>)
    %dma_wait3A_1563 = arith.constant 15 : i32
    %dma_wait3A_1564 = arith.constant 128 : i32
    %dma_wait3A_1565 = arith.constant 0 : i32
    %dma_wait3A_1566 = tpu.memref_slice %arg7[%dma_wait3A_1564, %dma_wait3A_1565] : memref<512x64xf32, #tpu.memory_space<vmem>> -> memref<128x64xf32, #tpu.memory_space<vmem>>
    %dma_wait3A_1567 = arith.constant 128 : i32
    %dma_wait3A_1568 = tpu.memref_slice %arg5[%dma_wait3A_1563, %dma_wait3A_1567] : memref<26x512xi32, #tpu.memory_space<vmem>> -> memref<1x128xi32, #tpu.memory_space<vmem>>
    %dma_wait3A_1569 = tpu.memref_squeeze %dma_wait3A_1568 : memref<1x128xi32, #tpu.memory_space<vmem>> -> memref<128xi32, #tpu.memory_space<vmem>>
    %dma_wait3A_1570 = arith.constant 0 : i32
    %dma_wait3A_1571 = arith.constant 0 : i32
    %dma_wait3A_1572 = tpu.memref_slice %arg2[%dma_wait3A_1570, %dma_wait3A_1571] : memref<2600000x64xf32, #tpu.memory_space<hbm>> -> memref<2600000x64xf32, #tpu.memory_space<hbm>>
    tpu.wait_indirect_dma semaphore(%arg10 : memref<!tpu.dma_semaphore, #tpu.memory_space<semaphore_mem>>) src(%dma_wait3A_1572 : memref<2600000x64xf32, #tpu.memory_space<hbm>>) dst(%dma_wait3A_1566 : memref<128x64xf32, #tpu.memory_space<vmem>>)
    %dma_wait3A_1573 = arith.constant 15 : i32
    %dma_wait3A_1574 = arith.constant 256 : i32
    %dma_wait3A_1575 = arith.constant 0 : i32
    %dma_wait3A_1576 = tpu.memref_slice %arg7[%dma_wait3A_1574, %dma_wait3A_1575] : memref<512x64xf32, #tpu.memory_space<vmem>> -> memref<128x64xf32, #tpu.memory_space<vmem>>
    %dma_wait3A_1577 = arith.constant 256 : i32
    %dma_wait3A_1578 = tpu.memref_slice %arg5[%dma_wait3A_1573, %dma_wait3A_1577] : memref<26x512xi32, #tpu.memory_space<vmem>> -> memref<1x128xi32, #tpu.memory_space<vmem>>
    %dma_wait3A_1579 = tpu.memref_squeeze %dma_wait3A_1578 : memref<1x128xi32, #tpu.memory_space<vmem>> -> memref<128xi32, #tpu.memory_space<vmem>>
    %dma_wait3A_1580 = arith.constant 0 : i32
    %dma_wait3A_1581 = arith.constant 0 : i32
    %dma_wait3A_1582 = tpu.memref_slice %arg2[%dma_wait3A_1580, %dma_wait3A_1581] : memref<2600000x64xf32, #tpu.memory_space<hbm>> -> memref<2600000x64xf32, #tpu.memory_space<hbm>>
    tpu.wait_indirect_dma semaphore(%arg10 : memref<!tpu.dma_semaphore, #tpu.memory_space<semaphore_mem>>) src(%dma_wait3A_1582 : memref<2600000x64xf32, #tpu.memory_space<hbm>>) dst(%dma_wait3A_1576 : memref<128x64xf32, #tpu.memory_space<vmem>>)
    %dma_wait3A_1583 = arith.constant 15 : i32
    %dma_wait3A_1584 = arith.constant 384 : i32
    %dma_wait3A_1585 = arith.constant 0 : i32
    %dma_wait3A_1586 = tpu.memref_slice %arg7[%dma_wait3A_1584, %dma_wait3A_1585] : memref<512x64xf32, #tpu.memory_space<vmem>> -> memref<128x64xf32, #tpu.memory_space<vmem>>
    %dma_wait3A_1587 = arith.constant 384 : i32
    %dma_wait3A_1588 = tpu.memref_slice %arg5[%dma_wait3A_1583, %dma_wait3A_1587] : memref<26x512xi32, #tpu.memory_space<vmem>> -> memref<1x128xi32, #tpu.memory_space<vmem>>
    %dma_wait3A_1589 = tpu.memref_squeeze %dma_wait3A_1588 : memref<1x128xi32, #tpu.memory_space<vmem>> -> memref<128xi32, #tpu.memory_space<vmem>>
    %dma_wait3A_1590 = arith.constant 0 : i32
    %dma_wait3A_1591 = arith.constant 0 : i32
    %dma_wait3A_1592 = tpu.memref_slice %arg2[%dma_wait3A_1590, %dma_wait3A_1591] : memref<2600000x64xf32, #tpu.memory_space<hbm>> -> memref<2600000x64xf32, #tpu.memory_space<hbm>>
    tpu.wait_indirect_dma semaphore(%arg10 : memref<!tpu.dma_semaphore, #tpu.memory_space<semaphore_mem>>) src(%dma_wait3A_1592 : memref<2600000x64xf32, #tpu.memory_space<hbm>>) dst(%dma_wait3A_1586 : memref<128x64xf32, #tpu.memory_space<vmem>>)
    %scan3A_1593 = arith.constant 0 : i32
    %scan3A_1594 = arith.constant 0 : i32
    %scan3A_1595 = arith.constant 512 : i32
    %scan3A_1596 = arith.addi %scan3A_1594, %scan3A_1595 : i32
    %scan3A_1597 = arith.constant 1 : i32
    %scan3A_1598 = scf.for %scan3A_2430 = %scan3A_1594 to %scan3A_1596 step %scan3A_1597 iter_args(%scan3A_2431 = %scan3A_1593) -> (i32)  : i32 {
      %get3A = arith.index_cast %scan3A_2430 : i32 to index
      %get3A_2432 = arith.constant 0 : index
      %get3A_2433 = tpu.vector_load %arg7[%get3A, %get3A_2432] {strides = array<i32>} : memref<512x64xf32, #tpu.memory_space<vmem>>, vector<1x16xf32>,
      %get3A_2434 = vector.shape_cast %get3A_2433 : vector<1x16xf32> to vector<16xf32>
      %swap3A = arith.index_cast %scan3A_2430 : i32 to index
      %swap3A_2435 = arith.constant 0 : index
      %swap3A_2436 = tpu.vector_load %arg8[%swap3A, %swap3A_2435] {strides = array<i32>} : memref<512x64xf32, #tpu.memory_space<vmem>>, vector<1x16xf32>,
      %swap3A_2437 = vector.shape_cast %swap3A_2436 : vector<1x16xf32> to vector<16xf32>
      %swap3A_2438 = vector.shape_cast %get3A_2434 : vector<16xf32> to vector<1x16xf32>
      tpu.vector_store %arg8[%swap3A, %swap3A_2435], %swap3A_2438 {add = true, strides = array<i32>} : memref<512x64xf32, #tpu.memory_space<vmem>>, vector<1x16xf32>,
      %get3A_2439 = arith.index_cast %scan3A_2430 : i32 to index
      %get3A_2440 = arith.constant 16 : index
      %get3A_2441 = tpu.vector_load %arg7[%get3A_2439, %get3A_2440] {strides = array<i32>} : memref<512x64xf32, #tpu.memory_space<vmem>>, vector<1x16xf32>,
      %get3A_2442 = vector.shape_cast %get3A_2441 : vector<1x16xf32> to vector<16xf32>
      %swap3A_2443 = arith.index_cast %scan3A_2430 : i32 to index
      %swap3A_2444 = arith.constant 16 : index
      %swap3A_2445 = tpu.vector_load %arg8[%swap3A_2443, %swap3A_2444] {strides = array<i32>} : memref<512x64xf32, #tpu.memory_space<vmem>>, vector<1x16xf32>,
      %swap3A_2446 = vector.shape_cast %swap3A_2445 : vector<1x16xf32> to vector<16xf32>
      %swap3A_2447 = vector.shape_cast %get3A_2442 : vector<16xf32> to vector<1x16xf32>
      tpu.vector_store %arg8[%swap3A_2443, %swap3A_2444], %swap3A_2447 {add = true, strides = array<i32>} : memref<512x64xf32, #tpu.memory_space<vmem>>, vector<1x16xf32>,
      %get3A_2448 = arith.index_cast %scan3A_2430 : i32 to index
      %get3A_2449 = arith.constant 32 : index
      %get3A_2450 = tpu.vector_load %arg7[%get3A_2448, %get3A_2449] {strides = array<i32>} : memref<512x64xf32, #tpu.memory_space<vmem>>, vector<1x16xf32>,
      %get3A_2451 = vector.shape_cast %get3A_2450 : vector<1x16xf32> to vector<16xf32>
      %swap3A_2452 = arith.index_cast %scan3A_2430 : i32 to index
      %swap3A_2453 = arith.constant 32 : index
      %swap3A_2454 = tpu.vector_load %arg8[%swap3A_2452, %swap3A_2453] {strides = array<i32>} : memref<512x64xf32, #tpu.memory_space<vmem>>, vector<1x16xf32>,
      %swap3A_2455 = vector.shape_cast %swap3A_2454 : vector<1x16xf32> to vector<16xf32>
      %swap3A_2456 = vector.shape_cast %get3A_2451 : vector<16xf32> to vector<1x16xf32>
      tpu.vector_store %arg8[%swap3A_2452, %swap3A_2453], %swap3A_2456 {add = true, strides = array<i32>} : memref<512x64xf32, #tpu.memory_space<vmem>>, vector<1x16xf32>,
      %get3A_2457 = arith.index_cast %scan3A_2430 : i32 to index
      %get3A_2458 = arith.constant 48 : index
      %get3A_2459 = tpu.vector_load %arg7[%get3A_2457, %get3A_2458] {strides = array<i32>} : memref<512x64xf32, #tpu.memory_space<vmem>>, vector<1x16xf32>,
      %get3A_2460 = vector.shape_cast %get3A_2459 : vector<1x16xf32> to vector<16xf32>
      %swap3A_2461 = arith.index_cast %scan3A_2430 : i32 to index
      %swap3A_2462 = arith.constant 48 : index
      %swap3A_2463 = tpu.vector_load %arg8[%swap3A_2461, %swap3A_2462] {strides = array<i32>} : memref<512x64xf32, #tpu.memory_space<vmem>>, vector<1x16xf32>,
      %swap3A_2464 = vector.shape_cast %swap3A_2463 : vector<1x16xf32> to vector<16xf32>
      %swap3A_2465 = vector.shape_cast %get3A_2460 : vector<16xf32> to vector<1x16xf32>
      tpu.vector_store %arg8[%swap3A_2461, %swap3A_2462], %swap3A_2465 {add = true, strides = array<i32>} : memref<512x64xf32, #tpu.memory_space<vmem>>, vector<1x16xf32>,
      %scan3A_2466 = arith.constant 0 : i32
      scf.yield %scan3A_2466 : i32
    }
    %scan3A_1599 = arith.constant 512 : i32
    %dma_start3A_1600 = arith.constant 17 : i32
    %dma_start3A_1601 = arith.constant 0 : i32
    %dma_start3A_1602 = arith.constant 0 : i32
    %dma_start3A_1603 = tpu.memref_slice %arg7[%dma_start3A_1601, %dma_start3A_1602] : memref<512x64xf32, #tpu.memory_space<vmem>> -> memref<128x64xf32, #tpu.memory_space<vmem>>
    %dma_start3A_1604 = arith.constant 0 : i32
    %dma_start3A_1605 = tpu.memref_slice %arg5[%dma_start3A_1600, %dma_start3A_1604] : memref<26x512xi32, #tpu.memory_space<vmem>> -> memref<1x128xi32, #tpu.memory_space<vmem>>
    %dma_start3A_1606 = tpu.memref_squeeze %dma_start3A_1605 : memref<1x128xi32, #tpu.memory_space<vmem>> -> memref<128xi32, #tpu.memory_space<vmem>>
    %dma_start3A_1607 = arith.constant 0 : i32
    %dma_start3A_1608 = arith.constant 0 : i32
    %dma_start3A_1609 = tpu.memref_slice %arg2[%dma_start3A_1607, %dma_start3A_1608] : memref<2600000x64xf32, #tpu.memory_space<hbm>> -> memref<2600000x64xf32, #tpu.memory_space<hbm>>
    tpu.enqueue_indirect_dma source(%dma_start3A_1609 : memref<2600000x64xf32, #tpu.memory_space<hbm>>) target(%dma_start3A_1603 : memref<128x64xf32, #tpu.memory_space<vmem>>) offsets(%dma_start3A_1606 : memref<128xi32, #tpu.memory_space<vmem>>) semaphore(%arg10 : memref<!tpu.dma_semaphore, #tpu.memory_space<semaphore_mem>>)
    %dma_start3A_1610 = arith.constant 17 : i32
    %dma_start3A_1611 = arith.constant 128 : i32
    %dma_start3A_1612 = arith.constant 0 : i32
    %dma_start3A_1613 = tpu.memref_slice %arg7[%dma_start3A_1611, %dma_start3A_1612] : memref<512x64xf32, #tpu.memory_space<vmem>> -> memref<128x64xf32, #tpu.memory_space<vmem>>
    %dma_start3A_1614 = arith.constant 128 : i32
    %dma_start3A_1615 = tpu.memref_slice %arg5[%dma_start3A_1610, %dma_start3A_1614] : memref<26x512xi32, #tpu.memory_space<vmem>> -> memref<1x128xi32, #tpu.memory_space<vmem>>
    %dma_start3A_1616 = tpu.memref_squeeze %dma_start3A_1615 : memref<1x128xi32, #tpu.memory_space<vmem>> -> memref<128xi32, #tpu.memory_space<vmem>>
    %dma_start3A_1617 = arith.constant 0 : i32
    %dma_start3A_1618 = arith.constant 0 : i32
    %dma_start3A_1619 = tpu.memref_slice %arg2[%dma_start3A_1617, %dma_start3A_1618] : memref<2600000x64xf32, #tpu.memory_space<hbm>> -> memref<2600000x64xf32, #tpu.memory_space<hbm>>
    tpu.enqueue_indirect_dma source(%dma_start3A_1619 : memref<2600000x64xf32, #tpu.memory_space<hbm>>) target(%dma_start3A_1613 : memref<128x64xf32, #tpu.memory_space<vmem>>) offsets(%dma_start3A_1616 : memref<128xi32, #tpu.memory_space<vmem>>) semaphore(%arg10 : memref<!tpu.dma_semaphore, #tpu.memory_space<semaphore_mem>>)
    %dma_start3A_1620 = arith.constant 17 : i32
    %dma_start3A_1621 = arith.constant 256 : i32
    %dma_start3A_1622 = arith.constant 0 : i32
    %dma_start3A_1623 = tpu.memref_slice %arg7[%dma_start3A_1621, %dma_start3A_1622] : memref<512x64xf32, #tpu.memory_space<vmem>> -> memref<128x64xf32, #tpu.memory_space<vmem>>
    %dma_start3A_1624 = arith.constant 256 : i32
    %dma_start3A_1625 = tpu.memref_slice %arg5[%dma_start3A_1620, %dma_start3A_1624] : memref<26x512xi32, #tpu.memory_space<vmem>> -> memref<1x128xi32, #tpu.memory_space<vmem>>
    %dma_start3A_1626 = tpu.memref_squeeze %dma_start3A_1625 : memref<1x128xi32, #tpu.memory_space<vmem>> -> memref<128xi32, #tpu.memory_space<vmem>>
    %dma_start3A_1627 = arith.constant 0 : i32
    %dma_start3A_1628 = arith.constant 0 : i32
    %dma_start3A_1629 = tpu.memref_slice %arg2[%dma_start3A_1627, %dma_start3A_1628] : memref<2600000x64xf32, #tpu.memory_space<hbm>> -> memref<2600000x64xf32, #tpu.memory_space<hbm>>
    tpu.enqueue_indirect_dma source(%dma_start3A_1629 : memref<2600000x64xf32, #tpu.memory_space<hbm>>) target(%dma_start3A_1623 : memref<128x64xf32, #tpu.memory_space<vmem>>) offsets(%dma_start3A_1626 : memref<128xi32, #tpu.memory_space<vmem>>) semaphore(%arg10 : memref<!tpu.dma_semaphore, #tpu.memory_space<semaphore_mem>>)
    %dma_start3A_1630 = arith.constant 17 : i32
    %dma_start3A_1631 = arith.constant 384 : i32
    %dma_start3A_1632 = arith.constant 0 : i32
    %dma_start3A_1633 = tpu.memref_slice %arg7[%dma_start3A_1631, %dma_start3A_1632] : memref<512x64xf32, #tpu.memory_space<vmem>> -> memref<128x64xf32, #tpu.memory_space<vmem>>
    %dma_start3A_1634 = arith.constant 384 : i32
    %dma_start3A_1635 = tpu.memref_slice %arg5[%dma_start3A_1630, %dma_start3A_1634] : memref<26x512xi32, #tpu.memory_space<vmem>> -> memref<1x128xi32, #tpu.memory_space<vmem>>
    %dma_start3A_1636 = tpu.memref_squeeze %dma_start3A_1635 : memref<1x128xi32, #tpu.memory_space<vmem>> -> memref<128xi32, #tpu.memory_space<vmem>>
    %dma_start3A_1637 = arith.constant 0 : i32
    %dma_start3A_1638 = arith.constant 0 : i32
    %dma_start3A_1639 = tpu.memref_slice %arg2[%dma_start3A_1637, %dma_start3A_1638] : memref<2600000x64xf32, #tpu.memory_space<hbm>> -> memref<2600000x64xf32, #tpu.memory_space<hbm>>
    tpu.enqueue_indirect_dma source(%dma_start3A_1639 : memref<2600000x64xf32, #tpu.memory_space<hbm>>) target(%dma_start3A_1633 : memref<128x64xf32, #tpu.memory_space<vmem>>) offsets(%dma_start3A_1636 : memref<128xi32, #tpu.memory_space<vmem>>) semaphore(%arg10 : memref<!tpu.dma_semaphore, #tpu.memory_space<semaphore_mem>>)
    %dma_wait3A_1640 = arith.constant 16 : i32
    %dma_wait3A_1641 = arith.constant 0 : i32
    %dma_wait3A_1642 = arith.constant 0 : i32
    %dma_wait3A_1643 = tpu.memref_slice %arg6[%dma_wait3A_1641, %dma_wait3A_1642] : memref<512x64xf32, #tpu.memory_space<vmem>> -> memref<128x64xf32, #tpu.memory_space<vmem>>
    %dma_wait3A_1644 = arith.constant 0 : i32
    %dma_wait3A_1645 = tpu.memref_slice %arg5[%dma_wait3A_1640, %dma_wait3A_1644] : memref<26x512xi32, #tpu.memory_space<vmem>> -> memref<1x128xi32, #tpu.memory_space<vmem>>
    %dma_wait3A_1646 = tpu.memref_squeeze %dma_wait3A_1645 : memref<1x128xi32, #tpu.memory_space<vmem>> -> memref<128xi32, #tpu.memory_space<vmem>>
    %dma_wait3A_1647 = arith.constant 0 : i32
    %dma_wait3A_1648 = arith.constant 0 : i32
    %dma_wait3A_1649 = tpu.memref_slice %arg2[%dma_wait3A_1647, %dma_wait3A_1648] : memref<2600000x64xf32, #tpu.memory_space<hbm>> -> memref<2600000x64xf32, #tpu.memory_space<hbm>>
    tpu.wait_indirect_dma semaphore(%arg9 : memref<!tpu.dma_semaphore, #tpu.memory_space<semaphore_mem>>) src(%dma_wait3A_1649 : memref<2600000x64xf32, #tpu.memory_space<hbm>>) dst(%dma_wait3A_1643 : memref<128x64xf32, #tpu.memory_space<vmem>>)
    %dma_wait3A_1650 = arith.constant 16 : i32
    %dma_wait3A_1651 = arith.constant 128 : i32
    %dma_wait3A_1652 = arith.constant 0 : i32
    %dma_wait3A_1653 = tpu.memref_slice %arg6[%dma_wait3A_1651, %dma_wait3A_1652] : memref<512x64xf32, #tpu.memory_space<vmem>> -> memref<128x64xf32, #tpu.memory_space<vmem>>
    %dma_wait3A_1654 = arith.constant 128 : i32
    %dma_wait3A_1655 = tpu.memref_slice %arg5[%dma_wait3A_1650, %dma_wait3A_1654] : memref<26x512xi32, #tpu.memory_space<vmem>> -> memref<1x128xi32, #tpu.memory_space<vmem>>
    %dma_wait3A_1656 = tpu.memref_squeeze %dma_wait3A_1655 : memref<1x128xi32, #tpu.memory_space<vmem>> -> memref<128xi32, #tpu.memory_space<vmem>>
    %dma_wait3A_1657 = arith.constant 0 : i32
    %dma_wait3A_1658 = arith.constant 0 : i32
    %dma_wait3A_1659 = tpu.memref_slice %arg2[%dma_wait3A_1657, %dma_wait3A_1658] : memref<2600000x64xf32, #tpu.memory_space<hbm>> -> memref<2600000x64xf32, #tpu.memory_space<hbm>>
    tpu.wait_indirect_dma semaphore(%arg9 : memref<!tpu.dma_semaphore, #tpu.memory_space<semaphore_mem>>) src(%dma_wait3A_1659 : memref<2600000x64xf32, #tpu.memory_space<hbm>>) dst(%dma_wait3A_1653 : memref<128x64xf32, #tpu.memory_space<vmem>>)
    %dma_wait3A_1660 = arith.constant 16 : i32
    %dma_wait3A_1661 = arith.constant 256 : i32
    %dma_wait3A_1662 = arith.constant 0 : i32
    %dma_wait3A_1663 = tpu.memref_slice %arg6[%dma_wait3A_1661, %dma_wait3A_1662] : memref<512x64xf32, #tpu.memory_space<vmem>> -> memref<128x64xf32, #tpu.memory_space<vmem>>
    %dma_wait3A_1664 = arith.constant 256 : i32
    %dma_wait3A_1665 = tpu.memref_slice %arg5[%dma_wait3A_1660, %dma_wait3A_1664] : memref<26x512xi32, #tpu.memory_space<vmem>> -> memref<1x128xi32, #tpu.memory_space<vmem>>
    %dma_wait3A_1666 = tpu.memref_squeeze %dma_wait3A_1665 : memref<1x128xi32, #tpu.memory_space<vmem>> -> memref<128xi32, #tpu.memory_space<vmem>>
    %dma_wait3A_1667 = arith.constant 0 : i32
    %dma_wait3A_1668 = arith.constant 0 : i32
    %dma_wait3A_1669 = tpu.memref_slice %arg2[%dma_wait3A_1667, %dma_wait3A_1668] : memref<2600000x64xf32, #tpu.memory_space<hbm>> -> memref<2600000x64xf32, #tpu.memory_space<hbm>>
    tpu.wait_indirect_dma semaphore(%arg9 : memref<!tpu.dma_semaphore, #tpu.memory_space<semaphore_mem>>) src(%dma_wait3A_1669 : memref<2600000x64xf32, #tpu.memory_space<hbm>>) dst(%dma_wait3A_1663 : memref<128x64xf32, #tpu.memory_space<vmem>>)
    %dma_wait3A_1670 = arith.constant 16 : i32
    %dma_wait3A_1671 = arith.constant 384 : i32
    %dma_wait3A_1672 = arith.constant 0 : i32
    %dma_wait3A_1673 = tpu.memref_slice %arg6[%dma_wait3A_1671, %dma_wait3A_1672] : memref<512x64xf32, #tpu.memory_space<vmem>> -> memref<128x64xf32, #tpu.memory_space<vmem>>
    %dma_wait3A_1674 = arith.constant 384 : i32
    %dma_wait3A_1675 = tpu.memref_slice %arg5[%dma_wait3A_1670, %dma_wait3A_1674] : memref<26x512xi32, #tpu.memory_space<vmem>> -> memref<1x128xi32, #tpu.memory_space<vmem>>
    %dma_wait3A_1676 = tpu.memref_squeeze %dma_wait3A_1675 : memref<1x128xi32, #tpu.memory_space<vmem>> -> memref<128xi32, #tpu.memory_space<vmem>>
    %dma_wait3A_1677 = arith.constant 0 : i32
    %dma_wait3A_1678 = arith.constant 0 : i32
    %dma_wait3A_1679 = tpu.memref_slice %arg2[%dma_wait3A_1677, %dma_wait3A_1678] : memref<2600000x64xf32, #tpu.memory_space<hbm>> -> memref<2600000x64xf32, #tpu.memory_space<hbm>>
    tpu.wait_indirect_dma semaphore(%arg9 : memref<!tpu.dma_semaphore, #tpu.memory_space<semaphore_mem>>) src(%dma_wait3A_1679 : memref<2600000x64xf32, #tpu.memory_space<hbm>>) dst(%dma_wait3A_1673 : memref<128x64xf32, #tpu.memory_space<vmem>>)
    %scan3A_1680 = arith.constant 0 : i32
    %scan3A_1681 = arith.constant 0 : i32
    %scan3A_1682 = arith.constant 512 : i32
    %scan3A_1683 = arith.addi %scan3A_1681, %scan3A_1682 : i32
    %scan3A_1684 = arith.constant 1 : i32
    %scan3A_1685 = scf.for %scan3A_2430 = %scan3A_1681 to %scan3A_1683 step %scan3A_1684 iter_args(%scan3A_2431 = %scan3A_1680) -> (i32)  : i32 {
      %get3A = arith.index_cast %scan3A_2430 : i32 to index
      %get3A_2432 = arith.constant 0 : index
      %get3A_2433 = tpu.vector_load %arg6[%get3A, %get3A_2432] {strides = array<i32>} : memref<512x64xf32, #tpu.memory_space<vmem>>, vector<1x16xf32>,
      %get3A_2434 = vector.shape_cast %get3A_2433 : vector<1x16xf32> to vector<16xf32>
      %swap3A = arith.index_cast %scan3A_2430 : i32 to index
      %swap3A_2435 = arith.constant 0 : index
      %swap3A_2436 = tpu.vector_load %arg8[%swap3A, %swap3A_2435] {strides = array<i32>} : memref<512x64xf32, #tpu.memory_space<vmem>>, vector<1x16xf32>,
      %swap3A_2437 = vector.shape_cast %swap3A_2436 : vector<1x16xf32> to vector<16xf32>
      %swap3A_2438 = vector.shape_cast %get3A_2434 : vector<16xf32> to vector<1x16xf32>
      tpu.vector_store %arg8[%swap3A, %swap3A_2435], %swap3A_2438 {add = true, strides = array<i32>} : memref<512x64xf32, #tpu.memory_space<vmem>>, vector<1x16xf32>,
      %get3A_2439 = arith.index_cast %scan3A_2430 : i32 to index
      %get3A_2440 = arith.constant 16 : index
      %get3A_2441 = tpu.vector_load %arg6[%get3A_2439, %get3A_2440] {strides = array<i32>} : memref<512x64xf32, #tpu.memory_space<vmem>>, vector<1x16xf32>,
      %get3A_2442 = vector.shape_cast %get3A_2441 : vector<1x16xf32> to vector<16xf32>
      %swap3A_2443 = arith.index_cast %scan3A_2430 : i32 to index
      %swap3A_2444 = arith.constant 16 : index
      %swap3A_2445 = tpu.vector_load %arg8[%swap3A_2443, %swap3A_2444] {strides = array<i32>} : memref<512x64xf32, #tpu.memory_space<vmem>>, vector<1x16xf32>,
      %swap3A_2446 = vector.shape_cast %swap3A_2445 : vector<1x16xf32> to vector<16xf32>
      %swap3A_2447 = vector.shape_cast %get3A_2442 : vector<16xf32> to vector<1x16xf32>
      tpu.vector_store %arg8[%swap3A_2443, %swap3A_2444], %swap3A_2447 {add = true, strides = array<i32>} : memref<512x64xf32, #tpu.memory_space<vmem>>, vector<1x16xf32>,
      %get3A_2448 = arith.index_cast %scan3A_2430 : i32 to index
      %get3A_2449 = arith.constant 32 : index
      %get3A_2450 = tpu.vector_load %arg6[%get3A_2448, %get3A_2449] {strides = array<i32>} : memref<512x64xf32, #tpu.memory_space<vmem>>, vector<1x16xf32>,
      %get3A_2451 = vector.shape_cast %get3A_2450 : vector<1x16xf32> to vector<16xf32>
      %swap3A_2452 = arith.index_cast %scan3A_2430 : i32 to index
      %swap3A_2453 = arith.constant 32 : index
      %swap3A_2454 = tpu.vector_load %arg8[%swap3A_2452, %swap3A_2453] {strides = array<i32>} : memref<512x64xf32, #tpu.memory_space<vmem>>, vector<1x16xf32>,
      %swap3A_2455 = vector.shape_cast %swap3A_2454 : vector<1x16xf32> to vector<16xf32>
      %swap3A_2456 = vector.shape_cast %get3A_2451 : vector<16xf32> to vector<1x16xf32>
      tpu.vector_store %arg8[%swap3A_2452, %swap3A_2453], %swap3A_2456 {add = true, strides = array<i32>} : memref<512x64xf32, #tpu.memory_space<vmem>>, vector<1x16xf32>,
      %get3A_2457 = arith.index_cast %scan3A_2430 : i32 to index
      %get3A_2458 = arith.constant 48 : index
      %get3A_2459 = tpu.vector_load %arg6[%get3A_2457, %get3A_2458] {strides = array<i32>} : memref<512x64xf32, #tpu.memory_space<vmem>>, vector<1x16xf32>,
      %get3A_2460 = vector.shape_cast %get3A_2459 : vector<1x16xf32> to vector<16xf32>
      %swap3A_2461 = arith.index_cast %scan3A_2430 : i32 to index
      %swap3A_2462 = arith.constant 48 : index
      %swap3A_2463 = tpu.vector_load %arg8[%swap3A_2461, %swap3A_2462] {strides = array<i32>} : memref<512x64xf32, #tpu.memory_space<vmem>>, vector<1x16xf32>,
      %swap3A_2464 = vector.shape_cast %swap3A_2463 : vector<1x16xf32> to vector<16xf32>
      %swap3A_2465 = vector.shape_cast %get3A_2460 : vector<16xf32> to vector<1x16xf32>
      tpu.vector_store %arg8[%swap3A_2461, %swap3A_2462], %swap3A_2465 {add = true, strides = array<i32>} : memref<512x64xf32, #tpu.memory_space<vmem>>, vector<1x16xf32>,
      %scan3A_2466 = arith.constant 0 : i32
      scf.yield %scan3A_2466 : i32
    }
    %scan3A_1686 = arith.constant 512 : i32
    %dma_start3A_1687 = arith.constant 18 : i32
    %dma_start3A_1688 = arith.constant 0 : i32
    %dma_start3A_1689 = arith.constant 0 : i32
    %dma_start3A_1690 = tpu.memref_slice %arg6[%dma_start3A_1688, %dma_start3A_1689] : memref<512x64xf32, #tpu.memory_space<vmem>> -> memref<128x64xf32, #tpu.memory_space<vmem>>
    %dma_start3A_1691 = arith.constant 0 : i32
    %dma_start3A_1692 = tpu.memref_slice %arg5[%dma_start3A_1687, %dma_start3A_1691] : memref<26x512xi32, #tpu.memory_space<vmem>> -> memref<1x128xi32, #tpu.memory_space<vmem>>
    %dma_start3A_1693 = tpu.memref_squeeze %dma_start3A_1692 : memref<1x128xi32, #tpu.memory_space<vmem>> -> memref<128xi32, #tpu.memory_space<vmem>>
    %dma_start3A_1694 = arith.constant 0 : i32
    %dma_start3A_1695 = arith.constant 0 : i32
    %dma_start3A_1696 = tpu.memref_slice %arg2[%dma_start3A_1694, %dma_start3A_1695] : memref<2600000x64xf32, #tpu.memory_space<hbm>> -> memref<2600000x64xf32, #tpu.memory_space<hbm>>
    tpu.enqueue_indirect_dma source(%dma_start3A_1696 : memref<2600000x64xf32, #tpu.memory_space<hbm>>) target(%dma_start3A_1690 : memref<128x64xf32, #tpu.memory_space<vmem>>) offsets(%dma_start3A_1693 : memref<128xi32, #tpu.memory_space<vmem>>) semaphore(%arg9 : memref<!tpu.dma_semaphore, #tpu.memory_space<semaphore_mem>>)
    %dma_start3A_1697 = arith.constant 18 : i32
    %dma_start3A_1698 = arith.constant 128 : i32
    %dma_start3A_1699 = arith.constant 0 : i32
    %dma_start3A_1700 = tpu.memref_slice %arg6[%dma_start3A_1698, %dma_start3A_1699] : memref<512x64xf32, #tpu.memory_space<vmem>> -> memref<128x64xf32, #tpu.memory_space<vmem>>
    %dma_start3A_1701 = arith.constant 128 : i32
    %dma_start3A_1702 = tpu.memref_slice %arg5[%dma_start3A_1697, %dma_start3A_1701] : memref<26x512xi32, #tpu.memory_space<vmem>> -> memref<1x128xi32, #tpu.memory_space<vmem>>
    %dma_start3A_1703 = tpu.memref_squeeze %dma_start3A_1702 : memref<1x128xi32, #tpu.memory_space<vmem>> -> memref<128xi32, #tpu.memory_space<vmem>>
    %dma_start3A_1704 = arith.constant 0 : i32
    %dma_start3A_1705 = arith.constant 0 : i32
    %dma_start3A_1706 = tpu.memref_slice %arg2[%dma_start3A_1704, %dma_start3A_1705] : memref<2600000x64xf32, #tpu.memory_space<hbm>> -> memref<2600000x64xf32, #tpu.memory_space<hbm>>
    tpu.enqueue_indirect_dma source(%dma_start3A_1706 : memref<2600000x64xf32, #tpu.memory_space<hbm>>) target(%dma_start3A_1700 : memref<128x64xf32, #tpu.memory_space<vmem>>) offsets(%dma_start3A_1703 : memref<128xi32, #tpu.memory_space<vmem>>) semaphore(%arg9 : memref<!tpu.dma_semaphore, #tpu.memory_space<semaphore_mem>>)
    %dma_start3A_1707 = arith.constant 18 : i32
    %dma_start3A_1708 = arith.constant 256 : i32
    %dma_start3A_1709 = arith.constant 0 : i32
    %dma_start3A_1710 = tpu.memref_slice %arg6[%dma_start3A_1708, %dma_start3A_1709] : memref<512x64xf32, #tpu.memory_space<vmem>> -> memref<128x64xf32, #tpu.memory_space<vmem>>
    %dma_start3A_1711 = arith.constant 256 : i32
    %dma_start3A_1712 = tpu.memref_slice %arg5[%dma_start3A_1707, %dma_start3A_1711] : memref<26x512xi32, #tpu.memory_space<vmem>> -> memref<1x128xi32, #tpu.memory_space<vmem>>
    %dma_start3A_1713 = tpu.memref_squeeze %dma_start3A_1712 : memref<1x128xi32, #tpu.memory_space<vmem>> -> memref<128xi32, #tpu.memory_space<vmem>>
    %dma_start3A_1714 = arith.constant 0 : i32
    %dma_start3A_1715 = arith.constant 0 : i32
    %dma_start3A_1716 = tpu.memref_slice %arg2[%dma_start3A_1714, %dma_start3A_1715] : memref<2600000x64xf32, #tpu.memory_space<hbm>> -> memref<2600000x64xf32, #tpu.memory_space<hbm>>
    tpu.enqueue_indirect_dma source(%dma_start3A_1716 : memref<2600000x64xf32, #tpu.memory_space<hbm>>) target(%dma_start3A_1710 : memref<128x64xf32, #tpu.memory_space<vmem>>) offsets(%dma_start3A_1713 : memref<128xi32, #tpu.memory_space<vmem>>) semaphore(%arg9 : memref<!tpu.dma_semaphore, #tpu.memory_space<semaphore_mem>>)
    %dma_start3A_1717 = arith.constant 18 : i32
    %dma_start3A_1718 = arith.constant 384 : i32
    %dma_start3A_1719 = arith.constant 0 : i32
    %dma_start3A_1720 = tpu.memref_slice %arg6[%dma_start3A_1718, %dma_start3A_1719] : memref<512x64xf32, #tpu.memory_space<vmem>> -> memref<128x64xf32, #tpu.memory_space<vmem>>
    %dma_start3A_1721 = arith.constant 384 : i32
    %dma_start3A_1722 = tpu.memref_slice %arg5[%dma_start3A_1717, %dma_start3A_1721] : memref<26x512xi32, #tpu.memory_space<vmem>> -> memref<1x128xi32, #tpu.memory_space<vmem>>
    %dma_start3A_1723 = tpu.memref_squeeze %dma_start3A_1722 : memref<1x128xi32, #tpu.memory_space<vmem>> -> memref<128xi32, #tpu.memory_space<vmem>>
    %dma_start3A_1724 = arith.constant 0 : i32
    %dma_start3A_1725 = arith.constant 0 : i32
    %dma_start3A_1726 = tpu.memref_slice %arg2[%dma_start3A_1724, %dma_start3A_1725] : memref<2600000x64xf32, #tpu.memory_space<hbm>> -> memref<2600000x64xf32, #tpu.memory_space<hbm>>
    tpu.enqueue_indirect_dma source(%dma_start3A_1726 : memref<2600000x64xf32, #tpu.memory_space<hbm>>) target(%dma_start3A_1720 : memref<128x64xf32, #tpu.memory_space<vmem>>) offsets(%dma_start3A_1723 : memref<128xi32, #tpu.memory_space<vmem>>) semaphore(%arg9 : memref<!tpu.dma_semaphore, #tpu.memory_space<semaphore_mem>>)
    %dma_wait3A_1727 = arith.constant 17 : i32
    %dma_wait3A_1728 = arith.constant 0 : i32
    %dma_wait3A_1729 = arith.constant 0 : i32
    %dma_wait3A_1730 = tpu.memref_slice %arg7[%dma_wait3A_1728, %dma_wait3A_1729] : memref<512x64xf32, #tpu.memory_space<vmem>> -> memref<128x64xf32, #tpu.memory_space<vmem>>
    %dma_wait3A_1731 = arith.constant 0 : i32
    %dma_wait3A_1732 = tpu.memref_slice %arg5[%dma_wait3A_1727, %dma_wait3A_1731] : memref<26x512xi32, #tpu.memory_space<vmem>> -> memref<1x128xi32, #tpu.memory_space<vmem>>
    %dma_wait3A_1733 = tpu.memref_squeeze %dma_wait3A_1732 : memref<1x128xi32, #tpu.memory_space<vmem>> -> memref<128xi32, #tpu.memory_space<vmem>>
    %dma_wait3A_1734 = arith.constant 0 : i32
    %dma_wait3A_1735 = arith.constant 0 : i32
    %dma_wait3A_1736 = tpu.memref_slice %arg2[%dma_wait3A_1734, %dma_wait3A_1735] : memref<2600000x64xf32, #tpu.memory_space<hbm>> -> memref<2600000x64xf32, #tpu.memory_space<hbm>>
    tpu.wait_indirect_dma semaphore(%arg10 : memref<!tpu.dma_semaphore, #tpu.memory_space<semaphore_mem>>) src(%dma_wait3A_1736 : memref<2600000x64xf32, #tpu.memory_space<hbm>>) dst(%dma_wait3A_1730 : memref<128x64xf32, #tpu.memory_space<vmem>>)
    %dma_wait3A_1737 = arith.constant 17 : i32
    %dma_wait3A_1738 = arith.constant 128 : i32
    %dma_wait3A_1739 = arith.constant 0 : i32
    %dma_wait3A_1740 = tpu.memref_slice %arg7[%dma_wait3A_1738, %dma_wait3A_1739] : memref<512x64xf32, #tpu.memory_space<vmem>> -> memref<128x64xf32, #tpu.memory_space<vmem>>
    %dma_wait3A_1741 = arith.constant 128 : i32
    %dma_wait3A_1742 = tpu.memref_slice %arg5[%dma_wait3A_1737, %dma_wait3A_1741] : memref<26x512xi32, #tpu.memory_space<vmem>> -> memref<1x128xi32, #tpu.memory_space<vmem>>
    %dma_wait3A_1743 = tpu.memref_squeeze %dma_wait3A_1742 : memref<1x128xi32, #tpu.memory_space<vmem>> -> memref<128xi32, #tpu.memory_space<vmem>>
    %dma_wait3A_1744 = arith.constant 0 : i32
    %dma_wait3A_1745 = arith.constant 0 : i32
    %dma_wait3A_1746 = tpu.memref_slice %arg2[%dma_wait3A_1744, %dma_wait3A_1745] : memref<2600000x64xf32, #tpu.memory_space<hbm>> -> memref<2600000x64xf32, #tpu.memory_space<hbm>>
    tpu.wait_indirect_dma semaphore(%arg10 : memref<!tpu.dma_semaphore, #tpu.memory_space<semaphore_mem>>) src(%dma_wait3A_1746 : memref<2600000x64xf32, #tpu.memory_space<hbm>>) dst(%dma_wait3A_1740 : memref<128x64xf32, #tpu.memory_space<vmem>>)
    %dma_wait3A_1747 = arith.constant 17 : i32
    %dma_wait3A_1748 = arith.constant 256 : i32
    %dma_wait3A_1749 = arith.constant 0 : i32
    %dma_wait3A_1750 = tpu.memref_slice %arg7[%dma_wait3A_1748, %dma_wait3A_1749] : memref<512x64xf32, #tpu.memory_space<vmem>> -> memref<128x64xf32, #tpu.memory_space<vmem>>
    %dma_wait3A_1751 = arith.constant 256 : i32
    %dma_wait3A_1752 = tpu.memref_slice %arg5[%dma_wait3A_1747, %dma_wait3A_1751] : memref<26x512xi32, #tpu.memory_space<vmem>> -> memref<1x128xi32, #tpu.memory_space<vmem>>
    %dma_wait3A_1753 = tpu.memref_squeeze %dma_wait3A_1752 : memref<1x128xi32, #tpu.memory_space<vmem>> -> memref<128xi32, #tpu.memory_space<vmem>>
    %dma_wait3A_1754 = arith.constant 0 : i32
    %dma_wait3A_1755 = arith.constant 0 : i32
    %dma_wait3A_1756 = tpu.memref_slice %arg2[%dma_wait3A_1754, %dma_wait3A_1755] : memref<2600000x64xf32, #tpu.memory_space<hbm>> -> memref<2600000x64xf32, #tpu.memory_space<hbm>>
    tpu.wait_indirect_dma semaphore(%arg10 : memref<!tpu.dma_semaphore, #tpu.memory_space<semaphore_mem>>) src(%dma_wait3A_1756 : memref<2600000x64xf32, #tpu.memory_space<hbm>>) dst(%dma_wait3A_1750 : memref<128x64xf32, #tpu.memory_space<vmem>>)
    %dma_wait3A_1757 = arith.constant 17 : i32
    %dma_wait3A_1758 = arith.constant 384 : i32
    %dma_wait3A_1759 = arith.constant 0 : i32
    %dma_wait3A_1760 = tpu.memref_slice %arg7[%dma_wait3A_1758, %dma_wait3A_1759] : memref<512x64xf32, #tpu.memory_space<vmem>> -> memref<128x64xf32, #tpu.memory_space<vmem>>
    %dma_wait3A_1761 = arith.constant 384 : i32
    %dma_wait3A_1762 = tpu.memref_slice %arg5[%dma_wait3A_1757, %dma_wait3A_1761] : memref<26x512xi32, #tpu.memory_space<vmem>> -> memref<1x128xi32, #tpu.memory_space<vmem>>
    %dma_wait3A_1763 = tpu.memref_squeeze %dma_wait3A_1762 : memref<1x128xi32, #tpu.memory_space<vmem>> -> memref<128xi32, #tpu.memory_space<vmem>>
    %dma_wait3A_1764 = arith.constant 0 : i32
    %dma_wait3A_1765 = arith.constant 0 : i32
    %dma_wait3A_1766 = tpu.memref_slice %arg2[%dma_wait3A_1764, %dma_wait3A_1765] : memref<2600000x64xf32, #tpu.memory_space<hbm>> -> memref<2600000x64xf32, #tpu.memory_space<hbm>>
    tpu.wait_indirect_dma semaphore(%arg10 : memref<!tpu.dma_semaphore, #tpu.memory_space<semaphore_mem>>) src(%dma_wait3A_1766 : memref<2600000x64xf32, #tpu.memory_space<hbm>>) dst(%dma_wait3A_1760 : memref<128x64xf32, #tpu.memory_space<vmem>>)
    %scan3A_1767 = arith.constant 0 : i32
    %scan3A_1768 = arith.constant 0 : i32
    %scan3A_1769 = arith.constant 512 : i32
    %scan3A_1770 = arith.addi %scan3A_1768, %scan3A_1769 : i32
    %scan3A_1771 = arith.constant 1 : i32
    %scan3A_1772 = scf.for %scan3A_2430 = %scan3A_1768 to %scan3A_1770 step %scan3A_1771 iter_args(%scan3A_2431 = %scan3A_1767) -> (i32)  : i32 {
      %get3A = arith.index_cast %scan3A_2430 : i32 to index
      %get3A_2432 = arith.constant 0 : index
      %get3A_2433 = tpu.vector_load %arg7[%get3A, %get3A_2432] {strides = array<i32>} : memref<512x64xf32, #tpu.memory_space<vmem>>, vector<1x16xf32>,
      %get3A_2434 = vector.shape_cast %get3A_2433 : vector<1x16xf32> to vector<16xf32>
      %swap3A = arith.index_cast %scan3A_2430 : i32 to index
      %swap3A_2435 = arith.constant 0 : index
      %swap3A_2436 = tpu.vector_load %arg8[%swap3A, %swap3A_2435] {strides = array<i32>} : memref<512x64xf32, #tpu.memory_space<vmem>>, vector<1x16xf32>,
      %swap3A_2437 = vector.shape_cast %swap3A_2436 : vector<1x16xf32> to vector<16xf32>
      %swap3A_2438 = vector.shape_cast %get3A_2434 : vector<16xf32> to vector<1x16xf32>
      tpu.vector_store %arg8[%swap3A, %swap3A_2435], %swap3A_2438 {add = true, strides = array<i32>} : memref<512x64xf32, #tpu.memory_space<vmem>>, vector<1x16xf32>,
      %get3A_2439 = arith.index_cast %scan3A_2430 : i32 to index
      %get3A_2440 = arith.constant 16 : index
      %get3A_2441 = tpu.vector_load %arg7[%get3A_2439, %get3A_2440] {strides = array<i32>} : memref<512x64xf32, #tpu.memory_space<vmem>>, vector<1x16xf32>,
      %get3A_2442 = vector.shape_cast %get3A_2441 : vector<1x16xf32> to vector<16xf32>
      %swap3A_2443 = arith.index_cast %scan3A_2430 : i32 to index
      %swap3A_2444 = arith.constant 16 : index
      %swap3A_2445 = tpu.vector_load %arg8[%swap3A_2443, %swap3A_2444] {strides = array<i32>} : memref<512x64xf32, #tpu.memory_space<vmem>>, vector<1x16xf32>,
      %swap3A_2446 = vector.shape_cast %swap3A_2445 : vector<1x16xf32> to vector<16xf32>
      %swap3A_2447 = vector.shape_cast %get3A_2442 : vector<16xf32> to vector<1x16xf32>
      tpu.vector_store %arg8[%swap3A_2443, %swap3A_2444], %swap3A_2447 {add = true, strides = array<i32>} : memref<512x64xf32, #tpu.memory_space<vmem>>, vector<1x16xf32>,
      %get3A_2448 = arith.index_cast %scan3A_2430 : i32 to index
      %get3A_2449 = arith.constant 32 : index
      %get3A_2450 = tpu.vector_load %arg7[%get3A_2448, %get3A_2449] {strides = array<i32>} : memref<512x64xf32, #tpu.memory_space<vmem>>, vector<1x16xf32>,
      %get3A_2451 = vector.shape_cast %get3A_2450 : vector<1x16xf32> to vector<16xf32>
      %swap3A_2452 = arith.index_cast %scan3A_2430 : i32 to index
      %swap3A_2453 = arith.constant 32 : index
      %swap3A_2454 = tpu.vector_load %arg8[%swap3A_2452, %swap3A_2453] {strides = array<i32>} : memref<512x64xf32, #tpu.memory_space<vmem>>, vector<1x16xf32>,
      %swap3A_2455 = vector.shape_cast %swap3A_2454 : vector<1x16xf32> to vector<16xf32>
      %swap3A_2456 = vector.shape_cast %get3A_2451 : vector<16xf32> to vector<1x16xf32>
      tpu.vector_store %arg8[%swap3A_2452, %swap3A_2453], %swap3A_2456 {add = true, strides = array<i32>} : memref<512x64xf32, #tpu.memory_space<vmem>>, vector<1x16xf32>,
      %get3A_2457 = arith.index_cast %scan3A_2430 : i32 to index
      %get3A_2458 = arith.constant 48 : index
      %get3A_2459 = tpu.vector_load %arg7[%get3A_2457, %get3A_2458] {strides = array<i32>} : memref<512x64xf32, #tpu.memory_space<vmem>>, vector<1x16xf32>,
      %get3A_2460 = vector.shape_cast %get3A_2459 : vector<1x16xf32> to vector<16xf32>
      %swap3A_2461 = arith.index_cast %scan3A_2430 : i32 to index
      %swap3A_2462 = arith.constant 48 : index
      %swap3A_2463 = tpu.vector_load %arg8[%swap3A_2461, %swap3A_2462] {strides = array<i32>} : memref<512x64xf32, #tpu.memory_space<vmem>>, vector<1x16xf32>,
      %swap3A_2464 = vector.shape_cast %swap3A_2463 : vector<1x16xf32> to vector<16xf32>
      %swap3A_2465 = vector.shape_cast %get3A_2460 : vector<16xf32> to vector<1x16xf32>
      tpu.vector_store %arg8[%swap3A_2461, %swap3A_2462], %swap3A_2465 {add = true, strides = array<i32>} : memref<512x64xf32, #tpu.memory_space<vmem>>, vector<1x16xf32>,
      %scan3A_2466 = arith.constant 0 : i32
      scf.yield %scan3A_2466 : i32
    }
    %scan3A_1773 = arith.constant 512 : i32
    %dma_start3A_1774 = arith.constant 19 : i32
    %dma_start3A_1775 = arith.constant 0 : i32
    %dma_start3A_1776 = arith.constant 0 : i32
    %dma_start3A_1777 = tpu.memref_slice %arg7[%dma_start3A_1775, %dma_start3A_1776] : memref<512x64xf32, #tpu.memory_space<vmem>> -> memref<128x64xf32, #tpu.memory_space<vmem>>
    %dma_start3A_1778 = arith.constant 0 : i32
    %dma_start3A_1779 = tpu.memref_slice %arg5[%dma_start3A_1774, %dma_start3A_1778] : memref<26x512xi32, #tpu.memory_space<vmem>> -> memref<1x128xi32, #tpu.memory_space<vmem>>
    %dma_start3A_1780 = tpu.memref_squeeze %dma_start3A_1779 : memref<1x128xi32, #tpu.memory_space<vmem>> -> memref<128xi32, #tpu.memory_space<vmem>>
    %dma_start3A_1781 = arith.constant 0 : i32
    %dma_start3A_1782 = arith.constant 0 : i32
    %dma_start3A_1783 = tpu.memref_slice %arg2[%dma_start3A_1781, %dma_start3A_1782] : memref<2600000x64xf32, #tpu.memory_space<hbm>> -> memref<2600000x64xf32, #tpu.memory_space<hbm>>
    tpu.enqueue_indirect_dma source(%dma_start3A_1783 : memref<2600000x64xf32, #tpu.memory_space<hbm>>) target(%dma_start3A_1777 : memref<128x64xf32, #tpu.memory_space<vmem>>) offsets(%dma_start3A_1780 : memref<128xi32, #tpu.memory_space<vmem>>) semaphore(%arg10 : memref<!tpu.dma_semaphore, #tpu.memory_space<semaphore_mem>>)
    %dma_start3A_1784 = arith.constant 19 : i32
    %dma_start3A_1785 = arith.constant 128 : i32
    %dma_start3A_1786 = arith.constant 0 : i32
    %dma_start3A_1787 = tpu.memref_slice %arg7[%dma_start3A_1785, %dma_start3A_1786] : memref<512x64xf32, #tpu.memory_space<vmem>> -> memref<128x64xf32, #tpu.memory_space<vmem>>
    %dma_start3A_1788 = arith.constant 128 : i32
    %dma_start3A_1789 = tpu.memref_slice %arg5[%dma_start3A_1784, %dma_start3A_1788] : memref<26x512xi32, #tpu.memory_space<vmem>> -> memref<1x128xi32, #tpu.memory_space<vmem>>
    %dma_start3A_1790 = tpu.memref_squeeze %dma_start3A_1789 : memref<1x128xi32, #tpu.memory_space<vmem>> -> memref<128xi32, #tpu.memory_space<vmem>>
    %dma_start3A_1791 = arith.constant 0 : i32
    %dma_start3A_1792 = arith.constant 0 : i32
    %dma_start3A_1793 = tpu.memref_slice %arg2[%dma_start3A_1791, %dma_start3A_1792] : memref<2600000x64xf32, #tpu.memory_space<hbm>> -> memref<2600000x64xf32, #tpu.memory_space<hbm>>
    tpu.enqueue_indirect_dma source(%dma_start3A_1793 : memref<2600000x64xf32, #tpu.memory_space<hbm>>) target(%dma_start3A_1787 : memref<128x64xf32, #tpu.memory_space<vmem>>) offsets(%dma_start3A_1790 : memref<128xi32, #tpu.memory_space<vmem>>) semaphore(%arg10 : memref<!tpu.dma_semaphore, #tpu.memory_space<semaphore_mem>>)
    %dma_start3A_1794 = arith.constant 19 : i32
    %dma_start3A_1795 = arith.constant 256 : i32
    %dma_start3A_1796 = arith.constant 0 : i32
    %dma_start3A_1797 = tpu.memref_slice %arg7[%dma_start3A_1795, %dma_start3A_1796] : memref<512x64xf32, #tpu.memory_space<vmem>> -> memref<128x64xf32, #tpu.memory_space<vmem>>
    %dma_start3A_1798 = arith.constant 256 : i32
    %dma_start3A_1799 = tpu.memref_slice %arg5[%dma_start3A_1794, %dma_start3A_1798] : memref<26x512xi32, #tpu.memory_space<vmem>> -> memref<1x128xi32, #tpu.memory_space<vmem>>
    %dma_start3A_1800 = tpu.memref_squeeze %dma_start3A_1799 : memref<1x128xi32, #tpu.memory_space<vmem>> -> memref<128xi32, #tpu.memory_space<vmem>>
    %dma_start3A_1801 = arith.constant 0 : i32
    %dma_start3A_1802 = arith.constant 0 : i32
    %dma_start3A_1803 = tpu.memref_slice %arg2[%dma_start3A_1801, %dma_start3A_1802] : memref<2600000x64xf32, #tpu.memory_space<hbm>> -> memref<2600000x64xf32, #tpu.memory_space<hbm>>
    tpu.enqueue_indirect_dma source(%dma_start3A_1803 : memref<2600000x64xf32, #tpu.memory_space<hbm>>) target(%dma_start3A_1797 : memref<128x64xf32, #tpu.memory_space<vmem>>) offsets(%dma_start3A_1800 : memref<128xi32, #tpu.memory_space<vmem>>) semaphore(%arg10 : memref<!tpu.dma_semaphore, #tpu.memory_space<semaphore_mem>>)
    %dma_start3A_1804 = arith.constant 19 : i32
    %dma_start3A_1805 = arith.constant 384 : i32
    %dma_start3A_1806 = arith.constant 0 : i32
    %dma_start3A_1807 = tpu.memref_slice %arg7[%dma_start3A_1805, %dma_start3A_1806] : memref<512x64xf32, #tpu.memory_space<vmem>> -> memref<128x64xf32, #tpu.memory_space<vmem>>
    %dma_start3A_1808 = arith.constant 384 : i32
    %dma_start3A_1809 = tpu.memref_slice %arg5[%dma_start3A_1804, %dma_start3A_1808] : memref<26x512xi32, #tpu.memory_space<vmem>> -> memref<1x128xi32, #tpu.memory_space<vmem>>
    %dma_start3A_1810 = tpu.memref_squeeze %dma_start3A_1809 : memref<1x128xi32, #tpu.memory_space<vmem>> -> memref<128xi32, #tpu.memory_space<vmem>>
    %dma_start3A_1811 = arith.constant 0 : i32
    %dma_start3A_1812 = arith.constant 0 : i32
    %dma_start3A_1813 = tpu.memref_slice %arg2[%dma_start3A_1811, %dma_start3A_1812] : memref<2600000x64xf32, #tpu.memory_space<hbm>> -> memref<2600000x64xf32, #tpu.memory_space<hbm>>
    tpu.enqueue_indirect_dma source(%dma_start3A_1813 : memref<2600000x64xf32, #tpu.memory_space<hbm>>) target(%dma_start3A_1807 : memref<128x64xf32, #tpu.memory_space<vmem>>) offsets(%dma_start3A_1810 : memref<128xi32, #tpu.memory_space<vmem>>) semaphore(%arg10 : memref<!tpu.dma_semaphore, #tpu.memory_space<semaphore_mem>>)
    %dma_wait3A_1814 = arith.constant 18 : i32
    %dma_wait3A_1815 = arith.constant 0 : i32
    %dma_wait3A_1816 = arith.constant 0 : i32
    %dma_wait3A_1817 = tpu.memref_slice %arg6[%dma_wait3A_1815, %dma_wait3A_1816] : memref<512x64xf32, #tpu.memory_space<vmem>> -> memref<128x64xf32, #tpu.memory_space<vmem>>
    %dma_wait3A_1818 = arith.constant 0 : i32
    %dma_wait3A_1819 = tpu.memref_slice %arg5[%dma_wait3A_1814, %dma_wait3A_1818] : memref<26x512xi32, #tpu.memory_space<vmem>> -> memref<1x128xi32, #tpu.memory_space<vmem>>
    %dma_wait3A_1820 = tpu.memref_squeeze %dma_wait3A_1819 : memref<1x128xi32, #tpu.memory_space<vmem>> -> memref<128xi32, #tpu.memory_space<vmem>>
    %dma_wait3A_1821 = arith.constant 0 : i32
    %dma_wait3A_1822 = arith.constant 0 : i32
    %dma_wait3A_1823 = tpu.memref_slice %arg2[%dma_wait3A_1821, %dma_wait3A_1822] : memref<2600000x64xf32, #tpu.memory_space<hbm>> -> memref<2600000x64xf32, #tpu.memory_space<hbm>>
    tpu.wait_indirect_dma semaphore(%arg9 : memref<!tpu.dma_semaphore, #tpu.memory_space<semaphore_mem>>) src(%dma_wait3A_1823 : memref<2600000x64xf32, #tpu.memory_space<hbm>>) dst(%dma_wait3A_1817 : memref<128x64xf32, #tpu.memory_space<vmem>>)
    %dma_wait3A_1824 = arith.constant 18 : i32
    %dma_wait3A_1825 = arith.constant 128 : i32
    %dma_wait3A_1826 = arith.constant 0 : i32
    %dma_wait3A_1827 = tpu.memref_slice %arg6[%dma_wait3A_1825, %dma_wait3A_1826] : memref<512x64xf32, #tpu.memory_space<vmem>> -> memref<128x64xf32, #tpu.memory_space<vmem>>
    %dma_wait3A_1828 = arith.constant 128 : i32
    %dma_wait3A_1829 = tpu.memref_slice %arg5[%dma_wait3A_1824, %dma_wait3A_1828] : memref<26x512xi32, #tpu.memory_space<vmem>> -> memref<1x128xi32, #tpu.memory_space<vmem>>
    %dma_wait3A_1830 = tpu.memref_squeeze %dma_wait3A_1829 : memref<1x128xi32, #tpu.memory_space<vmem>> -> memref<128xi32, #tpu.memory_space<vmem>>
    %dma_wait3A_1831 = arith.constant 0 : i32
    %dma_wait3A_1832 = arith.constant 0 : i32
    %dma_wait3A_1833 = tpu.memref_slice %arg2[%dma_wait3A_1831, %dma_wait3A_1832] : memref<2600000x64xf32, #tpu.memory_space<hbm>> -> memref<2600000x64xf32, #tpu.memory_space<hbm>>
    tpu.wait_indirect_dma semaphore(%arg9 : memref<!tpu.dma_semaphore, #tpu.memory_space<semaphore_mem>>) src(%dma_wait3A_1833 : memref<2600000x64xf32, #tpu.memory_space<hbm>>) dst(%dma_wait3A_1827 : memref<128x64xf32, #tpu.memory_space<vmem>>)
    %dma_wait3A_1834 = arith.constant 18 : i32
    %dma_wait3A_1835 = arith.constant 256 : i32
    %dma_wait3A_1836 = arith.constant 0 : i32
    %dma_wait3A_1837 = tpu.memref_slice %arg6[%dma_wait3A_1835, %dma_wait3A_1836] : memref<512x64xf32, #tpu.memory_space<vmem>> -> memref<128x64xf32, #tpu.memory_space<vmem>>
    %dma_wait3A_1838 = arith.constant 256 : i32
    %dma_wait3A_1839 = tpu.memref_slice %arg5[%dma_wait3A_1834, %dma_wait3A_1838] : memref<26x512xi32, #tpu.memory_space<vmem>> -> memref<1x128xi32, #tpu.memory_space<vmem>>
    %dma_wait3A_1840 = tpu.memref_squeeze %dma_wait3A_1839 : memref<1x128xi32, #tpu.memory_space<vmem>> -> memref<128xi32, #tpu.memory_space<vmem>>
    %dma_wait3A_1841 = arith.constant 0 : i32
    %dma_wait3A_1842 = arith.constant 0 : i32
    %dma_wait3A_1843 = tpu.memref_slice %arg2[%dma_wait3A_1841, %dma_wait3A_1842] : memref<2600000x64xf32, #tpu.memory_space<hbm>> -> memref<2600000x64xf32, #tpu.memory_space<hbm>>
    tpu.wait_indirect_dma semaphore(%arg9 : memref<!tpu.dma_semaphore, #tpu.memory_space<semaphore_mem>>) src(%dma_wait3A_1843 : memref<2600000x64xf32, #tpu.memory_space<hbm>>) dst(%dma_wait3A_1837 : memref<128x64xf32, #tpu.memory_space<vmem>>)
    %dma_wait3A_1844 = arith.constant 18 : i32
    %dma_wait3A_1845 = arith.constant 384 : i32
    %dma_wait3A_1846 = arith.constant 0 : i32
    %dma_wait3A_1847 = tpu.memref_slice %arg6[%dma_wait3A_1845, %dma_wait3A_1846] : memref<512x64xf32, #tpu.memory_space<vmem>> -> memref<128x64xf32, #tpu.memory_space<vmem>>
    %dma_wait3A_1848 = arith.constant 384 : i32
    %dma_wait3A_1849 = tpu.memref_slice %arg5[%dma_wait3A_1844, %dma_wait3A_1848] : memref<26x512xi32, #tpu.memory_space<vmem>> -> memref<1x128xi32, #tpu.memory_space<vmem>>
    %dma_wait3A_1850 = tpu.memref_squeeze %dma_wait3A_1849 : memref<1x128xi32, #tpu.memory_space<vmem>> -> memref<128xi32, #tpu.memory_space<vmem>>
    %dma_wait3A_1851 = arith.constant 0 : i32
    %dma_wait3A_1852 = arith.constant 0 : i32
    %dma_wait3A_1853 = tpu.memref_slice %arg2[%dma_wait3A_1851, %dma_wait3A_1852] : memref<2600000x64xf32, #tpu.memory_space<hbm>> -> memref<2600000x64xf32, #tpu.memory_space<hbm>>
    tpu.wait_indirect_dma semaphore(%arg9 : memref<!tpu.dma_semaphore, #tpu.memory_space<semaphore_mem>>) src(%dma_wait3A_1853 : memref<2600000x64xf32, #tpu.memory_space<hbm>>) dst(%dma_wait3A_1847 : memref<128x64xf32, #tpu.memory_space<vmem>>)
    %scan3A_1854 = arith.constant 0 : i32
    %scan3A_1855 = arith.constant 0 : i32
    %scan3A_1856 = arith.constant 512 : i32
    %scan3A_1857 = arith.addi %scan3A_1855, %scan3A_1856 : i32
    %scan3A_1858 = arith.constant 1 : i32
    %scan3A_1859 = scf.for %scan3A_2430 = %scan3A_1855 to %scan3A_1857 step %scan3A_1858 iter_args(%scan3A_2431 = %scan3A_1854) -> (i32)  : i32 {
      %get3A = arith.index_cast %scan3A_2430 : i32 to index
      %get3A_2432 = arith.constant 0 : index
      %get3A_2433 = tpu.vector_load %arg6[%get3A, %get3A_2432] {strides = array<i32>} : memref<512x64xf32, #tpu.memory_space<vmem>>, vector<1x16xf32>,
      %get3A_2434 = vector.shape_cast %get3A_2433 : vector<1x16xf32> to vector<16xf32>
      %swap3A = arith.index_cast %scan3A_2430 : i32 to index
      %swap3A_2435 = arith.constant 0 : index
      %swap3A_2436 = tpu.vector_load %arg8[%swap3A, %swap3A_2435] {strides = array<i32>} : memref<512x64xf32, #tpu.memory_space<vmem>>, vector<1x16xf32>,
      %swap3A_2437 = vector.shape_cast %swap3A_2436 : vector<1x16xf32> to vector<16xf32>
      %swap3A_2438 = vector.shape_cast %get3A_2434 : vector<16xf32> to vector<1x16xf32>
      tpu.vector_store %arg8[%swap3A, %swap3A_2435], %swap3A_2438 {add = true, strides = array<i32>} : memref<512x64xf32, #tpu.memory_space<vmem>>, vector<1x16xf32>,
      %get3A_2439 = arith.index_cast %scan3A_2430 : i32 to index
      %get3A_2440 = arith.constant 16 : index
      %get3A_2441 = tpu.vector_load %arg6[%get3A_2439, %get3A_2440] {strides = array<i32>} : memref<512x64xf32, #tpu.memory_space<vmem>>, vector<1x16xf32>,
      %get3A_2442 = vector.shape_cast %get3A_2441 : vector<1x16xf32> to vector<16xf32>
      %swap3A_2443 = arith.index_cast %scan3A_2430 : i32 to index
      %swap3A_2444 = arith.constant 16 : index
      %swap3A_2445 = tpu.vector_load %arg8[%swap3A_2443, %swap3A_2444] {strides = array<i32>} : memref<512x64xf32, #tpu.memory_space<vmem>>, vector<1x16xf32>,
      %swap3A_2446 = vector.shape_cast %swap3A_2445 : vector<1x16xf32> to vector<16xf32>
      %swap3A_2447 = vector.shape_cast %get3A_2442 : vector<16xf32> to vector<1x16xf32>
      tpu.vector_store %arg8[%swap3A_2443, %swap3A_2444], %swap3A_2447 {add = true, strides = array<i32>} : memref<512x64xf32, #tpu.memory_space<vmem>>, vector<1x16xf32>,
      %get3A_2448 = arith.index_cast %scan3A_2430 : i32 to index
      %get3A_2449 = arith.constant 32 : index
      %get3A_2450 = tpu.vector_load %arg6[%get3A_2448, %get3A_2449] {strides = array<i32>} : memref<512x64xf32, #tpu.memory_space<vmem>>, vector<1x16xf32>,
      %get3A_2451 = vector.shape_cast %get3A_2450 : vector<1x16xf32> to vector<16xf32>
      %swap3A_2452 = arith.index_cast %scan3A_2430 : i32 to index
      %swap3A_2453 = arith.constant 32 : index
      %swap3A_2454 = tpu.vector_load %arg8[%swap3A_2452, %swap3A_2453] {strides = array<i32>} : memref<512x64xf32, #tpu.memory_space<vmem>>, vector<1x16xf32>,
      %swap3A_2455 = vector.shape_cast %swap3A_2454 : vector<1x16xf32> to vector<16xf32>
      %swap3A_2456 = vector.shape_cast %get3A_2451 : vector<16xf32> to vector<1x16xf32>
      tpu.vector_store %arg8[%swap3A_2452, %swap3A_2453], %swap3A_2456 {add = true, strides = array<i32>} : memref<512x64xf32, #tpu.memory_space<vmem>>, vector<1x16xf32>,
      %get3A_2457 = arith.index_cast %scan3A_2430 : i32 to index
      %get3A_2458 = arith.constant 48 : index
      %get3A_2459 = tpu.vector_load %arg6[%get3A_2457, %get3A_2458] {strides = array<i32>} : memref<512x64xf32, #tpu.memory_space<vmem>>, vector<1x16xf32>,
      %get3A_2460 = vector.shape_cast %get3A_2459 : vector<1x16xf32> to vector<16xf32>
      %swap3A_2461 = arith.index_cast %scan3A_2430 : i32 to index
      %swap3A_2462 = arith.constant 48 : index
      %swap3A_2463 = tpu.vector_load %arg8[%swap3A_2461, %swap3A_2462] {strides = array<i32>} : memref<512x64xf32, #tpu.memory_space<vmem>>, vector<1x16xf32>,
      %swap3A_2464 = vector.shape_cast %swap3A_2463 : vector<1x16xf32> to vector<16xf32>
      %swap3A_2465 = vector.shape_cast %get3A_2460 : vector<16xf32> to vector<1x16xf32>
      tpu.vector_store %arg8[%swap3A_2461, %swap3A_2462], %swap3A_2465 {add = true, strides = array<i32>} : memref<512x64xf32, #tpu.memory_space<vmem>>, vector<1x16xf32>,
      %scan3A_2466 = arith.constant 0 : i32
      scf.yield %scan3A_2466 : i32
    }
    %scan3A_1860 = arith.constant 512 : i32
    %dma_start3A_1861 = arith.constant 20 : i32
    %dma_start3A_1862 = arith.constant 0 : i32
    %dma_start3A_1863 = arith.constant 0 : i32
    %dma_start3A_1864 = tpu.memref_slice %arg6[%dma_start3A_1862, %dma_start3A_1863] : memref<512x64xf32, #tpu.memory_space<vmem>> -> memref<128x64xf32, #tpu.memory_space<vmem>>
    %dma_start3A_1865 = arith.constant 0 : i32
    %dma_start3A_1866 = tpu.memref_slice %arg5[%dma_start3A_1861, %dma_start3A_1865] : memref<26x512xi32, #tpu.memory_space<vmem>> -> memref<1x128xi32, #tpu.memory_space<vmem>>
    %dma_start3A_1867 = tpu.memref_squeeze %dma_start3A_1866 : memref<1x128xi32, #tpu.memory_space<vmem>> -> memref<128xi32, #tpu.memory_space<vmem>>
    %dma_start3A_1868 = arith.constant 0 : i32
    %dma_start3A_1869 = arith.constant 0 : i32
    %dma_start3A_1870 = tpu.memref_slice %arg2[%dma_start3A_1868, %dma_start3A_1869] : memref<2600000x64xf32, #tpu.memory_space<hbm>> -> memref<2600000x64xf32, #tpu.memory_space<hbm>>
    tpu.enqueue_indirect_dma source(%dma_start3A_1870 : memref<2600000x64xf32, #tpu.memory_space<hbm>>) target(%dma_start3A_1864 : memref<128x64xf32, #tpu.memory_space<vmem>>) offsets(%dma_start3A_1867 : memref<128xi32, #tpu.memory_space<vmem>>) semaphore(%arg9 : memref<!tpu.dma_semaphore, #tpu.memory_space<semaphore_mem>>)
    %dma_start3A_1871 = arith.constant 20 : i32
    %dma_start3A_1872 = arith.constant 128 : i32
    %dma_start3A_1873 = arith.constant 0 : i32
    %dma_start3A_1874 = tpu.memref_slice %arg6[%dma_start3A_1872, %dma_start3A_1873] : memref<512x64xf32, #tpu.memory_space<vmem>> -> memref<128x64xf32, #tpu.memory_space<vmem>>
    %dma_start3A_1875 = arith.constant 128 : i32
    %dma_start3A_1876 = tpu.memref_slice %arg5[%dma_start3A_1871, %dma_start3A_1875] : memref<26x512xi32, #tpu.memory_space<vmem>> -> memref<1x128xi32, #tpu.memory_space<vmem>>
    %dma_start3A_1877 = tpu.memref_squeeze %dma_start3A_1876 : memref<1x128xi32, #tpu.memory_space<vmem>> -> memref<128xi32, #tpu.memory_space<vmem>>
    %dma_start3A_1878 = arith.constant 0 : i32
    %dma_start3A_1879 = arith.constant 0 : i32
    %dma_start3A_1880 = tpu.memref_slice %arg2[%dma_start3A_1878, %dma_start3A_1879] : memref<2600000x64xf32, #tpu.memory_space<hbm>> -> memref<2600000x64xf32, #tpu.memory_space<hbm>>
    tpu.enqueue_indirect_dma source(%dma_start3A_1880 : memref<2600000x64xf32, #tpu.memory_space<hbm>>) target(%dma_start3A_1874 : memref<128x64xf32, #tpu.memory_space<vmem>>) offsets(%dma_start3A_1877 : memref<128xi32, #tpu.memory_space<vmem>>) semaphore(%arg9 : memref<!tpu.dma_semaphore, #tpu.memory_space<semaphore_mem>>)
    %dma_start3A_1881 = arith.constant 20 : i32
    %dma_start3A_1882 = arith.constant 256 : i32
    %dma_start3A_1883 = arith.constant 0 : i32
    %dma_start3A_1884 = tpu.memref_slice %arg6[%dma_start3A_1882, %dma_start3A_1883] : memref<512x64xf32, #tpu.memory_space<vmem>> -> memref<128x64xf32, #tpu.memory_space<vmem>>
    %dma_start3A_1885 = arith.constant 256 : i32
    %dma_start3A_1886 = tpu.memref_slice %arg5[%dma_start3A_1881, %dma_start3A_1885] : memref<26x512xi32, #tpu.memory_space<vmem>> -> memref<1x128xi32, #tpu.memory_space<vmem>>
    %dma_start3A_1887 = tpu.memref_squeeze %dma_start3A_1886 : memref<1x128xi32, #tpu.memory_space<vmem>> -> memref<128xi32, #tpu.memory_space<vmem>>
    %dma_start3A_1888 = arith.constant 0 : i32
    %dma_start3A_1889 = arith.constant 0 : i32
    %dma_start3A_1890 = tpu.memref_slice %arg2[%dma_start3A_1888, %dma_start3A_1889] : memref<2600000x64xf32, #tpu.memory_space<hbm>> -> memref<2600000x64xf32, #tpu.memory_space<hbm>>
    tpu.enqueue_indirect_dma source(%dma_start3A_1890 : memref<2600000x64xf32, #tpu.memory_space<hbm>>) target(%dma_start3A_1884 : memref<128x64xf32, #tpu.memory_space<vmem>>) offsets(%dma_start3A_1887 : memref<128xi32, #tpu.memory_space<vmem>>) semaphore(%arg9 : memref<!tpu.dma_semaphore, #tpu.memory_space<semaphore_mem>>)
    %dma_start3A_1891 = arith.constant 20 : i32
    %dma_start3A_1892 = arith.constant 384 : i32
    %dma_start3A_1893 = arith.constant 0 : i32
    %dma_start3A_1894 = tpu.memref_slice %arg6[%dma_start3A_1892, %dma_start3A_1893] : memref<512x64xf32, #tpu.memory_space<vmem>> -> memref<128x64xf32, #tpu.memory_space<vmem>>
    %dma_start3A_1895 = arith.constant 384 : i32
    %dma_start3A_1896 = tpu.memref_slice %arg5[%dma_start3A_1891, %dma_start3A_1895] : memref<26x512xi32, #tpu.memory_space<vmem>> -> memref<1x128xi32, #tpu.memory_space<vmem>>
    %dma_start3A_1897 = tpu.memref_squeeze %dma_start3A_1896 : memref<1x128xi32, #tpu.memory_space<vmem>> -> memref<128xi32, #tpu.memory_space<vmem>>
    %dma_start3A_1898 = arith.constant 0 : i32
    %dma_start3A_1899 = arith.constant 0 : i32
    %dma_start3A_1900 = tpu.memref_slice %arg2[%dma_start3A_1898, %dma_start3A_1899] : memref<2600000x64xf32, #tpu.memory_space<hbm>> -> memref<2600000x64xf32, #tpu.memory_space<hbm>>
    tpu.enqueue_indirect_dma source(%dma_start3A_1900 : memref<2600000x64xf32, #tpu.memory_space<hbm>>) target(%dma_start3A_1894 : memref<128x64xf32, #tpu.memory_space<vmem>>) offsets(%dma_start3A_1897 : memref<128xi32, #tpu.memory_space<vmem>>) semaphore(%arg9 : memref<!tpu.dma_semaphore, #tpu.memory_space<semaphore_mem>>)
    %dma_wait3A_1901 = arith.constant 19 : i32
    %dma_wait3A_1902 = arith.constant 0 : i32
    %dma_wait3A_1903 = arith.constant 0 : i32
    %dma_wait3A_1904 = tpu.memref_slice %arg7[%dma_wait3A_1902, %dma_wait3A_1903] : memref<512x64xf32, #tpu.memory_space<vmem>> -> memref<128x64xf32, #tpu.memory_space<vmem>>
    %dma_wait3A_1905 = arith.constant 0 : i32
    %dma_wait3A_1906 = tpu.memref_slice %arg5[%dma_wait3A_1901, %dma_wait3A_1905] : memref<26x512xi32, #tpu.memory_space<vmem>> -> memref<1x128xi32, #tpu.memory_space<vmem>>
    %dma_wait3A_1907 = tpu.memref_squeeze %dma_wait3A_1906 : memref<1x128xi32, #tpu.memory_space<vmem>> -> memref<128xi32, #tpu.memory_space<vmem>>
    %dma_wait3A_1908 = arith.constant 0 : i32
    %dma_wait3A_1909 = arith.constant 0 : i32
    %dma_wait3A_1910 = tpu.memref_slice %arg2[%dma_wait3A_1908, %dma_wait3A_1909] : memref<2600000x64xf32, #tpu.memory_space<hbm>> -> memref<2600000x64xf32, #tpu.memory_space<hbm>>
    tpu.wait_indirect_dma semaphore(%arg10 : memref<!tpu.dma_semaphore, #tpu.memory_space<semaphore_mem>>) src(%dma_wait3A_1910 : memref<2600000x64xf32, #tpu.memory_space<hbm>>) dst(%dma_wait3A_1904 : memref<128x64xf32, #tpu.memory_space<vmem>>)
    %dma_wait3A_1911 = arith.constant 19 : i32
    %dma_wait3A_1912 = arith.constant 128 : i32
    %dma_wait3A_1913 = arith.constant 0 : i32
    %dma_wait3A_1914 = tpu.memref_slice %arg7[%dma_wait3A_1912, %dma_wait3A_1913] : memref<512x64xf32, #tpu.memory_space<vmem>> -> memref<128x64xf32, #tpu.memory_space<vmem>>
    %dma_wait3A_1915 = arith.constant 128 : i32
    %dma_wait3A_1916 = tpu.memref_slice %arg5[%dma_wait3A_1911, %dma_wait3A_1915] : memref<26x512xi32, #tpu.memory_space<vmem>> -> memref<1x128xi32, #tpu.memory_space<vmem>>
    %dma_wait3A_1917 = tpu.memref_squeeze %dma_wait3A_1916 : memref<1x128xi32, #tpu.memory_space<vmem>> -> memref<128xi32, #tpu.memory_space<vmem>>
    %dma_wait3A_1918 = arith.constant 0 : i32
    %dma_wait3A_1919 = arith.constant 0 : i32
    %dma_wait3A_1920 = tpu.memref_slice %arg2[%dma_wait3A_1918, %dma_wait3A_1919] : memref<2600000x64xf32, #tpu.memory_space<hbm>> -> memref<2600000x64xf32, #tpu.memory_space<hbm>>
    tpu.wait_indirect_dma semaphore(%arg10 : memref<!tpu.dma_semaphore, #tpu.memory_space<semaphore_mem>>) src(%dma_wait3A_1920 : memref<2600000x64xf32, #tpu.memory_space<hbm>>) dst(%dma_wait3A_1914 : memref<128x64xf32, #tpu.memory_space<vmem>>)
    %dma_wait3A_1921 = arith.constant 19 : i32
    %dma_wait3A_1922 = arith.constant 256 : i32
    %dma_wait3A_1923 = arith.constant 0 : i32
    %dma_wait3A_1924 = tpu.memref_slice %arg7[%dma_wait3A_1922, %dma_wait3A_1923] : memref<512x64xf32, #tpu.memory_space<vmem>> -> memref<128x64xf32, #tpu.memory_space<vmem>>
    %dma_wait3A_1925 = arith.constant 256 : i32
    %dma_wait3A_1926 = tpu.memref_slice %arg5[%dma_wait3A_1921, %dma_wait3A_1925] : memref<26x512xi32, #tpu.memory_space<vmem>> -> memref<1x128xi32, #tpu.memory_space<vmem>>
    %dma_wait3A_1927 = tpu.memref_squeeze %dma_wait3A_1926 : memref<1x128xi32, #tpu.memory_space<vmem>> -> memref<128xi32, #tpu.memory_space<vmem>>
    %dma_wait3A_1928 = arith.constant 0 : i32
    %dma_wait3A_1929 = arith.constant 0 : i32
    %dma_wait3A_1930 = tpu.memref_slice %arg2[%dma_wait3A_1928, %dma_wait3A_1929] : memref<2600000x64xf32, #tpu.memory_space<hbm>> -> memref<2600000x64xf32, #tpu.memory_space<hbm>>
    tpu.wait_indirect_dma semaphore(%arg10 : memref<!tpu.dma_semaphore, #tpu.memory_space<semaphore_mem>>) src(%dma_wait3A_1930 : memref<2600000x64xf32, #tpu.memory_space<hbm>>) dst(%dma_wait3A_1924 : memref<128x64xf32, #tpu.memory_space<vmem>>)
    %dma_wait3A_1931 = arith.constant 19 : i32
    %dma_wait3A_1932 = arith.constant 384 : i32
    %dma_wait3A_1933 = arith.constant 0 : i32
    %dma_wait3A_1934 = tpu.memref_slice %arg7[%dma_wait3A_1932, %dma_wait3A_1933] : memref<512x64xf32, #tpu.memory_space<vmem>> -> memref<128x64xf32, #tpu.memory_space<vmem>>
    %dma_wait3A_1935 = arith.constant 384 : i32
    %dma_wait3A_1936 = tpu.memref_slice %arg5[%dma_wait3A_1931, %dma_wait3A_1935] : memref<26x512xi32, #tpu.memory_space<vmem>> -> memref<1x128xi32, #tpu.memory_space<vmem>>
    %dma_wait3A_1937 = tpu.memref_squeeze %dma_wait3A_1936 : memref<1x128xi32, #tpu.memory_space<vmem>> -> memref<128xi32, #tpu.memory_space<vmem>>
    %dma_wait3A_1938 = arith.constant 0 : i32
    %dma_wait3A_1939 = arith.constant 0 : i32
    %dma_wait3A_1940 = tpu.memref_slice %arg2[%dma_wait3A_1938, %dma_wait3A_1939] : memref<2600000x64xf32, #tpu.memory_space<hbm>> -> memref<2600000x64xf32, #tpu.memory_space<hbm>>
    tpu.wait_indirect_dma semaphore(%arg10 : memref<!tpu.dma_semaphore, #tpu.memory_space<semaphore_mem>>) src(%dma_wait3A_1940 : memref<2600000x64xf32, #tpu.memory_space<hbm>>) dst(%dma_wait3A_1934 : memref<128x64xf32, #tpu.memory_space<vmem>>)
    %scan3A_1941 = arith.constant 0 : i32
    %scan3A_1942 = arith.constant 0 : i32
    %scan3A_1943 = arith.constant 512 : i32
    %scan3A_1944 = arith.addi %scan3A_1942, %scan3A_1943 : i32
    %scan3A_1945 = arith.constant 1 : i32
    %scan3A_1946 = scf.for %scan3A_2430 = %scan3A_1942 to %scan3A_1944 step %scan3A_1945 iter_args(%scan3A_2431 = %scan3A_1941) -> (i32)  : i32 {
      %get3A = arith.index_cast %scan3A_2430 : i32 to index
      %get3A_2432 = arith.constant 0 : index
      %get3A_2433 = tpu.vector_load %arg7[%get3A, %get3A_2432] {strides = array<i32>} : memref<512x64xf32, #tpu.memory_space<vmem>>, vector<1x16xf32>,
      %get3A_2434 = vector.shape_cast %get3A_2433 : vector<1x16xf32> to vector<16xf32>
      %swap3A = arith.index_cast %scan3A_2430 : i32 to index
      %swap3A_2435 = arith.constant 0 : index
      %swap3A_2436 = tpu.vector_load %arg8[%swap3A, %swap3A_2435] {strides = array<i32>} : memref<512x64xf32, #tpu.memory_space<vmem>>, vector<1x16xf32>,
      %swap3A_2437 = vector.shape_cast %swap3A_2436 : vector<1x16xf32> to vector<16xf32>
      %swap3A_2438 = vector.shape_cast %get3A_2434 : vector<16xf32> to vector<1x16xf32>
      tpu.vector_store %arg8[%swap3A, %swap3A_2435], %swap3A_2438 {add = true, strides = array<i32>} : memref<512x64xf32, #tpu.memory_space<vmem>>, vector<1x16xf32>,
      %get3A_2439 = arith.index_cast %scan3A_2430 : i32 to index
      %get3A_2440 = arith.constant 16 : index
      %get3A_2441 = tpu.vector_load %arg7[%get3A_2439, %get3A_2440] {strides = array<i32>} : memref<512x64xf32, #tpu.memory_space<vmem>>, vector<1x16xf32>,
      %get3A_2442 = vector.shape_cast %get3A_2441 : vector<1x16xf32> to vector<16xf32>
      %swap3A_2443 = arith.index_cast %scan3A_2430 : i32 to index
      %swap3A_2444 = arith.constant 16 : index
      %swap3A_2445 = tpu.vector_load %arg8[%swap3A_2443, %swap3A_2444] {strides = array<i32>} : memref<512x64xf32, #tpu.memory_space<vmem>>, vector<1x16xf32>,
      %swap3A_2446 = vector.shape_cast %swap3A_2445 : vector<1x16xf32> to vector<16xf32>
      %swap3A_2447 = vector.shape_cast %get3A_2442 : vector<16xf32> to vector<1x16xf32>
      tpu.vector_store %arg8[%swap3A_2443, %swap3A_2444], %swap3A_2447 {add = true, strides = array<i32>} : memref<512x64xf32, #tpu.memory_space<vmem>>, vector<1x16xf32>,
      %get3A_2448 = arith.index_cast %scan3A_2430 : i32 to index
      %get3A_2449 = arith.constant 32 : index
      %get3A_2450 = tpu.vector_load %arg7[%get3A_2448, %get3A_2449] {strides = array<i32>} : memref<512x64xf32, #tpu.memory_space<vmem>>, vector<1x16xf32>,
      %get3A_2451 = vector.shape_cast %get3A_2450 : vector<1x16xf32> to vector<16xf32>
      %swap3A_2452 = arith.index_cast %scan3A_2430 : i32 to index
      %swap3A_2453 = arith.constant 32 : index
      %swap3A_2454 = tpu.vector_load %arg8[%swap3A_2452, %swap3A_2453] {strides = array<i32>} : memref<512x64xf32, #tpu.memory_space<vmem>>, vector<1x16xf32>,
      %swap3A_2455 = vector.shape_cast %swap3A_2454 : vector<1x16xf32> to vector<16xf32>
      %swap3A_2456 = vector.shape_cast %get3A_2451 : vector<16xf32> to vector<1x16xf32>
      tpu.vector_store %arg8[%swap3A_2452, %swap3A_2453], %swap3A_2456 {add = true, strides = array<i32>} : memref<512x64xf32, #tpu.memory_space<vmem>>, vector<1x16xf32>,
      %get3A_2457 = arith.index_cast %scan3A_2430 : i32 to index
      %get3A_2458 = arith.constant 48 : index
      %get3A_2459 = tpu.vector_load %arg7[%get3A_2457, %get3A_2458] {strides = array<i32>} : memref<512x64xf32, #tpu.memory_space<vmem>>, vector<1x16xf32>,
      %get3A_2460 = vector.shape_cast %get3A_2459 : vector<1x16xf32> to vector<16xf32>
      %swap3A_2461 = arith.index_cast %scan3A_2430 : i32 to index
      %swap3A_2462 = arith.constant 48 : index
      %swap3A_2463 = tpu.vector_load %arg8[%swap3A_2461, %swap3A_2462] {strides = array<i32>} : memref<512x64xf32, #tpu.memory_space<vmem>>, vector<1x16xf32>,
      %swap3A_2464 = vector.shape_cast %swap3A_2463 : vector<1x16xf32> to vector<16xf32>
      %swap3A_2465 = vector.shape_cast %get3A_2460 : vector<16xf32> to vector<1x16xf32>
      tpu.vector_store %arg8[%swap3A_2461, %swap3A_2462], %swap3A_2465 {add = true, strides = array<i32>} : memref<512x64xf32, #tpu.memory_space<vmem>>, vector<1x16xf32>,
      %scan3A_2466 = arith.constant 0 : i32
      scf.yield %scan3A_2466 : i32
    }
    %scan3A_1947 = arith.constant 512 : i32
    %dma_start3A_1948 = arith.constant 21 : i32
    %dma_start3A_1949 = arith.constant 0 : i32
    %dma_start3A_1950 = arith.constant 0 : i32
    %dma_start3A_1951 = tpu.memref_slice %arg7[%dma_start3A_1949, %dma_start3A_1950] : memref<512x64xf32, #tpu.memory_space<vmem>> -> memref<128x64xf32, #tpu.memory_space<vmem>>
    %dma_start3A_1952 = arith.constant 0 : i32
    %dma_start3A_1953 = tpu.memref_slice %arg5[%dma_start3A_1948, %dma_start3A_1952] : memref<26x512xi32, #tpu.memory_space<vmem>> -> memref<1x128xi32, #tpu.memory_space<vmem>>
    %dma_start3A_1954 = tpu.memref_squeeze %dma_start3A_1953 : memref<1x128xi32, #tpu.memory_space<vmem>> -> memref<128xi32, #tpu.memory_space<vmem>>
    %dma_start3A_1955 = arith.constant 0 : i32
    %dma_start3A_1956 = arith.constant 0 : i32
    %dma_start3A_1957 = tpu.memref_slice %arg2[%dma_start3A_1955, %dma_start3A_1956] : memref<2600000x64xf32, #tpu.memory_space<hbm>> -> memref<2600000x64xf32, #tpu.memory_space<hbm>>
    tpu.enqueue_indirect_dma source(%dma_start3A_1957 : memref<2600000x64xf32, #tpu.memory_space<hbm>>) target(%dma_start3A_1951 : memref<128x64xf32, #tpu.memory_space<vmem>>) offsets(%dma_start3A_1954 : memref<128xi32, #tpu.memory_space<vmem>>) semaphore(%arg10 : memref<!tpu.dma_semaphore, #tpu.memory_space<semaphore_mem>>)
    %dma_start3A_1958 = arith.constant 21 : i32
    %dma_start3A_1959 = arith.constant 128 : i32
    %dma_start3A_1960 = arith.constant 0 : i32
    %dma_start3A_1961 = tpu.memref_slice %arg7[%dma_start3A_1959, %dma_start3A_1960] : memref<512x64xf32, #tpu.memory_space<vmem>> -> memref<128x64xf32, #tpu.memory_space<vmem>>
    %dma_start3A_1962 = arith.constant 128 : i32
    %dma_start3A_1963 = tpu.memref_slice %arg5[%dma_start3A_1958, %dma_start3A_1962] : memref<26x512xi32, #tpu.memory_space<vmem>> -> memref<1x128xi32, #tpu.memory_space<vmem>>
    %dma_start3A_1964 = tpu.memref_squeeze %dma_start3A_1963 : memref<1x128xi32, #tpu.memory_space<vmem>> -> memref<128xi32, #tpu.memory_space<vmem>>
    %dma_start3A_1965 = arith.constant 0 : i32
    %dma_start3A_1966 = arith.constant 0 : i32
    %dma_start3A_1967 = tpu.memref_slice %arg2[%dma_start3A_1965, %dma_start3A_1966] : memref<2600000x64xf32, #tpu.memory_space<hbm>> -> memref<2600000x64xf32, #tpu.memory_space<hbm>>
    tpu.enqueue_indirect_dma source(%dma_start3A_1967 : memref<2600000x64xf32, #tpu.memory_space<hbm>>) target(%dma_start3A_1961 : memref<128x64xf32, #tpu.memory_space<vmem>>) offsets(%dma_start3A_1964 : memref<128xi32, #tpu.memory_space<vmem>>) semaphore(%arg10 : memref<!tpu.dma_semaphore, #tpu.memory_space<semaphore_mem>>)
    %dma_start3A_1968 = arith.constant 21 : i32
    %dma_start3A_1969 = arith.constant 256 : i32
    %dma_start3A_1970 = arith.constant 0 : i32
    %dma_start3A_1971 = tpu.memref_slice %arg7[%dma_start3A_1969, %dma_start3A_1970] : memref<512x64xf32, #tpu.memory_space<vmem>> -> memref<128x64xf32, #tpu.memory_space<vmem>>
    %dma_start3A_1972 = arith.constant 256 : i32
    %dma_start3A_1973 = tpu.memref_slice %arg5[%dma_start3A_1968, %dma_start3A_1972] : memref<26x512xi32, #tpu.memory_space<vmem>> -> memref<1x128xi32, #tpu.memory_space<vmem>>
    %dma_start3A_1974 = tpu.memref_squeeze %dma_start3A_1973 : memref<1x128xi32, #tpu.memory_space<vmem>> -> memref<128xi32, #tpu.memory_space<vmem>>
    %dma_start3A_1975 = arith.constant 0 : i32
    %dma_start3A_1976 = arith.constant 0 : i32
    %dma_start3A_1977 = tpu.memref_slice %arg2[%dma_start3A_1975, %dma_start3A_1976] : memref<2600000x64xf32, #tpu.memory_space<hbm>> -> memref<2600000x64xf32, #tpu.memory_space<hbm>>
    tpu.enqueue_indirect_dma source(%dma_start3A_1977 : memref<2600000x64xf32, #tpu.memory_space<hbm>>) target(%dma_start3A_1971 : memref<128x64xf32, #tpu.memory_space<vmem>>) offsets(%dma_start3A_1974 : memref<128xi32, #tpu.memory_space<vmem>>) semaphore(%arg10 : memref<!tpu.dma_semaphore, #tpu.memory_space<semaphore_mem>>)
    %dma_start3A_1978 = arith.constant 21 : i32
    %dma_start3A_1979 = arith.constant 384 : i32
    %dma_start3A_1980 = arith.constant 0 : i32
    %dma_start3A_1981 = tpu.memref_slice %arg7[%dma_start3A_1979, %dma_start3A_1980] : memref<512x64xf32, #tpu.memory_space<vmem>> -> memref<128x64xf32, #tpu.memory_space<vmem>>
    %dma_start3A_1982 = arith.constant 384 : i32
    %dma_start3A_1983 = tpu.memref_slice %arg5[%dma_start3A_1978, %dma_start3A_1982] : memref<26x512xi32, #tpu.memory_space<vmem>> -> memref<1x128xi32, #tpu.memory_space<vmem>>
    %dma_start3A_1984 = tpu.memref_squeeze %dma_start3A_1983 : memref<1x128xi32, #tpu.memory_space<vmem>> -> memref<128xi32, #tpu.memory_space<vmem>>
    %dma_start3A_1985 = arith.constant 0 : i32
    %dma_start3A_1986 = arith.constant 0 : i32
    %dma_start3A_1987 = tpu.memref_slice %arg2[%dma_start3A_1985, %dma_start3A_1986] : memref<2600000x64xf32, #tpu.memory_space<hbm>> -> memref<2600000x64xf32, #tpu.memory_space<hbm>>
    tpu.enqueue_indirect_dma source(%dma_start3A_1987 : memref<2600000x64xf32, #tpu.memory_space<hbm>>) target(%dma_start3A_1981 : memref<128x64xf32, #tpu.memory_space<vmem>>) offsets(%dma_start3A_1984 : memref<128xi32, #tpu.memory_space<vmem>>) semaphore(%arg10 : memref<!tpu.dma_semaphore, #tpu.memory_space<semaphore_mem>>)
    %dma_wait3A_1988 = arith.constant 20 : i32
    %dma_wait3A_1989 = arith.constant 0 : i32
    %dma_wait3A_1990 = arith.constant 0 : i32
    %dma_wait3A_1991 = tpu.memref_slice %arg6[%dma_wait3A_1989, %dma_wait3A_1990] : memref<512x64xf32, #tpu.memory_space<vmem>> -> memref<128x64xf32, #tpu.memory_space<vmem>>
    %dma_wait3A_1992 = arith.constant 0 : i32
    %dma_wait3A_1993 = tpu.memref_slice %arg5[%dma_wait3A_1988, %dma_wait3A_1992] : memref<26x512xi32, #tpu.memory_space<vmem>> -> memref<1x128xi32, #tpu.memory_space<vmem>>
    %dma_wait3A_1994 = tpu.memref_squeeze %dma_wait3A_1993 : memref<1x128xi32, #tpu.memory_space<vmem>> -> memref<128xi32, #tpu.memory_space<vmem>>
    %dma_wait3A_1995 = arith.constant 0 : i32
    %dma_wait3A_1996 = arith.constant 0 : i32
    %dma_wait3A_1997 = tpu.memref_slice %arg2[%dma_wait3A_1995, %dma_wait3A_1996] : memref<2600000x64xf32, #tpu.memory_space<hbm>> -> memref<2600000x64xf32, #tpu.memory_space<hbm>>
    tpu.wait_indirect_dma semaphore(%arg9 : memref<!tpu.dma_semaphore, #tpu.memory_space<semaphore_mem>>) src(%dma_wait3A_1997 : memref<2600000x64xf32, #tpu.memory_space<hbm>>) dst(%dma_wait3A_1991 : memref<128x64xf32, #tpu.memory_space<vmem>>)
    %dma_wait3A_1998 = arith.constant 20 : i32
    %dma_wait3A_1999 = arith.constant 128 : i32
    %dma_wait3A_2000 = arith.constant 0 : i32
    %dma_wait3A_2001 = tpu.memref_slice %arg6[%dma_wait3A_1999, %dma_wait3A_2000] : memref<512x64xf32, #tpu.memory_space<vmem>> -> memref<128x64xf32, #tpu.memory_space<vmem>>
    %dma_wait3A_2002 = arith.constant 128 : i32
    %dma_wait3A_2003 = tpu.memref_slice %arg5[%dma_wait3A_1998, %dma_wait3A_2002] : memref<26x512xi32, #tpu.memory_space<vmem>> -> memref<1x128xi32, #tpu.memory_space<vmem>>
    %dma_wait3A_2004 = tpu.memref_squeeze %dma_wait3A_2003 : memref<1x128xi32, #tpu.memory_space<vmem>> -> memref<128xi32, #tpu.memory_space<vmem>>
    %dma_wait3A_2005 = arith.constant 0 : i32
    %dma_wait3A_2006 = arith.constant 0 : i32
    %dma_wait3A_2007 = tpu.memref_slice %arg2[%dma_wait3A_2005, %dma_wait3A_2006] : memref<2600000x64xf32, #tpu.memory_space<hbm>> -> memref<2600000x64xf32, #tpu.memory_space<hbm>>
    tpu.wait_indirect_dma semaphore(%arg9 : memref<!tpu.dma_semaphore, #tpu.memory_space<semaphore_mem>>) src(%dma_wait3A_2007 : memref<2600000x64xf32, #tpu.memory_space<hbm>>) dst(%dma_wait3A_2001 : memref<128x64xf32, #tpu.memory_space<vmem>>)
    %dma_wait3A_2008 = arith.constant 20 : i32
    %dma_wait3A_2009 = arith.constant 256 : i32
    %dma_wait3A_2010 = arith.constant 0 : i32
    %dma_wait3A_2011 = tpu.memref_slice %arg6[%dma_wait3A_2009, %dma_wait3A_2010] : memref<512x64xf32, #tpu.memory_space<vmem>> -> memref<128x64xf32, #tpu.memory_space<vmem>>
    %dma_wait3A_2012 = arith.constant 256 : i32
    %dma_wait3A_2013 = tpu.memref_slice %arg5[%dma_wait3A_2008, %dma_wait3A_2012] : memref<26x512xi32, #tpu.memory_space<vmem>> -> memref<1x128xi32, #tpu.memory_space<vmem>>
    %dma_wait3A_2014 = tpu.memref_squeeze %dma_wait3A_2013 : memref<1x128xi32, #tpu.memory_space<vmem>> -> memref<128xi32, #tpu.memory_space<vmem>>
    %dma_wait3A_2015 = arith.constant 0 : i32
    %dma_wait3A_2016 = arith.constant 0 : i32
    %dma_wait3A_2017 = tpu.memref_slice %arg2[%dma_wait3A_2015, %dma_wait3A_2016] : memref<2600000x64xf32, #tpu.memory_space<hbm>> -> memref<2600000x64xf32, #tpu.memory_space<hbm>>
    tpu.wait_indirect_dma semaphore(%arg9 : memref<!tpu.dma_semaphore, #tpu.memory_space<semaphore_mem>>) src(%dma_wait3A_2017 : memref<2600000x64xf32, #tpu.memory_space<hbm>>) dst(%dma_wait3A_2011 : memref<128x64xf32, #tpu.memory_space<vmem>>)
    %dma_wait3A_2018 = arith.constant 20 : i32
    %dma_wait3A_2019 = arith.constant 384 : i32
    %dma_wait3A_2020 = arith.constant 0 : i32
    %dma_wait3A_2021 = tpu.memref_slice %arg6[%dma_wait3A_2019, %dma_wait3A_2020] : memref<512x64xf32, #tpu.memory_space<vmem>> -> memref<128x64xf32, #tpu.memory_space<vmem>>
    %dma_wait3A_2022 = arith.constant 384 : i32
    %dma_wait3A_2023 = tpu.memref_slice %arg5[%dma_wait3A_2018, %dma_wait3A_2022] : memref<26x512xi32, #tpu.memory_space<vmem>> -> memref<1x128xi32, #tpu.memory_space<vmem>>
    %dma_wait3A_2024 = tpu.memref_squeeze %dma_wait3A_2023 : memref<1x128xi32, #tpu.memory_space<vmem>> -> memref<128xi32, #tpu.memory_space<vmem>>
    %dma_wait3A_2025 = arith.constant 0 : i32
    %dma_wait3A_2026 = arith.constant 0 : i32
    %dma_wait3A_2027 = tpu.memref_slice %arg2[%dma_wait3A_2025, %dma_wait3A_2026] : memref<2600000x64xf32, #tpu.memory_space<hbm>> -> memref<2600000x64xf32, #tpu.memory_space<hbm>>
    tpu.wait_indirect_dma semaphore(%arg9 : memref<!tpu.dma_semaphore, #tpu.memory_space<semaphore_mem>>) src(%dma_wait3A_2027 : memref<2600000x64xf32, #tpu.memory_space<hbm>>) dst(%dma_wait3A_2021 : memref<128x64xf32, #tpu.memory_space<vmem>>)
    %scan3A_2028 = arith.constant 0 : i32
    %scan3A_2029 = arith.constant 0 : i32
    %scan3A_2030 = arith.constant 512 : i32
    %scan3A_2031 = arith.addi %scan3A_2029, %scan3A_2030 : i32
    %scan3A_2032 = arith.constant 1 : i32
    %scan3A_2033 = scf.for %scan3A_2430 = %scan3A_2029 to %scan3A_2031 step %scan3A_2032 iter_args(%scan3A_2431 = %scan3A_2028) -> (i32)  : i32 {
      %get3A = arith.index_cast %scan3A_2430 : i32 to index
      %get3A_2432 = arith.constant 0 : index
      %get3A_2433 = tpu.vector_load %arg6[%get3A, %get3A_2432] {strides = array<i32>} : memref<512x64xf32, #tpu.memory_space<vmem>>, vector<1x16xf32>,
      %get3A_2434 = vector.shape_cast %get3A_2433 : vector<1x16xf32> to vector<16xf32>
      %swap3A = arith.index_cast %scan3A_2430 : i32 to index
      %swap3A_2435 = arith.constant 0 : index
      %swap3A_2436 = tpu.vector_load %arg8[%swap3A, %swap3A_2435] {strides = array<i32>} : memref<512x64xf32, #tpu.memory_space<vmem>>, vector<1x16xf32>,
      %swap3A_2437 = vector.shape_cast %swap3A_2436 : vector<1x16xf32> to vector<16xf32>
      %swap3A_2438 = vector.shape_cast %get3A_2434 : vector<16xf32> to vector<1x16xf32>
      tpu.vector_store %arg8[%swap3A, %swap3A_2435], %swap3A_2438 {add = true, strides = array<i32>} : memref<512x64xf32, #tpu.memory_space<vmem>>, vector<1x16xf32>,
      %get3A_2439 = arith.index_cast %scan3A_2430 : i32 to index
      %get3A_2440 = arith.constant 16 : index
      %get3A_2441 = tpu.vector_load %arg6[%get3A_2439, %get3A_2440] {strides = array<i32>} : memref<512x64xf32, #tpu.memory_space<vmem>>, vector<1x16xf32>,
      %get3A_2442 = vector.shape_cast %get3A_2441 : vector<1x16xf32> to vector<16xf32>
      %swap3A_2443 = arith.index_cast %scan3A_2430 : i32 to index
      %swap3A_2444 = arith.constant 16 : index
      %swap3A_2445 = tpu.vector_load %arg8[%swap3A_2443, %swap3A_2444] {strides = array<i32>} : memref<512x64xf32, #tpu.memory_space<vmem>>, vector<1x16xf32>,
      %swap3A_2446 = vector.shape_cast %swap3A_2445 : vector<1x16xf32> to vector<16xf32>
      %swap3A_2447 = vector.shape_cast %get3A_2442 : vector<16xf32> to vector<1x16xf32>
      tpu.vector_store %arg8[%swap3A_2443, %swap3A_2444], %swap3A_2447 {add = true, strides = array<i32>} : memref<512x64xf32, #tpu.memory_space<vmem>>, vector<1x16xf32>,
      %get3A_2448 = arith.index_cast %scan3A_2430 : i32 to index
      %get3A_2449 = arith.constant 32 : index
      %get3A_2450 = tpu.vector_load %arg6[%get3A_2448, %get3A_2449] {strides = array<i32>} : memref<512x64xf32, #tpu.memory_space<vmem>>, vector<1x16xf32>,
      %get3A_2451 = vector.shape_cast %get3A_2450 : vector<1x16xf32> to vector<16xf32>
      %swap3A_2452 = arith.index_cast %scan3A_2430 : i32 to index
      %swap3A_2453 = arith.constant 32 : index
      %swap3A_2454 = tpu.vector_load %arg8[%swap3A_2452, %swap3A_2453] {strides = array<i32>} : memref<512x64xf32, #tpu.memory_space<vmem>>, vector<1x16xf32>,
      %swap3A_2455 = vector.shape_cast %swap3A_2454 : vector<1x16xf32> to vector<16xf32>
      %swap3A_2456 = vector.shape_cast %get3A_2451 : vector<16xf32> to vector<1x16xf32>
      tpu.vector_store %arg8[%swap3A_2452, %swap3A_2453], %swap3A_2456 {add = true, strides = array<i32>} : memref<512x64xf32, #tpu.memory_space<vmem>>, vector<1x16xf32>,
      %get3A_2457 = arith.index_cast %scan3A_2430 : i32 to index
      %get3A_2458 = arith.constant 48 : index
      %get3A_2459 = tpu.vector_load %arg6[%get3A_2457, %get3A_2458] {strides = array<i32>} : memref<512x64xf32, #tpu.memory_space<vmem>>, vector<1x16xf32>,
      %get3A_2460 = vector.shape_cast %get3A_2459 : vector<1x16xf32> to vector<16xf32>
      %swap3A_2461 = arith.index_cast %scan3A_2430 : i32 to index
      %swap3A_2462 = arith.constant 48 : index
      %swap3A_2463 = tpu.vector_load %arg8[%swap3A_2461, %swap3A_2462] {strides = array<i32>} : memref<512x64xf32, #tpu.memory_space<vmem>>, vector<1x16xf32>,
      %swap3A_2464 = vector.shape_cast %swap3A_2463 : vector<1x16xf32> to vector<16xf32>
      %swap3A_2465 = vector.shape_cast %get3A_2460 : vector<16xf32> to vector<1x16xf32>
      tpu.vector_store %arg8[%swap3A_2461, %swap3A_2462], %swap3A_2465 {add = true, strides = array<i32>} : memref<512x64xf32, #tpu.memory_space<vmem>>, vector<1x16xf32>,
      %scan3A_2466 = arith.constant 0 : i32
      scf.yield %scan3A_2466 : i32
    }
    %scan3A_2034 = arith.constant 512 : i32
    %dma_start3A_2035 = arith.constant 22 : i32
    %dma_start3A_2036 = arith.constant 0 : i32
    %dma_start3A_2037 = arith.constant 0 : i32
    %dma_start3A_2038 = tpu.memref_slice %arg6[%dma_start3A_2036, %dma_start3A_2037] : memref<512x64xf32, #tpu.memory_space<vmem>> -> memref<128x64xf32, #tpu.memory_space<vmem>>
    %dma_start3A_2039 = arith.constant 0 : i32
    %dma_start3A_2040 = tpu.memref_slice %arg5[%dma_start3A_2035, %dma_start3A_2039] : memref<26x512xi32, #tpu.memory_space<vmem>> -> memref<1x128xi32, #tpu.memory_space<vmem>>
    %dma_start3A_2041 = tpu.memref_squeeze %dma_start3A_2040 : memref<1x128xi32, #tpu.memory_space<vmem>> -> memref<128xi32, #tpu.memory_space<vmem>>
    %dma_start3A_2042 = arith.constant 0 : i32
    %dma_start3A_2043 = arith.constant 0 : i32
    %dma_start3A_2044 = tpu.memref_slice %arg2[%dma_start3A_2042, %dma_start3A_2043] : memref<2600000x64xf32, #tpu.memory_space<hbm>> -> memref<2600000x64xf32, #tpu.memory_space<hbm>>
    tpu.enqueue_indirect_dma source(%dma_start3A_2044 : memref<2600000x64xf32, #tpu.memory_space<hbm>>) target(%dma_start3A_2038 : memref<128x64xf32, #tpu.memory_space<vmem>>) offsets(%dma_start3A_2041 : memref<128xi32, #tpu.memory_space<vmem>>) semaphore(%arg9 : memref<!tpu.dma_semaphore, #tpu.memory_space<semaphore_mem>>)
    %dma_start3A_2045 = arith.constant 22 : i32
    %dma_start3A_2046 = arith.constant 128 : i32
    %dma_start3A_2047 = arith.constant 0 : i32
    %dma_start3A_2048 = tpu.memref_slice %arg6[%dma_start3A_2046, %dma_start3A_2047] : memref<512x64xf32, #tpu.memory_space<vmem>> -> memref<128x64xf32, #tpu.memory_space<vmem>>
    %dma_start3A_2049 = arith.constant 128 : i32
    %dma_start3A_2050 = tpu.memref_slice %arg5[%dma_start3A_2045, %dma_start3A_2049] : memref<26x512xi32, #tpu.memory_space<vmem>> -> memref<1x128xi32, #tpu.memory_space<vmem>>
    %dma_start3A_2051 = tpu.memref_squeeze %dma_start3A_2050 : memref<1x128xi32, #tpu.memory_space<vmem>> -> memref<128xi32, #tpu.memory_space<vmem>>
    %dma_start3A_2052 = arith.constant 0 : i32
    %dma_start3A_2053 = arith.constant 0 : i32
    %dma_start3A_2054 = tpu.memref_slice %arg2[%dma_start3A_2052, %dma_start3A_2053] : memref<2600000x64xf32, #tpu.memory_space<hbm>> -> memref<2600000x64xf32, #tpu.memory_space<hbm>>
    tpu.enqueue_indirect_dma source(%dma_start3A_2054 : memref<2600000x64xf32, #tpu.memory_space<hbm>>) target(%dma_start3A_2048 : memref<128x64xf32, #tpu.memory_space<vmem>>) offsets(%dma_start3A_2051 : memref<128xi32, #tpu.memory_space<vmem>>) semaphore(%arg9 : memref<!tpu.dma_semaphore, #tpu.memory_space<semaphore_mem>>)
    %dma_start3A_2055 = arith.constant 22 : i32
    %dma_start3A_2056 = arith.constant 256 : i32
    %dma_start3A_2057 = arith.constant 0 : i32
    %dma_start3A_2058 = tpu.memref_slice %arg6[%dma_start3A_2056, %dma_start3A_2057] : memref<512x64xf32, #tpu.memory_space<vmem>> -> memref<128x64xf32, #tpu.memory_space<vmem>>
    %dma_start3A_2059 = arith.constant 256 : i32
    %dma_start3A_2060 = tpu.memref_slice %arg5[%dma_start3A_2055, %dma_start3A_2059] : memref<26x512xi32, #tpu.memory_space<vmem>> -> memref<1x128xi32, #tpu.memory_space<vmem>>
    %dma_start3A_2061 = tpu.memref_squeeze %dma_start3A_2060 : memref<1x128xi32, #tpu.memory_space<vmem>> -> memref<128xi32, #tpu.memory_space<vmem>>
    %dma_start3A_2062 = arith.constant 0 : i32
    %dma_start3A_2063 = arith.constant 0 : i32
    %dma_start3A_2064 = tpu.memref_slice %arg2[%dma_start3A_2062, %dma_start3A_2063] : memref<2600000x64xf32, #tpu.memory_space<hbm>> -> memref<2600000x64xf32, #tpu.memory_space<hbm>>
    tpu.enqueue_indirect_dma source(%dma_start3A_2064 : memref<2600000x64xf32, #tpu.memory_space<hbm>>) target(%dma_start3A_2058 : memref<128x64xf32, #tpu.memory_space<vmem>>) offsets(%dma_start3A_2061 : memref<128xi32, #tpu.memory_space<vmem>>) semaphore(%arg9 : memref<!tpu.dma_semaphore, #tpu.memory_space<semaphore_mem>>)
    %dma_start3A_2065 = arith.constant 22 : i32
    %dma_start3A_2066 = arith.constant 384 : i32
    %dma_start3A_2067 = arith.constant 0 : i32
    %dma_start3A_2068 = tpu.memref_slice %arg6[%dma_start3A_2066, %dma_start3A_2067] : memref<512x64xf32, #tpu.memory_space<vmem>> -> memref<128x64xf32, #tpu.memory_space<vmem>>
    %dma_start3A_2069 = arith.constant 384 : i32
    %dma_start3A_2070 = tpu.memref_slice %arg5[%dma_start3A_2065, %dma_start3A_2069] : memref<26x512xi32, #tpu.memory_space<vmem>> -> memref<1x128xi32, #tpu.memory_space<vmem>>
    %dma_start3A_2071 = tpu.memref_squeeze %dma_start3A_2070 : memref<1x128xi32, #tpu.memory_space<vmem>> -> memref<128xi32, #tpu.memory_space<vmem>>
    %dma_start3A_2072 = arith.constant 0 : i32
    %dma_start3A_2073 = arith.constant 0 : i32
    %dma_start3A_2074 = tpu.memref_slice %arg2[%dma_start3A_2072, %dma_start3A_2073] : memref<2600000x64xf32, #tpu.memory_space<hbm>> -> memref<2600000x64xf32, #tpu.memory_space<hbm>>
    tpu.enqueue_indirect_dma source(%dma_start3A_2074 : memref<2600000x64xf32, #tpu.memory_space<hbm>>) target(%dma_start3A_2068 : memref<128x64xf32, #tpu.memory_space<vmem>>) offsets(%dma_start3A_2071 : memref<128xi32, #tpu.memory_space<vmem>>) semaphore(%arg9 : memref<!tpu.dma_semaphore, #tpu.memory_space<semaphore_mem>>)
    %dma_wait3A_2075 = arith.constant 21 : i32
    %dma_wait3A_2076 = arith.constant 0 : i32
    %dma_wait3A_2077 = arith.constant 0 : i32
    %dma_wait3A_2078 = tpu.memref_slice %arg7[%dma_wait3A_2076, %dma_wait3A_2077] : memref<512x64xf32, #tpu.memory_space<vmem>> -> memref<128x64xf32, #tpu.memory_space<vmem>>
    %dma_wait3A_2079 = arith.constant 0 : i32
    %dma_wait3A_2080 = tpu.memref_slice %arg5[%dma_wait3A_2075, %dma_wait3A_2079] : memref<26x512xi32, #tpu.memory_space<vmem>> -> memref<1x128xi32, #tpu.memory_space<vmem>>
    %dma_wait3A_2081 = tpu.memref_squeeze %dma_wait3A_2080 : memref<1x128xi32, #tpu.memory_space<vmem>> -> memref<128xi32, #tpu.memory_space<vmem>>
    %dma_wait3A_2082 = arith.constant 0 : i32
    %dma_wait3A_2083 = arith.constant 0 : i32
    %dma_wait3A_2084 = tpu.memref_slice %arg2[%dma_wait3A_2082, %dma_wait3A_2083] : memref<2600000x64xf32, #tpu.memory_space<hbm>> -> memref<2600000x64xf32, #tpu.memory_space<hbm>>
    tpu.wait_indirect_dma semaphore(%arg10 : memref<!tpu.dma_semaphore, #tpu.memory_space<semaphore_mem>>) src(%dma_wait3A_2084 : memref<2600000x64xf32, #tpu.memory_space<hbm>>) dst(%dma_wait3A_2078 : memref<128x64xf32, #tpu.memory_space<vmem>>)
    %dma_wait3A_2085 = arith.constant 21 : i32
    %dma_wait3A_2086 = arith.constant 128 : i32
    %dma_wait3A_2087 = arith.constant 0 : i32
    %dma_wait3A_2088 = tpu.memref_slice %arg7[%dma_wait3A_2086, %dma_wait3A_2087] : memref<512x64xf32, #tpu.memory_space<vmem>> -> memref<128x64xf32, #tpu.memory_space<vmem>>
    %dma_wait3A_2089 = arith.constant 128 : i32
    %dma_wait3A_2090 = tpu.memref_slice %arg5[%dma_wait3A_2085, %dma_wait3A_2089] : memref<26x512xi32, #tpu.memory_space<vmem>> -> memref<1x128xi32, #tpu.memory_space<vmem>>
    %dma_wait3A_2091 = tpu.memref_squeeze %dma_wait3A_2090 : memref<1x128xi32, #tpu.memory_space<vmem>> -> memref<128xi32, #tpu.memory_space<vmem>>
    %dma_wait3A_2092 = arith.constant 0 : i32
    %dma_wait3A_2093 = arith.constant 0 : i32
    %dma_wait3A_2094 = tpu.memref_slice %arg2[%dma_wait3A_2092, %dma_wait3A_2093] : memref<2600000x64xf32, #tpu.memory_space<hbm>> -> memref<2600000x64xf32, #tpu.memory_space<hbm>>
    tpu.wait_indirect_dma semaphore(%arg10 : memref<!tpu.dma_semaphore, #tpu.memory_space<semaphore_mem>>) src(%dma_wait3A_2094 : memref<2600000x64xf32, #tpu.memory_space<hbm>>) dst(%dma_wait3A_2088 : memref<128x64xf32, #tpu.memory_space<vmem>>)
    %dma_wait3A_2095 = arith.constant 21 : i32
    %dma_wait3A_2096 = arith.constant 256 : i32
    %dma_wait3A_2097 = arith.constant 0 : i32
    %dma_wait3A_2098 = tpu.memref_slice %arg7[%dma_wait3A_2096, %dma_wait3A_2097] : memref<512x64xf32, #tpu.memory_space<vmem>> -> memref<128x64xf32, #tpu.memory_space<vmem>>
    %dma_wait3A_2099 = arith.constant 256 : i32
    %dma_wait3A_2100 = tpu.memref_slice %arg5[%dma_wait3A_2095, %dma_wait3A_2099] : memref<26x512xi32, #tpu.memory_space<vmem>> -> memref<1x128xi32, #tpu.memory_space<vmem>>
    %dma_wait3A_2101 = tpu.memref_squeeze %dma_wait3A_2100 : memref<1x128xi32, #tpu.memory_space<vmem>> -> memref<128xi32, #tpu.memory_space<vmem>>
    %dma_wait3A_2102 = arith.constant 0 : i32
    %dma_wait3A_2103 = arith.constant 0 : i32
    %dma_wait3A_2104 = tpu.memref_slice %arg2[%dma_wait3A_2102, %dma_wait3A_2103] : memref<2600000x64xf32, #tpu.memory_space<hbm>> -> memref<2600000x64xf32, #tpu.memory_space<hbm>>
    tpu.wait_indirect_dma semaphore(%arg10 : memref<!tpu.dma_semaphore, #tpu.memory_space<semaphore_mem>>) src(%dma_wait3A_2104 : memref<2600000x64xf32, #tpu.memory_space<hbm>>) dst(%dma_wait3A_2098 : memref<128x64xf32, #tpu.memory_space<vmem>>)
    %dma_wait3A_2105 = arith.constant 21 : i32
    %dma_wait3A_2106 = arith.constant 384 : i32
    %dma_wait3A_2107 = arith.constant 0 : i32
    %dma_wait3A_2108 = tpu.memref_slice %arg7[%dma_wait3A_2106, %dma_wait3A_2107] : memref<512x64xf32, #tpu.memory_space<vmem>> -> memref<128x64xf32, #tpu.memory_space<vmem>>
    %dma_wait3A_2109 = arith.constant 384 : i32
    %dma_wait3A_2110 = tpu.memref_slice %arg5[%dma_wait3A_2105, %dma_wait3A_2109] : memref<26x512xi32, #tpu.memory_space<vmem>> -> memref<1x128xi32, #tpu.memory_space<vmem>>
    %dma_wait3A_2111 = tpu.memref_squeeze %dma_wait3A_2110 : memref<1x128xi32, #tpu.memory_space<vmem>> -> memref<128xi32, #tpu.memory_space<vmem>>
    %dma_wait3A_2112 = arith.constant 0 : i32
    %dma_wait3A_2113 = arith.constant 0 : i32
    %dma_wait3A_2114 = tpu.memref_slice %arg2[%dma_wait3A_2112, %dma_wait3A_2113] : memref<2600000x64xf32, #tpu.memory_space<hbm>> -> memref<2600000x64xf32, #tpu.memory_space<hbm>>
    tpu.wait_indirect_dma semaphore(%arg10 : memref<!tpu.dma_semaphore, #tpu.memory_space<semaphore_mem>>) src(%dma_wait3A_2114 : memref<2600000x64xf32, #tpu.memory_space<hbm>>) dst(%dma_wait3A_2108 : memref<128x64xf32, #tpu.memory_space<vmem>>)
    %scan3A_2115 = arith.constant 0 : i32
    %scan3A_2116 = arith.constant 0 : i32
    %scan3A_2117 = arith.constant 512 : i32
    %scan3A_2118 = arith.addi %scan3A_2116, %scan3A_2117 : i32
    %scan3A_2119 = arith.constant 1 : i32
    %scan3A_2120 = scf.for %scan3A_2430 = %scan3A_2116 to %scan3A_2118 step %scan3A_2119 iter_args(%scan3A_2431 = %scan3A_2115) -> (i32)  : i32 {
      %get3A = arith.index_cast %scan3A_2430 : i32 to index
      %get3A_2432 = arith.constant 0 : index
      %get3A_2433 = tpu.vector_load %arg7[%get3A, %get3A_2432] {strides = array<i32>} : memref<512x64xf32, #tpu.memory_space<vmem>>, vector<1x16xf32>,
      %get3A_2434 = vector.shape_cast %get3A_2433 : vector<1x16xf32> to vector<16xf32>
      %swap3A = arith.index_cast %scan3A_2430 : i32 to index
      %swap3A_2435 = arith.constant 0 : index
      %swap3A_2436 = tpu.vector_load %arg8[%swap3A, %swap3A_2435] {strides = array<i32>} : memref<512x64xf32, #tpu.memory_space<vmem>>, vector<1x16xf32>,
      %swap3A_2437 = vector.shape_cast %swap3A_2436 : vector<1x16xf32> to vector<16xf32>
      %swap3A_2438 = vector.shape_cast %get3A_2434 : vector<16xf32> to vector<1x16xf32>
      tpu.vector_store %arg8[%swap3A, %swap3A_2435], %swap3A_2438 {add = true, strides = array<i32>} : memref<512x64xf32, #tpu.memory_space<vmem>>, vector<1x16xf32>,
      %get3A_2439 = arith.index_cast %scan3A_2430 : i32 to index
      %get3A_2440 = arith.constant 16 : index
      %get3A_2441 = tpu.vector_load %arg7[%get3A_2439, %get3A_2440] {strides = array<i32>} : memref<512x64xf32, #tpu.memory_space<vmem>>, vector<1x16xf32>,
      %get3A_2442 = vector.shape_cast %get3A_2441 : vector<1x16xf32> to vector<16xf32>
      %swap3A_2443 = arith.index_cast %scan3A_2430 : i32 to index
      %swap3A_2444 = arith.constant 16 : index
      %swap3A_2445 = tpu.vector_load %arg8[%swap3A_2443, %swap3A_2444] {strides = array<i32>} : memref<512x64xf32, #tpu.memory_space<vmem>>, vector<1x16xf32>,
      %swap3A_2446 = vector.shape_cast %swap3A_2445 : vector<1x16xf32> to vector<16xf32>
      %swap3A_2447 = vector.shape_cast %get3A_2442 : vector<16xf32> to vector<1x16xf32>
      tpu.vector_store %arg8[%swap3A_2443, %swap3A_2444], %swap3A_2447 {add = true, strides = array<i32>} : memref<512x64xf32, #tpu.memory_space<vmem>>, vector<1x16xf32>,
      %get3A_2448 = arith.index_cast %scan3A_2430 : i32 to index
      %get3A_2449 = arith.constant 32 : index
      %get3A_2450 = tpu.vector_load %arg7[%get3A_2448, %get3A_2449] {strides = array<i32>} : memref<512x64xf32, #tpu.memory_space<vmem>>, vector<1x16xf32>,
      %get3A_2451 = vector.shape_cast %get3A_2450 : vector<1x16xf32> to vector<16xf32>
      %swap3A_2452 = arith.index_cast %scan3A_2430 : i32 to index
      %swap3A_2453 = arith.constant 32 : index
      %swap3A_2454 = tpu.vector_load %arg8[%swap3A_2452, %swap3A_2453] {strides = array<i32>} : memref<512x64xf32, #tpu.memory_space<vmem>>, vector<1x16xf32>,
      %swap3A_2455 = vector.shape_cast %swap3A_2454 : vector<1x16xf32> to vector<16xf32>
      %swap3A_2456 = vector.shape_cast %get3A_2451 : vector<16xf32> to vector<1x16xf32>
      tpu.vector_store %arg8[%swap3A_2452, %swap3A_2453], %swap3A_2456 {add = true, strides = array<i32>} : memref<512x64xf32, #tpu.memory_space<vmem>>, vector<1x16xf32>,
      %get3A_2457 = arith.index_cast %scan3A_2430 : i32 to index
      %get3A_2458 = arith.constant 48 : index
      %get3A_2459 = tpu.vector_load %arg7[%get3A_2457, %get3A_2458] {strides = array<i32>} : memref<512x64xf32, #tpu.memory_space<vmem>>, vector<1x16xf32>,
      %get3A_2460 = vector.shape_cast %get3A_2459 : vector<1x16xf32> to vector<16xf32>
      %swap3A_2461 = arith.index_cast %scan3A_2430 : i32 to index
      %swap3A_2462 = arith.constant 48 : index
      %swap3A_2463 = tpu.vector_load %arg8[%swap3A_2461, %swap3A_2462] {strides = array<i32>} : memref<512x64xf32, #tpu.memory_space<vmem>>, vector<1x16xf32>,
      %swap3A_2464 = vector.shape_cast %swap3A_2463 : vector<1x16xf32> to vector<16xf32>
      %swap3A_2465 = vector.shape_cast %get3A_2460 : vector<16xf32> to vector<1x16xf32>
      tpu.vector_store %arg8[%swap3A_2461, %swap3A_2462], %swap3A_2465 {add = true, strides = array<i32>} : memref<512x64xf32, #tpu.memory_space<vmem>>, vector<1x16xf32>,
      %scan3A_2466 = arith.constant 0 : i32
      scf.yield %scan3A_2466 : i32
    }
    %scan3A_2121 = arith.constant 512 : i32
    %dma_start3A_2122 = arith.constant 23 : i32
    %dma_start3A_2123 = arith.constant 0 : i32
    %dma_start3A_2124 = arith.constant 0 : i32
    %dma_start3A_2125 = tpu.memref_slice %arg7[%dma_start3A_2123, %dma_start3A_2124] : memref<512x64xf32, #tpu.memory_space<vmem>> -> memref<128x64xf32, #tpu.memory_space<vmem>>
    %dma_start3A_2126 = arith.constant 0 : i32
    %dma_start3A_2127 = tpu.memref_slice %arg5[%dma_start3A_2122, %dma_start3A_2126] : memref<26x512xi32, #tpu.memory_space<vmem>> -> memref<1x128xi32, #tpu.memory_space<vmem>>
    %dma_start3A_2128 = tpu.memref_squeeze %dma_start3A_2127 : memref<1x128xi32, #tpu.memory_space<vmem>> -> memref<128xi32, #tpu.memory_space<vmem>>
    %dma_start3A_2129 = arith.constant 0 : i32
    %dma_start3A_2130 = arith.constant 0 : i32
    %dma_start3A_2131 = tpu.memref_slice %arg2[%dma_start3A_2129, %dma_start3A_2130] : memref<2600000x64xf32, #tpu.memory_space<hbm>> -> memref<2600000x64xf32, #tpu.memory_space<hbm>>
    tpu.enqueue_indirect_dma source(%dma_start3A_2131 : memref<2600000x64xf32, #tpu.memory_space<hbm>>) target(%dma_start3A_2125 : memref<128x64xf32, #tpu.memory_space<vmem>>) offsets(%dma_start3A_2128 : memref<128xi32, #tpu.memory_space<vmem>>) semaphore(%arg10 : memref<!tpu.dma_semaphore, #tpu.memory_space<semaphore_mem>>)
    %dma_start3A_2132 = arith.constant 23 : i32
    %dma_start3A_2133 = arith.constant 128 : i32
    %dma_start3A_2134 = arith.constant 0 : i32
    %dma_start3A_2135 = tpu.memref_slice %arg7[%dma_start3A_2133, %dma_start3A_2134] : memref<512x64xf32, #tpu.memory_space<vmem>> -> memref<128x64xf32, #tpu.memory_space<vmem>>
    %dma_start3A_2136 = arith.constant 128 : i32
    %dma_start3A_2137 = tpu.memref_slice %arg5[%dma_start3A_2132, %dma_start3A_2136] : memref<26x512xi32, #tpu.memory_space<vmem>> -> memref<1x128xi32, #tpu.memory_space<vmem>>
    %dma_start3A_2138 = tpu.memref_squeeze %dma_start3A_2137 : memref<1x128xi32, #tpu.memory_space<vmem>> -> memref<128xi32, #tpu.memory_space<vmem>>
    %dma_start3A_2139 = arith.constant 0 : i32
    %dma_start3A_2140 = arith.constant 0 : i32
    %dma_start3A_2141 = tpu.memref_slice %arg2[%dma_start3A_2139, %dma_start3A_2140] : memref<2600000x64xf32, #tpu.memory_space<hbm>> -> memref<2600000x64xf32, #tpu.memory_space<hbm>>
    tpu.enqueue_indirect_dma source(%dma_start3A_2141 : memref<2600000x64xf32, #tpu.memory_space<hbm>>) target(%dma_start3A_2135 : memref<128x64xf32, #tpu.memory_space<vmem>>) offsets(%dma_start3A_2138 : memref<128xi32, #tpu.memory_space<vmem>>) semaphore(%arg10 : memref<!tpu.dma_semaphore, #tpu.memory_space<semaphore_mem>>)
    %dma_start3A_2142 = arith.constant 23 : i32
    %dma_start3A_2143 = arith.constant 256 : i32
    %dma_start3A_2144 = arith.constant 0 : i32
    %dma_start3A_2145 = tpu.memref_slice %arg7[%dma_start3A_2143, %dma_start3A_2144] : memref<512x64xf32, #tpu.memory_space<vmem>> -> memref<128x64xf32, #tpu.memory_space<vmem>>
    %dma_start3A_2146 = arith.constant 256 : i32
    %dma_start3A_2147 = tpu.memref_slice %arg5[%dma_start3A_2142, %dma_start3A_2146] : memref<26x512xi32, #tpu.memory_space<vmem>> -> memref<1x128xi32, #tpu.memory_space<vmem>>
    %dma_start3A_2148 = tpu.memref_squeeze %dma_start3A_2147 : memref<1x128xi32, #tpu.memory_space<vmem>> -> memref<128xi32, #tpu.memory_space<vmem>>
    %dma_start3A_2149 = arith.constant 0 : i32
    %dma_start3A_2150 = arith.constant 0 : i32
    %dma_start3A_2151 = tpu.memref_slice %arg2[%dma_start3A_2149, %dma_start3A_2150] : memref<2600000x64xf32, #tpu.memory_space<hbm>> -> memref<2600000x64xf32, #tpu.memory_space<hbm>>
    tpu.enqueue_indirect_dma source(%dma_start3A_2151 : memref<2600000x64xf32, #tpu.memory_space<hbm>>) target(%dma_start3A_2145 : memref<128x64xf32, #tpu.memory_space<vmem>>) offsets(%dma_start3A_2148 : memref<128xi32, #tpu.memory_space<vmem>>) semaphore(%arg10 : memref<!tpu.dma_semaphore, #tpu.memory_space<semaphore_mem>>)
    %dma_start3A_2152 = arith.constant 23 : i32
    %dma_start3A_2153 = arith.constant 384 : i32
    %dma_start3A_2154 = arith.constant 0 : i32
    %dma_start3A_2155 = tpu.memref_slice %arg7[%dma_start3A_2153, %dma_start3A_2154] : memref<512x64xf32, #tpu.memory_space<vmem>> -> memref<128x64xf32, #tpu.memory_space<vmem>>
    %dma_start3A_2156 = arith.constant 384 : i32
    %dma_start3A_2157 = tpu.memref_slice %arg5[%dma_start3A_2152, %dma_start3A_2156] : memref<26x512xi32, #tpu.memory_space<vmem>> -> memref<1x128xi32, #tpu.memory_space<vmem>>
    %dma_start3A_2158 = tpu.memref_squeeze %dma_start3A_2157 : memref<1x128xi32, #tpu.memory_space<vmem>> -> memref<128xi32, #tpu.memory_space<vmem>>
    %dma_start3A_2159 = arith.constant 0 : i32
    %dma_start3A_2160 = arith.constant 0 : i32
    %dma_start3A_2161 = tpu.memref_slice %arg2[%dma_start3A_2159, %dma_start3A_2160] : memref<2600000x64xf32, #tpu.memory_space<hbm>> -> memref<2600000x64xf32, #tpu.memory_space<hbm>>
    tpu.enqueue_indirect_dma source(%dma_start3A_2161 : memref<2600000x64xf32, #tpu.memory_space<hbm>>) target(%dma_start3A_2155 : memref<128x64xf32, #tpu.memory_space<vmem>>) offsets(%dma_start3A_2158 : memref<128xi32, #tpu.memory_space<vmem>>) semaphore(%arg10 : memref<!tpu.dma_semaphore, #tpu.memory_space<semaphore_mem>>)
    %dma_wait3A_2162 = arith.constant 22 : i32
    %dma_wait3A_2163 = arith.constant 0 : i32
    %dma_wait3A_2164 = arith.constant 0 : i32
    %dma_wait3A_2165 = tpu.memref_slice %arg6[%dma_wait3A_2163, %dma_wait3A_2164] : memref<512x64xf32, #tpu.memory_space<vmem>> -> memref<128x64xf32, #tpu.memory_space<vmem>>
    %dma_wait3A_2166 = arith.constant 0 : i32
    %dma_wait3A_2167 = tpu.memref_slice %arg5[%dma_wait3A_2162, %dma_wait3A_2166] : memref<26x512xi32, #tpu.memory_space<vmem>> -> memref<1x128xi32, #tpu.memory_space<vmem>>
    %dma_wait3A_2168 = tpu.memref_squeeze %dma_wait3A_2167 : memref<1x128xi32, #tpu.memory_space<vmem>> -> memref<128xi32, #tpu.memory_space<vmem>>
    %dma_wait3A_2169 = arith.constant 0 : i32
    %dma_wait3A_2170 = arith.constant 0 : i32
    %dma_wait3A_2171 = tpu.memref_slice %arg2[%dma_wait3A_2169, %dma_wait3A_2170] : memref<2600000x64xf32, #tpu.memory_space<hbm>> -> memref<2600000x64xf32, #tpu.memory_space<hbm>>
    tpu.wait_indirect_dma semaphore(%arg9 : memref<!tpu.dma_semaphore, #tpu.memory_space<semaphore_mem>>) src(%dma_wait3A_2171 : memref<2600000x64xf32, #tpu.memory_space<hbm>>) dst(%dma_wait3A_2165 : memref<128x64xf32, #tpu.memory_space<vmem>>)
    %dma_wait3A_2172 = arith.constant 22 : i32
    %dma_wait3A_2173 = arith.constant 128 : i32
    %dma_wait3A_2174 = arith.constant 0 : i32
    %dma_wait3A_2175 = tpu.memref_slice %arg6[%dma_wait3A_2173, %dma_wait3A_2174] : memref<512x64xf32, #tpu.memory_space<vmem>> -> memref<128x64xf32, #tpu.memory_space<vmem>>
    %dma_wait3A_2176 = arith.constant 128 : i32
    %dma_wait3A_2177 = tpu.memref_slice %arg5[%dma_wait3A_2172, %dma_wait3A_2176] : memref<26x512xi32, #tpu.memory_space<vmem>> -> memref<1x128xi32, #tpu.memory_space<vmem>>
    %dma_wait3A_2178 = tpu.memref_squeeze %dma_wait3A_2177 : memref<1x128xi32, #tpu.memory_space<vmem>> -> memref<128xi32, #tpu.memory_space<vmem>>
    %dma_wait3A_2179 = arith.constant 0 : i32
    %dma_wait3A_2180 = arith.constant 0 : i32
    %dma_wait3A_2181 = tpu.memref_slice %arg2[%dma_wait3A_2179, %dma_wait3A_2180] : memref<2600000x64xf32, #tpu.memory_space<hbm>> -> memref<2600000x64xf32, #tpu.memory_space<hbm>>
    tpu.wait_indirect_dma semaphore(%arg9 : memref<!tpu.dma_semaphore, #tpu.memory_space<semaphore_mem>>) src(%dma_wait3A_2181 : memref<2600000x64xf32, #tpu.memory_space<hbm>>) dst(%dma_wait3A_2175 : memref<128x64xf32, #tpu.memory_space<vmem>>)
    %dma_wait3A_2182 = arith.constant 22 : i32
    %dma_wait3A_2183 = arith.constant 256 : i32
    %dma_wait3A_2184 = arith.constant 0 : i32
    %dma_wait3A_2185 = tpu.memref_slice %arg6[%dma_wait3A_2183, %dma_wait3A_2184] : memref<512x64xf32, #tpu.memory_space<vmem>> -> memref<128x64xf32, #tpu.memory_space<vmem>>
    %dma_wait3A_2186 = arith.constant 256 : i32
    %dma_wait3A_2187 = tpu.memref_slice %arg5[%dma_wait3A_2182, %dma_wait3A_2186] : memref<26x512xi32, #tpu.memory_space<vmem>> -> memref<1x128xi32, #tpu.memory_space<vmem>>
    %dma_wait3A_2188 = tpu.memref_squeeze %dma_wait3A_2187 : memref<1x128xi32, #tpu.memory_space<vmem>> -> memref<128xi32, #tpu.memory_space<vmem>>
    %dma_wait3A_2189 = arith.constant 0 : i32
    %dma_wait3A_2190 = arith.constant 0 : i32
    %dma_wait3A_2191 = tpu.memref_slice %arg2[%dma_wait3A_2189, %dma_wait3A_2190] : memref<2600000x64xf32, #tpu.memory_space<hbm>> -> memref<2600000x64xf32, #tpu.memory_space<hbm>>
    tpu.wait_indirect_dma semaphore(%arg9 : memref<!tpu.dma_semaphore, #tpu.memory_space<semaphore_mem>>) src(%dma_wait3A_2191 : memref<2600000x64xf32, #tpu.memory_space<hbm>>) dst(%dma_wait3A_2185 : memref<128x64xf32, #tpu.memory_space<vmem>>)
    %dma_wait3A_2192 = arith.constant 22 : i32
    %dma_wait3A_2193 = arith.constant 384 : i32
    %dma_wait3A_2194 = arith.constant 0 : i32
    %dma_wait3A_2195 = tpu.memref_slice %arg6[%dma_wait3A_2193, %dma_wait3A_2194] : memref<512x64xf32, #tpu.memory_space<vmem>> -> memref<128x64xf32, #tpu.memory_space<vmem>>
    %dma_wait3A_2196 = arith.constant 384 : i32
    %dma_wait3A_2197 = tpu.memref_slice %arg5[%dma_wait3A_2192, %dma_wait3A_2196] : memref<26x512xi32, #tpu.memory_space<vmem>> -> memref<1x128xi32, #tpu.memory_space<vmem>>
    %dma_wait3A_2198 = tpu.memref_squeeze %dma_wait3A_2197 : memref<1x128xi32, #tpu.memory_space<vmem>> -> memref<128xi32, #tpu.memory_space<vmem>>
    %dma_wait3A_2199 = arith.constant 0 : i32
    %dma_wait3A_2200 = arith.constant 0 : i32
    %dma_wait3A_2201 = tpu.memref_slice %arg2[%dma_wait3A_2199, %dma_wait3A_2200] : memref<2600000x64xf32, #tpu.memory_space<hbm>> -> memref<2600000x64xf32, #tpu.memory_space<hbm>>
    tpu.wait_indirect_dma semaphore(%arg9 : memref<!tpu.dma_semaphore, #tpu.memory_space<semaphore_mem>>) src(%dma_wait3A_2201 : memref<2600000x64xf32, #tpu.memory_space<hbm>>) dst(%dma_wait3A_2195 : memref<128x64xf32, #tpu.memory_space<vmem>>)
    %scan3A_2202 = arith.constant 0 : i32
    %scan3A_2203 = arith.constant 0 : i32
    %scan3A_2204 = arith.constant 512 : i32
    %scan3A_2205 = arith.addi %scan3A_2203, %scan3A_2204 : i32
    %scan3A_2206 = arith.constant 1 : i32
    %scan3A_2207 = scf.for %scan3A_2430 = %scan3A_2203 to %scan3A_2205 step %scan3A_2206 iter_args(%scan3A_2431 = %scan3A_2202) -> (i32)  : i32 {
      %get3A = arith.index_cast %scan3A_2430 : i32 to index
      %get3A_2432 = arith.constant 0 : index
      %get3A_2433 = tpu.vector_load %arg6[%get3A, %get3A_2432] {strides = array<i32>} : memref<512x64xf32, #tpu.memory_space<vmem>>, vector<1x16xf32>,
      %get3A_2434 = vector.shape_cast %get3A_2433 : vector<1x16xf32> to vector<16xf32>
      %swap3A = arith.index_cast %scan3A_2430 : i32 to index
      %swap3A_2435 = arith.constant 0 : index
      %swap3A_2436 = tpu.vector_load %arg8[%swap3A, %swap3A_2435] {strides = array<i32>} : memref<512x64xf32, #tpu.memory_space<vmem>>, vector<1x16xf32>,
      %swap3A_2437 = vector.shape_cast %swap3A_2436 : vector<1x16xf32> to vector<16xf32>
      %swap3A_2438 = vector.shape_cast %get3A_2434 : vector<16xf32> to vector<1x16xf32>
      tpu.vector_store %arg8[%swap3A, %swap3A_2435], %swap3A_2438 {add = true, strides = array<i32>} : memref<512x64xf32, #tpu.memory_space<vmem>>, vector<1x16xf32>,
      %get3A_2439 = arith.index_cast %scan3A_2430 : i32 to index
      %get3A_2440 = arith.constant 16 : index
      %get3A_2441 = tpu.vector_load %arg6[%get3A_2439, %get3A_2440] {strides = array<i32>} : memref<512x64xf32, #tpu.memory_space<vmem>>, vector<1x16xf32>,
      %get3A_2442 = vector.shape_cast %get3A_2441 : vector<1x16xf32> to vector<16xf32>
      %swap3A_2443 = arith.index_cast %scan3A_2430 : i32 to index
      %swap3A_2444 = arith.constant 16 : index
      %swap3A_2445 = tpu.vector_load %arg8[%swap3A_2443, %swap3A_2444] {strides = array<i32>} : memref<512x64xf32, #tpu.memory_space<vmem>>, vector<1x16xf32>,
      %swap3A_2446 = vector.shape_cast %swap3A_2445 : vector<1x16xf32> to vector<16xf32>
      %swap3A_2447 = vector.shape_cast %get3A_2442 : vector<16xf32> to vector<1x16xf32>
      tpu.vector_store %arg8[%swap3A_2443, %swap3A_2444], %swap3A_2447 {add = true, strides = array<i32>} : memref<512x64xf32, #tpu.memory_space<vmem>>, vector<1x16xf32>,
      %get3A_2448 = arith.index_cast %scan3A_2430 : i32 to index
      %get3A_2449 = arith.constant 32 : index
      %get3A_2450 = tpu.vector_load %arg6[%get3A_2448, %get3A_2449] {strides = array<i32>} : memref<512x64xf32, #tpu.memory_space<vmem>>, vector<1x16xf32>,
      %get3A_2451 = vector.shape_cast %get3A_2450 : vector<1x16xf32> to vector<16xf32>
      %swap3A_2452 = arith.index_cast %scan3A_2430 : i32 to index
      %swap3A_2453 = arith.constant 32 : index
      %swap3A_2454 = tpu.vector_load %arg8[%swap3A_2452, %swap3A_2453] {strides = array<i32>} : memref<512x64xf32, #tpu.memory_space<vmem>>, vector<1x16xf32>,
      %swap3A_2455 = vector.shape_cast %swap3A_2454 : vector<1x16xf32> to vector<16xf32>
      %swap3A_2456 = vector.shape_cast %get3A_2451 : vector<16xf32> to vector<1x16xf32>
      tpu.vector_store %arg8[%swap3A_2452, %swap3A_2453], %swap3A_2456 {add = true, strides = array<i32>} : memref<512x64xf32, #tpu.memory_space<vmem>>, vector<1x16xf32>,
      %get3A_2457 = arith.index_cast %scan3A_2430 : i32 to index
      %get3A_2458 = arith.constant 48 : index
      %get3A_2459 = tpu.vector_load %arg6[%get3A_2457, %get3A_2458] {strides = array<i32>} : memref<512x64xf32, #tpu.memory_space<vmem>>, vector<1x16xf32>,
      %get3A_2460 = vector.shape_cast %get3A_2459 : vector<1x16xf32> to vector<16xf32>
      %swap3A_2461 = arith.index_cast %scan3A_2430 : i32 to index
      %swap3A_2462 = arith.constant 48 : index
      %swap3A_2463 = tpu.vector_load %arg8[%swap3A_2461, %swap3A_2462] {strides = array<i32>} : memref<512x64xf32, #tpu.memory_space<vmem>>, vector<1x16xf32>,
      %swap3A_2464 = vector.shape_cast %swap3A_2463 : vector<1x16xf32> to vector<16xf32>
      %swap3A_2465 = vector.shape_cast %get3A_2460 : vector<16xf32> to vector<1x16xf32>
      tpu.vector_store %arg8[%swap3A_2461, %swap3A_2462], %swap3A_2465 {add = true, strides = array<i32>} : memref<512x64xf32, #tpu.memory_space<vmem>>, vector<1x16xf32>,
      %scan3A_2466 = arith.constant 0 : i32
      scf.yield %scan3A_2466 : i32
    }
    %scan3A_2208 = arith.constant 512 : i32
    %dma_start3A_2209 = arith.constant 24 : i32
    %dma_start3A_2210 = arith.constant 0 : i32
    %dma_start3A_2211 = arith.constant 0 : i32
    %dma_start3A_2212 = tpu.memref_slice %arg6[%dma_start3A_2210, %dma_start3A_2211] : memref<512x64xf32, #tpu.memory_space<vmem>> -> memref<128x64xf32, #tpu.memory_space<vmem>>
    %dma_start3A_2213 = arith.constant 0 : i32
    %dma_start3A_2214 = tpu.memref_slice %arg5[%dma_start3A_2209, %dma_start3A_2213] : memref<26x512xi32, #tpu.memory_space<vmem>> -> memref<1x128xi32, #tpu.memory_space<vmem>>
    %dma_start3A_2215 = tpu.memref_squeeze %dma_start3A_2214 : memref<1x128xi32, #tpu.memory_space<vmem>> -> memref<128xi32, #tpu.memory_space<vmem>>
    %dma_start3A_2216 = arith.constant 0 : i32
    %dma_start3A_2217 = arith.constant 0 : i32
    %dma_start3A_2218 = tpu.memref_slice %arg2[%dma_start3A_2216, %dma_start3A_2217] : memref<2600000x64xf32, #tpu.memory_space<hbm>> -> memref<2600000x64xf32, #tpu.memory_space<hbm>>
    tpu.enqueue_indirect_dma source(%dma_start3A_2218 : memref<2600000x64xf32, #tpu.memory_space<hbm>>) target(%dma_start3A_2212 : memref<128x64xf32, #tpu.memory_space<vmem>>) offsets(%dma_start3A_2215 : memref<128xi32, #tpu.memory_space<vmem>>) semaphore(%arg9 : memref<!tpu.dma_semaphore, #tpu.memory_space<semaphore_mem>>)
    %dma_start3A_2219 = arith.constant 24 : i32
    %dma_start3A_2220 = arith.constant 128 : i32
    %dma_start3A_2221 = arith.constant 0 : i32
    %dma_start3A_2222 = tpu.memref_slice %arg6[%dma_start3A_2220, %dma_start3A_2221] : memref<512x64xf32, #tpu.memory_space<vmem>> -> memref<128x64xf32, #tpu.memory_space<vmem>>
    %dma_start3A_2223 = arith.constant 128 : i32
    %dma_start3A_2224 = tpu.memref_slice %arg5[%dma_start3A_2219, %dma_start3A_2223] : memref<26x512xi32, #tpu.memory_space<vmem>> -> memref<1x128xi32, #tpu.memory_space<vmem>>
    %dma_start3A_2225 = tpu.memref_squeeze %dma_start3A_2224 : memref<1x128xi32, #tpu.memory_space<vmem>> -> memref<128xi32, #tpu.memory_space<vmem>>
    %dma_start3A_2226 = arith.constant 0 : i32
    %dma_start3A_2227 = arith.constant 0 : i32
    %dma_start3A_2228 = tpu.memref_slice %arg2[%dma_start3A_2226, %dma_start3A_2227] : memref<2600000x64xf32, #tpu.memory_space<hbm>> -> memref<2600000x64xf32, #tpu.memory_space<hbm>>
    tpu.enqueue_indirect_dma source(%dma_start3A_2228 : memref<2600000x64xf32, #tpu.memory_space<hbm>>) target(%dma_start3A_2222 : memref<128x64xf32, #tpu.memory_space<vmem>>) offsets(%dma_start3A_2225 : memref<128xi32, #tpu.memory_space<vmem>>) semaphore(%arg9 : memref<!tpu.dma_semaphore, #tpu.memory_space<semaphore_mem>>)
    %dma_start3A_2229 = arith.constant 24 : i32
    %dma_start3A_2230 = arith.constant 256 : i32
    %dma_start3A_2231 = arith.constant 0 : i32
    %dma_start3A_2232 = tpu.memref_slice %arg6[%dma_start3A_2230, %dma_start3A_2231] : memref<512x64xf32, #tpu.memory_space<vmem>> -> memref<128x64xf32, #tpu.memory_space<vmem>>
    %dma_start3A_2233 = arith.constant 256 : i32
    %dma_start3A_2234 = tpu.memref_slice %arg5[%dma_start3A_2229, %dma_start3A_2233] : memref<26x512xi32, #tpu.memory_space<vmem>> -> memref<1x128xi32, #tpu.memory_space<vmem>>
    %dma_start3A_2235 = tpu.memref_squeeze %dma_start3A_2234 : memref<1x128xi32, #tpu.memory_space<vmem>> -> memref<128xi32, #tpu.memory_space<vmem>>
    %dma_start3A_2236 = arith.constant 0 : i32
    %dma_start3A_2237 = arith.constant 0 : i32
    %dma_start3A_2238 = tpu.memref_slice %arg2[%dma_start3A_2236, %dma_start3A_2237] : memref<2600000x64xf32, #tpu.memory_space<hbm>> -> memref<2600000x64xf32, #tpu.memory_space<hbm>>
    tpu.enqueue_indirect_dma source(%dma_start3A_2238 : memref<2600000x64xf32, #tpu.memory_space<hbm>>) target(%dma_start3A_2232 : memref<128x64xf32, #tpu.memory_space<vmem>>) offsets(%dma_start3A_2235 : memref<128xi32, #tpu.memory_space<vmem>>) semaphore(%arg9 : memref<!tpu.dma_semaphore, #tpu.memory_space<semaphore_mem>>)
    %dma_start3A_2239 = arith.constant 24 : i32
    %dma_start3A_2240 = arith.constant 384 : i32
    %dma_start3A_2241 = arith.constant 0 : i32
    %dma_start3A_2242 = tpu.memref_slice %arg6[%dma_start3A_2240, %dma_start3A_2241] : memref<512x64xf32, #tpu.memory_space<vmem>> -> memref<128x64xf32, #tpu.memory_space<vmem>>
    %dma_start3A_2243 = arith.constant 384 : i32
    %dma_start3A_2244 = tpu.memref_slice %arg5[%dma_start3A_2239, %dma_start3A_2243] : memref<26x512xi32, #tpu.memory_space<vmem>> -> memref<1x128xi32, #tpu.memory_space<vmem>>
    %dma_start3A_2245 = tpu.memref_squeeze %dma_start3A_2244 : memref<1x128xi32, #tpu.memory_space<vmem>> -> memref<128xi32, #tpu.memory_space<vmem>>
    %dma_start3A_2246 = arith.constant 0 : i32
    %dma_start3A_2247 = arith.constant 0 : i32
    %dma_start3A_2248 = tpu.memref_slice %arg2[%dma_start3A_2246, %dma_start3A_2247] : memref<2600000x64xf32, #tpu.memory_space<hbm>> -> memref<2600000x64xf32, #tpu.memory_space<hbm>>
    tpu.enqueue_indirect_dma source(%dma_start3A_2248 : memref<2600000x64xf32, #tpu.memory_space<hbm>>) target(%dma_start3A_2242 : memref<128x64xf32, #tpu.memory_space<vmem>>) offsets(%dma_start3A_2245 : memref<128xi32, #tpu.memory_space<vmem>>) semaphore(%arg9 : memref<!tpu.dma_semaphore, #tpu.memory_space<semaphore_mem>>)
    %dma_wait3A_2249 = arith.constant 23 : i32
    %dma_wait3A_2250 = arith.constant 0 : i32
    %dma_wait3A_2251 = arith.constant 0 : i32
    %dma_wait3A_2252 = tpu.memref_slice %arg7[%dma_wait3A_2250, %dma_wait3A_2251] : memref<512x64xf32, #tpu.memory_space<vmem>> -> memref<128x64xf32, #tpu.memory_space<vmem>>
    %dma_wait3A_2253 = arith.constant 0 : i32
    %dma_wait3A_2254 = tpu.memref_slice %arg5[%dma_wait3A_2249, %dma_wait3A_2253] : memref<26x512xi32, #tpu.memory_space<vmem>> -> memref<1x128xi32, #tpu.memory_space<vmem>>
    %dma_wait3A_2255 = tpu.memref_squeeze %dma_wait3A_2254 : memref<1x128xi32, #tpu.memory_space<vmem>> -> memref<128xi32, #tpu.memory_space<vmem>>
    %dma_wait3A_2256 = arith.constant 0 : i32
    %dma_wait3A_2257 = arith.constant 0 : i32
    %dma_wait3A_2258 = tpu.memref_slice %arg2[%dma_wait3A_2256, %dma_wait3A_2257] : memref<2600000x64xf32, #tpu.memory_space<hbm>> -> memref<2600000x64xf32, #tpu.memory_space<hbm>>
    tpu.wait_indirect_dma semaphore(%arg10 : memref<!tpu.dma_semaphore, #tpu.memory_space<semaphore_mem>>) src(%dma_wait3A_2258 : memref<2600000x64xf32, #tpu.memory_space<hbm>>) dst(%dma_wait3A_2252 : memref<128x64xf32, #tpu.memory_space<vmem>>)
    %dma_wait3A_2259 = arith.constant 23 : i32
    %dma_wait3A_2260 = arith.constant 128 : i32
    %dma_wait3A_2261 = arith.constant 0 : i32
    %dma_wait3A_2262 = tpu.memref_slice %arg7[%dma_wait3A_2260, %dma_wait3A_2261] : memref<512x64xf32, #tpu.memory_space<vmem>> -> memref<128x64xf32, #tpu.memory_space<vmem>>
    %dma_wait3A_2263 = arith.constant 128 : i32
    %dma_wait3A_2264 = tpu.memref_slice %arg5[%dma_wait3A_2259, %dma_wait3A_2263] : memref<26x512xi32, #tpu.memory_space<vmem>> -> memref<1x128xi32, #tpu.memory_space<vmem>>
    %dma_wait3A_2265 = tpu.memref_squeeze %dma_wait3A_2264 : memref<1x128xi32, #tpu.memory_space<vmem>> -> memref<128xi32, #tpu.memory_space<vmem>>
    %dma_wait3A_2266 = arith.constant 0 : i32
    %dma_wait3A_2267 = arith.constant 0 : i32
    %dma_wait3A_2268 = tpu.memref_slice %arg2[%dma_wait3A_2266, %dma_wait3A_2267] : memref<2600000x64xf32, #tpu.memory_space<hbm>> -> memref<2600000x64xf32, #tpu.memory_space<hbm>>
    tpu.wait_indirect_dma semaphore(%arg10 : memref<!tpu.dma_semaphore, #tpu.memory_space<semaphore_mem>>) src(%dma_wait3A_2268 : memref<2600000x64xf32, #tpu.memory_space<hbm>>) dst(%dma_wait3A_2262 : memref<128x64xf32, #tpu.memory_space<vmem>>)
    %dma_wait3A_2269 = arith.constant 23 : i32
    %dma_wait3A_2270 = arith.constant 256 : i32
    %dma_wait3A_2271 = arith.constant 0 : i32
    %dma_wait3A_2272 = tpu.memref_slice %arg7[%dma_wait3A_2270, %dma_wait3A_2271] : memref<512x64xf32, #tpu.memory_space<vmem>> -> memref<128x64xf32, #tpu.memory_space<vmem>>
    %dma_wait3A_2273 = arith.constant 256 : i32
    %dma_wait3A_2274 = tpu.memref_slice %arg5[%dma_wait3A_2269, %dma_wait3A_2273] : memref<26x512xi32, #tpu.memory_space<vmem>> -> memref<1x128xi32, #tpu.memory_space<vmem>>
    %dma_wait3A_2275 = tpu.memref_squeeze %dma_wait3A_2274 : memref<1x128xi32, #tpu.memory_space<vmem>> -> memref<128xi32, #tpu.memory_space<vmem>>
    %dma_wait3A_2276 = arith.constant 0 : i32
    %dma_wait3A_2277 = arith.constant 0 : i32
    %dma_wait3A_2278 = tpu.memref_slice %arg2[%dma_wait3A_2276, %dma_wait3A_2277] : memref<2600000x64xf32, #tpu.memory_space<hbm>> -> memref<2600000x64xf32, #tpu.memory_space<hbm>>
    tpu.wait_indirect_dma semaphore(%arg10 : memref<!tpu.dma_semaphore, #tpu.memory_space<semaphore_mem>>) src(%dma_wait3A_2278 : memref<2600000x64xf32, #tpu.memory_space<hbm>>) dst(%dma_wait3A_2272 : memref<128x64xf32, #tpu.memory_space<vmem>>)
    %dma_wait3A_2279 = arith.constant 23 : i32
    %dma_wait3A_2280 = arith.constant 384 : i32
    %dma_wait3A_2281 = arith.constant 0 : i32
    %dma_wait3A_2282 = tpu.memref_slice %arg7[%dma_wait3A_2280, %dma_wait3A_2281] : memref<512x64xf32, #tpu.memory_space<vmem>> -> memref<128x64xf32, #tpu.memory_space<vmem>>
    %dma_wait3A_2283 = arith.constant 384 : i32
    %dma_wait3A_2284 = tpu.memref_slice %arg5[%dma_wait3A_2279, %dma_wait3A_2283] : memref<26x512xi32, #tpu.memory_space<vmem>> -> memref<1x128xi32, #tpu.memory_space<vmem>>
    %dma_wait3A_2285 = tpu.memref_squeeze %dma_wait3A_2284 : memref<1x128xi32, #tpu.memory_space<vmem>> -> memref<128xi32, #tpu.memory_space<vmem>>
    %dma_wait3A_2286 = arith.constant 0 : i32
    %dma_wait3A_2287 = arith.constant 0 : i32
    %dma_wait3A_2288 = tpu.memref_slice %arg2[%dma_wait3A_2286, %dma_wait3A_2287] : memref<2600000x64xf32, #tpu.memory_space<hbm>> -> memref<2600000x64xf32, #tpu.memory_space<hbm>>
    tpu.wait_indirect_dma semaphore(%arg10 : memref<!tpu.dma_semaphore, #tpu.memory_space<semaphore_mem>>) src(%dma_wait3A_2288 : memref<2600000x64xf32, #tpu.memory_space<hbm>>) dst(%dma_wait3A_2282 : memref<128x64xf32, #tpu.memory_space<vmem>>)
    %scan3A_2289 = arith.constant 0 : i32
    %scan3A_2290 = arith.constant 0 : i32
    %scan3A_2291 = arith.constant 512 : i32
    %scan3A_2292 = arith.addi %scan3A_2290, %scan3A_2291 : i32
    %scan3A_2293 = arith.constant 1 : i32
    %scan3A_2294 = scf.for %scan3A_2430 = %scan3A_2290 to %scan3A_2292 step %scan3A_2293 iter_args(%scan3A_2431 = %scan3A_2289) -> (i32)  : i32 {
      %get3A = arith.index_cast %scan3A_2430 : i32 to index
      %get3A_2432 = arith.constant 0 : index
      %get3A_2433 = tpu.vector_load %arg7[%get3A, %get3A_2432] {strides = array<i32>} : memref<512x64xf32, #tpu.memory_space<vmem>>, vector<1x16xf32>,
      %get3A_2434 = vector.shape_cast %get3A_2433 : vector<1x16xf32> to vector<16xf32>
      %swap3A = arith.index_cast %scan3A_2430 : i32 to index
      %swap3A_2435 = arith.constant 0 : index
      %swap3A_2436 = tpu.vector_load %arg8[%swap3A, %swap3A_2435] {strides = array<i32>} : memref<512x64xf32, #tpu.memory_space<vmem>>, vector<1x16xf32>,
      %swap3A_2437 = vector.shape_cast %swap3A_2436 : vector<1x16xf32> to vector<16xf32>
      %swap3A_2438 = vector.shape_cast %get3A_2434 : vector<16xf32> to vector<1x16xf32>
      tpu.vector_store %arg8[%swap3A, %swap3A_2435], %swap3A_2438 {add = true, strides = array<i32>} : memref<512x64xf32, #tpu.memory_space<vmem>>, vector<1x16xf32>,
      %get3A_2439 = arith.index_cast %scan3A_2430 : i32 to index
      %get3A_2440 = arith.constant 16 : index
      %get3A_2441 = tpu.vector_load %arg7[%get3A_2439, %get3A_2440] {strides = array<i32>} : memref<512x64xf32, #tpu.memory_space<vmem>>, vector<1x16xf32>,
      %get3A_2442 = vector.shape_cast %get3A_2441 : vector<1x16xf32> to vector<16xf32>
      %swap3A_2443 = arith.index_cast %scan3A_2430 : i32 to index
      %swap3A_2444 = arith.constant 16 : index
      %swap3A_2445 = tpu.vector_load %arg8[%swap3A_2443, %swap3A_2444] {strides = array<i32>} : memref<512x64xf32, #tpu.memory_space<vmem>>, vector<1x16xf32>,
      %swap3A_2446 = vector.shape_cast %swap3A_2445 : vector<1x16xf32> to vector<16xf32>
      %swap3A_2447 = vector.shape_cast %get3A_2442 : vector<16xf32> to vector<1x16xf32>
      tpu.vector_store %arg8[%swap3A_2443, %swap3A_2444], %swap3A_2447 {add = true, strides = array<i32>} : memref<512x64xf32, #tpu.memory_space<vmem>>, vector<1x16xf32>,
      %get3A_2448 = arith.index_cast %scan3A_2430 : i32 to index
      %get3A_2449 = arith.constant 32 : index
      %get3A_2450 = tpu.vector_load %arg7[%get3A_2448, %get3A_2449] {strides = array<i32>} : memref<512x64xf32, #tpu.memory_space<vmem>>, vector<1x16xf32>,
      %get3A_2451 = vector.shape_cast %get3A_2450 : vector<1x16xf32> to vector<16xf32>
      %swap3A_2452 = arith.index_cast %scan3A_2430 : i32 to index
      %swap3A_2453 = arith.constant 32 : index
      %swap3A_2454 = tpu.vector_load %arg8[%swap3A_2452, %swap3A_2453] {strides = array<i32>} : memref<512x64xf32, #tpu.memory_space<vmem>>, vector<1x16xf32>,
      %swap3A_2455 = vector.shape_cast %swap3A_2454 : vector<1x16xf32> to vector<16xf32>
      %swap3A_2456 = vector.shape_cast %get3A_2451 : vector<16xf32> to vector<1x16xf32>
      tpu.vector_store %arg8[%swap3A_2452, %swap3A_2453], %swap3A_2456 {add = true, strides = array<i32>} : memref<512x64xf32, #tpu.memory_space<vmem>>, vector<1x16xf32>,
      %get3A_2457 = arith.index_cast %scan3A_2430 : i32 to index
      %get3A_2458 = arith.constant 48 : index
      %get3A_2459 = tpu.vector_load %arg7[%get3A_2457, %get3A_2458] {strides = array<i32>} : memref<512x64xf32, #tpu.memory_space<vmem>>, vector<1x16xf32>,
      %get3A_2460 = vector.shape_cast %get3A_2459 : vector<1x16xf32> to vector<16xf32>
      %swap3A_2461 = arith.index_cast %scan3A_2430 : i32 to index
      %swap3A_2462 = arith.constant 48 : index
      %swap3A_2463 = tpu.vector_load %arg8[%swap3A_2461, %swap3A_2462] {strides = array<i32>} : memref<512x64xf32, #tpu.memory_space<vmem>>, vector<1x16xf32>,
      %swap3A_2464 = vector.shape_cast %swap3A_2463 : vector<1x16xf32> to vector<16xf32>
      %swap3A_2465 = vector.shape_cast %get3A_2460 : vector<16xf32> to vector<1x16xf32>
      tpu.vector_store %arg8[%swap3A_2461, %swap3A_2462], %swap3A_2465 {add = true, strides = array<i32>} : memref<512x64xf32, #tpu.memory_space<vmem>>, vector<1x16xf32>,
      %scan3A_2466 = arith.constant 0 : i32
      scf.yield %scan3A_2466 : i32
    }
    %scan3A_2295 = arith.constant 512 : i32
    %dma_start3A_2296 = arith.constant 25 : i32
    %dma_start3A_2297 = arith.constant 0 : i32
    %dma_start3A_2298 = arith.constant 0 : i32
    %dma_start3A_2299 = tpu.memref_slice %arg7[%dma_start3A_2297, %dma_start3A_2298] : memref<512x64xf32, #tpu.memory_space<vmem>> -> memref<128x64xf32, #tpu.memory_space<vmem>>
    %dma_start3A_2300 = arith.constant 0 : i32
    %dma_start3A_2301 = tpu.memref_slice %arg5[%dma_start3A_2296, %dma_start3A_2300] : memref<26x512xi32, #tpu.memory_space<vmem>> -> memref<1x128xi32, #tpu.memory_space<vmem>>
    %dma_start3A_2302 = tpu.memref_squeeze %dma_start3A_2301 : memref<1x128xi32, #tpu.memory_space<vmem>> -> memref<128xi32, #tpu.memory_space<vmem>>
    %dma_start3A_2303 = arith.constant 0 : i32
    %dma_start3A_2304 = arith.constant 0 : i32
    %dma_start3A_2305 = tpu.memref_slice %arg2[%dma_start3A_2303, %dma_start3A_2304] : memref<2600000x64xf32, #tpu.memory_space<hbm>> -> memref<2600000x64xf32, #tpu.memory_space<hbm>>
    tpu.enqueue_indirect_dma source(%dma_start3A_2305 : memref<2600000x64xf32, #tpu.memory_space<hbm>>) target(%dma_start3A_2299 : memref<128x64xf32, #tpu.memory_space<vmem>>) offsets(%dma_start3A_2302 : memref<128xi32, #tpu.memory_space<vmem>>) semaphore(%arg10 : memref<!tpu.dma_semaphore, #tpu.memory_space<semaphore_mem>>)
    %dma_start3A_2306 = arith.constant 25 : i32
    %dma_start3A_2307 = arith.constant 128 : i32
    %dma_start3A_2308 = arith.constant 0 : i32
    %dma_start3A_2309 = tpu.memref_slice %arg7[%dma_start3A_2307, %dma_start3A_2308] : memref<512x64xf32, #tpu.memory_space<vmem>> -> memref<128x64xf32, #tpu.memory_space<vmem>>
    %dma_start3A_2310 = arith.constant 128 : i32
    %dma_start3A_2311 = tpu.memref_slice %arg5[%dma_start3A_2306, %dma_start3A_2310] : memref<26x512xi32, #tpu.memory_space<vmem>> -> memref<1x128xi32, #tpu.memory_space<vmem>>
    %dma_start3A_2312 = tpu.memref_squeeze %dma_start3A_2311 : memref<1x128xi32, #tpu.memory_space<vmem>> -> memref<128xi32, #tpu.memory_space<vmem>>
    %dma_start3A_2313 = arith.constant 0 : i32
    %dma_start3A_2314 = arith.constant 0 : i32
    %dma_start3A_2315 = tpu.memref_slice %arg2[%dma_start3A_2313, %dma_start3A_2314] : memref<2600000x64xf32, #tpu.memory_space<hbm>> -> memref<2600000x64xf32, #tpu.memory_space<hbm>>
    tpu.enqueue_indirect_dma source(%dma_start3A_2315 : memref<2600000x64xf32, #tpu.memory_space<hbm>>) target(%dma_start3A_2309 : memref<128x64xf32, #tpu.memory_space<vmem>>) offsets(%dma_start3A_2312 : memref<128xi32, #tpu.memory_space<vmem>>) semaphore(%arg10 : memref<!tpu.dma_semaphore, #tpu.memory_space<semaphore_mem>>)
    %dma_start3A_2316 = arith.constant 25 : i32
    %dma_start3A_2317 = arith.constant 256 : i32
    %dma_start3A_2318 = arith.constant 0 : i32
    %dma_start3A_2319 = tpu.memref_slice %arg7[%dma_start3A_2317, %dma_start3A_2318] : memref<512x64xf32, #tpu.memory_space<vmem>> -> memref<128x64xf32, #tpu.memory_space<vmem>>
    %dma_start3A_2320 = arith.constant 256 : i32
    %dma_start3A_2321 = tpu.memref_slice %arg5[%dma_start3A_2316, %dma_start3A_2320] : memref<26x512xi32, #tpu.memory_space<vmem>> -> memref<1x128xi32, #tpu.memory_space<vmem>>
    %dma_start3A_2322 = tpu.memref_squeeze %dma_start3A_2321 : memref<1x128xi32, #tpu.memory_space<vmem>> -> memref<128xi32, #tpu.memory_space<vmem>>
    %dma_start3A_2323 = arith.constant 0 : i32
    %dma_start3A_2324 = arith.constant 0 : i32
    %dma_start3A_2325 = tpu.memref_slice %arg2[%dma_start3A_2323, %dma_start3A_2324] : memref<2600000x64xf32, #tpu.memory_space<hbm>> -> memref<2600000x64xf32, #tpu.memory_space<hbm>>
    tpu.enqueue_indirect_dma source(%dma_start3A_2325 : memref<2600000x64xf32, #tpu.memory_space<hbm>>) target(%dma_start3A_2319 : memref<128x64xf32, #tpu.memory_space<vmem>>) offsets(%dma_start3A_2322 : memref<128xi32, #tpu.memory_space<vmem>>) semaphore(%arg10 : memref<!tpu.dma_semaphore, #tpu.memory_space<semaphore_mem>>)
    %dma_start3A_2326 = arith.constant 25 : i32
    %dma_start3A_2327 = arith.constant 384 : i32
    %dma_start3A_2328 = arith.constant 0 : i32
    %dma_start3A_2329 = tpu.memref_slice %arg7[%dma_start3A_2327, %dma_start3A_2328] : memref<512x64xf32, #tpu.memory_space<vmem>> -> memref<128x64xf32, #tpu.memory_space<vmem>>
    %dma_start3A_2330 = arith.constant 384 : i32
    %dma_start3A_2331 = tpu.memref_slice %arg5[%dma_start3A_2326, %dma_start3A_2330] : memref<26x512xi32, #tpu.memory_space<vmem>> -> memref<1x128xi32, #tpu.memory_space<vmem>>
    %dma_start3A_2332 = tpu.memref_squeeze %dma_start3A_2331 : memref<1x128xi32, #tpu.memory_space<vmem>> -> memref<128xi32, #tpu.memory_space<vmem>>
    %dma_start3A_2333 = arith.constant 0 : i32
    %dma_start3A_2334 = arith.constant 0 : i32
    %dma_start3A_2335 = tpu.memref_slice %arg2[%dma_start3A_2333, %dma_start3A_2334] : memref<2600000x64xf32, #tpu.memory_space<hbm>> -> memref<2600000x64xf32, #tpu.memory_space<hbm>>
    tpu.enqueue_indirect_dma source(%dma_start3A_2335 : memref<2600000x64xf32, #tpu.memory_space<hbm>>) target(%dma_start3A_2329 : memref<128x64xf32, #tpu.memory_space<vmem>>) offsets(%dma_start3A_2332 : memref<128xi32, #tpu.memory_space<vmem>>) semaphore(%arg10 : memref<!tpu.dma_semaphore, #tpu.memory_space<semaphore_mem>>)
    %dma_wait3A_2336 = arith.constant 24 : i32
    %dma_wait3A_2337 = arith.constant 0 : i32
    %dma_wait3A_2338 = arith.constant 0 : i32
    %dma_wait3A_2339 = tpu.memref_slice %arg6[%dma_wait3A_2337, %dma_wait3A_2338] : memref<512x64xf32, #tpu.memory_space<vmem>> -> memref<128x64xf32, #tpu.memory_space<vmem>>
    %dma_wait3A_2340 = arith.constant 0 : i32
    %dma_wait3A_2341 = tpu.memref_slice %arg5[%dma_wait3A_2336, %dma_wait3A_2340] : memref<26x512xi32, #tpu.memory_space<vmem>> -> memref<1x128xi32, #tpu.memory_space<vmem>>
    %dma_wait3A_2342 = tpu.memref_squeeze %dma_wait3A_2341 : memref<1x128xi32, #tpu.memory_space<vmem>> -> memref<128xi32, #tpu.memory_space<vmem>>
    %dma_wait3A_2343 = arith.constant 0 : i32
    %dma_wait3A_2344 = arith.constant 0 : i32
    %dma_wait3A_2345 = tpu.memref_slice %arg2[%dma_wait3A_2343, %dma_wait3A_2344] : memref<2600000x64xf32, #tpu.memory_space<hbm>> -> memref<2600000x64xf32, #tpu.memory_space<hbm>>
    tpu.wait_indirect_dma semaphore(%arg9 : memref<!tpu.dma_semaphore, #tpu.memory_space<semaphore_mem>>) src(%dma_wait3A_2345 : memref<2600000x64xf32, #tpu.memory_space<hbm>>) dst(%dma_wait3A_2339 : memref<128x64xf32, #tpu.memory_space<vmem>>)
    %dma_wait3A_2346 = arith.constant 24 : i32
    %dma_wait3A_2347 = arith.constant 128 : i32
    %dma_wait3A_2348 = arith.constant 0 : i32
    %dma_wait3A_2349 = tpu.memref_slice %arg6[%dma_wait3A_2347, %dma_wait3A_2348] : memref<512x64xf32, #tpu.memory_space<vmem>> -> memref<128x64xf32, #tpu.memory_space<vmem>>
    %dma_wait3A_2350 = arith.constant 128 : i32
    %dma_wait3A_2351 = tpu.memref_slice %arg5[%dma_wait3A_2346, %dma_wait3A_2350] : memref<26x512xi32, #tpu.memory_space<vmem>> -> memref<1x128xi32, #tpu.memory_space<vmem>>
    %dma_wait3A_2352 = tpu.memref_squeeze %dma_wait3A_2351 : memref<1x128xi32, #tpu.memory_space<vmem>> -> memref<128xi32, #tpu.memory_space<vmem>>
    %dma_wait3A_2353 = arith.constant 0 : i32
    %dma_wait3A_2354 = arith.constant 0 : i32
    %dma_wait3A_2355 = tpu.memref_slice %arg2[%dma_wait3A_2353, %dma_wait3A_2354] : memref<2600000x64xf32, #tpu.memory_space<hbm>> -> memref<2600000x64xf32, #tpu.memory_space<hbm>>
    tpu.wait_indirect_dma semaphore(%arg9 : memref<!tpu.dma_semaphore, #tpu.memory_space<semaphore_mem>>) src(%dma_wait3A_2355 : memref<2600000x64xf32, #tpu.memory_space<hbm>>) dst(%dma_wait3A_2349 : memref<128x64xf32, #tpu.memory_space<vmem>>)
    %dma_wait3A_2356 = arith.constant 24 : i32
    %dma_wait3A_2357 = arith.constant 256 : i32
    %dma_wait3A_2358 = arith.constant 0 : i32
    %dma_wait3A_2359 = tpu.memref_slice %arg6[%dma_wait3A_2357, %dma_wait3A_2358] : memref<512x64xf32, #tpu.memory_space<vmem>> -> memref<128x64xf32, #tpu.memory_space<vmem>>
    %dma_wait3A_2360 = arith.constant 256 : i32
    %dma_wait3A_2361 = tpu.memref_slice %arg5[%dma_wait3A_2356, %dma_wait3A_2360] : memref<26x512xi32, #tpu.memory_space<vmem>> -> memref<1x128xi32, #tpu.memory_space<vmem>>
    %dma_wait3A_2362 = tpu.memref_squeeze %dma_wait3A_2361 : memref<1x128xi32, #tpu.memory_space<vmem>> -> memref<128xi32, #tpu.memory_space<vmem>>
    %dma_wait3A_2363 = arith.constant 0 : i32
    %dma_wait3A_2364 = arith.constant 0 : i32
    %dma_wait3A_2365 = tpu.memref_slice %arg2[%dma_wait3A_2363, %dma_wait3A_2364] : memref<2600000x64xf32, #tpu.memory_space<hbm>> -> memref<2600000x64xf32, #tpu.memory_space<hbm>>
    tpu.wait_indirect_dma semaphore(%arg9 : memref<!tpu.dma_semaphore, #tpu.memory_space<semaphore_mem>>) src(%dma_wait3A_2365 : memref<2600000x64xf32, #tpu.memory_space<hbm>>) dst(%dma_wait3A_2359 : memref<128x64xf32, #tpu.memory_space<vmem>>)
    %dma_wait3A_2366 = arith.constant 24 : i32
    %dma_wait3A_2367 = arith.constant 384 : i32
    %dma_wait3A_2368 = arith.constant 0 : i32
    %dma_wait3A_2369 = tpu.memref_slice %arg6[%dma_wait3A_2367, %dma_wait3A_2368] : memref<512x64xf32, #tpu.memory_space<vmem>> -> memref<128x64xf32, #tpu.memory_space<vmem>>
    %dma_wait3A_2370 = arith.constant 384 : i32
    %dma_wait3A_2371 = tpu.memref_slice %arg5[%dma_wait3A_2366, %dma_wait3A_2370] : memref<26x512xi32, #tpu.memory_space<vmem>> -> memref<1x128xi32, #tpu.memory_space<vmem>>
    %dma_wait3A_2372 = tpu.memref_squeeze %dma_wait3A_2371 : memref<1x128xi32, #tpu.memory_space<vmem>> -> memref<128xi32, #tpu.memory_space<vmem>>
    %dma_wait3A_2373 = arith.constant 0 : i32
    %dma_wait3A_2374 = arith.constant 0 : i32
    %dma_wait3A_2375 = tpu.memref_slice %arg2[%dma_wait3A_2373, %dma_wait3A_2374] : memref<2600000x64xf32, #tpu.memory_space<hbm>> -> memref<2600000x64xf32, #tpu.memory_space<hbm>>
    tpu.wait_indirect_dma semaphore(%arg9 : memref<!tpu.dma_semaphore, #tpu.memory_space<semaphore_mem>>) src(%dma_wait3A_2375 : memref<2600000x64xf32, #tpu.memory_space<hbm>>) dst(%dma_wait3A_2369 : memref<128x64xf32, #tpu.memory_space<vmem>>)
    %scan3A_2376 = arith.constant 0 : i32
    %scan3A_2377 = arith.constant 0 : i32
    %scan3A_2378 = arith.constant 512 : i32
    %scan3A_2379 = arith.addi %scan3A_2377, %scan3A_2378 : i32
    %scan3A_2380 = arith.constant 1 : i32
    %scan3A_2381 = scf.for %scan3A_2430 = %scan3A_2377 to %scan3A_2379 step %scan3A_2380 iter_args(%scan3A_2431 = %scan3A_2376) -> (i32)  : i32 {
      %get3A = arith.index_cast %scan3A_2430 : i32 to index
      %get3A_2432 = arith.constant 0 : index
      %get3A_2433 = tpu.vector_load %arg6[%get3A, %get3A_2432] {strides = array<i32>} : memref<512x64xf32, #tpu.memory_space<vmem>>, vector<1x16xf32>,
      %get3A_2434 = vector.shape_cast %get3A_2433 : vector<1x16xf32> to vector<16xf32>
      %swap3A = arith.index_cast %scan3A_2430 : i32 to index
      %swap3A_2435 = arith.constant 0 : index
      %swap3A_2436 = tpu.vector_load %arg8[%swap3A, %swap3A_2435] {strides = array<i32>} : memref<512x64xf32, #tpu.memory_space<vmem>>, vector<1x16xf32>,
      %swap3A_2437 = vector.shape_cast %swap3A_2436 : vector<1x16xf32> to vector<16xf32>
      %swap3A_2438 = vector.shape_cast %get3A_2434 : vector<16xf32> to vector<1x16xf32>
      tpu.vector_store %arg8[%swap3A, %swap3A_2435], %swap3A_2438 {add = true, strides = array<i32>} : memref<512x64xf32, #tpu.memory_space<vmem>>, vector<1x16xf32>,
      %get3A_2439 = arith.index_cast %scan3A_2430 : i32 to index
      %get3A_2440 = arith.constant 16 : index
      %get3A_2441 = tpu.vector_load %arg6[%get3A_2439, %get3A_2440] {strides = array<i32>} : memref<512x64xf32, #tpu.memory_space<vmem>>, vector<1x16xf32>,
      %get3A_2442 = vector.shape_cast %get3A_2441 : vector<1x16xf32> to vector<16xf32>
      %swap3A_2443 = arith.index_cast %scan3A_2430 : i32 to index
      %swap3A_2444 = arith.constant 16 : index
      %swap3A_2445 = tpu.vector_load %arg8[%swap3A_2443, %swap3A_2444] {strides = array<i32>} : memref<512x64xf32, #tpu.memory_space<vmem>>, vector<1x16xf32>,
      %swap3A_2446 = vector.shape_cast %swap3A_2445 : vector<1x16xf32> to vector<16xf32>
      %swap3A_2447 = vector.shape_cast %get3A_2442 : vector<16xf32> to vector<1x16xf32>
      tpu.vector_store %arg8[%swap3A_2443, %swap3A_2444], %swap3A_2447 {add = true, strides = array<i32>} : memref<512x64xf32, #tpu.memory_space<vmem>>, vector<1x16xf32>,
      %get3A_2448 = arith.index_cast %scan3A_2430 : i32 to index
      %get3A_2449 = arith.constant 32 : index
      %get3A_2450 = tpu.vector_load %arg6[%get3A_2448, %get3A_2449] {strides = array<i32>} : memref<512x64xf32, #tpu.memory_space<vmem>>, vector<1x16xf32>,
      %get3A_2451 = vector.shape_cast %get3A_2450 : vector<1x16xf32> to vector<16xf32>
      %swap3A_2452 = arith.index_cast %scan3A_2430 : i32 to index
      %swap3A_2453 = arith.constant 32 : index
      %swap3A_2454 = tpu.vector_load %arg8[%swap3A_2452, %swap3A_2453] {strides = array<i32>} : memref<512x64xf32, #tpu.memory_space<vmem>>, vector<1x16xf32>,
      %swap3A_2455 = vector.shape_cast %swap3A_2454 : vector<1x16xf32> to vector<16xf32>
      %swap3A_2456 = vector.shape_cast %get3A_2451 : vector<16xf32> to vector<1x16xf32>
      tpu.vector_store %arg8[%swap3A_2452, %swap3A_2453], %swap3A_2456 {add = true, strides = array<i32>} : memref<512x64xf32, #tpu.memory_space<vmem>>, vector<1x16xf32>,
      %get3A_2457 = arith.index_cast %scan3A_2430 : i32 to index
      %get3A_2458 = arith.constant 48 : index
      %get3A_2459 = tpu.vector_load %arg6[%get3A_2457, %get3A_2458] {strides = array<i32>} : memref<512x64xf32, #tpu.memory_space<vmem>>, vector<1x16xf32>,
      %get3A_2460 = vector.shape_cast %get3A_2459 : vector<1x16xf32> to vector<16xf32>
      %swap3A_2461 = arith.index_cast %scan3A_2430 : i32 to index
      %swap3A_2462 = arith.constant 48 : index
      %swap3A_2463 = tpu.vector_load %arg8[%swap3A_2461, %swap3A_2462] {strides = array<i32>} : memref<512x64xf32, #tpu.memory_space<vmem>>, vector<1x16xf32>,
      %swap3A_2464 = vector.shape_cast %swap3A_2463 : vector<1x16xf32> to vector<16xf32>
      %swap3A_2465 = vector.shape_cast %get3A_2460 : vector<16xf32> to vector<1x16xf32>
      tpu.vector_store %arg8[%swap3A_2461, %swap3A_2462], %swap3A_2465 {add = true, strides = array<i32>} : memref<512x64xf32, #tpu.memory_space<vmem>>, vector<1x16xf32>,
      %scan3A_2466 = arith.constant 0 : i32
      scf.yield %scan3A_2466 : i32
    }
    %scan3A_2382 = arith.constant 512 : i32
    %dma_wait3A_2383 = arith.constant 25 : i32
    %dma_wait3A_2384 = arith.constant 0 : i32
    %dma_wait3A_2385 = arith.constant 0 : i32
    %dma_wait3A_2386 = tpu.memref_slice %arg7[%dma_wait3A_2384, %dma_wait3A_2385] : memref<512x64xf32, #tpu.memory_space<vmem>> -> memref<128x64xf32, #tpu.memory_space<vmem>>
    %dma_wait3A_2387 = arith.constant 0 : i32
    %dma_wait3A_2388 = tpu.memref_slice %arg5[%dma_wait3A_2383, %dma_wait3A_2387] : memref<26x512xi32, #tpu.memory_space<vmem>> -> memref<1x128xi32, #tpu.memory_space<vmem>>
    %dma_wait3A_2389 = tpu.memref_squeeze %dma_wait3A_2388 : memref<1x128xi32, #tpu.memory_space<vmem>> -> memref<128xi32, #tpu.memory_space<vmem>>
    %dma_wait3A_2390 = arith.constant 0 : i32
    %dma_wait3A_2391 = arith.constant 0 : i32
    %dma_wait3A_2392 = tpu.memref_slice %arg2[%dma_wait3A_2390, %dma_wait3A_2391] : memref<2600000x64xf32, #tpu.memory_space<hbm>> -> memref<2600000x64xf32, #tpu.memory_space<hbm>>
    tpu.wait_indirect_dma semaphore(%arg10 : memref<!tpu.dma_semaphore, #tpu.memory_space<semaphore_mem>>) src(%dma_wait3A_2392 : memref<2600000x64xf32, #tpu.memory_space<hbm>>) dst(%dma_wait3A_2386 : memref<128x64xf32, #tpu.memory_space<vmem>>)
    %dma_wait3A_2393 = arith.constant 25 : i32
    %dma_wait3A_2394 = arith.constant 128 : i32
    %dma_wait3A_2395 = arith.constant 0 : i32
    %dma_wait3A_2396 = tpu.memref_slice %arg7[%dma_wait3A_2394, %dma_wait3A_2395] : memref<512x64xf32, #tpu.memory_space<vmem>> -> memref<128x64xf32, #tpu.memory_space<vmem>>
    %dma_wait3A_2397 = arith.constant 128 : i32
    %dma_wait3A_2398 = tpu.memref_slice %arg5[%dma_wait3A_2393, %dma_wait3A_2397] : memref<26x512xi32, #tpu.memory_space<vmem>> -> memref<1x128xi32, #tpu.memory_space<vmem>>
    %dma_wait3A_2399 = tpu.memref_squeeze %dma_wait3A_2398 : memref<1x128xi32, #tpu.memory_space<vmem>> -> memref<128xi32, #tpu.memory_space<vmem>>
    %dma_wait3A_2400 = arith.constant 0 : i32
    %dma_wait3A_2401 = arith.constant 0 : i32
    %dma_wait3A_2402 = tpu.memref_slice %arg2[%dma_wait3A_2400, %dma_wait3A_2401] : memref<2600000x64xf32, #tpu.memory_space<hbm>> -> memref<2600000x64xf32, #tpu.memory_space<hbm>>
    tpu.wait_indirect_dma semaphore(%arg10 : memref<!tpu.dma_semaphore, #tpu.memory_space<semaphore_mem>>) src(%dma_wait3A_2402 : memref<2600000x64xf32, #tpu.memory_space<hbm>>) dst(%dma_wait3A_2396 : memref<128x64xf32, #tpu.memory_space<vmem>>)
    %dma_wait3A_2403 = arith.constant 25 : i32
    %dma_wait3A_2404 = arith.constant 256 : i32
    %dma_wait3A_2405 = arith.constant 0 : i32
    %dma_wait3A_2406 = tpu.memref_slice %arg7[%dma_wait3A_2404, %dma_wait3A_2405] : memref<512x64xf32, #tpu.memory_space<vmem>> -> memref<128x64xf32, #tpu.memory_space<vmem>>
    %dma_wait3A_2407 = arith.constant 256 : i32
    %dma_wait3A_2408 = tpu.memref_slice %arg5[%dma_wait3A_2403, %dma_wait3A_2407] : memref<26x512xi32, #tpu.memory_space<vmem>> -> memref<1x128xi32, #tpu.memory_space<vmem>>
    %dma_wait3A_2409 = tpu.memref_squeeze %dma_wait3A_2408 : memref<1x128xi32, #tpu.memory_space<vmem>> -> memref<128xi32, #tpu.memory_space<vmem>>
    %dma_wait3A_2410 = arith.constant 0 : i32
    %dma_wait3A_2411 = arith.constant 0 : i32
    %dma_wait3A_2412 = tpu.memref_slice %arg2[%dma_wait3A_2410, %dma_wait3A_2411] : memref<2600000x64xf32, #tpu.memory_space<hbm>> -> memref<2600000x64xf32, #tpu.memory_space<hbm>>
    tpu.wait_indirect_dma semaphore(%arg10 : memref<!tpu.dma_semaphore, #tpu.memory_space<semaphore_mem>>) src(%dma_wait3A_2412 : memref<2600000x64xf32, #tpu.memory_space<hbm>>) dst(%dma_wait3A_2406 : memref<128x64xf32, #tpu.memory_space<vmem>>)
    %dma_wait3A_2413 = arith.constant 25 : i32
    %dma_wait3A_2414 = arith.constant 384 : i32
    %dma_wait3A_2415 = arith.constant 0 : i32
    %dma_wait3A_2416 = tpu.memref_slice %arg7[%dma_wait3A_2414, %dma_wait3A_2415] : memref<512x64xf32, #tpu.memory_space<vmem>> -> memref<128x64xf32, #tpu.memory_space<vmem>>
    %dma_wait3A_2417 = arith.constant 384 : i32
    %dma_wait3A_2418 = tpu.memref_slice %arg5[%dma_wait3A_2413, %dma_wait3A_2417] : memref<26x512xi32, #tpu.memory_space<vmem>> -> memref<1x128xi32, #tpu.memory_space<vmem>>
    %dma_wait3A_2419 = tpu.memref_squeeze %dma_wait3A_2418 : memref<1x128xi32, #tpu.memory_space<vmem>> -> memref<128xi32, #tpu.memory_space<vmem>>
    %dma_wait3A_2420 = arith.constant 0 : i32
    %dma_wait3A_2421 = arith.constant 0 : i32
    %dma_wait3A_2422 = tpu.memref_slice %arg2[%dma_wait3A_2420, %dma_wait3A_2421] : memref<2600000x64xf32, #tpu.memory_space<hbm>> -> memref<2600000x64xf32, #tpu.memory_space<hbm>>
    tpu.wait_indirect_dma semaphore(%arg10 : memref<!tpu.dma_semaphore, #tpu.memory_space<semaphore_mem>>) src(%dma_wait3A_2422 : memref<2600000x64xf32, #tpu.memory_space<hbm>>) dst(%dma_wait3A_2416 : memref<128x64xf32, #tpu.memory_space<vmem>>)
    %scan3A_2423 = arith.constant 0 : i32
    %scan3A_2424 = arith.constant 0 : i32
    %scan3A_2425 = arith.constant 512 : i32
    %scan3A_2426 = arith.addi %scan3A_2424, %scan3A_2425 : i32
    %scan3A_2427 = arith.constant 1 : i32
    %scan3A_2428 = scf.for %scan3A_2430 = %scan3A_2424 to %scan3A_2426 step %scan3A_2427 iter_args(%scan3A_2431 = %scan3A_2423) -> (i32)  : i32 {
      %get3A = arith.index_cast %scan3A_2430 : i32 to index
      %get3A_2432 = arith.constant 0 : index
      %get3A_2433 = tpu.vector_load %arg7[%get3A, %get3A_2432] {strides = array<i32>} : memref<512x64xf32, #tpu.memory_space<vmem>>, vector<1x16xf32>,
      %get3A_2434 = vector.shape_cast %get3A_2433 : vector<1x16xf32> to vector<16xf32>
      %swap3A = arith.index_cast %scan3A_2430 : i32 to index
      %swap3A_2435 = arith.constant 0 : index
      %swap3A_2436 = tpu.vector_load %arg8[%swap3A, %swap3A_2435] {strides = array<i32>} : memref<512x64xf32, #tpu.memory_space<vmem>>, vector<1x16xf32>,
      %swap3A_2437 = vector.shape_cast %swap3A_2436 : vector<1x16xf32> to vector<16xf32>
      %swap3A_2438 = vector.shape_cast %get3A_2434 : vector<16xf32> to vector<1x16xf32>
      tpu.vector_store %arg8[%swap3A, %swap3A_2435], %swap3A_2438 {add = true, strides = array<i32>} : memref<512x64xf32, #tpu.memory_space<vmem>>, vector<1x16xf32>,
      %get3A_2439 = arith.index_cast %scan3A_2430 : i32 to index
      %get3A_2440 = arith.constant 16 : index
      %get3A_2441 = tpu.vector_load %arg7[%get3A_2439, %get3A_2440] {strides = array<i32>} : memref<512x64xf32, #tpu.memory_space<vmem>>, vector<1x16xf32>,
      %get3A_2442 = vector.shape_cast %get3A_2441 : vector<1x16xf32> to vector<16xf32>
      %swap3A_2443 = arith.index_cast %scan3A_2430 : i32 to index
      %swap3A_2444 = arith.constant 16 : index
      %swap3A_2445 = tpu.vector_load %arg8[%swap3A_2443, %swap3A_2444] {strides = array<i32>} : memref<512x64xf32, #tpu.memory_space<vmem>>, vector<1x16xf32>,
      %swap3A_2446 = vector.shape_cast %swap3A_2445 : vector<1x16xf32> to vector<16xf32>
      %swap3A_2447 = vector.shape_cast %get3A_2442 : vector<16xf32> to vector<1x16xf32>
      tpu.vector_store %arg8[%swap3A_2443, %swap3A_2444], %swap3A_2447 {add = true, strides = array<i32>} : memref<512x64xf32, #tpu.memory_space<vmem>>, vector<1x16xf32>,
      %get3A_2448 = arith.index_cast %scan3A_2430 : i32 to index
      %get3A_2449 = arith.constant 32 : index
      %get3A_2450 = tpu.vector_load %arg7[%get3A_2448, %get3A_2449] {strides = array<i32>} : memref<512x64xf32, #tpu.memory_space<vmem>>, vector<1x16xf32>,
      %get3A_2451 = vector.shape_cast %get3A_2450 : vector<1x16xf32> to vector<16xf32>
      %swap3A_2452 = arith.index_cast %scan3A_2430 : i32 to index
      %swap3A_2453 = arith.constant 32 : index
      %swap3A_2454 = tpu.vector_load %arg8[%swap3A_2452, %swap3A_2453] {strides = array<i32>} : memref<512x64xf32, #tpu.memory_space<vmem>>, vector<1x16xf32>,
      %swap3A_2455 = vector.shape_cast %swap3A_2454 : vector<1x16xf32> to vector<16xf32>
      %swap3A_2456 = vector.shape_cast %get3A_2451 : vector<16xf32> to vector<1x16xf32>
      tpu.vector_store %arg8[%swap3A_2452, %swap3A_2453], %swap3A_2456 {add = true, strides = array<i32>} : memref<512x64xf32, #tpu.memory_space<vmem>>, vector<1x16xf32>,
      %get3A_2457 = arith.index_cast %scan3A_2430 : i32 to index
      %get3A_2458 = arith.constant 48 : index
      %get3A_2459 = tpu.vector_load %arg7[%get3A_2457, %get3A_2458] {strides = array<i32>} : memref<512x64xf32, #tpu.memory_space<vmem>>, vector<1x16xf32>,
      %get3A_2460 = vector.shape_cast %get3A_2459 : vector<1x16xf32> to vector<16xf32>
      %swap3A_2461 = arith.index_cast %scan3A_2430 : i32 to index
      %swap3A_2462 = arith.constant 48 : index
      %swap3A_2463 = tpu.vector_load %arg8[%swap3A_2461, %swap3A_2462] {strides = array<i32>} : memref<512x64xf32, #tpu.memory_space<vmem>>, vector<1x16xf32>,
      %swap3A_2464 = vector.shape_cast %swap3A_2463 : vector<1x16xf32> to vector<16xf32>
      %swap3A_2465 = vector.shape_cast %get3A_2460 : vector<16xf32> to vector<1x16xf32>
      tpu.vector_store %arg8[%swap3A_2461, %swap3A_2462], %swap3A_2465 {add = true, strides = array<i32>} : memref<512x64xf32, #tpu.memory_space<vmem>>, vector<1x16xf32>,
      %scan3A_2466 = arith.constant 0 : i32
      scf.yield %scan3A_2466 : i32
    }
    %scan3A_2429 = arith.constant 512 : i32
    "tpu.region"() ({
      %run_scoped3A = tpu.sem_alloc : memref<!tpu.dma_semaphore, #tpu.memory_space<semaphore_mem>>
      %dma_start3A_2430 = arith.constant 0 : i32
      %dma_start3A_2431 = tpu.memref_slice %arg4[%mul3A_2, %dma_start3A_2430] : memref<16384x64xf32, #tpu.memory_space<hbm>> -> memref<512x64xf32, #tpu.memory_space<hbm>>
      %dma_start3A_2432 = arith.constant 0 : i32
      %dma_start3A_2433 = tpu.memref_slice %arg4[%mul3A_2, %dma_start3A_2432] : memref<16384x64xf32, #tpu.memory_space<hbm>> -> memref<512x64xf32, #tpu.memory_space<hbm>>
      tpu.enqueue_dma source(%arg8 : memref<512x64xf32, #tpu.memory_space<vmem>>) target(%dma_start3A_2433 : memref<512x64xf32, #tpu.memory_space<hbm>>) target_semaphore(%run_scoped3A : memref<!tpu.dma_semaphore, #tpu.memory_space<semaphore_mem>>)
      %dma_wait3A_2434 = arith.constant 0 : i32
      %dma_wait3A_2435 = tpu.memref_slice %arg4[%mul3A_2, %dma_wait3A_2434] : memref<16384x64xf32, #tpu.memory_space<hbm>> -> memref<512x64xf32, #tpu.memory_space<hbm>>
      %dma_wait3A_2436 = arith.constant 0 : i32
      %dma_wait3A_2437 = tpu.memref_slice %arg4[%mul3A_2, %dma_wait3A_2436] : memref<16384x64xf32, #tpu.memory_space<hbm>> -> memref<512x64xf32, #tpu.memory_space<hbm>>
      tpu.wait_dma2 semaphore(%run_scoped3A : memref<!tpu.dma_semaphore, #tpu.memory_space<semaphore_mem>>) src(%arg8 : memref<512x64xf32, #tpu.memory_space<vmem>>) dst(%dma_wait3A_2437 : memref<512x64xf32, #tpu.memory_space<hbm>>)
      tpu.yield
    }) : () -> ()
    return
  }
}

</mosaic_0001>

<sc_bundles>
// kernel: kernel.3.cloned.1.call-start
scs
__scs_entry_jumppad:
0x0: {  	(pc) =	sbr.rel $0x88, $3  }
0x1: {  	(tag) =	ssettag $0x0;
	lr =	simm.s32 $0x1  }
0x2: {  	[smem:$0x3F9F] =	sst lr;
	_ =	strace $0xD0000000  }
0x3: {  	_ = 	snop  }
0x4: {  	_ = 	snop  }
0x5: {  	_ = 	snop  }
0x6: {  	_ = 	snop  }
0x7: {  	_ = 	snop  }
__scs_overlays_trampoline_lowered:
0x8: {  	[smem:$0x3FAE] =	sst s0  }
0x9: {  	[smem:$0x3FAF] =	sst s1  }
0xa: {  	[smem:$0x3FB0] =	sst s2  }
0xb: {  	[smem:$0x3FB1] =	sst s3  }
0xc: {  	[smem:$0x3FB2] =	sst s4  }
0xd: {  	[smem:$0x3FB3] =	sst s5  }
0xe: {  	[smem:$0x3FB4] =	sst s6  }
0xf: {  	[smem:$0x3FB5] =	sst s7  }
0x10: {  	[smem:$0x3FB6] =	sst s8  }
0x11: {  	[smem:$0x3FB7] =	sst s9;
	s0 =	simm.s32 @!p0 $0x0  }
0x12: {  	s1 =	sld [smem:$0x3F9D];
	s0 =	simm.s32 @p0 $0x1  }
0x13: {  	[smem:$0x3FB8] =	sst s0;
	s0 =	simm.s32 @!p1 $0x0  }
0x14: {  	s2 =	sld [smem:$0x3F9C];
	s0 =	simm.s32 @p1 $0x1  }
0x15: {  	[smem:$0x3FB9] =	sst s0;
	s0 =	simm.s32 @!p2 $0x0  }
0x16: {  	s3 =	sld [smem:$0x3FDB];
	s0 =	simm.s32 @p2 $0x1  }
0x17: {  	s4 =	simm.s32 $0x1BF5;
	[smem:$0x3FBB] =	sst s0  }
0x18: {  	s0 =	sld [smem:$0x3F9E];
	_ =	swait.ge [sflag:s4], $0x0  }
0x19: {  	s7 =	sld [smem:$0x3F9F]  }
0x1a: {  	s8 =	sadd.s32 $0xFFFFE003, lr  }
0x1b: {  	s9 =	sadd.s32 $0xFFFFFEF7, lr;
	s5 =	simm.s32 $0xFFFFFFFF;
	p2 =	slt.u32 s8, $0xFFFFF086  }
0x1c: {  	p1 =	slt.u32 s9, $0xF7A;
	s5 =	simm.s32 @!p2 $0x0  }
0x1d: {  	s5 =	simm.s32 @p1 $0x1;
	p0 =	seq.s32 s7, s2  }
0x1e: {  	s7 =	smul.u32 @!p0 $0xF7A, s2;
	p2 =	seq.s32 @!p0 s5, $0x0  }
0x1f: {  	s9 =	smul.u32 $0xF7A, s1;
	s8 =	simm.s32 @!p0 $0x1BF5;
	p2 =	por !p2, p0  }
0x20: {  	[sflag:s8] =	ssyncset.s32 @!p0 $0xFFFFF086;
	s6 =	sadd.s32 @!p0 s3, s7;
	s7 =	simm.s32 @!p0 $0x108  }
0x21: {  	s3 =	sadd.s32 s3, s9;
	s6 =	sadd.s32 @!p0 $0x88, s6;
	s7 =	simm.s32 @p2 $0x1082  }
0x22: {  	[simem:s7], [sflag:s8] =	dma.local @!p0 [hbm:s6], $0xF7A  }
0x23: {  	s9 =	sor.u32 $0xD0000000, s2;
	s6 =	simm.s32 $0x108;
	_ =	swait.ge @!p0 [sflag:s8], $0x0  }
0x24: {  	s3 =	sadd.s32 $0x88, s3;
	s6 =	simm.s32 @!p1 $0x1082;
	[sflag:s4] =	ssyncset.s32 $0xFFFFF086  }
0x25: {  	[simem:s6], [sflag:s4] =	dma.local [hbm:s3], $0xF7A  }
0x26: {  	[smem:$0x3F9F] =	sst s1;
	(tag) =	ssettag s2;
	_ =	strace s9  }
0x27: {  	s1 =	sld [smem:$0x3FAF]  }
0x28: {  	s2 =	sld [smem:$0x3FB0]  }
0x29: {  	s4 =	sld [smem:$0x3FB2]  }
0x2a: {  	p0 =	seq.s32 s5, $0x0;
	s5 =	sld [smem:$0x3FB3]  }
0x2b: {  	s6 =	sld [smem:$0x3FB4]  }
0x2c: {  	s7 =	sld [smem:$0x3FB5]  }
0x2d: {  	s3 =	simm.s32 $0x108;
	s8 =	sld [smem:$0x3FB6]  }
0x2e: {  	s3 =	simm.s32 @!p0 $0x1082;
	s9 =	sld [smem:$0x3FB7]  }
0x2f: {  	lr =	sadd.s32 s0, s3;
	s0 =	sld [smem:$0x3FAE]  }
0x30: {  	s3 =	sld [smem:$0x3FB1]  }
0x31: {  	[smem:$0x3FBA] =	sst s10  }
0x32: {  	s10 =	sld [smem:$0x3FB8];
	_ =	sdelay $0x3  }
0x33: {  	p0 =	seq.s32 s10, $0x1;
	s10 =	sld [smem:$0x3FBA];
	_ =	sdelay $0x3  }
0x34: {  	[smem:$0x3FBA] =	sst s10  }
0x35: {  	s10 =	sld [smem:$0x3FB9];
	_ =	sdelay $0x3  }
0x36: {  	p1 =	seq.s32 s10, $0x1;
	s10 =	sld [smem:$0x3FBA];
	_ =	sdelay $0x3  }
0x37: {  	[smem:$0x3FBA] =	sst s10  }
0x38: {  	s10 =	sld [smem:$0x3FBB]  }
0x39: {  	_ = 	snop;
	(pc) =	sbr.ind lr, $3  }
0x3a: {  	_ = 	snop  }
0x3b: {  	_ = 	snop  }
0x3c: {  	p2 =	seq.s32 s10, $0x1;
	s10 =	sld [smem:$0x3FBA]  }
0x3d: {  	_ =	shalt  }
0x3e: {  	_ =	shalt  }
0x3f: {  	_ =	shalt  }
0x40: {  	_ =	shalt  }
0x41: {  	_ =	shalt  }
0x42: {  	_ =	shalt  }
0x43: {  	_ =	shalt  }
0x44: {  	_ =	shalt  }
0x45: {  	_ =	shalt  }
0x46: {  	_ =	shalt  }
0x47: {  	_ =	shalt  }
0x48: {  	_ =	shalt  }
0x49: {  	_ =	shalt  }
0x4a: {  	_ =	shalt  }
0x4b: {  	_ =	shalt  }
0x4c: {  	_ =	shalt  }
0x4d: {  	_ =	shalt  }
0x4e: {  	_ =	shalt  }
0x4f: {  	_ =	shalt  }
0x50: {  	_ =	shalt  }
0x51: {  	_ =	shalt  }
0x52: {  	_ =	shalt  }
0x53: {  	_ =	shalt  }
0x54: {  	_ =	shalt  }
0x55: {  	_ =	shalt  }
0x56: {  	_ =	shalt  }
0x57: {  	_ =	shalt  }
0x58: {  	_ =	shalt  }
0x59: {  	_ =	shalt  }
0x5a: {  	_ =	shalt  }
0x5b: {  	_ =	shalt  }
0x5c: {  	_ =	shalt  }
0x5d: {  	_ =	shalt  }
0x5e: {  	_ =	shalt  }
0x5f: {  	_ =	shalt  }
0x60: {  	_ =	shalt  }
0x61: {  	_ =	shalt  }
0x62: {  	_ =	shalt  }
0x63: {  	_ =	shalt  }
0x64: {  	_ =	shalt  }
0x65: {  	_ =	shalt  }
0x66: {  	_ =	shalt  }
0x67: {  	_ =	shalt  }
0x68: {  	_ =	shalt  }
0x69: {  	_ =	shalt  }
0x6a: {  	_ =	shalt  }
0x6b: {  	_ =	shalt  }
0x6c: {  	_ =	shalt  }
0x6d: {  	_ =	shalt  }
0x6e: {  	_ =	shalt  }
0x6f: {  	_ =	shalt  }
0x70: {  	_ =	shalt  }
0x71: {  	_ =	shalt  }
0x72: {  	_ =	shalt  }
0x73: {  	_ =	shalt  }
0x74: {  	_ =	shalt  }
0x75: {  	_ =	shalt  }
0x76: {  	_ =	shalt  }
0x77: {  	_ =	shalt  }
0x78: {  	_ =	shalt  }
0x79: {  	_ =	shalt  }
0x7a: {  	_ =	shalt  }
0x7b: {  	_ =	shalt  }
0x7c: {  	_ =	shalt  }
0x7d: {  	_ =	shalt  }
0x7e: {  	_ =	shalt  }
0x7f: {  	_ =	shalt  }
0x80: {  	_ =	shalt  }
0x81: {  	_ =	shalt  }
0x82: {  	_ =	shalt  }
0x83: {  	_ =	shalt  }
0x84: {  	_ =	shalt  }
0x85: {  	_ =	shalt  }
0x86: {  	_ =	shalt  }
0x87: {  	_ =	shalt  }
.Lfunc_end0:
.L_simem_size_0:
called_computation_lowered:
.L_overlay_start_0:
0x88: {  	s2 =	sld [smem:$0x3FD9]  }
0x89: {  	s3 =	sld [smem:$0x3FFE];
	_ =	sdelay $0x1  }
0x8a: {  	s1 =	srdreg.scid  }
0x8b: {  	s0 =	sand.u32 $0x1, s1  }
0x8c: {  	s17 =	sshll.u32 s0, $0xA;
	s2 =	sadd.s32 s3, s2  }
0x8d: {  	s2 =	sadd.s32 s2, s17  }
0x8e: {  	[smem:$0x3FC6] =	sst s2  }
0x8f: {  	_ = 	snop  }
0x90: {  	s2 =	sld [smem:$0x3FD0];
	(tm) =	ssettm $0x1  }
0x91: {  	s18 =	sld [smem:$0x3FFB];
	_ =	sdelay $0x3  }
0x92: {  	_ =	strace s18  }
0x93: {  	s3 =	sld [smem:$0x3FFC];
	_ =	sdelay $0x3  }
0x94: {  	_ =	strace s3  }
0x95: {  	s3 =	sld [smem:$0x3FFD];
	_ =	sdelay $0x3  }
0x96: {  	_ =	strace s3  }
0x97: {  	_ =	strace $0x8FFFFFFF  }
0x98: {  	s19 =	sld [smem:$0x3FDB];
	_ =	sdelay $0x1  }
0x99: {  	s4 =	simm.s32 $_scs_section_size  }
0x9a: {  	s5 =	simm.s32 $_size__tile_overlayer_lowered;
	s6 =	simm.s32 $_tile_overlayer_lowered  }
0x9b: {  	s22 =	simm.s32 $0x1BFF;
	s21 =	sshll.u32 s6, $0x1;
	s3 =	sadd.s32 s4, s19  }
0x9c: {  	s7 =	simm.s32 $0x0;
	s20 =	sshll.u32 s5, $0x1;
	s5 =	sadd.s32 s21, s3  }
0x9d: {  	[timem:s7], [sflag:s22] =	dma.local [hbm:s5], s20  }
0x9e: {  	_ =	swait.ge [sflag:s22], s20  }
0x9f: {  	s4 =	ssub.s32 $0x0, s20;
	[sflag:s22] =	ssyncset.done $0x0  }
0xa0: {  	[sflag:s22] =	ssyncadd.s32 s4;
	_ =	sdelay $0x1  }
0xa1: {  	s23 =	simm.s32 $0x1B8B  }
0xa2: {  	_ =	swait.ge [sflag:s23], $0x1  }
0xa3: {  	[sflag:s23] =	ssyncset.done $0x0  }
0xa4: {  	s25 =	simm.s32 $0x1B8E;
	s24 =	sld [smem:$0x3FFE];
	[sflag:s23] =	ssyncadd.s32 $0xFFFFFFFF  }
0xa5: {  	s26 =	simm.s32 $execute0_lowered;
	[smem:$0x3FD2] =	sst s25  }
0xa6: {  	s5 =	sshll.u32 s26, $0x1;
	_ =	strace $0x80000046;
	[dreg:$0x1] =	wrdreg $0xFFFFFFFF  }
0xa7: {  	s28 =	simm.s32 $_size_execute0_lowered;
	s3 =	sadd.s32 s3, s5;
	[dreg:$0x0] =	wrdreg $0x0  }
0xa8: {  	s5 =	sshll.u32 s28, $0x1;
	[dreg:$0x2] =	wrdreg s3  }
0xa9: {  	[dreg:$0x3] =	wrdreg s5  }
0xaa: {  	[dreg:$0x4] =	wrdreg $0xC0  }
0xab: {  	_ =	task [dreg:s7], $0x5FFFF  }
0xac: {  	[dreg:$0x1] =	wrdreg $0xFFFFFFFF  }
0xad: {  	[dreg:$0x0] =	wrdreg $0x60  }
0xae: {  	[dreg:$0x2] =	wrdreg s24  }
0xaf: {  	[dreg:$0x3] =	wrdreg s2  }
0xb0: {  	[dreg:$0x4] =	wrdreg $0x9  }
0xb1: {  	_ =	task.clear_ibuf [dreg:s7], $0x5FFFF;
	_ =	strace $0x90000046  }
0xb2: {  	s29 =	simm.s32 $0x9;
	_ =	strace $0x80000048  }
0xb3: {  	_ =	swait.ge [sflag:s29], $0x1  }
0xb4: {  	[sflag:s29] =	ssyncadd.s32 $0xFFFFFFFF  }
0xb5: {  	_ =	strace $0x90000048  }
0xb6: {  	_ =	sfence  }
0xb7: {  	s30 =	sld [smem:$0x0];
	_ =	sdelay $0x2  }
0xb8: {  	s31 =	sshll.u32 s1, $0xD;
	s1 =	sshrl.u32 s1, $0x2  }
0xb9: {  	s3 =	sand.u32 $0x4000, s31;
	s1 =	sadd.s32 s1, s30  }
0xba: {  	s0 =	sor.u32 s3, s0;
	s1 =	sshll.u32 s1, $0x11  }
0xbb: {  	s0 =	sor.u32 s1, s0  }
0xbc: {  	s0 =	sadd.s32 $0x8F2B, s0  }
0xbd: {  	[sflag:s0] =	ssyncadd.remote.s32 $0x1  }
0xbe: {  	_ =	sfence.sel $0xFFFF  }
0xbf: {  	[dreg:$0x0] =	wrdreg $0xFFFFFFFF;
	(pc) =	sbr.abs _section_cstart, $3  }
0xc0: {  	[dreg:$0x1] =	wrdreg $0xFFFFFFFF  }
0xc1: {  	_ =	task.clear_ibuf [dreg:s7], $0x2FFFF;
	_ =	strace $0x9FFFFFFF  }
0xc2: {  	(tm) =	ssettm $0x7FFFFFFF  }
0xc3: {  	_ =	shalt  }
tec
execute0_lowered:
.L_overlay_start_1:
0x0: {  	(tag) =	ssettag $0x1  }
0x1: {  	s0 =	rddreg [dreg:$0x0]  }
0x2: {  	s1 =	rddreg [dreg:$0x1]  }
0x3: {  	s2 =	srdreg.scid;
	s4 =	stileid.u32;
	s7 =	simm.s32 $0x200  }
0x4: {  	s9 =	simm.s32 $0x4;
	s10 =	simm.s32 $0x80;
	s11 =	simm.s32 $0x13400  }
0x5: {  	s17 =	simm.s32 $0xB400;
	s19 =	simm.s32 $0xD400;
	s21 =	simm.s32 $0xF400  }
0x6: {  	s23 =	simm.s32 $0x11400;
	s24 =	simm.s32 $0x3;
	s29 =	simm.s32 $0x5400  }
0x7: {  	s31 =	simm.s32 $0x7400;
	s8 =	simm.s32 $0x2;
	s16 =	simm.s32 $0x1  }
0x8: {  	s28 =	simm.s32 $0x3080;
	s30 =	simm.s32 $0x3100;
	s12 =	simm.s32 $0x3200  }
0x9: {  	s13 =	simm.s32 $0x3280;
	s14 =	simm.s32 $0x3300;
	s15 =	simm.s32 $0x3380  }
0xa: {  	s18 =	simm.s32 $0x0;
	s3 =	sand.u32 $0x1, s2;
	s2 =	simm.s32 $0x0  }
0xb: {  	s4 =	sshll.u32 s4, $0xA;
	s5 =	sshll.u32 s3, $0x9;
	[smem:$0x7FF] =	sst s2  }
0xc: {  	s6 =	ssub.s32 $0x2, s3;
	s3 =	sadd.s32 $0x27ACA00, s0;
	s5 =	sor.u32 s5, s4  }
0xd: {  	_ =	strace $0x80000047;
	s25 =	sshrl.u32 s6, $0x1;
	s4 =	sshrl.u32 s5, $0x3  }
0xe: {  	s6 =	ssub.s32 s6, s25;
	s26 =	sshll.u32 s5, $0x3;
	s0 =	sadd.s32 s4, s0  }
0xf: {  	s5 =	sadd.s32 s1, s26;
	s6 =	smax.u32 s6, $0x1;
	s26 =	simm.s32 $0x3400  }
0x10: {  	s1 =	simm.s32 $0x9400;
	s4 =	sadd.s32 $0x600, s0;
	s0 =	simm.s32 $0x3180  }
.LBB2_1:
0x11: {  	s20 =	simm.s32 $0x4000  }
0x12: {  	[tilespmem:s2], [sflag:$0x4] =	stream.strided.gather [hbm4b:s4+s7], $0x3400, s20, s7, $0x38;
	[tilespmem:$0x1B400] =	vst v63  }
0x13: {  	_ =	swait.ge [sflag:s9], $0x3400  }
0x14: {  	[sflag:s9] =	ssyncset.done $0x0  }
0x15: {  	[sflag:s9] =	ssyncadd.s32 $0xFFFFCC00  }
0x16: {  	[tilespmem:s11], [sflag:$0x3] =	stream.indirect.gather [hbm4b:s3+s10], $0x40, s2, s10, $0xb8;
	[tilespmem:$0x1B400] =	vst v63  }
0x17: {  	s22 =	simm.s32 $0x15400  }
0x18: {  	[tilespmem:s22], [sflag:$0x3] =	stream.indirect.gather [hbm4b:s3+s10], $0x40, s10, s10, $0xb8;
	[tilespmem:$0x1B400] =	vst v63  }
0x19: {  	s25 =	simm.s32 $0x100;
	s22 =	simm.s32 $0x17400  }
0x1a: {  	[tilespmem:s22], [sflag:$0x3] =	stream.indirect.gather [hbm4b:s3+s10], $0x40, s25, s10, $0xb8;
	[tilespmem:$0x1B400] =	vst v63  }
0x1b: {  	s22 =	simm.s32 $0x180;
	s25 =	simm.s32 $0x19400  }
0x1c: {  	[tilespmem:s25], [sflag:$0x3] =	stream.indirect.gather [hbm4b:s3+s10], $0x40, s22, s10, $0xb8;
	[tilespmem:$0x1B400] =	vst v63  }
0x1d: {  	s20 =	simm.s32 $0x0;
	s22 =	simm.s32 $0x40  }
.LBB2_2:
0x1e: {  	p0 =	sne.s32 s22, $0x7C0;
	v0 =	vld [tilespmem:s20+$0x200];
	_ =	sdelay $0x1  }
.Ltmp0:
0x1f: {  	(pc) =	sbr.rel @p0 .LBB2_2-.Ltmp0, $3  }
0x20: {  	_ =	sdelay $0x1  }
0x21: {  	v0 =	vadd.s32 $0x186A0, v0  }
0x22: {  	[tilespmem:s20+$0x200] =	vst v0;
	s20 =	sshra.s32 s22, $0x2;
	s22 =	sadd.s32 $0x40, s22  }
0x23: {  	v0 =	vld [tilespmem:s20+$0x200];
	_ =	sdelay $0x4  }
0x24: {  	v0 =	vadd.s32 $0x186A0, v0  }
0x25: {  	s22 =	simm.s32 $0x40;
	[tilespmem:s20+$0x200] =	vst v0;
	s20 =	simm.s32 $0x0  }
.LBB2_4:
0x26: {  	p0 =	sne.s32 s22, $0x7C0;
	v0 =	vld [tilespmem:s20+$0x400];
	_ =	sdelay $0x1  }
.Ltmp1:
0x27: {  	(pc) =	sbr.rel @p0 .LBB2_4-.Ltmp1, $3  }
0x28: {  	_ =	sdelay $0x1  }
0x29: {  	v0 =	vadd.s32 $0x30D40, v0  }
0x2a: {  	[tilespmem:s20+$0x400] =	vst v0;
	s20 =	sshra.s32 s22, $0x2;
	s22 =	sadd.s32 $0x40, s22  }
0x2b: {  	v0 =	vld [tilespmem:s20+$0x400];
	_ =	sdelay $0x4  }
0x2c: {  	v0 =	vadd.s32 $0x30D40, v0  }
0x2d: {  	s22 =	simm.s32 $0x40;
	[tilespmem:s20+$0x400] =	vst v0;
	s20 =	simm.s32 $0x0  }
.LBB2_6:
0x2e: {  	p0 =	sne.s32 s22, $0x7C0;
	v0 =	vld [tilespmem:s20+$0x600];
	_ =	sdelay $0x1  }
.Ltmp2:
0x2f: {  	(pc) =	sbr.rel @p0 .LBB2_6-.Ltmp2, $3  }
0x30: {  	_ =	sdelay $0x1  }
0x31: {  	v0 =	vadd.s32 $0x493E0, v0  }
0x32: {  	[tilespmem:s20+$0x600] =	vst v0;
	s20 =	sshra.s32 s22, $0x2;
	s22 =	sadd.s32 $0x40, s22  }
0x33: {  	v0 =	vld [tilespmem:s20+$0x600];
	_ =	sdelay $0x4  }
0x34: {  	v0 =	vadd.s32 $0x493E0, v0  }
0x35: {  	s22 =	simm.s32 $0x40;
	[tilespmem:s20+$0x600] =	vst v0;
	s20 =	simm.s32 $0x0  }
.LBB2_8:
0x36: {  	p0 =	sne.s32 s22, $0x7C0;
	v0 =	vld [tilespmem:s20+$0x800];
	_ =	sdelay $0x1  }
.Ltmp3:
0x37: {  	(pc) =	sbr.rel @p0 .LBB2_8-.Ltmp3, $3  }
0x38: {  	_ =	sdelay $0x1  }
0x39: {  	v0 =	vadd.s32 $0x61A80, v0  }
0x3a: {  	[tilespmem:s20+$0x800] =	vst v0;
	s20 =	sshra.s32 s22, $0x2;
	s22 =	sadd.s32 $0x40, s22  }
0x3b: {  	v0 =	vld [tilespmem:s20+$0x800];
	_ =	sdelay $0x4  }
0x3c: {  	v0 =	vadd.s32 $0x61A80, v0  }
0x3d: {  	s22 =	simm.s32 $0x40;
	[tilespmem:s20+$0x800] =	vst v0;
	s20 =	simm.s32 $0x0  }
.LBB2_10:
0x3e: {  	p0 =	sne.s32 s22, $0x7C0;
	v0 =	vld [tilespmem:s20+$0xA00];
	_ =	sdelay $0x1  }
.Ltmp4:
0x3f: {  	(pc) =	sbr.rel @p0 .LBB2_10-.Ltmp4, $3  }
0x40: {  	_ =	sdelay $0x1  }
0x41: {  	v0 =	vadd.s32 $0x7A120, v0  }
0x42: {  	[tilespmem:s20+$0xA00] =	vst v0;
	s20 =	sshra.s32 s22, $0x2;
	s22 =	sadd.s32 $0x40, s22  }
0x43: {  	v0 =	vld [tilespmem:s20+$0xA00];
	_ =	sdelay $0x4  }
0x44: {  	v0 =	vadd.s32 $0x7A120, v0  }
0x45: {  	s22 =	simm.s32 $0x40;
	[tilespmem:s20+$0xA00] =	vst v0;
	s20 =	simm.s32 $0x0  }
.LBB2_12:
0x46: {  	p0 =	sne.s32 s22, $0x7C0;
	v0 =	vld [tilespmem:s20+$0xC00];
	_ =	sdelay $0x1  }
.Ltmp5:
0x47: {  	(pc) =	sbr.rel @p0 .LBB2_12-.Ltmp5, $3  }
0x48: {  	_ =	sdelay $0x1  }
0x49: {  	v0 =	vadd.s32 $0x927C0, v0  }
0x4a: {  	[tilespmem:s20+$0xC00] =	vst v0;
	s20 =	sshra.s32 s22, $0x2;
	s22 =	sadd.s32 $0x40, s22  }
0x4b: {  	v0 =	vld [tilespmem:s20+$0xC00];
	_ =	sdelay $0x4  }
0x4c: {  	v0 =	vadd.s32 $0x927C0, v0  }
0x4d: {  	s22 =	simm.s32 $0x40;
	[tilespmem:s20+$0xC00] =	vst v0;
	s20 =	simm.s32 $0x0  }
.LBB2_14:
0x4e: {  	p0 =	sne.s32 s22, $0x7C0;
	v0 =	vld [tilespmem:s20+$0xE00];
	_ =	sdelay $0x1  }
.Ltmp6:
0x4f: {  	(pc) =	sbr.rel @p0 .LBB2_14-.Ltmp6, $3  }
0x50: {  	_ =	sdelay $0x1  }
0x51: {  	v0 =	vadd.s32 $0xAAE60, v0  }
0x52: {  	[tilespmem:s20+$0xE00] =	vst v0;
	s20 =	sshra.s32 s22, $0x2;
	s22 =	sadd.s32 $0x40, s22  }
0x53: {  	v0 =	vld [tilespmem:s20+$0xE00];
	_ =	sdelay $0x4  }
0x54: {  	v0 =	vadd.s32 $0xAAE60, v0  }
0x55: {  	s22 =	simm.s32 $0x40;
	[tilespmem:s20+$0xE00] =	vst v0;
	s20 =	simm.s32 $0x0  }
.LBB2_16:
0x56: {  	p0 =	sne.s32 s22, $0x7C0;
	v0 =	vld [tilespmem:s20+$0x1000];
	_ =	sdelay $0x1  }
.Ltmp7:
0x57: {  	(pc) =	sbr.rel @p0 .LBB2_16-.Ltmp7, $3  }
0x58: {  	_ =	sdelay $0x1  }
0x59: {  	v0 =	vadd.s32 $0xC3500, v0  }
0x5a: {  	[tilespmem:s20+$0x1000] =	vst v0;
	s20 =	sshra.s32 s22, $0x2;
	s22 =	sadd.s32 $0x40, s22  }
0x5b: {  	v0 =	vld [tilespmem:s20+$0x1000];
	_ =	sdelay $0x4  }
0x5c: {  	v0 =	vadd.s32 $0xC3500, v0  }
0x5d: {  	s22 =	simm.s32 $0x40;
	[tilespmem:s20+$0x1000] =	vst v0;
	s20 =	simm.s32 $0x0  }
.LBB2_18:
0x5e: {  	p0 =	sne.s32 s22, $0x7C0;
	v0 =	vld [tilespmem:s20+$0x1200];
	_ =	sdelay $0x1  }
.Ltmp8:
0x5f: {  	(pc) =	sbr.rel @p0 .LBB2_18-.Ltmp8, $3  }
0x60: {  	_ =	sdelay $0x1  }
0x61: {  	v0 =	vadd.s32 $0xDBBA0, v0  }
0x62: {  	[tilespmem:s20+$0x1200] =	vst v0;
	s20 =	sshra.s32 s22, $0x2;
	s22 =	sadd.s32 $0x40, s22  }
0x63: {  	v0 =	vld [tilespmem:s20+$0x1200];
	_ =	sdelay $0x4  }
0x64: {  	v0 =	vadd.s32 $0xDBBA0, v0  }
0x65: {  	s22 =	simm.s32 $0x40;
	[tilespmem:s20+$0x1200] =	vst v0;
	s20 =	simm.s32 $0x0  }
.LBB2_20:
0x66: {  	p0 =	sne.s32 s22, $0x7C0;
	v0 =	vld [tilespmem:s20+$0x1400];
	_ =	sdelay $0x1  }
.Ltmp9:
0x67: {  	(pc) =	sbr.rel @p0 .LBB2_20-.Ltmp9, $3  }
0x68: {  	_ =	sdelay $0x1  }
0x69: {  	v0 =	vadd.s32 $0xF4240, v0  }
0x6a: {  	[tilespmem:s20+$0x1400] =	vst v0;
	s20 =	sshra.s32 s22, $0x2;
	s22 =	sadd.s32 $0x40, s22  }
0x6b: {  	v0 =	vld [tilespmem:s20+$0x1400];
	_ =	sdelay $0x4  }
0x6c: {  	v0 =	vadd.s32 $0xF4240, v0  }
0x6d: {  	s22 =	simm.s32 $0x40;
	[tilespmem:s20+$0x1400] =	vst v0;
	s20 =	simm.s32 $0x0  }
.LBB2_22:
0x6e: {  	p0 =	sne.s32 s22, $0x7C0;
	v0 =	vld [tilespmem:s20+$0x1600];
	_ =	sdelay $0x1  }
.Ltmp10:
0x6f: {  	(pc) =	sbr.rel @p0 .LBB2_22-.Ltmp10, $3  }
0x70: {  	_ =	sdelay $0x1  }
0x71: {  	v0 =	vadd.s32 $0x10C8E0, v0  }
0x72: {  	[tilespmem:s20+$0x1600] =	vst v0;
	s20 =	sshra.s32 s22, $0x2;
	s22 =	sadd.s32 $0x40, s22  }
0x73: {  	v0 =	vld [tilespmem:s20+$0x1600];
	_ =	sdelay $0x4  }
0x74: {  	v0 =	vadd.s32 $0x10C8E0, v0  }
0x75: {  	s22 =	simm.s32 $0x40;
	[tilespmem:s20+$0x1600] =	vst v0;
	s20 =	simm.s32 $0x0  }
.LBB2_24:
0x76: {  	p0 =	sne.s32 s22, $0x7C0;
	v0 =	vld [tilespmem:s20+$0x1800];
	_ =	sdelay $0x1  }
.Ltmp11:
0x77: {  	(pc) =	sbr.rel @p0 .LBB2_24-.Ltmp11, $3  }
0x78: {  	_ =	sdelay $0x1  }
0x79: {  	v0 =	vadd.s32 $0x124F80, v0  }
0x7a: {  	[tilespmem:s20+$0x1800] =	vst v0;
	s20 =	sshra.s32 s22, $0x2;
	s22 =	sadd.s32 $0x40, s22  }
0x7b: {  	v0 =	vld [tilespmem:s20+$0x1800];
	_ =	sdelay $0x4  }
0x7c: {  	v0 =	vadd.s32 $0x124F80, v0  }
0x7d: {  	s22 =	simm.s32 $0x40;
	[tilespmem:s20+$0x1800] =	vst v0;
	s20 =	simm.s32 $0x0  }
.LBB2_26:
0x7e: {  	p0 =	sne.s32 s22, $0x7C0;
	v0 =	vld [tilespmem:s20+$0x1A00];
	_ =	sdelay $0x1  }
.Ltmp12:
0x7f: {  	(pc) =	sbr.rel @p0 .LBB2_26-.Ltmp12, $3  }
0x80: {  	_ =	sdelay $0x1  }
0x81: {  	v0 =	vadd.s32 $0x13D620, v0  }
0x82: {  	[tilespmem:s20+$0x1A00] =	vst v0;
	s20 =	sshra.s32 s22, $0x2;
	s22 =	sadd.s32 $0x40, s22  }
0x83: {  	v0 =	vld [tilespmem:s20+$0x1A00];
	_ =	sdelay $0x4  }
0x84: {  	v0 =	vadd.s32 $0x13D620, v0  }
0x85: {  	s22 =	simm.s32 $0x40;
	[tilespmem:s20+$0x1A00] =	vst v0;
	s20 =	simm.s32 $0x0  }
.LBB2_28:
0x86: {  	p0 =	sne.s32 s22, $0x7C0;
	v0 =	vld [tilespmem:s20+$0x1C00];
	_ =	sdelay $0x1  }
.Ltmp13:
0x87: {  	(pc) =	sbr.rel @p0 .LBB2_28-.Ltmp13, $3  }
0x88: {  	_ =	sdelay $0x1  }
0x89: {  	v0 =	vadd.s32 $0x155CC0, v0  }
0x8a: {  	[tilespmem:s20+$0x1C00] =	vst v0;
	s20 =	sshra.s32 s22, $0x2;
	s22 =	sadd.s32 $0x40, s22  }
0x8b: {  	v0 =	vld [tilespmem:s20+$0x1C00];
	_ =	sdelay $0x4  }
0x8c: {  	v0 =	vadd.s32 $0x155CC0, v0  }
0x8d: {  	s22 =	simm.s32 $0x40;
	[tilespmem:s20+$0x1C00] =	vst v0;
	s20 =	simm.s32 $0x0  }
.LBB2_30:
0x8e: {  	p0 =	sne.s32 s22, $0x7C0;
	v0 =	vld [tilespmem:s20+$0x1E00];
	_ =	sdelay $0x1  }
.Ltmp14:
0x8f: {  	(pc) =	sbr.rel @p0 .LBB2_30-.Ltmp14, $3  }
0x90: {  	_ =	sdelay $0x1  }
0x91: {  	v0 =	vadd.s32 $0x16E360, v0  }
0x92: {  	[tilespmem:s20+$0x1E00] =	vst v0;
	s20 =	sshra.s32 s22, $0x2;
	s22 =	sadd.s32 $0x40, s22  }
0x93: {  	v0 =	vld [tilespmem:s20+$0x1E00];
	_ =	sdelay $0x4  }
0x94: {  	v0 =	vadd.s32 $0x16E360, v0  }
0x95: {  	s22 =	simm.s32 $0x40;
	[tilespmem:s20+$0x1E00] =	vst v0;
	s20 =	simm.s32 $0x0  }
.LBB2_32:
0x96: {  	p0 =	sne.s32 s22, $0x7C0;
	v0 =	vld [tilespmem:s20+$0x2000];
	_ =	sdelay $0x1  }
.Ltmp15:
0x97: {  	(pc) =	sbr.rel @p0 .LBB2_32-.Ltmp15, $3  }
0x98: {  	_ =	sdelay $0x1  }
0x99: {  	v0 =	vadd.s32 $0x186A00, v0  }
0x9a: {  	[tilespmem:s20+$0x2000] =	vst v0;
	s20 =	sshra.s32 s22, $0x2;
	s22 =	sadd.s32 $0x40, s22  }
0x9b: {  	v0 =	vld [tilespmem:s20+$0x2000];
	_ =	sdelay $0x4  }
0x9c: {  	v0 =	vadd.s32 $0x186A00, v0  }
0x9d: {  	s22 =	simm.s32 $0x40;
	[tilespmem:s20+$0x2000] =	vst v0;
	s20 =	simm.s32 $0x0  }
.LBB2_34:
0x9e: {  	p0 =	sne.s32 s22, $0x7C0;
	v0 =	vld [tilespmem:s20+$0x2200];
	_ =	sdelay $0x1  }
.Ltmp16:
0x9f: {  	(pc) =	sbr.rel @p0 .LBB2_34-.Ltmp16, $3  }
0xa0: {  	_ =	sdelay $0x1  }
0xa1: {  	v0 =	vadd.s32 $0x19F0A0, v0  }
0xa2: {  	[tilespmem:s20+$0x2200] =	vst v0;
	s20 =	sshra.s32 s22, $0x2;
	s22 =	sadd.s32 $0x40, s22  }
0xa3: {  	v0 =	vld [tilespmem:s20+$0x2200];
	_ =	sdelay $0x4  }
0xa4: {  	v0 =	vadd.s32 $0x19F0A0, v0  }
0xa5: {  	s22 =	simm.s32 $0x40;
	[tilespmem:s20+$0x2200] =	vst v0;
	s20 =	simm.s32 $0x0  }
.LBB2_36:
0xa6: {  	p0 =	sne.s32 s22, $0x7C0;
	v0 =	vld [tilespmem:s20+$0x2400];
	_ =	sdelay $0x1  }
.Ltmp17:
0xa7: {  	(pc) =	sbr.rel @p0 .LBB2_36-.Ltmp17, $3  }
0xa8: {  	_ =	sdelay $0x1  }
0xa9: {  	v0 =	vadd.s32 $0x1B7740, v0  }
0xaa: {  	[tilespmem:s20+$0x2400] =	vst v0;
	s20 =	sshra.s32 s22, $0x2;
	s22 =	sadd.s32 $0x40, s22  }
0xab: {  	v0 =	vld [tilespmem:s20+$0x2400];
	_ =	sdelay $0x4  }
0xac: {  	v0 =	vadd.s32 $0x1B7740, v0  }
0xad: {  	s22 =	simm.s32 $0x40;
	[tilespmem:s20+$0x2400] =	vst v0;
	s20 =	simm.s32 $0x0  }
.LBB2_38:
0xae: {  	p0 =	sne.s32 s22, $0x7C0;
	v0 =	vld [tilespmem:s20+$0x2600];
	_ =	sdelay $0x1  }
.Ltmp18:
0xaf: {  	(pc) =	sbr.rel @p0 .LBB2_38-.Ltmp18, $3  }
0xb0: {  	_ =	sdelay $0x1  }
0xb1: {  	v0 =	vadd.s32 $0x1CFDE0, v0  }
0xb2: {  	[tilespmem:s20+$0x2600] =	vst v0;
	s20 =	sshra.s32 s22, $0x2;
	s22 =	sadd.s32 $0x40, s22  }
0xb3: {  	v0 =	vld [tilespmem:s20+$0x2600];
	_ =	sdelay $0x4  }
0xb4: {  	v0 =	vadd.s32 $0x1CFDE0, v0  }
0xb5: {  	s22 =	simm.s32 $0x40;
	[tilespmem:s20+$0x2600] =	vst v0;
	s20 =	simm.s32 $0x0  }
.LBB2_40:
0xb6: {  	p0 =	sne.s32 s22, $0x7C0;
	v0 =	vld [tilespmem:s20+$0x2800];
	_ =	sdelay $0x1  }
.Ltmp19:
0xb7: {  	(pc) =	sbr.rel @p0 .LBB2_40-.Ltmp19, $3  }
0xb8: {  	_ =	sdelay $0x1  }
0xb9: {  	v0 =	vadd.s32 $0x1E8480, v0  }
0xba: {  	[tilespmem:s20+$0x2800] =	vst v0;
	s20 =	sshra.s32 s22, $0x2;
	s22 =	sadd.s32 $0x40, s22  }
0xbb: {  	v0 =	vld [tilespmem:s20+$0x2800];
	_ =	sdelay $0x4  }
0xbc: {  	v0 =	vadd.s32 $0x1E8480, v0  }
0xbd: {  	s22 =	simm.s32 $0x40;
	[tilespmem:s20+$0x2800] =	vst v0;
	s20 =	simm.s32 $0x0  }
.LBB2_42:
0xbe: {  	p0 =	sne.s32 s22, $0x7C0;
	v0 =	vld [tilespmem:s20+$0x2A00];
	_ =	sdelay $0x1  }
.Ltmp20:
0xbf: {  	(pc) =	sbr.rel @p0 .LBB2_42-.Ltmp20, $3  }
0xc0: {  	_ =	sdelay $0x1  }
0xc1: {  	v0 =	vadd.s32 $0x200B20, v0  }
0xc2: {  	[tilespmem:s20+$0x2A00] =	vst v0;
	s20 =	sshra.s32 s22, $0x2;
	s22 =	sadd.s32 $0x40, s22  }
0xc3: {  	v0 =	vld [tilespmem:s20+$0x2A00];
	_ =	sdelay $0x4  }
0xc4: {  	v0 =	vadd.s32 $0x200B20, v0  }
0xc5: {  	s22 =	simm.s32 $0x40;
	[tilespmem:s20+$0x2A00] =	vst v0;
	s20 =	simm.s32 $0x0  }
.LBB2_44:
0xc6: {  	p0 =	sne.s32 s22, $0x7C0;
	v0 =	vld [tilespmem:s20+$0x2C00];
	_ =	sdelay $0x1  }
.Ltmp21:
0xc7: {  	(pc) =	sbr.rel @p0 .LBB2_44-.Ltmp21, $3  }
0xc8: {  	_ =	sdelay $0x1  }
0xc9: {  	v0 =	vadd.s32 $0x2191C0, v0  }
0xca: {  	[tilespmem:s20+$0x2C00] =	vst v0;
	s20 =	sshra.s32 s22, $0x2;
	s22 =	sadd.s32 $0x40, s22  }
0xcb: {  	v0 =	vld [tilespmem:s20+$0x2C00];
	_ =	sdelay $0x4  }
0xcc: {  	v0 =	vadd.s32 $0x2191C0, v0  }
0xcd: {  	s22 =	simm.s32 $0x40;
	[tilespmem:s20+$0x2C00] =	vst v0;
	s20 =	simm.s32 $0x0  }
.LBB2_46:
0xce: {  	p0 =	sne.s32 s22, $0x7C0;
	v0 =	vld [tilespmem:s20+$0x2E00];
	_ =	sdelay $0x1  }
.Ltmp22:
0xcf: {  	(pc) =	sbr.rel @p0 .LBB2_46-.Ltmp22, $3  }
0xd0: {  	_ =	sdelay $0x1  }
0xd1: {  	v0 =	vadd.s32 $0x231860, v0  }
0xd2: {  	[tilespmem:s20+$0x2E00] =	vst v0;
	s20 =	sshra.s32 s22, $0x2;
	s22 =	sadd.s32 $0x40, s22  }
0xd3: {  	v0 =	vld [tilespmem:s20+$0x2E00];
	_ =	sdelay $0x4  }
0xd4: {  	v0 =	vadd.s32 $0x231860, v0  }
0xd5: {  	s22 =	simm.s32 $0x40;
	[tilespmem:s20+$0x2E00] =	vst v0;
	s20 =	simm.s32 $0x0  }
.LBB2_48:
0xd6: {  	p0 =	sne.s32 s22, $0x7C0;
	v0 =	vld [tilespmem:s20+$0x3000];
	_ =	sdelay $0x1  }
.Ltmp23:
0xd7: {  	(pc) =	sbr.rel @p0 .LBB2_48-.Ltmp23, $3  }
0xd8: {  	_ =	sdelay $0x1  }
0xd9: {  	v0 =	vadd.s32 $0x249F00, v0  }
0xda: {  	[tilespmem:s20+$0x3000] =	vst v0;
	s20 =	sshra.s32 s22, $0x2;
	s22 =	sadd.s32 $0x40, s22  }
0xdb: {  	v0 =	vld [tilespmem:s20+$0x3000];
	_ =	sdelay $0x4  }
0xdc: {  	v0 =	vadd.s32 $0x249F00, v0  }
0xdd: {  	s22 =	simm.s32 $0x40;
	[tilespmem:s20+$0x3000] =	vst v0;
	s20 =	simm.s32 $0x0  }
.LBB2_50:
0xde: {  	p0 =	sne.s32 s22, $0x7C0;
	v0 =	vld [tilespmem:s20+$0x3200];
	_ =	sdelay $0x1  }
.Ltmp24:
0xdf: {  	(pc) =	sbr.rel @p0 .LBB2_50-.Ltmp24, $3  }
0xe0: {  	_ =	sdelay $0x1  }
0xe1: {  	v0 =	vadd.s32 $0x2625A0, v0  }
0xe2: {  	[tilespmem:s20+$0x3200] =	vst v0;
	s20 =	sshra.s32 s22, $0x2;
	s22 =	sadd.s32 $0x40, s22  }
0xe3: {  	v0 =	vld [tilespmem:s20+$0x3200];
	_ =	sdelay $0x4  }
0xe4: {  	v0 =	vadd.s32 $0x2625A0, v0  }
0xe5: {  	[tilespmem:s20+$0x3200] =	vst v0  }
0xe6: {  	[tilespmem:s17], [sflag:$0x2] =	stream.indirect.gather [hbm4b:s3+s10], $0x40, s7, s10, $0xb8;
	[tilespmem:$0x1B400] =	vst v63  }
0xe7: {  	s25 =	simm.s32 $0x280  }
0xe8: {  	[tilespmem:s19], [sflag:$0x2] =	stream.indirect.gather [hbm4b:s3+s10], $0x40, s25, s10, $0xb8;
	[tilespmem:$0x1B400] =	vst v63  }
0xe9: {  	s22 =	simm.s32 $0x300  }
0xea: {  	[tilespmem:s21], [sflag:$0x2] =	stream.indirect.gather [hbm4b:s3+s10], $0x40, s22, s10, $0xb8;
	[tilespmem:$0x1B400] =	vst v63  }
0xeb: {  	s25 =	simm.s32 $0x380  }
0xec: {  	[tilespmem:s23], [sflag:$0x2] =	stream.indirect.gather [hbm4b:s3+s10], $0x40, s25, s10, $0xb8;
	[tilespmem:$0x1B400] =	vst v63  }
0xed: {  	_ =	swait.ge [sflag:s24], $0x2000  }
0xee: {  	[sflag:s24] =	ssyncset.done $0x0  }
0xef: {  	[sflag:s24] =	ssyncadd.s32 $0xFFFFE000  }
0xf0: {  	_ =	swait.ge [sflag:s24], $0x2000  }
0xf1: {  	[sflag:s24] =	ssyncset.done $0x0  }
0xf2: {  	[sflag:s24] =	ssyncadd.s32 $0xFFFFE000  }
0xf3: {  	_ =	swait.ge [sflag:s24], $0x2000  }
0xf4: {  	[sflag:s24] =	ssyncset.done $0x0  }
0xf5: {  	[sflag:s24] =	ssyncadd.s32 $0xFFFFE000  }
0xf6: {  	_ =	swait.ge [sflag:s24], $0x2000  }
0xf7: {  	[sflag:s24] =	ssyncset.done $0x0  }
0xf8: {  	s22 =	simm.s32 $0x400;
	[sflag:s24] =	ssyncadd.s32 $0xFFFFE000  }
0xf9: {  	[tilespmem:s26], [sflag:$0x1] =	stream.indirect.gather [hbm4b:s3+s10], $0x40, s22, s10, $0xb8;
	[tilespmem:$0x1B400] =	vst v63  }
0xfa: {  	s25 =	simm.s32 $0x480  }
0xfb: {  	[tilespmem:s29], [sflag:$0x1] =	stream.indirect.gather [hbm4b:s3+s10], $0x40, s25, s10, $0xb8;
	[tilespmem:$0x1B400] =	vst v63  }
0xfc: {  	s22 =	simm.s32 $0x500  }
0xfd: {  	[tilespmem:s31], [sflag:$0x1] =	stream.indirect.gather [hbm4b:s3+s10], $0x40, s22, s10, $0xb8;
	[tilespmem:$0x1B400] =	vst v63  }
0xfe: {  	s25 =	simm.s32 $0x580  }
0xff: {  	[tilespmem:s1], [sflag:$0x1] =	stream.indirect.gather [hbm4b:s3+s10], $0x40, s25, s10, $0xb8;
	[tilespmem:$0x1B400] =	vst v63  }
0x100: {  	_ =	swait.ge [sflag:s8], $0x2000  }
0x101: {  	[sflag:s8] =	ssyncset.done $0x0  }
0x102: {  	[sflag:s8] =	ssyncadd.s32 $0xFFFFE000  }
0x103: {  	_ =	swait.ge [sflag:s8], $0x2000  }
0x104: {  	[sflag:s8] =	ssyncset.done $0x0  }
0x105: {  	[sflag:s8] =	ssyncadd.s32 $0xFFFFE000  }
0x106: {  	_ =	swait.ge [sflag:s8], $0x2000  }
0x107: {  	[sflag:s8] =	ssyncset.done $0x0  }
0x108: {  	[sflag:s8] =	ssyncadd.s32 $0xFFFFE000  }
0x109: {  	_ =	swait.ge [sflag:s8], $0x2000  }
0x10a: {  	[sflag:s8] =	ssyncset.done $0x0  }
0x10b: {  	s20 =	simm.s32 $0x0;
	[sflag:s8] =	ssyncadd.s32 $0xFFFFE000  }
0x10c: {  	v1 =	vld [tilespmem:s20+$0xB430]  }
0x10d: {  	v2 =	vld [tilespmem:s20+$0xB400]  }
0x10e: {  	v3 =	vld [tilespmem:s20+$0xB410]  }
0x10f: {  	v0 =	vld [tilespmem:s20+$0xB420];
	_ =	sdelay $0x1  }
0x110: {  	[tilespmem:s20+$0x13430] =	vst.add.f32.msk $0xffff, v1  }
0x111: {  	[tilespmem:s20+$0x13400] =	vst.add.f32.msk $0xffff, v2  }
0x112: {  	s22 =	simm.s32 $0x40;
	s25 =	simm.s32 $0x200;
	[tilespmem:s20+$0x13410] =	vst.add.f32.msk $0xffff, v3  }
.LBB2_52:
0x113: {  	p0 =	sne.s32 s25, $0x1FF00;
	v1 =	vld [tilespmem:s22+$0xB430];
	v2 =	vmov v0  }
0x114: {  	v3 =	vld [tilespmem:s22+$0xB400]  }
0x115: {  	v4 =	vld [tilespmem:s22+$0xB410]  }
.Ltmp25:
0x116: {  	v0 =	vld [tilespmem:s22+$0xB420];
	(pc) =	sbr.rel @p0 .LBB2_52-.Ltmp25, $4  }
0x117: {  	[tilespmem:s20+$0x13420] =	vst.add.f32.msk $0xffff, v2;
	s20 =	smov.u32 s22  }
0x118: {  	[tilespmem:s20+$0x13430] =	vst.add.f32.msk $0xffff, v1  }
0x119: {  	[tilespmem:s20+$0x13400] =	vst.add.f32.msk $0xffff, v3  }
0x11a: {  	s22 =	sshra.s32 s25, $0x2;
	s25 =	sadd.s32 $0x100, s25;
	[tilespmem:s20+$0x13410] =	vst.add.f32.msk $0xffff, v4  }
0x11b: {  	v1 =	vld [tilespmem:s22+$0xB430]  }
0x11c: {  	v2 =	vld [tilespmem:s22+$0xB400]  }
0x11d: {  	v3 =	vld [tilespmem:s22+$0xB410]  }
0x11e: {  	v4 =	vld [tilespmem:s22+$0xB420]  }
0x11f: {  	[tilespmem:s20+$0x13420] =	vst.add.f32.msk $0xffff, v0  }
0x120: {  	[tilespmem:s22+$0x13430] =	vst.add.f32.msk $0xffff, v1  }
0x121: {  	[tilespmem:s22+$0x13400] =	vst.add.f32.msk $0xffff, v2  }
0x122: {  	[tilespmem:s22+$0x13410] =	vst.add.f32.msk $0xffff, v3  }
0x123: {  	[tilespmem:s22+$0x13420] =	vst.add.f32.msk $0xffff, v4;
	s22 =	simm.s32 $0x600  }
0x124: {  	[tilespmem:s17], [sflag:$0x2] =	stream.indirect.gather [hbm4b:s3+s10], $0x40, s22, s10, $0xb8;
	[tilespmem:$0x1B400] =	vst v63  }
0x125: {  	s25 =	simm.s32 $0x680  }
0x126: {  	[tilespmem:s19], [sflag:$0x2] =	stream.indirect.gather [hbm4b:s3+s10], $0x40, s25, s10, $0xb8;
	[tilespmem:$0x1B400] =	vst v63  }
0x127: {  	s22 =	simm.s32 $0x700  }
0x128: {  	[tilespmem:s21], [sflag:$0x2] =	stream.indirect.gather [hbm4b:s3+s10], $0x40, s22, s10, $0xb8;
	[tilespmem:$0x1B400] =	vst v63  }
0x129: {  	s25 =	simm.s32 $0x780  }
0x12a: {  	[tilespmem:s23], [sflag:$0x2] =	stream.indirect.gather [hbm4b:s3+s10], $0x40, s25, s10, $0xb8;
	[tilespmem:$0x1B400] =	vst v63  }
0x12b: {  	_ =	swait.ge [sflag:s16], $0x2000  }
0x12c: {  	[sflag:s16] =	ssyncset.done $0x0  }
0x12d: {  	[sflag:s16] =	ssyncadd.s32 $0xFFFFE000  }
0x12e: {  	_ =	swait.ge [sflag:s16], $0x2000  }
0x12f: {  	[sflag:s16] =	ssyncset.done $0x0  }
0x130: {  	[sflag:s16] =	ssyncadd.s32 $0xFFFFE000  }
0x131: {  	_ =	swait.ge [sflag:s16], $0x2000  }
0x132: {  	[sflag:s16] =	ssyncset.done $0x0  }
0x133: {  	[sflag:s16] =	ssyncadd.s32 $0xFFFFE000  }
0x134: {  	_ =	swait.ge [sflag:s16], $0x2000  }
0x135: {  	[sflag:s16] =	ssyncset.done $0x0  }
0x136: {  	s20 =	simm.s32 $0x0;
	[sflag:s16] =	ssyncadd.s32 $0xFFFFE000  }
0x137: {  	v1 =	vld [tilespmem:s20+$0x3430]  }
0x138: {  	v2 =	vld [tilespmem:s20+$0x3400]  }
0x139: {  	v3 =	vld [tilespmem:s20+$0x3410]  }
0x13a: {  	v0 =	vld [tilespmem:s20+$0x3420];
	_ =	sdelay $0x1  }
0x13b: {  	[tilespmem:s20+$0x13430] =	vst.add.f32.msk $0xffff, v1  }
0x13c: {  	[tilespmem:s20+$0x13400] =	vst.add.f32.msk $0xffff, v2  }
0x13d: {  	s22 =	simm.s32 $0x40;
	s25 =	simm.s32 $0x200;
	[tilespmem:s20+$0x13410] =	vst.add.f32.msk $0xffff, v3  }
.LBB2_54:
0x13e: {  	p0 =	sne.s32 s25, $0x1FF00;
	v1 =	vld [tilespmem:s22+$0x3430];
	v2 =	vmov v0  }
0x13f: {  	v3 =	vld [tilespmem:s22+$0x3400]  }
0x140: {  	v4 =	vld [tilespmem:s22+$0x3410]  }
.Ltmp26:
0x141: {  	v0 =	vld [tilespmem:s22+$0x3420];
	(pc) =	sbr.rel @p0 .LBB2_54-.Ltmp26, $4  }
0x142: {  	[tilespmem:s20+$0x13420] =	vst.add.f32.msk $0xffff, v2;
	s20 =	smov.u32 s22  }
0x143: {  	[tilespmem:s20+$0x13430] =	vst.add.f32.msk $0xffff, v1  }
0x144: {  	[tilespmem:s20+$0x13400] =	vst.add.f32.msk $0xffff, v3  }
0x145: {  	s22 =	sshra.s32 s25, $0x2;
	s25 =	sadd.s32 $0x100, s25;
	[tilespmem:s20+$0x13410] =	vst.add.f32.msk $0xffff, v4  }
0x146: {  	v1 =	vld [tilespmem:s22+$0x3430]  }
0x147: {  	v2 =	vld [tilespmem:s22+$0x3400]  }
0x148: {  	v3 =	vld [tilespmem:s22+$0x3410]  }
0x149: {  	v4 =	vld [tilespmem:s22+$0x3420]  }
0x14a: {  	[tilespmem:s20+$0x13420] =	vst.add.f32.msk $0xffff, v0  }
0x14b: {  	[tilespmem:s22+$0x13430] =	vst.add.f32.msk $0xffff, v1  }
0x14c: {  	[tilespmem:s22+$0x13400] =	vst.add.f32.msk $0xffff, v2  }
0x14d: {  	[tilespmem:s22+$0x13410] =	vst.add.f32.msk $0xffff, v3  }
0x14e: {  	[tilespmem:s22+$0x13420] =	vst.add.f32.msk $0xffff, v4;
	s22 =	simm.s32 $0x800  }
0x14f: {  	[tilespmem:s26], [sflag:$0x1] =	stream.indirect.gather [hbm4b:s3+s10], $0x40, s22, s10, $0xb8;
	[tilespmem:$0x1B400] =	vst v63  }
0x150: {  	s25 =	simm.s32 $0x880  }
0x151: {  	[tilespmem:s29], [sflag:$0x1] =	stream.indirect.gather [hbm4b:s3+s10], $0x40, s25, s10, $0xb8;
	[tilespmem:$0x1B400] =	vst v63  }
0x152: {  	s22 =	simm.s32 $0x900  }
0x153: {  	[tilespmem:s31], [sflag:$0x1] =	stream.indirect.gather [hbm4b:s3+s10], $0x40, s22, s10, $0xb8;
	[tilespmem:$0x1B400] =	vst v63  }
0x154: {  	s25 =	simm.s32 $0x980  }
0x155: {  	[tilespmem:s1], [sflag:$0x1] =	stream.indirect.gather [hbm4b:s3+s10], $0x40, s25, s10, $0xb8;
	[tilespmem:$0x1B400] =	vst v63  }
0x156: {  	_ =	swait.ge [sflag:s8], $0x2000  }
0x157: {  	[sflag:s8] =	ssyncset.done $0x0  }
0x158: {  	[sflag:s8] =	ssyncadd.s32 $0xFFFFE000  }
0x159: {  	_ =	swait.ge [sflag:s8], $0x2000  }
0x15a: {  	[sflag:s8] =	ssyncset.done $0x0  }
0x15b: {  	[sflag:s8] =	ssyncadd.s32 $0xFFFFE000  }
0x15c: {  	_ =	swait.ge [sflag:s8], $0x2000  }
0x15d: {  	[sflag:s8] =	ssyncset.done $0x0  }
0x15e: {  	[sflag:s8] =	ssyncadd.s32 $0xFFFFE000  }
0x15f: {  	_ =	swait.ge [sflag:s8], $0x2000  }
0x160: {  	[sflag:s8] =	ssyncset.done $0x0  }
0x161: {  	s20 =	simm.s32 $0x0;
	[sflag:s8] =	ssyncadd.s32 $0xFFFFE000  }
0x162: {  	v1 =	vld [tilespmem:s20+$0xB430]  }
0x163: {  	v2 =	vld [tilespmem:s20+$0xB400]  }
0x164: {  	v3 =	vld [tilespmem:s20+$0xB410]  }
0x165: {  	v0 =	vld [tilespmem:s20+$0xB420];
	_ =	sdelay $0x1  }
0x166: {  	[tilespmem:s20+$0x13430] =	vst.add.f32.msk $0xffff, v1  }
0x167: {  	[tilespmem:s20+$0x13400] =	vst.add.f32.msk $0xffff, v2  }
0x168: {  	s22 =	simm.s32 $0x40;
	s25 =	simm.s32 $0x200;
	[tilespmem:s20+$0x13410] =	vst.add.f32.msk $0xffff, v3  }
.LBB2_56:
0x169: {  	p0 =	sne.s32 s25, $0x1FF00;
	v1 =	vld [tilespmem:s22+$0xB430];
	v2 =	vmov v0  }
0x16a: {  	v3 =	vld [tilespmem:s22+$0xB400]  }
0x16b: {  	v4 =	vld [tilespmem:s22+$0xB410]  }
.Ltmp27:
0x16c: {  	v0 =	vld [tilespmem:s22+$0xB420];
	(pc) =	sbr.rel @p0 .LBB2_56-.Ltmp27, $4  }
0x16d: {  	[tilespmem:s20+$0x13420] =	vst.add.f32.msk $0xffff, v2;
	s20 =	smov.u32 s22  }
0x16e: {  	[tilespmem:s20+$0x13430] =	vst.add.f32.msk $0xffff, v1  }
0x16f: {  	[tilespmem:s20+$0x13400] =	vst.add.f32.msk $0xffff, v3  }
0x170: {  	s22 =	sshra.s32 s25, $0x2;
	s25 =	sadd.s32 $0x100, s25;
	[tilespmem:s20+$0x13410] =	vst.add.f32.msk $0xffff, v4  }
0x171: {  	v1 =	vld [tilespmem:s22+$0xB430]  }
0x172: {  	v2 =	vld [tilespmem:s22+$0xB400]  }
0x173: {  	v3 =	vld [tilespmem:s22+$0xB410]  }
0x174: {  	v4 =	vld [tilespmem:s22+$0xB420]  }
0x175: {  	[tilespmem:s20+$0x13420] =	vst.add.f32.msk $0xffff, v0  }
0x176: {  	[tilespmem:s22+$0x13430] =	vst.add.f32.msk $0xffff, v1  }
0x177: {  	[tilespmem:s22+$0x13400] =	vst.add.f32.msk $0xffff, v2  }
0x178: {  	[tilespmem:s22+$0x13410] =	vst.add.f32.msk $0xffff, v3  }
0x179: {  	[tilespmem:s22+$0x13420] =	vst.add.f32.msk $0xffff, v4;
	s22 =	simm.s32 $0xA00  }
0x17a: {  	[tilespmem:s17], [sflag:$0x2] =	stream.indirect.gather [hbm4b:s3+s10], $0x40, s22, s10, $0xb8;
	[tilespmem:$0x1B400] =	vst v63  }
0x17b: {  	s25 =	simm.s32 $0xA80  }
0x17c: {  	[tilespmem:s19], [sflag:$0x2] =	stream.indirect.gather [hbm4b:s3+s10], $0x40, s25, s10, $0xb8;
	[tilespmem:$0x1B400] =	vst v63  }
0x17d: {  	s22 =	simm.s32 $0xB00  }
0x17e: {  	[tilespmem:s21], [sflag:$0x2] =	stream.indirect.gather [hbm4b:s3+s10], $0x40, s22, s10, $0xb8;
	[tilespmem:$0x1B400] =	vst v63  }
0x17f: {  	s25 =	simm.s32 $0xB80  }
0x180: {  	[tilespmem:s23], [sflag:$0x2] =	stream.indirect.gather [hbm4b:s3+s10], $0x40, s25, s10, $0xb8;
	[tilespmem:$0x1B400] =	vst v63  }
0x181: {  	_ =	swait.ge [sflag:s16], $0x2000  }
0x182: {  	[sflag:s16] =	ssyncset.done $0x0  }
0x183: {  	[sflag:s16] =	ssyncadd.s32 $0xFFFFE000  }
0x184: {  	_ =	swait.ge [sflag:s16], $0x2000  }
0x185: {  	[sflag:s16] =	ssyncset.done $0x0  }
0x186: {  	[sflag:s16] =	ssyncadd.s32 $0xFFFFE000  }
0x187: {  	_ =	swait.ge [sflag:s16], $0x2000  }
0x188: {  	[sflag:s16] =	ssyncset.done $0x0  }
0x189: {  	[sflag:s16] =	ssyncadd.s32 $0xFFFFE000  }
0x18a: {  	_ =	swait.ge [sflag:s16], $0x2000  }
0x18b: {  	[sflag:s16] =	ssyncset.done $0x0  }
0x18c: {  	s20 =	simm.s32 $0x0;
	[sflag:s16] =	ssyncadd.s32 $0xFFFFE000  }
0x18d: {  	v1 =	vld [tilespmem:s20+$0x3430]  }
0x18e: {  	v2 =	vld [tilespmem:s20+$0x3400]  }
0x18f: {  	v3 =	vld [tilespmem:s20+$0x3410]  }
0x190: {  	v0 =	vld [tilespmem:s20+$0x3420];
	_ =	sdelay $0x1  }
0x191: {  	[tilespmem:s20+$0x13430] =	vst.add.f32.msk $0xffff, v1  }
0x192: {  	[tilespmem:s20+$0x13400] =	vst.add.f32.msk $0xffff, v2  }
0x193: {  	s22 =	simm.s32 $0x40;
	s25 =	simm.s32 $0x200;
	[tilespmem:s20+$0x13410] =	vst.add.f32.msk $0xffff, v3  }
.LBB2_58:
0x194: {  	p0 =	sne.s32 s25, $0x1FF00;
	v1 =	vld [tilespmem:s22+$0x3430];
	v2 =	vmov v0  }
0x195: {  	v3 =	vld [tilespmem:s22+$0x3400]  }
0x196: {  	v4 =	vld [tilespmem:s22+$0x3410]  }
.Ltmp28:
0x197: {  	v0 =	vld [tilespmem:s22+$0x3420];
	(pc) =	sbr.rel @p0 .LBB2_58-.Ltmp28, $4  }
0x198: {  	[tilespmem:s20+$0x13420] =	vst.add.f32.msk $0xffff, v2;
	s20 =	smov.u32 s22  }
0x199: {  	[tilespmem:s20+$0x13430] =	vst.add.f32.msk $0xffff, v1  }
0x19a: {  	[tilespmem:s20+$0x13400] =	vst.add.f32.msk $0xffff, v3  }
0x19b: {  	s22 =	sshra.s32 s25, $0x2;
	s25 =	sadd.s32 $0x100, s25;
	[tilespmem:s20+$0x13410] =	vst.add.f32.msk $0xffff, v4  }
0x19c: {  	v1 =	vld [tilespmem:s22+$0x3430]  }
0x19d: {  	v2 =	vld [tilespmem:s22+$0x3400]  }
0x19e: {  	v3 =	vld [tilespmem:s22+$0x3410]  }
0x19f: {  	v4 =	vld [tilespmem:s22+$0x3420]  }
0x1a0: {  	[tilespmem:s20+$0x13420] =	vst.add.f32.msk $0xffff, v0  }
0x1a1: {  	[tilespmem:s22+$0x13430] =	vst.add.f32.msk $0xffff, v1  }
0x1a2: {  	[tilespmem:s22+$0x13400] =	vst.add.f32.msk $0xffff, v2  }
0x1a3: {  	[tilespmem:s22+$0x13410] =	vst.add.f32.msk $0xffff, v3  }
0x1a4: {  	[tilespmem:s22+$0x13420] =	vst.add.f32.msk $0xffff, v4;
	s22 =	simm.s32 $0xC00  }
0x1a5: {  	[tilespmem:s26], [sflag:$0x1] =	stream.indirect.gather [hbm4b:s3+s10], $0x40, s22, s10, $0xb8;
	[tilespmem:$0x1B400] =	vst v63  }
0x1a6: {  	s25 =	simm.s32 $0xC80  }
0x1a7: {  	[tilespmem:s29], [sflag:$0x1] =	stream.indirect.gather [hbm4b:s3+s10], $0x40, s25, s10, $0xb8;
	[tilespmem:$0x1B400] =	vst v63  }
0x1a8: {  	s22 =	simm.s32 $0xD00  }
0x1a9: {  	[tilespmem:s31], [sflag:$0x1] =	stream.indirect.gather [hbm4b:s3+s10], $0x40, s22, s10, $0xb8;
	[tilespmem:$0x1B400] =	vst v63  }
0x1aa: {  	s25 =	simm.s32 $0xD80  }
0x1ab: {  	[tilespmem:s1], [sflag:$0x1] =	stream.indirect.gather [hbm4b:s3+s10], $0x40, s25, s10, $0xb8;
	[tilespmem:$0x1B400] =	vst v63  }
0x1ac: {  	_ =	swait.ge [sflag:s8], $0x2000  }
0x1ad: {  	[sflag:s8] =	ssyncset.done $0x0  }
0x1ae: {  	[sflag:s8] =	ssyncadd.s32 $0xFFFFE000  }
0x1af: {  	_ =	swait.ge [sflag:s8], $0x2000  }
0x1b0: {  	[sflag:s8] =	ssyncset.done $0x0  }
0x1b1: {  	[sflag:s8] =	ssyncadd.s32 $0xFFFFE000  }
0x1b2: {  	_ =	swait.ge [sflag:s8], $0x2000  }
0x1b3: {  	[sflag:s8] =	ssyncset.done $0x0  }
0x1b4: {  	[sflag:s8] =	ssyncadd.s32 $0xFFFFE000  }
0x1b5: {  	_ =	swait.ge [sflag:s8], $0x2000  }
0x1b6: {  	[sflag:s8] =	ssyncset.done $0x0  }
0x1b7: {  	s20 =	simm.s32 $0x0;
	[sflag:s8] =	ssyncadd.s32 $0xFFFFE000  }
0x1b8: {  	v1 =	vld [tilespmem:s20+$0xB430]  }
0x1b9: {  	v2 =	vld [tilespmem:s20+$0xB400]  }
0x1ba: {  	v3 =	vld [tilespmem:s20+$0xB410]  }
0x1bb: {  	v0 =	vld [tilespmem:s20+$0xB420];
	_ =	sdelay $0x1  }
0x1bc: {  	[tilespmem:s20+$0x13430] =	vst.add.f32.msk $0xffff, v1  }
0x1bd: {  	[tilespmem:s20+$0x13400] =	vst.add.f32.msk $0xffff, v2  }
0x1be: {  	s22 =	simm.s32 $0x40;
	s25 =	simm.s32 $0x200;
	[tilespmem:s20+$0x13410] =	vst.add.f32.msk $0xffff, v3  }
.LBB2_60:
0x1bf: {  	p0 =	sne.s32 s25, $0x1FF00;
	v1 =	vld [tilespmem:s22+$0xB430];
	v2 =	vmov v0  }
0x1c0: {  	v3 =	vld [tilespmem:s22+$0xB400]  }
0x1c1: {  	v4 =	vld [tilespmem:s22+$0xB410]  }
.Ltmp29:
0x1c2: {  	v0 =	vld [tilespmem:s22+$0xB420];
	(pc) =	sbr.rel @p0 .LBB2_60-.Ltmp29, $4  }
0x1c3: {  	[tilespmem:s20+$0x13420] =	vst.add.f32.msk $0xffff, v2;
	s20 =	smov.u32 s22  }
0x1c4: {  	[tilespmem:s20+$0x13430] =	vst.add.f32.msk $0xffff, v1  }
0x1c5: {  	[tilespmem:s20+$0x13400] =	vst.add.f32.msk $0xffff, v3  }
0x1c6: {  	s22 =	sshra.s32 s25, $0x2;
	s25 =	sadd.s32 $0x100, s25;
	[tilespmem:s20+$0x13410] =	vst.add.f32.msk $0xffff, v4  }
0x1c7: {  	v1 =	vld [tilespmem:s22+$0xB430]  }
0x1c8: {  	v2 =	vld [tilespmem:s22+$0xB400]  }
0x1c9: {  	v3 =	vld [tilespmem:s22+$0xB410]  }
0x1ca: {  	v4 =	vld [tilespmem:s22+$0xB420]  }
0x1cb: {  	[tilespmem:s20+$0x13420] =	vst.add.f32.msk $0xffff, v0  }
0x1cc: {  	[tilespmem:s22+$0x13430] =	vst.add.f32.msk $0xffff, v1  }
0x1cd: {  	[tilespmem:s22+$0x13400] =	vst.add.f32.msk $0xffff, v2  }
0x1ce: {  	[tilespmem:s22+$0x13410] =	vst.add.f32.msk $0xffff, v3  }
0x1cf: {  	[tilespmem:s22+$0x13420] =	vst.add.f32.msk $0xffff, v4;
	s22 =	simm.s32 $0xE00  }
0x1d0: {  	[tilespmem:s17], [sflag:$0x2] =	stream.indirect.gather [hbm4b:s3+s10], $0x40, s22, s10, $0xb8;
	[tilespmem:$0x1B400] =	vst v63  }
0x1d1: {  	s25 =	simm.s32 $0xE80  }
0x1d2: {  	[tilespmem:s19], [sflag:$0x2] =	stream.indirect.gather [hbm4b:s3+s10], $0x40, s25, s10, $0xb8;
	[tilespmem:$0x1B400] =	vst v63  }
0x1d3: {  	s22 =	simm.s32 $0xF00  }
0x1d4: {  	[tilespmem:s21], [sflag:$0x2] =	stream.indirect.gather [hbm4b:s3+s10], $0x40, s22, s10, $0xb8;
	[tilespmem:$0x1B400] =	vst v63  }
0x1d5: {  	s25 =	simm.s32 $0xF80  }
0x1d6: {  	[tilespmem:s23], [sflag:$0x2] =	stream.indirect.gather [hbm4b:s3+s10], $0x40, s25, s10, $0xb8;
	[tilespmem:$0x1B400] =	vst v63  }
0x1d7: {  	_ =	swait.ge [sflag:s16], $0x2000  }
0x1d8: {  	[sflag:s16] =	ssyncset.done $0x0  }
0x1d9: {  	[sflag:s16] =	ssyncadd.s32 $0xFFFFE000  }
0x1da: {  	_ =	swait.ge [sflag:s16], $0x2000  }
0x1db: {  	[sflag:s16] =	ssyncset.done $0x0  }
0x1dc: {  	[sflag:s16] =	ssyncadd.s32 $0xFFFFE000  }
0x1dd: {  	_ =	swait.ge [sflag:s16], $0x2000  }
0x1de: {  	[sflag:s16] =	ssyncset.done $0x0  }
0x1df: {  	[sflag:s16] =	ssyncadd.s32 $0xFFFFE000  }
0x1e0: {  	_ =	swait.ge [sflag:s16], $0x2000  }
0x1e1: {  	[sflag:s16] =	ssyncset.done $0x0  }
0x1e2: {  	s20 =	simm.s32 $0x0;
	[sflag:s16] =	ssyncadd.s32 $0xFFFFE000  }
0x1e3: {  	v1 =	vld [tilespmem:s20+$0x3430]  }
0x1e4: {  	v2 =	vld [tilespmem:s20+$0x3400]  }
0x1e5: {  	v3 =	vld [tilespmem:s20+$0x3410]  }
0x1e6: {  	v0 =	vld [tilespmem:s20+$0x3420];
	_ =	sdelay $0x1  }
0x1e7: {  	[tilespmem:s20+$0x13430] =	vst.add.f32.msk $0xffff, v1  }
0x1e8: {  	[tilespmem:s20+$0x13400] =	vst.add.f32.msk $0xffff, v2  }
0x1e9: {  	s22 =	simm.s32 $0x40;
	s25 =	simm.s32 $0x200;
	[tilespmem:s20+$0x13410] =	vst.add.f32.msk $0xffff, v3  }
.LBB2_62:
0x1ea: {  	p0 =	sne.s32 s25, $0x1FF00;
	v1 =	vld [tilespmem:s22+$0x3430];
	v2 =	vmov v0  }
0x1eb: {  	v3 =	vld [tilespmem:s22+$0x3400]  }
0x1ec: {  	v4 =	vld [tilespmem:s22+$0x3410]  }
.Ltmp30:
0x1ed: {  	v0 =	vld [tilespmem:s22+$0x3420];
	(pc) =	sbr.rel @p0 .LBB2_62-.Ltmp30, $4  }
0x1ee: {  	[tilespmem:s20+$0x13420] =	vst.add.f32.msk $0xffff, v2;
	s20 =	smov.u32 s22  }
0x1ef: {  	[tilespmem:s20+$0x13430] =	vst.add.f32.msk $0xffff, v1  }
0x1f0: {  	[tilespmem:s20+$0x13400] =	vst.add.f32.msk $0xffff, v3  }
0x1f1: {  	s22 =	sshra.s32 s25, $0x2;
	s25 =	sadd.s32 $0x100, s25;
	[tilespmem:s20+$0x13410] =	vst.add.f32.msk $0xffff, v4  }
0x1f2: {  	v1 =	vld [tilespmem:s22+$0x3430]  }
0x1f3: {  	v2 =	vld [tilespmem:s22+$0x3400]  }
0x1f4: {  	v3 =	vld [tilespmem:s22+$0x3410]  }
0x1f5: {  	v4 =	vld [tilespmem:s22+$0x3420]  }
0x1f6: {  	[tilespmem:s20+$0x13420] =	vst.add.f32.msk $0xffff, v0  }
0x1f7: {  	[tilespmem:s22+$0x13430] =	vst.add.f32.msk $0xffff, v1  }
0x1f8: {  	[tilespmem:s22+$0x13400] =	vst.add.f32.msk $0xffff, v2  }
0x1f9: {  	[tilespmem:s22+$0x13410] =	vst.add.f32.msk $0xffff, v3  }
0x1fa: {  	[tilespmem:s22+$0x13420] =	vst.add.f32.msk $0xffff, v4;
	s22 =	simm.s32 $0x1000  }
0x1fb: {  	[tilespmem:s26], [sflag:$0x1] =	stream.indirect.gather [hbm4b:s3+s10], $0x40, s22, s10, $0xb8;
	[tilespmem:$0x1B400] =	vst v63  }
0x1fc: {  	s25 =	simm.s32 $0x1080  }
0x1fd: {  	[tilespmem:s29], [sflag:$0x1] =	stream.indirect.gather [hbm4b:s3+s10], $0x40, s25, s10, $0xb8;
	[tilespmem:$0x1B400] =	vst v63  }
0x1fe: {  	s22 =	simm.s32 $0x1100  }
0x1ff: {  	[tilespmem:s31], [sflag:$0x1] =	stream.indirect.gather [hbm4b:s3+s10], $0x40, s22, s10, $0xb8;
	[tilespmem:$0x1B400] =	vst v63  }
0x200: {  	s25 =	simm.s32 $0x1180  }
0x201: {  	[tilespmem:s1], [sflag:$0x1] =	stream.indirect.gather [hbm4b:s3+s10], $0x40, s25, s10, $0xb8;
	[tilespmem:$0x1B400] =	vst v63  }
0x202: {  	_ =	swait.ge [sflag:s8], $0x2000  }
0x203: {  	[sflag:s8] =	ssyncset.done $0x0  }
0x204: {  	[sflag:s8] =	ssyncadd.s32 $0xFFFFE000  }
0x205: {  	_ =	swait.ge [sflag:s8], $0x2000  }
0x206: {  	[sflag:s8] =	ssyncset.done $0x0  }
0x207: {  	[sflag:s8] =	ssyncadd.s32 $0xFFFFE000  }
0x208: {  	_ =	swait.ge [sflag:s8], $0x2000  }
0x209: {  	[sflag:s8] =	ssyncset.done $0x0  }
0x20a: {  	[sflag:s8] =	ssyncadd.s32 $0xFFFFE000  }
0x20b: {  	_ =	swait.ge [sflag:s8], $0x2000  }
0x20c: {  	[sflag:s8] =	ssyncset.done $0x0  }
0x20d: {  	s20 =	simm.s32 $0x0;
	[sflag:s8] =	ssyncadd.s32 $0xFFFFE000  }
0x20e: {  	v1 =	vld [tilespmem:s20+$0xB430]  }
0x20f: {  	v2 =	vld [tilespmem:s20+$0xB400]  }
0x210: {  	v3 =	vld [tilespmem:s20+$0xB410]  }
0x211: {  	v0 =	vld [tilespmem:s20+$0xB420];
	_ =	sdelay $0x1  }
0x212: {  	[tilespmem:s20+$0x13430] =	vst.add.f32.msk $0xffff, v1  }
0x213: {  	[tilespmem:s20+$0x13400] =	vst.add.f32.msk $0xffff, v2  }
0x214: {  	s22 =	simm.s32 $0x40;
	s25 =	simm.s32 $0x200;
	[tilespmem:s20+$0x13410] =	vst.add.f32.msk $0xffff, v3  }
.LBB2_64:
0x215: {  	p0 =	sne.s32 s25, $0x1FF00;
	v1 =	vld [tilespmem:s22+$0xB430];
	v2 =	vmov v0  }
0x216: {  	v3 =	vld [tilespmem:s22+$0xB400]  }
0x217: {  	v4 =	vld [tilespmem:s22+$0xB410]  }
.Ltmp31:
0x218: {  	v0 =	vld [tilespmem:s22+$0xB420];
	(pc) =	sbr.rel @p0 .LBB2_64-.Ltmp31, $4  }
0x219: {  	[tilespmem:s20+$0x13420] =	vst.add.f32.msk $0xffff, v2;
	s20 =	smov.u32 s22  }
0x21a: {  	[tilespmem:s20+$0x13430] =	vst.add.f32.msk $0xffff, v1  }
0x21b: {  	[tilespmem:s20+$0x13400] =	vst.add.f32.msk $0xffff, v3  }
0x21c: {  	s22 =	sshra.s32 s25, $0x2;
	s25 =	sadd.s32 $0x100, s25;
	[tilespmem:s20+$0x13410] =	vst.add.f32.msk $0xffff, v4  }
0x21d: {  	v1 =	vld [tilespmem:s22+$0xB430]  }
0x21e: {  	v2 =	vld [tilespmem:s22+$0xB400]  }
0x21f: {  	v3 =	vld [tilespmem:s22+$0xB410]  }
0x220: {  	v4 =	vld [tilespmem:s22+$0xB420]  }
0x221: {  	[tilespmem:s20+$0x13420] =	vst.add.f32.msk $0xffff, v0  }
0x222: {  	[tilespmem:s22+$0x13430] =	vst.add.f32.msk $0xffff, v1  }
0x223: {  	[tilespmem:s22+$0x13400] =	vst.add.f32.msk $0xffff, v2  }
0x224: {  	[tilespmem:s22+$0x13410] =	vst.add.f32.msk $0xffff, v3  }
0x225: {  	[tilespmem:s22+$0x13420] =	vst.add.f32.msk $0xffff, v4;
	s22 =	simm.s32 $0x1200  }
0x226: {  	[tilespmem:s17], [sflag:$0x2] =	stream.indirect.gather [hbm4b:s3+s10], $0x40, s22, s10, $0xb8;
	[tilespmem:$0x1B400] =	vst v63  }
0x227: {  	s25 =	simm.s32 $0x1280  }
0x228: {  	[tilespmem:s19], [sflag:$0x2] =	stream.indirect.gather [hbm4b:s3+s10], $0x40, s25, s10, $0xb8;
	[tilespmem:$0x1B400] =	vst v63  }
0x229: {  	s22 =	simm.s32 $0x1300  }
0x22a: {  	[tilespmem:s21], [sflag:$0x2] =	stream.indirect.gather [hbm4b:s3+s10], $0x40, s22, s10, $0xb8;
	[tilespmem:$0x1B400] =	vst v63  }
0x22b: {  	s25 =	simm.s32 $0x1380  }
0x22c: {  	[tilespmem:s23], [sflag:$0x2] =	stream.indirect.gather [hbm4b:s3+s10], $0x40, s25, s10, $0xb8;
	[tilespmem:$0x1B400] =	vst v63  }
0x22d: {  	_ =	swait.ge [sflag:s16], $0x2000  }
0x22e: {  	[sflag:s16] =	ssyncset.done $0x0  }
0x22f: {  	[sflag:s16] =	ssyncadd.s32 $0xFFFFE000  }
0x230: {  	_ =	swait.ge [sflag:s16], $0x2000  }
0x231: {  	[sflag:s16] =	ssyncset.done $0x0  }
0x232: {  	[sflag:s16] =	ssyncadd.s32 $0xFFFFE000  }
0x233: {  	_ =	swait.ge [sflag:s16], $0x2000  }
0x234: {  	[sflag:s16] =	ssyncset.done $0x0  }
0x235: {  	[sflag:s16] =	ssyncadd.s32 $0xFFFFE000  }
0x236: {  	_ =	swait.ge [sflag:s16], $0x2000  }
0x237: {  	[sflag:s16] =	ssyncset.done $0x0  }
0x238: {  	s20 =	simm.s32 $0x0;
	[sflag:s16] =	ssyncadd.s32 $0xFFFFE000  }
0x239: {  	v1 =	vld [tilespmem:s20+$0x3430]  }
0x23a: {  	v2 =	vld [tilespmem:s20+$0x3400]  }
0x23b: {  	v3 =	vld [tilespmem:s20+$0x3410]  }
0x23c: {  	v0 =	vld [tilespmem:s20+$0x3420];
	_ =	sdelay $0x1  }
0x23d: {  	[tilespmem:s20+$0x13430] =	vst.add.f32.msk $0xffff, v1  }
0x23e: {  	[tilespmem:s20+$0x13400] =	vst.add.f32.msk $0xffff, v2  }
0x23f: {  	s22 =	simm.s32 $0x40;
	s25 =	simm.s32 $0x200;
	[tilespmem:s20+$0x13410] =	vst.add.f32.msk $0xffff, v3  }
.LBB2_66:
0x240: {  	p0 =	sne.s32 s25, $0x1FF00;
	v1 =	vld [tilespmem:s22+$0x3430];
	v2 =	vmov v0  }
0x241: {  	v3 =	vld [tilespmem:s22+$0x3400]  }
0x242: {  	v4 =	vld [tilespmem:s22+$0x3410]  }
.Ltmp32:
0x243: {  	v0 =	vld [tilespmem:s22+$0x3420];
	(pc) =	sbr.rel @p0 .LBB2_66-.Ltmp32, $4  }
0x244: {  	[tilespmem:s20+$0x13420] =	vst.add.f32.msk $0xffff, v2;
	s20 =	smov.u32 s22  }
0x245: {  	[tilespmem:s20+$0x13430] =	vst.add.f32.msk $0xffff, v1  }
0x246: {  	[tilespmem:s20+$0x13400] =	vst.add.f32.msk $0xffff, v3  }
0x247: {  	s22 =	sshra.s32 s25, $0x2;
	s25 =	sadd.s32 $0x100, s25;
	[tilespmem:s20+$0x13410] =	vst.add.f32.msk $0xffff, v4  }
0x248: {  	v1 =	vld [tilespmem:s22+$0x3430]  }
0x249: {  	v2 =	vld [tilespmem:s22+$0x3400]  }
0x24a: {  	v3 =	vld [tilespmem:s22+$0x3410]  }
0x24b: {  	v4 =	vld [tilespmem:s22+$0x3420]  }
0x24c: {  	[tilespmem:s20+$0x13420] =	vst.add.f32.msk $0xffff, v0  }
0x24d: {  	[tilespmem:s22+$0x13430] =	vst.add.f32.msk $0xffff, v1  }
0x24e: {  	[tilespmem:s22+$0x13400] =	vst.add.f32.msk $0xffff, v2  }
0x24f: {  	[tilespmem:s22+$0x13410] =	vst.add.f32.msk $0xffff, v3  }
0x250: {  	[tilespmem:s22+$0x13420] =	vst.add.f32.msk $0xffff, v4;
	s22 =	simm.s32 $0x1400  }
0x251: {  	[tilespmem:s26], [sflag:$0x1] =	stream.indirect.gather [hbm4b:s3+s10], $0x40, s22, s10, $0xb8;
	[tilespmem:$0x1B400] =	vst v63  }
0x252: {  	s25 =	simm.s32 $0x1480  }
0x253: {  	[tilespmem:s29], [sflag:$0x1] =	stream.indirect.gather [hbm4b:s3+s10], $0x40, s25, s10, $0xb8;
	[tilespmem:$0x1B400] =	vst v63  }
0x254: {  	s22 =	simm.s32 $0x1500  }
0x255: {  	[tilespmem:s31], [sflag:$0x1] =	stream.indirect.gather [hbm4b:s3+s10], $0x40, s22, s10, $0xb8;
	[tilespmem:$0x1B400] =	vst v63  }
0x256: {  	s25 =	simm.s32 $0x1580  }
0x257: {  	[tilespmem:s1], [sflag:$0x1] =	stream.indirect.gather [hbm4b:s3+s10], $0x40, s25, s10, $0xb8;
	[tilespmem:$0x1B400] =	vst v63  }
0x258: {  	_ =	swait.ge [sflag:s8], $0x2000  }
0x259: {  	[sflag:s8] =	ssyncset.done $0x0  }
0x25a: {  	[sflag:s8] =	ssyncadd.s32 $0xFFFFE000  }
0x25b: {  	_ =	swait.ge [sflag:s8], $0x2000  }
0x25c: {  	[sflag:s8] =	ssyncset.done $0x0  }
0x25d: {  	[sflag:s8] =	ssyncadd.s32 $0xFFFFE000  }
0x25e: {  	_ =	swait.ge [sflag:s8], $0x2000  }
0x25f: {  	[sflag:s8] =	ssyncset.done $0x0  }
0x260: {  	[sflag:s8] =	ssyncadd.s32 $0xFFFFE000  }
0x261: {  	_ =	swait.ge [sflag:s8], $0x2000  }
0x262: {  	[sflag:s8] =	ssyncset.done $0x0  }
0x263: {  	s20 =	simm.s32 $0x0;
	[sflag:s8] =	ssyncadd.s32 $0xFFFFE000  }
0x264: {  	v1 =	vld [tilespmem:s20+$0xB430]  }
0x265: {  	v2 =	vld [tilespmem:s20+$0xB400]  }
0x266: {  	v3 =	vld [tilespmem:s20+$0xB410]  }
0x267: {  	v0 =	vld [tilespmem:s20+$0xB420];
	_ =	sdelay $0x1  }
0x268: {  	[tilespmem:s20+$0x13430] =	vst.add.f32.msk $0xffff, v1  }
0x269: {  	[tilespmem:s20+$0x13400] =	vst.add.f32.msk $0xffff, v2  }
0x26a: {  	s22 =	simm.s32 $0x40;
	s25 =	simm.s32 $0x200;
	[tilespmem:s20+$0x13410] =	vst.add.f32.msk $0xffff, v3  }
.LBB2_68:
0x26b: {  	p0 =	sne.s32 s25, $0x1FF00;
	v1 =	vld [tilespmem:s22+$0xB430];
	v2 =	vmov v0  }
0x26c: {  	v3 =	vld [tilespmem:s22+$0xB400]  }
0x26d: {  	v4 =	vld [tilespmem:s22+$0xB410]  }
.Ltmp33:
0x26e: {  	v0 =	vld [tilespmem:s22+$0xB420];
	(pc) =	sbr.rel @p0 .LBB2_68-.Ltmp33, $4  }
0x26f: {  	[tilespmem:s20+$0x13420] =	vst.add.f32.msk $0xffff, v2;
	s20 =	smov.u32 s22  }
0x270: {  	[tilespmem:s20+$0x13430] =	vst.add.f32.msk $0xffff, v1  }
0x271: {  	[tilespmem:s20+$0x13400] =	vst.add.f32.msk $0xffff, v3  }
0x272: {  	s22 =	sshra.s32 s25, $0x2;
	s25 =	sadd.s32 $0x100, s25;
	[tilespmem:s20+$0x13410] =	vst.add.f32.msk $0xffff, v4  }
0x273: {  	v1 =	vld [tilespmem:s22+$0xB430]  }
0x274: {  	v2 =	vld [tilespmem:s22+$0xB400]  }
0x275: {  	v3 =	vld [tilespmem:s22+$0xB410]  }
0x276: {  	v4 =	vld [tilespmem:s22+$0xB420]  }
0x277: {  	[tilespmem:s20+$0x13420] =	vst.add.f32.msk $0xffff, v0  }
0x278: {  	[tilespmem:s22+$0x13430] =	vst.add.f32.msk $0xffff, v1  }
0x279: {  	[tilespmem:s22+$0x13400] =	vst.add.f32.msk $0xffff, v2  }
0x27a: {  	[tilespmem:s22+$0x13410] =	vst.add.f32.msk $0xffff, v3  }
0x27b: {  	[tilespmem:s22+$0x13420] =	vst.add.f32.msk $0xffff, v4;
	s22 =	simm.s32 $0x1600  }
0x27c: {  	[tilespmem:s17], [sflag:$0x2] =	stream.indirect.gather [hbm4b:s3+s10], $0x40, s22, s10, $0xb8;
	[tilespmem:$0x1B400] =	vst v63  }
0x27d: {  	s25 =	simm.s32 $0x1680  }
0x27e: {  	[tilespmem:s19], [sflag:$0x2] =	stream.indirect.gather [hbm4b:s3+s10], $0x40, s25, s10, $0xb8;
	[tilespmem:$0x1B400] =	vst v63  }
0x27f: {  	s22 =	simm.s32 $0x1700  }
0x280: {  	[tilespmem:s21], [sflag:$0x2] =	stream.indirect.gather [hbm4b:s3+s10], $0x40, s22, s10, $0xb8;
	[tilespmem:$0x1B400] =	vst v63  }
0x281: {  	s25 =	simm.s32 $0x1780  }
0x282: {  	[tilespmem:s23], [sflag:$0x2] =	stream.indirect.gather [hbm4b:s3+s10], $0x40, s25, s10, $0xb8;
	[tilespmem:$0x1B400] =	vst v63  }
0x283: {  	_ =	swait.ge [sflag:s16], $0x2000  }
0x284: {  	[sflag:s16] =	ssyncset.done $0x0  }
0x285: {  	[sflag:s16] =	ssyncadd.s32 $0xFFFFE000  }
0x286: {  	_ =	swait.ge [sflag:s16], $0x2000  }
0x287: {  	[sflag:s16] =	ssyncset.done $0x0  }
0x288: {  	[sflag:s16] =	ssyncadd.s32 $0xFFFFE000  }
0x289: {  	_ =	swait.ge [sflag:s16], $0x2000  }
0x28a: {  	[sflag:s16] =	ssyncset.done $0x0  }
0x28b: {  	[sflag:s16] =	ssyncadd.s32 $0xFFFFE000  }
0x28c: {  	_ =	swait.ge [sflag:s16], $0x2000  }
0x28d: {  	[sflag:s16] =	ssyncset.done $0x0  }
0x28e: {  	s20 =	simm.s32 $0x0;
	[sflag:s16] =	ssyncadd.s32 $0xFFFFE000  }
0x28f: {  	v1 =	vld [tilespmem:s20+$0x3430]  }
0x290: {  	v2 =	vld [tilespmem:s20+$0x3400]  }
0x291: {  	v3 =	vld [tilespmem:s20+$0x3410]  }
0x292: {  	v0 =	vld [tilespmem:s20+$0x3420];
	_ =	sdelay $0x1  }
0x293: {  	[tilespmem:s20+$0x13430] =	vst.add.f32.msk $0xffff, v1  }
0x294: {  	[tilespmem:s20+$0x13400] =	vst.add.f32.msk $0xffff, v2  }
0x295: {  	s22 =	simm.s32 $0x40;
	s25 =	simm.s32 $0x200;
	[tilespmem:s20+$0x13410] =	vst.add.f32.msk $0xffff, v3  }
.LBB2_70:
0x296: {  	p0 =	sne.s32 s25, $0x1FF00;
	v1 =	vld [tilespmem:s22+$0x3430];
	v2 =	vmov v0  }
0x297: {  	v3 =	vld [tilespmem:s22+$0x3400]  }
0x298: {  	v4 =	vld [tilespmem:s22+$0x3410]  }
.Ltmp34:
0x299: {  	v0 =	vld [tilespmem:s22+$0x3420];
	(pc) =	sbr.rel @p0 .LBB2_70-.Ltmp34, $4  }
0x29a: {  	[tilespmem:s20+$0x13420] =	vst.add.f32.msk $0xffff, v2;
	s20 =	smov.u32 s22  }
0x29b: {  	[tilespmem:s20+$0x13430] =	vst.add.f32.msk $0xffff, v1  }
0x29c: {  	[tilespmem:s20+$0x13400] =	vst.add.f32.msk $0xffff, v3  }
0x29d: {  	s22 =	sshra.s32 s25, $0x2;
	s25 =	sadd.s32 $0x100, s25;
	[tilespmem:s20+$0x13410] =	vst.add.f32.msk $0xffff, v4  }
0x29e: {  	v1 =	vld [tilespmem:s22+$0x3430]  }
0x29f: {  	v2 =	vld [tilespmem:s22+$0x3400]  }
0x2a0: {  	v3 =	vld [tilespmem:s22+$0x3410]  }
0x2a1: {  	v4 =	vld [tilespmem:s22+$0x3420]  }
0x2a2: {  	[tilespmem:s20+$0x13420] =	vst.add.f32.msk $0xffff, v0  }
0x2a3: {  	[tilespmem:s22+$0x13430] =	vst.add.f32.msk $0xffff, v1  }
0x2a4: {  	[tilespmem:s22+$0x13400] =	vst.add.f32.msk $0xffff, v2  }
0x2a5: {  	[tilespmem:s22+$0x13410] =	vst.add.f32.msk $0xffff, v3  }
0x2a6: {  	[tilespmem:s22+$0x13420] =	vst.add.f32.msk $0xffff, v4;
	s22 =	simm.s32 $0x1800  }
0x2a7: {  	[tilespmem:s26], [sflag:$0x1] =	stream.indirect.gather [hbm4b:s3+s10], $0x40, s22, s10, $0xb8;
	[tilespmem:$0x1B400] =	vst v63  }
0x2a8: {  	s25 =	simm.s32 $0x1880  }
0x2a9: {  	[tilespmem:s29], [sflag:$0x1] =	stream.indirect.gather [hbm4b:s3+s10], $0x40, s25, s10, $0xb8;
	[tilespmem:$0x1B400] =	vst v63  }
0x2aa: {  	s22 =	simm.s32 $0x1900  }
0x2ab: {  	[tilespmem:s31], [sflag:$0x1] =	stream.indirect.gather [hbm4b:s3+s10], $0x40, s22, s10, $0xb8;
	[tilespmem:$0x1B400] =	vst v63  }
0x2ac: {  	s25 =	simm.s32 $0x1980  }
0x2ad: {  	[tilespmem:s1], [sflag:$0x1] =	stream.indirect.gather [hbm4b:s3+s10], $0x40, s25, s10, $0xb8;
	[tilespmem:$0x1B400] =	vst v63  }
0x2ae: {  	_ =	swait.ge [sflag:s8], $0x2000  }
0x2af: {  	[sflag:s8] =	ssyncset.done $0x0  }
0x2b0: {  	[sflag:s8] =	ssyncadd.s32 $0xFFFFE000  }
0x2b1: {  	_ =	swait.ge [sflag:s8], $0x2000  }
0x2b2: {  	[sflag:s8] =	ssyncset.done $0x0  }
0x2b3: {  	[sflag:s8] =	ssyncadd.s32 $0xFFFFE000  }
0x2b4: {  	_ =	swait.ge [sflag:s8], $0x2000  }
0x2b5: {  	[sflag:s8] =	ssyncset.done $0x0  }
0x2b6: {  	[sflag:s8] =	ssyncadd.s32 $0xFFFFE000  }
0x2b7: {  	_ =	swait.ge [sflag:s8], $0x2000  }
0x2b8: {  	[sflag:s8] =	ssyncset.done $0x0  }
0x2b9: {  	s20 =	simm.s32 $0x0;
	[sflag:s8] =	ssyncadd.s32 $0xFFFFE000  }
0x2ba: {  	v1 =	vld [tilespmem:s20+$0xB430]  }
0x2bb: {  	v2 =	vld [tilespmem:s20+$0xB400]  }
0x2bc: {  	v3 =	vld [tilespmem:s20+$0xB410]  }
0x2bd: {  	v0 =	vld [tilespmem:s20+$0xB420];
	_ =	sdelay $0x1  }
0x2be: {  	[tilespmem:s20+$0x13430] =	vst.add.f32.msk $0xffff, v1  }
0x2bf: {  	[tilespmem:s20+$0x13400] =	vst.add.f32.msk $0xffff, v2  }
0x2c0: {  	s22 =	simm.s32 $0x40;
	s25 =	simm.s32 $0x200;
	[tilespmem:s20+$0x13410] =	vst.add.f32.msk $0xffff, v3  }
.LBB2_72:
0x2c1: {  	p0 =	sne.s32 s25, $0x1FF00;
	v1 =	vld [tilespmem:s22+$0xB430];
	v2 =	vmov v0  }
0x2c2: {  	v3 =	vld [tilespmem:s22+$0xB400]  }
0x2c3: {  	v4 =	vld [tilespmem:s22+$0xB410]  }
.Ltmp35:
0x2c4: {  	v0 =	vld [tilespmem:s22+$0xB420];
	(pc) =	sbr.rel @p0 .LBB2_72-.Ltmp35, $4  }
0x2c5: {  	[tilespmem:s20+$0x13420] =	vst.add.f32.msk $0xffff, v2;
	s20 =	smov.u32 s22  }
0x2c6: {  	[tilespmem:s20+$0x13430] =	vst.add.f32.msk $0xffff, v1  }
0x2c7: {  	[tilespmem:s20+$0x13400] =	vst.add.f32.msk $0xffff, v3  }
0x2c8: {  	s22 =	sshra.s32 s25, $0x2;
	s25 =	sadd.s32 $0x100, s25;
	[tilespmem:s20+$0x13410] =	vst.add.f32.msk $0xffff, v4  }
0x2c9: {  	v1 =	vld [tilespmem:s22+$0xB430]  }
0x2ca: {  	v2 =	vld [tilespmem:s22+$0xB400]  }
0x2cb: {  	v3 =	vld [tilespmem:s22+$0xB410]  }
0x2cc: {  	v4 =	vld [tilespmem:s22+$0xB420]  }
0x2cd: {  	[tilespmem:s20+$0x13420] =	vst.add.f32.msk $0xffff, v0  }
0x2ce: {  	[tilespmem:s22+$0x13430] =	vst.add.f32.msk $0xffff, v1  }
0x2cf: {  	[tilespmem:s22+$0x13400] =	vst.add.f32.msk $0xffff, v2  }
0x2d0: {  	[tilespmem:s22+$0x13410] =	vst.add.f32.msk $0xffff, v3  }
0x2d1: {  	[tilespmem:s22+$0x13420] =	vst.add.f32.msk $0xffff, v4;
	s22 =	simm.s32 $0x1A00  }
0x2d2: {  	[tilespmem:s17], [sflag:$0x2] =	stream.indirect.gather [hbm4b:s3+s10], $0x40, s22, s10, $0xb8;
	[tilespmem:$0x1B400] =	vst v63  }
0x2d3: {  	s25 =	simm.s32 $0x1A80  }
0x2d4: {  	[tilespmem:s19], [sflag:$0x2] =	stream.indirect.gather [hbm4b:s3+s10], $0x40, s25, s10, $0xb8;
	[tilespmem:$0x1B400] =	vst v63  }
0x2d5: {  	s22 =	simm.s32 $0x1B00  }
0x2d6: {  	[tilespmem:s21], [sflag:$0x2] =	stream.indirect.gather [hbm4b:s3+s10], $0x40, s22, s10, $0xb8;
	[tilespmem:$0x1B400] =	vst v63  }
0x2d7: {  	s25 =	simm.s32 $0x1B80  }
0x2d8: {  	[tilespmem:s23], [sflag:$0x2] =	stream.indirect.gather [hbm4b:s3+s10], $0x40, s25, s10, $0xb8;
	[tilespmem:$0x1B400] =	vst v63  }
0x2d9: {  	_ =	swait.ge [sflag:s16], $0x2000  }
0x2da: {  	[sflag:s16] =	ssyncset.done $0x0  }
0x2db: {  	[sflag:s16] =	ssyncadd.s32 $0xFFFFE000  }
0x2dc: {  	_ =	swait.ge [sflag:s16], $0x2000  }
0x2dd: {  	[sflag:s16] =	ssyncset.done $0x0  }
0x2de: {  	[sflag:s16] =	ssyncadd.s32 $0xFFFFE000  }
0x2df: {  	_ =	swait.ge [sflag:s16], $0x2000  }
0x2e0: {  	[sflag:s16] =	ssyncset.done $0x0  }
0x2e1: {  	[sflag:s16] =	ssyncadd.s32 $0xFFFFE000  }
0x2e2: {  	_ =	swait.ge [sflag:s16], $0x2000  }
0x2e3: {  	[sflag:s16] =	ssyncset.done $0x0  }
0x2e4: {  	s20 =	simm.s32 $0x0;
	[sflag:s16] =	ssyncadd.s32 $0xFFFFE000  }
0x2e5: {  	v1 =	vld [tilespmem:s20+$0x3430]  }
0x2e6: {  	v2 =	vld [tilespmem:s20+$0x3400]  }
0x2e7: {  	v3 =	vld [tilespmem:s20+$0x3410]  }
0x2e8: {  	v0 =	vld [tilespmem:s20+$0x3420];
	_ =	sdelay $0x1  }
0x2e9: {  	[tilespmem:s20+$0x13430] =	vst.add.f32.msk $0xffff, v1  }
0x2ea: {  	[tilespmem:s20+$0x13400] =	vst.add.f32.msk $0xffff, v2  }
0x2eb: {  	s22 =	simm.s32 $0x40;
	s25 =	simm.s32 $0x200;
	[tilespmem:s20+$0x13410] =	vst.add.f32.msk $0xffff, v3  }
.LBB2_74:
0x2ec: {  	p0 =	sne.s32 s25, $0x1FF00;
	v1 =	vld [tilespmem:s22+$0x3430];
	v2 =	vmov v0  }
0x2ed: {  	v3 =	vld [tilespmem:s22+$0x3400]  }
0x2ee: {  	v4 =	vld [tilespmem:s22+$0x3410]  }
.Ltmp36:
0x2ef: {  	v0 =	vld [tilespmem:s22+$0x3420];
	(pc) =	sbr.rel @p0 .LBB2_74-.Ltmp36, $4  }
0x2f0: {  	[tilespmem:s20+$0x13420] =	vst.add.f32.msk $0xffff, v2;
	s20 =	smov.u32 s22  }
0x2f1: {  	[tilespmem:s20+$0x13430] =	vst.add.f32.msk $0xffff, v1  }
0x2f2: {  	[tilespmem:s20+$0x13400] =	vst.add.f32.msk $0xffff, v3  }
0x2f3: {  	s22 =	sshra.s32 s25, $0x2;
	s25 =	sadd.s32 $0x100, s25;
	[tilespmem:s20+$0x13410] =	vst.add.f32.msk $0xffff, v4  }
0x2f4: {  	v1 =	vld [tilespmem:s22+$0x3430]  }
0x2f5: {  	v2 =	vld [tilespmem:s22+$0x3400]  }
0x2f6: {  	v3 =	vld [tilespmem:s22+$0x3410]  }
0x2f7: {  	v4 =	vld [tilespmem:s22+$0x3420]  }
0x2f8: {  	[tilespmem:s20+$0x13420] =	vst.add.f32.msk $0xffff, v0  }
0x2f9: {  	[tilespmem:s22+$0x13430] =	vst.add.f32.msk $0xffff, v1  }
0x2fa: {  	[tilespmem:s22+$0x13400] =	vst.add.f32.msk $0xffff, v2  }
0x2fb: {  	[tilespmem:s22+$0x13410] =	vst.add.f32.msk $0xffff, v3  }
0x2fc: {  	[tilespmem:s22+$0x13420] =	vst.add.f32.msk $0xffff, v4;
	s22 =	simm.s32 $0x1C00  }
0x2fd: {  	[tilespmem:s26], [sflag:$0x1] =	stream.indirect.gather [hbm4b:s3+s10], $0x40, s22, s10, $0xb8;
	[tilespmem:$0x1B400] =	vst v63  }
0x2fe: {  	s25 =	simm.s32 $0x1C80  }
0x2ff: {  	[tilespmem:s29], [sflag:$0x1] =	stream.indirect.gather [hbm4b:s3+s10], $0x40, s25, s10, $0xb8;
	[tilespmem:$0x1B400] =	vst v63  }
0x300: {  	s22 =	simm.s32 $0x1D00  }
0x301: {  	[tilespmem:s31], [sflag:$0x1] =	stream.indirect.gather [hbm4b:s3+s10], $0x40, s22, s10, $0xb8;
	[tilespmem:$0x1B400] =	vst v63  }
0x302: {  	s25 =	simm.s32 $0x1D80  }
0x303: {  	[tilespmem:s1], [sflag:$0x1] =	stream.indirect.gather [hbm4b:s3+s10], $0x40, s25, s10, $0xb8;
	[tilespmem:$0x1B400] =	vst v63  }
0x304: {  	_ =	swait.ge [sflag:s8], $0x2000  }
0x305: {  	[sflag:s8] =	ssyncset.done $0x0  }
0x306: {  	[sflag:s8] =	ssyncadd.s32 $0xFFFFE000  }
0x307: {  	_ =	swait.ge [sflag:s8], $0x2000  }
0x308: {  	[sflag:s8] =	ssyncset.done $0x0  }
0x309: {  	[sflag:s8] =	ssyncadd.s32 $0xFFFFE000  }
0x30a: {  	_ =	swait.ge [sflag:s8], $0x2000  }
0x30b: {  	[sflag:s8] =	ssyncset.done $0x0  }
0x30c: {  	[sflag:s8] =	ssyncadd.s32 $0xFFFFE000  }
0x30d: {  	_ =	swait.ge [sflag:s8], $0x2000  }
0x30e: {  	[sflag:s8] =	ssyncset.done $0x0  }
0x30f: {  	s20 =	simm.s32 $0x0;
	[sflag:s8] =	ssyncadd.s32 $0xFFFFE000  }
0x310: {  	v1 =	vld [tilespmem:s20+$0xB430]  }
0x311: {  	v2 =	vld [tilespmem:s20+$0xB400]  }
0x312: {  	v3 =	vld [tilespmem:s20+$0xB410]  }
0x313: {  	v0 =	vld [tilespmem:s20+$0xB420];
	_ =	sdelay $0x1  }
0x314: {  	[tilespmem:s20+$0x13430] =	vst.add.f32.msk $0xffff, v1  }
0x315: {  	[tilespmem:s20+$0x13400] =	vst.add.f32.msk $0xffff, v2  }
0x316: {  	s22 =	simm.s32 $0x40;
	s25 =	simm.s32 $0x200;
	[tilespmem:s20+$0x13410] =	vst.add.f32.msk $0xffff, v3  }
.LBB2_76:
0x317: {  	p0 =	sne.s32 s25, $0x1FF00;
	v1 =	vld [tilespmem:s22+$0xB430];
	v2 =	vmov v0  }
0x318: {  	v3 =	vld [tilespmem:s22+$0xB400]  }
0x319: {  	v4 =	vld [tilespmem:s22+$0xB410]  }
.Ltmp37:
0x31a: {  	v0 =	vld [tilespmem:s22+$0xB420];
	(pc) =	sbr.rel @p0 .LBB2_76-.Ltmp37, $4  }
0x31b: {  	[tilespmem:s20+$0x13420] =	vst.add.f32.msk $0xffff, v2;
	s20 =	smov.u32 s22  }
0x31c: {  	[tilespmem:s20+$0x13430] =	vst.add.f32.msk $0xffff, v1  }
0x31d: {  	[tilespmem:s20+$0x13400] =	vst.add.f32.msk $0xffff, v3  }
0x31e: {  	s22 =	sshra.s32 s25, $0x2;
	s25 =	sadd.s32 $0x100, s25;
	[tilespmem:s20+$0x13410] =	vst.add.f32.msk $0xffff, v4  }
0x31f: {  	v1 =	vld [tilespmem:s22+$0xB430]  }
0x320: {  	v2 =	vld [tilespmem:s22+$0xB400]  }
0x321: {  	v3 =	vld [tilespmem:s22+$0xB410]  }
0x322: {  	v4 =	vld [tilespmem:s22+$0xB420]  }
0x323: {  	[tilespmem:s20+$0x13420] =	vst.add.f32.msk $0xffff, v0  }
0x324: {  	[tilespmem:s22+$0x13430] =	vst.add.f32.msk $0xffff, v1  }
0x325: {  	[tilespmem:s22+$0x13400] =	vst.add.f32.msk $0xffff, v2  }
0x326: {  	[tilespmem:s22+$0x13410] =	vst.add.f32.msk $0xffff, v3  }
0x327: {  	[tilespmem:s22+$0x13420] =	vst.add.f32.msk $0xffff, v4;
	s22 =	simm.s32 $0x1E00  }
0x328: {  	[tilespmem:s17], [sflag:$0x2] =	stream.indirect.gather [hbm4b:s3+s10], $0x40, s22, s10, $0xb8;
	[tilespmem:$0x1B400] =	vst v63  }
0x329: {  	s25 =	simm.s32 $0x1E80  }
0x32a: {  	[tilespmem:s19], [sflag:$0x2] =	stream.indirect.gather [hbm4b:s3+s10], $0x40, s25, s10, $0xb8;
	[tilespmem:$0x1B400] =	vst v63  }
0x32b: {  	s22 =	simm.s32 $0x1F00  }
0x32c: {  	[tilespmem:s21], [sflag:$0x2] =	stream.indirect.gather [hbm4b:s3+s10], $0x40, s22, s10, $0xb8;
	[tilespmem:$0x1B400] =	vst v63  }
0x32d: {  	s25 =	simm.s32 $0x1F80  }
0x32e: {  	[tilespmem:s23], [sflag:$0x2] =	stream.indirect.gather [hbm4b:s3+s10], $0x40, s25, s10, $0xb8;
	[tilespmem:$0x1B400] =	vst v63  }
0x32f: {  	_ =	swait.ge [sflag:s16], $0x2000  }
0x330: {  	[sflag:s16] =	ssyncset.done $0x0  }
0x331: {  	[sflag:s16] =	ssyncadd.s32 $0xFFFFE000  }
0x332: {  	_ =	swait.ge [sflag:s16], $0x2000  }
0x333: {  	[sflag:s16] =	ssyncset.done $0x0  }
0x334: {  	[sflag:s16] =	ssyncadd.s32 $0xFFFFE000  }
0x335: {  	_ =	swait.ge [sflag:s16], $0x2000  }
0x336: {  	[sflag:s16] =	ssyncset.done $0x0  }
0x337: {  	[sflag:s16] =	ssyncadd.s32 $0xFFFFE000  }
0x338: {  	_ =	swait.ge [sflag:s16], $0x2000  }
0x339: {  	[sflag:s16] =	ssyncset.done $0x0  }
0x33a: {  	s20 =	simm.s32 $0x0;
	[sflag:s16] =	ssyncadd.s32 $0xFFFFE000  }
0x33b: {  	v1 =	vld [tilespmem:s20+$0x3430]  }
0x33c: {  	v2 =	vld [tilespmem:s20+$0x3400]  }
0x33d: {  	v3 =	vld [tilespmem:s20+$0x3410]  }
0x33e: {  	v0 =	vld [tilespmem:s20+$0x3420];
	_ =	sdelay $0x1  }
0x33f: {  	[tilespmem:s20+$0x13430] =	vst.add.f32.msk $0xffff, v1  }
0x340: {  	[tilespmem:s20+$0x13400] =	vst.add.f32.msk $0xffff, v2  }
0x341: {  	s22 =	simm.s32 $0x40;
	s25 =	simm.s32 $0x200;
	[tilespmem:s20+$0x13410] =	vst.add.f32.msk $0xffff, v3  }
.LBB2_78:
0x342: {  	p0 =	sne.s32 s25, $0x1FF00;
	v1 =	vld [tilespmem:s22+$0x3430];
	v2 =	vmov v0  }
0x343: {  	v3 =	vld [tilespmem:s22+$0x3400]  }
0x344: {  	v4 =	vld [tilespmem:s22+$0x3410]  }
.Ltmp38:
0x345: {  	v0 =	vld [tilespmem:s22+$0x3420];
	(pc) =	sbr.rel @p0 .LBB2_78-.Ltmp38, $4  }
0x346: {  	[tilespmem:s20+$0x13420] =	vst.add.f32.msk $0xffff, v2;
	s20 =	smov.u32 s22  }
0x347: {  	[tilespmem:s20+$0x13430] =	vst.add.f32.msk $0xffff, v1  }
0x348: {  	[tilespmem:s20+$0x13400] =	vst.add.f32.msk $0xffff, v3  }
0x349: {  	s22 =	sshra.s32 s25, $0x2;
	s25 =	sadd.s32 $0x100, s25;
	[tilespmem:s20+$0x13410] =	vst.add.f32.msk $0xffff, v4  }
0x34a: {  	v1 =	vld [tilespmem:s22+$0x3430]  }
0x34b: {  	v2 =	vld [tilespmem:s22+$0x3400]  }
0x34c: {  	v3 =	vld [tilespmem:s22+$0x3410]  }
0x34d: {  	v4 =	vld [tilespmem:s22+$0x3420]  }
0x34e: {  	[tilespmem:s20+$0x13420] =	vst.add.f32.msk $0xffff, v0  }
0x34f: {  	[tilespmem:s22+$0x13430] =	vst.add.f32.msk $0xffff, v1  }
0x350: {  	[tilespmem:s22+$0x13400] =	vst.add.f32.msk $0xffff, v2  }
0x351: {  	[tilespmem:s22+$0x13410] =	vst.add.f32.msk $0xffff, v3  }
0x352: {  	[tilespmem:s22+$0x13420] =	vst.add.f32.msk $0xffff, v4;
	s22 =	simm.s32 $0x2000  }
0x353: {  	[tilespmem:s26], [sflag:$0x1] =	stream.indirect.gather [hbm4b:s3+s10], $0x40, s22, s10, $0xb8;
	[tilespmem:$0x1B400] =	vst v63  }
0x354: {  	s25 =	simm.s32 $0x2080  }
0x355: {  	[tilespmem:s29], [sflag:$0x1] =	stream.indirect.gather [hbm4b:s3+s10], $0x40, s25, s10, $0xb8;
	[tilespmem:$0x1B400] =	vst v63  }
0x356: {  	s22 =	simm.s32 $0x2100  }
0x357: {  	[tilespmem:s31], [sflag:$0x1] =	stream.indirect.gather [hbm4b:s3+s10], $0x40, s22, s10, $0xb8;
	[tilespmem:$0x1B400] =	vst v63  }
0x358: {  	s25 =	simm.s32 $0x2180  }
0x359: {  	[tilespmem:s1], [sflag:$0x1] =	stream.indirect.gather [hbm4b:s3+s10], $0x40, s25, s10, $0xb8;
	[tilespmem:$0x1B400] =	vst v63  }
0x35a: {  	_ =	swait.ge [sflag:s8], $0x2000  }
0x35b: {  	[sflag:s8] =	ssyncset.done $0x0  }
0x35c: {  	[sflag:s8] =	ssyncadd.s32 $0xFFFFE000  }
0x35d: {  	_ =	swait.ge [sflag:s8], $0x2000  }
0x35e: {  	[sflag:s8] =	ssyncset.done $0x0  }
0x35f: {  	[sflag:s8] =	ssyncadd.s32 $0xFFFFE000  }
0x360: {  	_ =	swait.ge [sflag:s8], $0x2000  }
0x361: {  	[sflag:s8] =	ssyncset.done $0x0  }
0x362: {  	[sflag:s8] =	ssyncadd.s32 $0xFFFFE000  }
0x363: {  	_ =	swait.ge [sflag:s8], $0x2000  }
0x364: {  	[sflag:s8] =	ssyncset.done $0x0  }
0x365: {  	s20 =	simm.s32 $0x0;
	[sflag:s8] =	ssyncadd.s32 $0xFFFFE000  }
0x366: {  	v1 =	vld [tilespmem:s20+$0xB430]  }
0x367: {  	v2 =	vld [tilespmem:s20+$0xB400]  }
0x368: {  	v3 =	vld [tilespmem:s20+$0xB410]  }
0x369: {  	v0 =	vld [tilespmem:s20+$0xB420];
	_ =	sdelay $0x1  }
0x36a: {  	[tilespmem:s20+$0x13430] =	vst.add.f32.msk $0xffff, v1  }
0x36b: {  	[tilespmem:s20+$0x13400] =	vst.add.f32.msk $0xffff, v2  }
0x36c: {  	s22 =	simm.s32 $0x40;
	s25 =	simm.s32 $0x200;
	[tilespmem:s20+$0x13410] =	vst.add.f32.msk $0xffff, v3  }
.LBB2_80:
0x36d: {  	p0 =	sne.s32 s25, $0x1FF00;
	v1 =	vld [tilespmem:s22+$0xB430];
	v2 =	vmov v0  }
0x36e: {  	v3 =	vld [tilespmem:s22+$0xB400]  }
0x36f: {  	v4 =	vld [tilespmem:s22+$0xB410]  }
.Ltmp39:
0x370: {  	v0 =	vld [tilespmem:s22+$0xB420];
	(pc) =	sbr.rel @p0 .LBB2_80-.Ltmp39, $4  }
0x371: {  	[tilespmem:s20+$0x13420] =	vst.add.f32.msk $0xffff, v2;
	s20 =	smov.u32 s22  }
0x372: {  	[tilespmem:s20+$0x13430] =	vst.add.f32.msk $0xffff, v1  }
0x373: {  	[tilespmem:s20+$0x13400] =	vst.add.f32.msk $0xffff, v3  }
0x374: {  	s22 =	sshra.s32 s25, $0x2;
	s25 =	sadd.s32 $0x100, s25;
	[tilespmem:s20+$0x13410] =	vst.add.f32.msk $0xffff, v4  }
0x375: {  	v1 =	vld [tilespmem:s22+$0xB430]  }
0x376: {  	v2 =	vld [tilespmem:s22+$0xB400]  }
0x377: {  	v3 =	vld [tilespmem:s22+$0xB410]  }
0x378: {  	v4 =	vld [tilespmem:s22+$0xB420]  }
0x379: {  	[tilespmem:s20+$0x13420] =	vst.add.f32.msk $0xffff, v0  }
0x37a: {  	[tilespmem:s22+$0x13430] =	vst.add.f32.msk $0xffff, v1  }
0x37b: {  	[tilespmem:s22+$0x13400] =	vst.add.f32.msk $0xffff, v2  }
0x37c: {  	[tilespmem:s22+$0x13410] =	vst.add.f32.msk $0xffff, v3  }
0x37d: {  	[tilespmem:s22+$0x13420] =	vst.add.f32.msk $0xffff, v4;
	s22 =	simm.s32 $0x2200  }
0x37e: {  	[tilespmem:s17], [sflag:$0x2] =	stream.indirect.gather [hbm4b:s3+s10], $0x40, s22, s10, $0xb8;
	[tilespmem:$0x1B400] =	vst v63  }
0x37f: {  	s25 =	simm.s32 $0x2280  }
0x380: {  	[tilespmem:s19], [sflag:$0x2] =	stream.indirect.gather [hbm4b:s3+s10], $0x40, s25, s10, $0xb8;
	[tilespmem:$0x1B400] =	vst v63  }
0x381: {  	s22 =	simm.s32 $0x2300  }
0x382: {  	[tilespmem:s21], [sflag:$0x2] =	stream.indirect.gather [hbm4b:s3+s10], $0x40, s22, s10, $0xb8;
	[tilespmem:$0x1B400] =	vst v63  }
0x383: {  	s25 =	simm.s32 $0x2380  }
0x384: {  	[tilespmem:s23], [sflag:$0x2] =	stream.indirect.gather [hbm4b:s3+s10], $0x40, s25, s10, $0xb8;
	[tilespmem:$0x1B400] =	vst v63  }
0x385: {  	_ =	swait.ge [sflag:s16], $0x2000  }
0x386: {  	[sflag:s16] =	ssyncset.done $0x0  }
0x387: {  	[sflag:s16] =	ssyncadd.s32 $0xFFFFE000  }
0x388: {  	_ =	swait.ge [sflag:s16], $0x2000  }
0x389: {  	[sflag:s16] =	ssyncset.done $0x0  }
0x38a: {  	[sflag:s16] =	ssyncadd.s32 $0xFFFFE000  }
0x38b: {  	_ =	swait.ge [sflag:s16], $0x2000  }
0x38c: {  	[sflag:s16] =	ssyncset.done $0x0  }
0x38d: {  	[sflag:s16] =	ssyncadd.s32 $0xFFFFE000  }
0x38e: {  	_ =	swait.ge [sflag:s16], $0x2000  }
0x38f: {  	[sflag:s16] =	ssyncset.done $0x0  }
0x390: {  	s20 =	simm.s32 $0x0;
	[sflag:s16] =	ssyncadd.s32 $0xFFFFE000  }
0x391: {  	v1 =	vld [tilespmem:s20+$0x3430]  }
0x392: {  	v2 =	vld [tilespmem:s20+$0x3400]  }
0x393: {  	v3 =	vld [tilespmem:s20+$0x3410]  }
0x394: {  	v0 =	vld [tilespmem:s20+$0x3420];
	_ =	sdelay $0x1  }
0x395: {  	[tilespmem:s20+$0x13430] =	vst.add.f32.msk $0xffff, v1  }
0x396: {  	[tilespmem:s20+$0x13400] =	vst.add.f32.msk $0xffff, v2  }
0x397: {  	s22 =	simm.s32 $0x40;
	s25 =	simm.s32 $0x200;
	[tilespmem:s20+$0x13410] =	vst.add.f32.msk $0xffff, v3  }
.LBB2_82:
0x398: {  	p0 =	sne.s32 s25, $0x1FF00;
	v1 =	vld [tilespmem:s22+$0x3430];
	v2 =	vmov v0  }
0x399: {  	v3 =	vld [tilespmem:s22+$0x3400]  }
0x39a: {  	v4 =	vld [tilespmem:s22+$0x3410]  }
.Ltmp40:
0x39b: {  	v0 =	vld [tilespmem:s22+$0x3420];
	(pc) =	sbr.rel @p0 .LBB2_82-.Ltmp40, $4  }
0x39c: {  	[tilespmem:s20+$0x13420] =	vst.add.f32.msk $0xffff, v2;
	s20 =	smov.u32 s22  }
0x39d: {  	[tilespmem:s20+$0x13430] =	vst.add.f32.msk $0xffff, v1  }
0x39e: {  	[tilespmem:s20+$0x13400] =	vst.add.f32.msk $0xffff, v3  }
0x39f: {  	s22 =	sshra.s32 s25, $0x2;
	s25 =	sadd.s32 $0x100, s25;
	[tilespmem:s20+$0x13410] =	vst.add.f32.msk $0xffff, v4  }
0x3a0: {  	v1 =	vld [tilespmem:s22+$0x3430]  }
0x3a1: {  	v2 =	vld [tilespmem:s22+$0x3400]  }
0x3a2: {  	v3 =	vld [tilespmem:s22+$0x3410]  }
0x3a3: {  	v4 =	vld [tilespmem:s22+$0x3420]  }
0x3a4: {  	[tilespmem:s20+$0x13420] =	vst.add.f32.msk $0xffff, v0  }
0x3a5: {  	[tilespmem:s22+$0x13430] =	vst.add.f32.msk $0xffff, v1  }
0x3a6: {  	[tilespmem:s22+$0x13400] =	vst.add.f32.msk $0xffff, v2  }
0x3a7: {  	[tilespmem:s22+$0x13410] =	vst.add.f32.msk $0xffff, v3  }
0x3a8: {  	[tilespmem:s22+$0x13420] =	vst.add.f32.msk $0xffff, v4;
	s22 =	simm.s32 $0x2400  }
0x3a9: {  	[tilespmem:s26], [sflag:$0x1] =	stream.indirect.gather [hbm4b:s3+s10], $0x40, s22, s10, $0xb8;
	[tilespmem:$0x1B400] =	vst v63  }
0x3aa: {  	s25 =	simm.s32 $0x2480  }
0x3ab: {  	[tilespmem:s29], [sflag:$0x1] =	stream.indirect.gather [hbm4b:s3+s10], $0x40, s25, s10, $0xb8;
	[tilespmem:$0x1B400] =	vst v63  }
0x3ac: {  	s22 =	simm.s32 $0x2500  }
0x3ad: {  	[tilespmem:s31], [sflag:$0x1] =	stream.indirect.gather [hbm4b:s3+s10], $0x40, s22, s10, $0xb8;
	[tilespmem:$0x1B400] =	vst v63  }
0x3ae: {  	s25 =	simm.s32 $0x2580  }
0x3af: {  	[tilespmem:s1], [sflag:$0x1] =	stream.indirect.gather [hbm4b:s3+s10], $0x40, s25, s10, $0xb8;
	[tilespmem:$0x1B400] =	vst v63  }
0x3b0: {  	_ =	swait.ge [sflag:s8], $0x2000  }
0x3b1: {  	[sflag:s8] =	ssyncset.done $0x0  }
0x3b2: {  	[sflag:s8] =	ssyncadd.s32 $0xFFFFE000  }
0x3b3: {  	_ =	swait.ge [sflag:s8], $0x2000  }
0x3b4: {  	[sflag:s8] =	ssyncset.done $0x0  }
0x3b5: {  	[sflag:s8] =	ssyncadd.s32 $0xFFFFE000  }
0x3b6: {  	_ =	swait.ge [sflag:s8], $0x2000  }
0x3b7: {  	[sflag:s8] =	ssyncset.done $0x0  }
0x3b8: {  	[sflag:s8] =	ssyncadd.s32 $0xFFFFE000  }
0x3b9: {  	_ =	swait.ge [sflag:s8], $0x2000  }
0x3ba: {  	[sflag:s8] =	ssyncset.done $0x0  }
0x3bb: {  	s20 =	simm.s32 $0x0;
	[sflag:s8] =	ssyncadd.s32 $0xFFFFE000  }
0x3bc: {  	v1 =	vld [tilespmem:s20+$0xB430]  }
0x3bd: {  	v2 =	vld [tilespmem:s20+$0xB400]  }
0x3be: {  	v3 =	vld [tilespmem:s20+$0xB410]  }
0x3bf: {  	v0 =	vld [tilespmem:s20+$0xB420];
	_ =	sdelay $0x1  }
0x3c0: {  	[tilespmem:s20+$0x13430] =	vst.add.f32.msk $0xffff, v1  }
0x3c1: {  	[tilespmem:s20+$0x13400] =	vst.add.f32.msk $0xffff, v2  }
0x3c2: {  	s22 =	simm.s32 $0x40;
	s25 =	simm.s32 $0x200;
	[tilespmem:s20+$0x13410] =	vst.add.f32.msk $0xffff, v3  }
.LBB2_84:
0x3c3: {  	p0 =	sne.s32 s25, $0x1FF00;
	v1 =	vld [tilespmem:s22+$0xB430];
	v2 =	vmov v0  }
0x3c4: {  	v3 =	vld [tilespmem:s22+$0xB400]  }
0x3c5: {  	v4 =	vld [tilespmem:s22+$0xB410]  }
.Ltmp41:
0x3c6: {  	v0 =	vld [tilespmem:s22+$0xB420];
	(pc) =	sbr.rel @p0 .LBB2_84-.Ltmp41, $4  }
0x3c7: {  	[tilespmem:s20+$0x13420] =	vst.add.f32.msk $0xffff, v2;
	s20 =	smov.u32 s22  }
0x3c8: {  	[tilespmem:s20+$0x13430] =	vst.add.f32.msk $0xffff, v1  }
0x3c9: {  	[tilespmem:s20+$0x13400] =	vst.add.f32.msk $0xffff, v3  }
0x3ca: {  	s22 =	sshra.s32 s25, $0x2;
	s25 =	sadd.s32 $0x100, s25;
	[tilespmem:s20+$0x13410] =	vst.add.f32.msk $0xffff, v4  }
0x3cb: {  	v1 =	vld [tilespmem:s22+$0xB430]  }
0x3cc: {  	v2 =	vld [tilespmem:s22+$0xB400]  }
0x3cd: {  	v3 =	vld [tilespmem:s22+$0xB410]  }
0x3ce: {  	v4 =	vld [tilespmem:s22+$0xB420]  }
0x3cf: {  	[tilespmem:s20+$0x13420] =	vst.add.f32.msk $0xffff, v0  }
0x3d0: {  	[tilespmem:s22+$0x13430] =	vst.add.f32.msk $0xffff, v1  }
0x3d1: {  	[tilespmem:s22+$0x13400] =	vst.add.f32.msk $0xffff, v2  }
0x3d2: {  	[tilespmem:s22+$0x13410] =	vst.add.f32.msk $0xffff, v3  }
0x3d3: {  	[tilespmem:s22+$0x13420] =	vst.add.f32.msk $0xffff, v4;
	s22 =	simm.s32 $0x2600  }
0x3d4: {  	[tilespmem:s17], [sflag:$0x2] =	stream.indirect.gather [hbm4b:s3+s10], $0x40, s22, s10, $0xb8;
	[tilespmem:$0x1B400] =	vst v63  }
0x3d5: {  	s25 =	simm.s32 $0x2680  }
0x3d6: {  	[tilespmem:s19], [sflag:$0x2] =	stream.indirect.gather [hbm4b:s3+s10], $0x40, s25, s10, $0xb8;
	[tilespmem:$0x1B400] =	vst v63  }
0x3d7: {  	s22 =	simm.s32 $0x2700  }
0x3d8: {  	[tilespmem:s21], [sflag:$0x2] =	stream.indirect.gather [hbm4b:s3+s10], $0x40, s22, s10, $0xb8;
	[tilespmem:$0x1B400] =	vst v63  }
0x3d9: {  	s25 =	simm.s32 $0x2780  }
0x3da: {  	[tilespmem:s23], [sflag:$0x2] =	stream.indirect.gather [hbm4b:s3+s10], $0x40, s25, s10, $0xb8;
	[tilespmem:$0x1B400] =	vst v63  }
0x3db: {  	_ =	swait.ge [sflag:s16], $0x2000  }
0x3dc: {  	[sflag:s16] =	ssyncset.done $0x0  }
0x3dd: {  	[sflag:s16] =	ssyncadd.s32 $0xFFFFE000  }
0x3de: {  	_ =	swait.ge [sflag:s16], $0x2000  }
0x3df: {  	[sflag:s16] =	ssyncset.done $0x0  }
0x3e0: {  	[sflag:s16] =	ssyncadd.s32 $0xFFFFE000  }
0x3e1: {  	_ =	swait.ge [sflag:s16], $0x2000  }
0x3e2: {  	[sflag:s16] =	ssyncset.done $0x0  }
0x3e3: {  	[sflag:s16] =	ssyncadd.s32 $0xFFFFE000  }
0x3e4: {  	_ =	swait.ge [sflag:s16], $0x2000  }
0x3e5: {  	[sflag:s16] =	ssyncset.done $0x0  }
0x3e6: {  	s20 =	simm.s32 $0x0;
	[sflag:s16] =	ssyncadd.s32 $0xFFFFE000  }
0x3e7: {  	v1 =	vld [tilespmem:s20+$0x3430]  }
0x3e8: {  	v2 =	vld [tilespmem:s20+$0x3400]  }
0x3e9: {  	v3 =	vld [tilespmem:s20+$0x3410]  }
0x3ea: {  	v0 =	vld [tilespmem:s20+$0x3420];
	_ =	sdelay $0x1  }
0x3eb: {  	[tilespmem:s20+$0x13430] =	vst.add.f32.msk $0xffff, v1  }
0x3ec: {  	[tilespmem:s20+$0x13400] =	vst.add.f32.msk $0xffff, v2  }
0x3ed: {  	s22 =	simm.s32 $0x40;
	s25 =	simm.s32 $0x200;
	[tilespmem:s20+$0x13410] =	vst.add.f32.msk $0xffff, v3  }
.LBB2_86:
0x3ee: {  	p0 =	sne.s32 s25, $0x1FF00;
	v1 =	vld [tilespmem:s22+$0x3430];
	v2 =	vmov v0  }
0x3ef: {  	v3 =	vld [tilespmem:s22+$0x3400]  }
0x3f0: {  	v4 =	vld [tilespmem:s22+$0x3410]  }
.Ltmp42:
0x3f1: {  	v0 =	vld [tilespmem:s22+$0x3420];
	(pc) =	sbr.rel @p0 .LBB2_86-.Ltmp42, $4  }
0x3f2: {  	[tilespmem:s20+$0x13420] =	vst.add.f32.msk $0xffff, v2;
	s20 =	smov.u32 s22  }
0x3f3: {  	[tilespmem:s20+$0x13430] =	vst.add.f32.msk $0xffff, v1  }
0x3f4: {  	[tilespmem:s20+$0x13400] =	vst.add.f32.msk $0xffff, v3  }
0x3f5: {  	s22 =	sshra.s32 s25, $0x2;
	s25 =	sadd.s32 $0x100, s25;
	[tilespmem:s20+$0x13410] =	vst.add.f32.msk $0xffff, v4  }
0x3f6: {  	v1 =	vld [tilespmem:s22+$0x3430]  }
0x3f7: {  	v2 =	vld [tilespmem:s22+$0x3400]  }
0x3f8: {  	v3 =	vld [tilespmem:s22+$0x3410]  }
0x3f9: {  	v4 =	vld [tilespmem:s22+$0x3420]  }
0x3fa: {  	[tilespmem:s20+$0x13420] =	vst.add.f32.msk $0xffff, v0  }
0x3fb: {  	[tilespmem:s22+$0x13430] =	vst.add.f32.msk $0xffff, v1  }
0x3fc: {  	[tilespmem:s22+$0x13400] =	vst.add.f32.msk $0xffff, v2  }
0x3fd: {  	[tilespmem:s22+$0x13410] =	vst.add.f32.msk $0xffff, v3  }
0x3fe: {  	[tilespmem:s22+$0x13420] =	vst.add.f32.msk $0xffff, v4;
	s22 =	simm.s32 $0x2800  }
0x3ff: {  	[tilespmem:s26], [sflag:$0x1] =	stream.indirect.gather [hbm4b:s3+s10], $0x40, s22, s10, $0xb8;
	[tilespmem:$0x1B400] =	vst v63  }
0x400: {  	s25 =	simm.s32 $0x2880  }
0x401: {  	[tilespmem:s29], [sflag:$0x1] =	stream.indirect.gather [hbm4b:s3+s10], $0x40, s25, s10, $0xb8;
	[tilespmem:$0x1B400] =	vst v63  }
0x402: {  	s22 =	simm.s32 $0x2900  }
0x403: {  	[tilespmem:s31], [sflag:$0x1] =	stream.indirect.gather [hbm4b:s3+s10], $0x40, s22, s10, $0xb8;
	[tilespmem:$0x1B400] =	vst v63  }
0x404: {  	s25 =	simm.s32 $0x2980  }
0x405: {  	[tilespmem:s1], [sflag:$0x1] =	stream.indirect.gather [hbm4b:s3+s10], $0x40, s25, s10, $0xb8;
	[tilespmem:$0x1B400] =	vst v63  }
0x406: {  	_ =	swait.ge [sflag:s8], $0x2000  }
0x407: {  	[sflag:s8] =	ssyncset.done $0x0  }
0x408: {  	[sflag:s8] =	ssyncadd.s32 $0xFFFFE000  }
0x409: {  	_ =	swait.ge [sflag:s8], $0x2000  }
0x40a: {  	[sflag:s8] =	ssyncset.done $0x0  }
0x40b: {  	[sflag:s8] =	ssyncadd.s32 $0xFFFFE000  }
0x40c: {  	_ =	swait.ge [sflag:s8], $0x2000  }
0x40d: {  	[sflag:s8] =	ssyncset.done $0x0  }
0x40e: {  	[sflag:s8] =	ssyncadd.s32 $0xFFFFE000  }
0x40f: {  	_ =	swait.ge [sflag:s8], $0x2000  }
0x410: {  	[sflag:s8] =	ssyncset.done $0x0  }
0x411: {  	s20 =	simm.s32 $0x0;
	[sflag:s8] =	ssyncadd.s32 $0xFFFFE000  }
0x412: {  	v1 =	vld [tilespmem:s20+$0xB430]  }
0x413: {  	v2 =	vld [tilespmem:s20+$0xB400]  }
0x414: {  	v3 =	vld [tilespmem:s20+$0xB410]  }
0x415: {  	v0 =	vld [tilespmem:s20+$0xB420];
	_ =	sdelay $0x1  }
0x416: {  	[tilespmem:s20+$0x13430] =	vst.add.f32.msk $0xffff, v1  }
0x417: {  	[tilespmem:s20+$0x13400] =	vst.add.f32.msk $0xffff, v2  }
0x418: {  	s22 =	simm.s32 $0x40;
	s25 =	simm.s32 $0x200;
	[tilespmem:s20+$0x13410] =	vst.add.f32.msk $0xffff, v3  }
.LBB2_88:
0x419: {  	p0 =	sne.s32 s25, $0x1FF00;
	v1 =	vld [tilespmem:s22+$0xB430];
	v2 =	vmov v0  }
0x41a: {  	v3 =	vld [tilespmem:s22+$0xB400]  }
0x41b: {  	v4 =	vld [tilespmem:s22+$0xB410]  }
.Ltmp43:
0x41c: {  	v0 =	vld [tilespmem:s22+$0xB420];
	(pc) =	sbr.rel @p0 .LBB2_88-.Ltmp43, $4  }
0x41d: {  	[tilespmem:s20+$0x13420] =	vst.add.f32.msk $0xffff, v2;
	s20 =	smov.u32 s22  }
0x41e: {  	[tilespmem:s20+$0x13430] =	vst.add.f32.msk $0xffff, v1  }
0x41f: {  	[tilespmem:s20+$0x13400] =	vst.add.f32.msk $0xffff, v3  }
0x420: {  	s22 =	sshra.s32 s25, $0x2;
	s25 =	sadd.s32 $0x100, s25;
	[tilespmem:s20+$0x13410] =	vst.add.f32.msk $0xffff, v4  }
0x421: {  	v1 =	vld [tilespmem:s22+$0xB430]  }
0x422: {  	v2 =	vld [tilespmem:s22+$0xB400]  }
0x423: {  	v3 =	vld [tilespmem:s22+$0xB410]  }
0x424: {  	v4 =	vld [tilespmem:s22+$0xB420]  }
0x425: {  	[tilespmem:s20+$0x13420] =	vst.add.f32.msk $0xffff, v0  }
0x426: {  	[tilespmem:s22+$0x13430] =	vst.add.f32.msk $0xffff, v1  }
0x427: {  	[tilespmem:s22+$0x13400] =	vst.add.f32.msk $0xffff, v2  }
0x428: {  	[tilespmem:s22+$0x13410] =	vst.add.f32.msk $0xffff, v3  }
0x429: {  	[tilespmem:s22+$0x13420] =	vst.add.f32.msk $0xffff, v4;
	s22 =	simm.s32 $0x2A00  }
0x42a: {  	[tilespmem:s17], [sflag:$0x2] =	stream.indirect.gather [hbm4b:s3+s10], $0x40, s22, s10, $0xb8;
	[tilespmem:$0x1B400] =	vst v63  }
0x42b: {  	s25 =	simm.s32 $0x2A80  }
0x42c: {  	[tilespmem:s19], [sflag:$0x2] =	stream.indirect.gather [hbm4b:s3+s10], $0x40, s25, s10, $0xb8;
	[tilespmem:$0x1B400] =	vst v63  }
0x42d: {  	s22 =	simm.s32 $0x2B00  }
0x42e: {  	[tilespmem:s21], [sflag:$0x2] =	stream.indirect.gather [hbm4b:s3+s10], $0x40, s22, s10, $0xb8;
	[tilespmem:$0x1B400] =	vst v63  }
0x42f: {  	s25 =	simm.s32 $0x2B80  }
0x430: {  	[tilespmem:s23], [sflag:$0x2] =	stream.indirect.gather [hbm4b:s3+s10], $0x40, s25, s10, $0xb8;
	[tilespmem:$0x1B400] =	vst v63  }
0x431: {  	_ =	swait.ge [sflag:s16], $0x2000  }
0x432: {  	[sflag:s16] =	ssyncset.done $0x0  }
0x433: {  	[sflag:s16] =	ssyncadd.s32 $0xFFFFE000  }
0x434: {  	_ =	swait.ge [sflag:s16], $0x2000  }
0x435: {  	[sflag:s16] =	ssyncset.done $0x0  }
0x436: {  	[sflag:s16] =	ssyncadd.s32 $0xFFFFE000  }
0x437: {  	_ =	swait.ge [sflag:s16], $0x2000  }
0x438: {  	[sflag:s16] =	ssyncset.done $0x0  }
0x439: {  	[sflag:s16] =	ssyncadd.s32 $0xFFFFE000  }
0x43a: {  	_ =	swait.ge [sflag:s16], $0x2000  }
0x43b: {  	[sflag:s16] =	ssyncset.done $0x0  }
0x43c: {  	s20 =	simm.s32 $0x0;
	[sflag:s16] =	ssyncadd.s32 $0xFFFFE000  }
0x43d: {  	v1 =	vld [tilespmem:s20+$0x3430]  }
0x43e: {  	v2 =	vld [tilespmem:s20+$0x3400]  }
0x43f: {  	v3 =	vld [tilespmem:s20+$0x3410]  }
0x440: {  	v0 =	vld [tilespmem:s20+$0x3420];
	_ =	sdelay $0x1  }
0x441: {  	[tilespmem:s20+$0x13430] =	vst.add.f32.msk $0xffff, v1  }
0x442: {  	[tilespmem:s20+$0x13400] =	vst.add.f32.msk $0xffff, v2  }
0x443: {  	s22 =	simm.s32 $0x40;
	s25 =	simm.s32 $0x200;
	[tilespmem:s20+$0x13410] =	vst.add.f32.msk $0xffff, v3  }
.LBB2_90:
0x444: {  	p0 =	sne.s32 s25, $0x1FF00;
	v1 =	vld [tilespmem:s22+$0x3430];
	v2 =	vmov v0  }
0x445: {  	v3 =	vld [tilespmem:s22+$0x3400]  }
0x446: {  	v4 =	vld [tilespmem:s22+$0x3410]  }
.Ltmp44:
0x447: {  	v0 =	vld [tilespmem:s22+$0x3420];
	(pc) =	sbr.rel @p0 .LBB2_90-.Ltmp44, $4  }
0x448: {  	[tilespmem:s20+$0x13420] =	vst.add.f32.msk $0xffff, v2;
	s20 =	smov.u32 s22  }
0x449: {  	[tilespmem:s20+$0x13430] =	vst.add.f32.msk $0xffff, v1  }
0x44a: {  	[tilespmem:s20+$0x13400] =	vst.add.f32.msk $0xffff, v3  }
0x44b: {  	s22 =	sshra.s32 s25, $0x2;
	s25 =	sadd.s32 $0x100, s25;
	[tilespmem:s20+$0x13410] =	vst.add.f32.msk $0xffff, v4  }
0x44c: {  	v1 =	vld [tilespmem:s22+$0x3430]  }
0x44d: {  	v2 =	vld [tilespmem:s22+$0x3400]  }
0x44e: {  	v3 =	vld [tilespmem:s22+$0x3410]  }
0x44f: {  	v4 =	vld [tilespmem:s22+$0x3420]  }
0x450: {  	[tilespmem:s20+$0x13420] =	vst.add.f32.msk $0xffff, v0  }
0x451: {  	[tilespmem:s22+$0x13430] =	vst.add.f32.msk $0xffff, v1  }
0x452: {  	[tilespmem:s22+$0x13400] =	vst.add.f32.msk $0xffff, v2  }
0x453: {  	[tilespmem:s22+$0x13410] =	vst.add.f32.msk $0xffff, v3  }
0x454: {  	[tilespmem:s22+$0x13420] =	vst.add.f32.msk $0xffff, v4;
	s22 =	simm.s32 $0x2C00  }
0x455: {  	[tilespmem:s26], [sflag:$0x1] =	stream.indirect.gather [hbm4b:s3+s10], $0x40, s22, s10, $0xb8;
	[tilespmem:$0x1B400] =	vst v63  }
0x456: {  	s25 =	simm.s32 $0x2C80  }
0x457: {  	[tilespmem:s29], [sflag:$0x1] =	stream.indirect.gather [hbm4b:s3+s10], $0x40, s25, s10, $0xb8;
	[tilespmem:$0x1B400] =	vst v63  }
0x458: {  	s22 =	simm.s32 $0x2D00  }
0x459: {  	[tilespmem:s31], [sflag:$0x1] =	stream.indirect.gather [hbm4b:s3+s10], $0x40, s22, s10, $0xb8;
	[tilespmem:$0x1B400] =	vst v63  }
0x45a: {  	s25 =	simm.s32 $0x2D80  }
0x45b: {  	[tilespmem:s1], [sflag:$0x1] =	stream.indirect.gather [hbm4b:s3+s10], $0x40, s25, s10, $0xb8;
	[tilespmem:$0x1B400] =	vst v63  }
0x45c: {  	_ =	swait.ge [sflag:s8], $0x2000  }
0x45d: {  	[sflag:s8] =	ssyncset.done $0x0  }
0x45e: {  	[sflag:s8] =	ssyncadd.s32 $0xFFFFE000  }
0x45f: {  	_ =	swait.ge [sflag:s8], $0x2000  }
0x460: {  	[sflag:s8] =	ssyncset.done $0x0  }
0x461: {  	[sflag:s8] =	ssyncadd.s32 $0xFFFFE000  }
0x462: {  	_ =	swait.ge [sflag:s8], $0x2000  }
0x463: {  	[sflag:s8] =	ssyncset.done $0x0  }
0x464: {  	[sflag:s8] =	ssyncadd.s32 $0xFFFFE000  }
0x465: {  	_ =	swait.ge [sflag:s8], $0x2000  }
0x466: {  	[sflag:s8] =	ssyncset.done $0x0  }
0x467: {  	s20 =	simm.s32 $0x0;
	[sflag:s8] =	ssyncadd.s32 $0xFFFFE000  }
0x468: {  	v1 =	vld [tilespmem:s20+$0xB430]  }
0x469: {  	v2 =	vld [tilespmem:s20+$0xB400]  }
0x46a: {  	v3 =	vld [tilespmem:s20+$0xB410]  }
0x46b: {  	v0 =	vld [tilespmem:s20+$0xB420];
	_ =	sdelay $0x1  }
0x46c: {  	[tilespmem:s20+$0x13430] =	vst.add.f32.msk $0xffff, v1  }
0x46d: {  	[tilespmem:s20+$0x13400] =	vst.add.f32.msk $0xffff, v2  }
0x46e: {  	s22 =	simm.s32 $0x40;
	s25 =	simm.s32 $0x200;
	[tilespmem:s20+$0x13410] =	vst.add.f32.msk $0xffff, v3  }
.LBB2_92:
0x46f: {  	p0 =	sne.s32 s25, $0x1FF00;
	v1 =	vld [tilespmem:s22+$0xB430];
	v2 =	vmov v0  }
0x470: {  	v3 =	vld [tilespmem:s22+$0xB400]  }
0x471: {  	v4 =	vld [tilespmem:s22+$0xB410]  }
.Ltmp45:
0x472: {  	v0 =	vld [tilespmem:s22+$0xB420];
	(pc) =	sbr.rel @p0 .LBB2_92-.Ltmp45, $4  }
0x473: {  	[tilespmem:s20+$0x13420] =	vst.add.f32.msk $0xffff, v2;
	s20 =	smov.u32 s22  }
0x474: {  	[tilespmem:s20+$0x13430] =	vst.add.f32.msk $0xffff, v1  }
0x475: {  	[tilespmem:s20+$0x13400] =	vst.add.f32.msk $0xffff, v3  }
0x476: {  	s22 =	sshra.s32 s25, $0x2;
	s25 =	sadd.s32 $0x100, s25;
	[tilespmem:s20+$0x13410] =	vst.add.f32.msk $0xffff, v4  }
0x477: {  	v1 =	vld [tilespmem:s22+$0xB430]  }
0x478: {  	v2 =	vld [tilespmem:s22+$0xB400]  }
0x479: {  	v3 =	vld [tilespmem:s22+$0xB410]  }
0x47a: {  	v4 =	vld [tilespmem:s22+$0xB420]  }
0x47b: {  	[tilespmem:s20+$0x13420] =	vst.add.f32.msk $0xffff, v0  }
0x47c: {  	[tilespmem:s22+$0x13430] =	vst.add.f32.msk $0xffff, v1  }
0x47d: {  	[tilespmem:s22+$0x13400] =	vst.add.f32.msk $0xffff, v2  }
0x47e: {  	[tilespmem:s22+$0x13410] =	vst.add.f32.msk $0xffff, v3  }
0x47f: {  	[tilespmem:s22+$0x13420] =	vst.add.f32.msk $0xffff, v4;
	s22 =	simm.s32 $0x2E00  }
0x480: {  	[tilespmem:s17], [sflag:$0x2] =	stream.indirect.gather [hbm4b:s3+s10], $0x40, s22, s10, $0xb8;
	[tilespmem:$0x1B400] =	vst v63  }
0x481: {  	s25 =	simm.s32 $0x2E80  }
0x482: {  	[tilespmem:s19], [sflag:$0x2] =	stream.indirect.gather [hbm4b:s3+s10], $0x40, s25, s10, $0xb8;
	[tilespmem:$0x1B400] =	vst v63  }
0x483: {  	s22 =	simm.s32 $0x2F00  }
0x484: {  	[tilespmem:s21], [sflag:$0x2] =	stream.indirect.gather [hbm4b:s3+s10], $0x40, s22, s10, $0xb8;
	[tilespmem:$0x1B400] =	vst v63  }
0x485: {  	s25 =	simm.s32 $0x2F80  }
0x486: {  	[tilespmem:s23], [sflag:$0x2] =	stream.indirect.gather [hbm4b:s3+s10], $0x40, s25, s10, $0xb8;
	[tilespmem:$0x1B400] =	vst v63  }
0x487: {  	_ =	swait.ge [sflag:s16], $0x2000  }
0x488: {  	[sflag:s16] =	ssyncset.done $0x0  }
0x489: {  	[sflag:s16] =	ssyncadd.s32 $0xFFFFE000  }
0x48a: {  	_ =	swait.ge [sflag:s16], $0x2000  }
0x48b: {  	[sflag:s16] =	ssyncset.done $0x0  }
0x48c: {  	[sflag:s16] =	ssyncadd.s32 $0xFFFFE000  }
0x48d: {  	_ =	swait.ge [sflag:s16], $0x2000  }
0x48e: {  	[sflag:s16] =	ssyncset.done $0x0  }
0x48f: {  	[sflag:s16] =	ssyncadd.s32 $0xFFFFE000  }
0x490: {  	_ =	swait.ge [sflag:s16], $0x2000  }
0x491: {  	[sflag:s16] =	ssyncset.done $0x0  }
0x492: {  	s20 =	simm.s32 $0x0;
	[sflag:s16] =	ssyncadd.s32 $0xFFFFE000  }
0x493: {  	v1 =	vld [tilespmem:s20+$0x3430]  }
0x494: {  	v2 =	vld [tilespmem:s20+$0x3400]  }
0x495: {  	v3 =	vld [tilespmem:s20+$0x3410]  }
0x496: {  	v0 =	vld [tilespmem:s20+$0x3420];
	_ =	sdelay $0x1  }
0x497: {  	[tilespmem:s20+$0x13430] =	vst.add.f32.msk $0xffff, v1  }
0x498: {  	[tilespmem:s20+$0x13400] =	vst.add.f32.msk $0xffff, v2  }
0x499: {  	s22 =	simm.s32 $0x40;
	s25 =	simm.s32 $0x200;
	[tilespmem:s20+$0x13410] =	vst.add.f32.msk $0xffff, v3  }
.LBB2_94:
0x49a: {  	p0 =	sne.s32 s25, $0x1FF00;
	v1 =	vld [tilespmem:s22+$0x3430];
	v2 =	vmov v0  }
0x49b: {  	v3 =	vld [tilespmem:s22+$0x3400]  }
0x49c: {  	v4 =	vld [tilespmem:s22+$0x3410]  }
.Ltmp46:
0x49d: {  	v0 =	vld [tilespmem:s22+$0x3420];
	(pc) =	sbr.rel @p0 .LBB2_94-.Ltmp46, $4  }
0x49e: {  	[tilespmem:s20+$0x13420] =	vst.add.f32.msk $0xffff, v2;
	s20 =	smov.u32 s22  }
0x49f: {  	[tilespmem:s20+$0x13430] =	vst.add.f32.msk $0xffff, v1  }
0x4a0: {  	[tilespmem:s20+$0x13400] =	vst.add.f32.msk $0xffff, v3  }
0x4a1: {  	s22 =	sshra.s32 s25, $0x2;
	s25 =	sadd.s32 $0x100, s25;
	[tilespmem:s20+$0x13410] =	vst.add.f32.msk $0xffff, v4  }
0x4a2: {  	v1 =	vld [tilespmem:s22+$0x3430]  }
0x4a3: {  	v2 =	vld [tilespmem:s22+$0x3400]  }
0x4a4: {  	v3 =	vld [tilespmem:s22+$0x3410]  }
0x4a5: {  	v4 =	vld [tilespmem:s22+$0x3420]  }
0x4a6: {  	[tilespmem:s20+$0x13420] =	vst.add.f32.msk $0xffff, v0  }
0x4a7: {  	[tilespmem:s22+$0x13430] =	vst.add.f32.msk $0xffff, v1  }
0x4a8: {  	[tilespmem:s22+$0x13400] =	vst.add.f32.msk $0xffff, v2  }
0x4a9: {  	[tilespmem:s22+$0x13410] =	vst.add.f32.msk $0xffff, v3  }
0x4aa: {  	s25 =	simm.s32 $0x3000;
	[tilespmem:s22+$0x13420] =	vst.add.f32.msk $0xffff, v4  }
0x4ab: {  	[tilespmem:s26], [sflag:$0x1] =	stream.indirect.gather [hbm4b:s3+s10], $0x40, s25, s10, $0xb8;
	[tilespmem:$0x1B400] =	vst v63  }
0x4ac: {  	_ = 	snop  }
0x4ad: {  	[tilespmem:s29], [sflag:$0x1] =	stream.indirect.gather [hbm4b:s3+s10], $0x40, s28, s10, $0xb8;
	[tilespmem:$0x1B400] =	vst v63  }
0x4ae: {  	_ = 	snop  }
0x4af: {  	[tilespmem:s31], [sflag:$0x1] =	stream.indirect.gather [hbm4b:s3+s10], $0x40, s30, s10, $0xb8;
	[tilespmem:$0x1B400] =	vst v63  }
0x4b0: {  	_ = 	snop  }
0x4b1: {  	[tilespmem:s1], [sflag:$0x1] =	stream.indirect.gather [hbm4b:s3+s10], $0x40, s0, s10, $0xb8;
	[tilespmem:$0x1B400] =	vst v63  }
0x4b2: {  	_ =	swait.ge [sflag:s8], $0x2000  }
0x4b3: {  	[sflag:s8] =	ssyncset.done $0x0  }
0x4b4: {  	[sflag:s8] =	ssyncadd.s32 $0xFFFFE000  }
0x4b5: {  	_ =	swait.ge [sflag:s8], $0x2000  }
0x4b6: {  	[sflag:s8] =	ssyncset.done $0x0  }
0x4b7: {  	[sflag:s8] =	ssyncadd.s32 $0xFFFFE000  }
0x4b8: {  	_ =	swait.ge [sflag:s8], $0x2000  }
0x4b9: {  	[sflag:s8] =	ssyncset.done $0x0  }
0x4ba: {  	[sflag:s8] =	ssyncadd.s32 $0xFFFFE000  }
0x4bb: {  	_ =	swait.ge [sflag:s8], $0x2000  }
0x4bc: {  	[sflag:s8] =	ssyncset.done $0x0  }
0x4bd: {  	s20 =	simm.s32 $0x0;
	[sflag:s8] =	ssyncadd.s32 $0xFFFFE000  }
0x4be: {  	v1 =	vld [tilespmem:s20+$0xB430]  }
0x4bf: {  	v2 =	vld [tilespmem:s20+$0xB400]  }
0x4c0: {  	v3 =	vld [tilespmem:s20+$0xB410]  }
0x4c1: {  	v0 =	vld [tilespmem:s20+$0xB420];
	_ =	sdelay $0x1  }
0x4c2: {  	[tilespmem:s20+$0x13430] =	vst.add.f32.msk $0xffff, v1  }
0x4c3: {  	[tilespmem:s20+$0x13400] =	vst.add.f32.msk $0xffff, v2  }
0x4c4: {  	s22 =	simm.s32 $0x40;
	s25 =	simm.s32 $0x200;
	[tilespmem:s20+$0x13410] =	vst.add.f32.msk $0xffff, v3  }
.LBB2_96:
0x4c5: {  	p0 =	sne.s32 s25, $0x1FF00;
	v1 =	vld [tilespmem:s22+$0xB430];
	v2 =	vmov v0  }
0x4c6: {  	v3 =	vld [tilespmem:s22+$0xB400]  }
0x4c7: {  	v4 =	vld [tilespmem:s22+$0xB410]  }
.Ltmp47:
0x4c8: {  	v0 =	vld [tilespmem:s22+$0xB420];
	(pc) =	sbr.rel @p0 .LBB2_96-.Ltmp47, $4  }
0x4c9: {  	[tilespmem:s20+$0x13420] =	vst.add.f32.msk $0xffff, v2;
	s20 =	smov.u32 s22  }
0x4ca: {  	[tilespmem:s20+$0x13430] =	vst.add.f32.msk $0xffff, v1  }
0x4cb: {  	[tilespmem:s20+$0x13400] =	vst.add.f32.msk $0xffff, v3  }
0x4cc: {  	s22 =	sshra.s32 s25, $0x2;
	s25 =	sadd.s32 $0x100, s25;
	[tilespmem:s20+$0x13410] =	vst.add.f32.msk $0xffff, v4  }
0x4cd: {  	v1 =	vld [tilespmem:s22+$0xB430]  }
0x4ce: {  	v2 =	vld [tilespmem:s22+$0xB400]  }
0x4cf: {  	v3 =	vld [tilespmem:s22+$0xB410]  }
0x4d0: {  	v4 =	vld [tilespmem:s22+$0xB420]  }
0x4d1: {  	[tilespmem:s20+$0x13420] =	vst.add.f32.msk $0xffff, v0  }
0x4d2: {  	[tilespmem:s22+$0x13430] =	vst.add.f32.msk $0xffff, v1  }
0x4d3: {  	[tilespmem:s22+$0x13400] =	vst.add.f32.msk $0xffff, v2  }
0x4d4: {  	[tilespmem:s22+$0x13410] =	vst.add.f32.msk $0xffff, v3  }
0x4d5: {  	[tilespmem:s22+$0x13420] =	vst.add.f32.msk $0xffff, v4  }
0x4d6: {  	[tilespmem:s17], [sflag:$0x2] =	stream.indirect.gather [hbm4b:s3+s10], $0x40, s12, s10, $0xb8;
	[tilespmem:$0x1B400] =	vst v63  }
0x4d7: {  	_ = 	snop  }
0x4d8: {  	[tilespmem:s19], [sflag:$0x2] =	stream.indirect.gather [hbm4b:s3+s10], $0x40, s13, s10, $0xb8;
	[tilespmem:$0x1B400] =	vst v63  }
0x4d9: {  	_ = 	snop  }
0x4da: {  	[tilespmem:s21], [sflag:$0x2] =	stream.indirect.gather [hbm4b:s3+s10], $0x40, s14, s10, $0xb8;
	[tilespmem:$0x1B400] =	vst v63  }
0x4db: {  	_ = 	snop  }
0x4dc: {  	[tilespmem:s23], [sflag:$0x2] =	stream.indirect.gather [hbm4b:s3+s10], $0x40, s15, s10, $0xb8;
	[tilespmem:$0x1B400] =	vst v63  }
0x4dd: {  	_ =	swait.ge [sflag:s16], $0x2000  }
0x4de: {  	[sflag:s16] =	ssyncset.done $0x0  }
0x4df: {  	[sflag:s16] =	ssyncadd.s32 $0xFFFFE000  }
0x4e0: {  	_ =	swait.ge [sflag:s16], $0x2000  }
0x4e1: {  	[sflag:s16] =	ssyncset.done $0x0  }
0x4e2: {  	[sflag:s16] =	ssyncadd.s32 $0xFFFFE000  }
0x4e3: {  	_ =	swait.ge [sflag:s16], $0x2000  }
0x4e4: {  	[sflag:s16] =	ssyncset.done $0x0  }
0x4e5: {  	[sflag:s16] =	ssyncadd.s32 $0xFFFFE000  }
0x4e6: {  	_ =	swait.ge [sflag:s16], $0x2000  }
0x4e7: {  	[sflag:s16] =	ssyncset.done $0x0  }
0x4e8: {  	s20 =	simm.s32 $0x0;
	[sflag:s16] =	ssyncadd.s32 $0xFFFFE000  }
0x4e9: {  	v1 =	vld [tilespmem:s20+$0x3430]  }
0x4ea: {  	v2 =	vld [tilespmem:s20+$0x3400]  }
0x4eb: {  	v3 =	vld [tilespmem:s20+$0x3410]  }
0x4ec: {  	v0 =	vld [tilespmem:s20+$0x3420];
	_ =	sdelay $0x1  }
0x4ed: {  	[tilespmem:s20+$0x13430] =	vst.add.f32.msk $0xffff, v1  }
0x4ee: {  	[tilespmem:s20+$0x13400] =	vst.add.f32.msk $0xffff, v2  }
0x4ef: {  	s25 =	simm.s32 $0x200;
	s22 =	simm.s32 $0x40;
	[tilespmem:s20+$0x13410] =	vst.add.f32.msk $0xffff, v3  }
.LBB2_98:
0x4f0: {  	p0 =	sne.s32 s25, $0x1FF00;
	v1 =	vld [tilespmem:s22+$0x3430];
	v2 =	vmov v0  }
0x4f1: {  	v3 =	vld [tilespmem:s22+$0x3400]  }
0x4f2: {  	v4 =	vld [tilespmem:s22+$0x3410]  }
.Ltmp48:
0x4f3: {  	v0 =	vld [tilespmem:s22+$0x3420];
	(pc) =	sbr.rel @p0 .LBB2_98-.Ltmp48, $4  }
0x4f4: {  	[tilespmem:s20+$0x13420] =	vst.add.f32.msk $0xffff, v2;
	s20 =	smov.u32 s22  }
0x4f5: {  	[tilespmem:s20+$0x13430] =	vst.add.f32.msk $0xffff, v1  }
0x4f6: {  	[tilespmem:s20+$0x13400] =	vst.add.f32.msk $0xffff, v3  }
0x4f7: {  	s22 =	sshra.s32 s25, $0x2;
	s25 =	sadd.s32 $0x100, s25;
	[tilespmem:s20+$0x13410] =	vst.add.f32.msk $0xffff, v4  }
0x4f8: {  	v1 =	vld [tilespmem:s22+$0x3430]  }
0x4f9: {  	v2 =	vld [tilespmem:s22+$0x3400]  }
0x4fa: {  	v3 =	vld [tilespmem:s22+$0x3410]  }
0x4fb: {  	v4 =	vld [tilespmem:s22+$0x3420]  }
0x4fc: {  	[tilespmem:s20+$0x13420] =	vst.add.f32.msk $0xffff, v0  }
0x4fd: {  	[tilespmem:s22+$0x13430] =	vst.add.f32.msk $0xffff, v1  }
0x4fe: {  	[tilespmem:s22+$0x13400] =	vst.add.f32.msk $0xffff, v2  }
0x4ff: {  	[tilespmem:s22+$0x13410] =	vst.add.f32.msk $0xffff, v3  }
0x500: {  	[tilespmem:s22+$0x13420] =	vst.add.f32.msk $0xffff, v4  }
0x501: {  	_ =	swait.ge [sflag:s8], $0x2000  }
0x502: {  	[sflag:s8] =	ssyncset.done $0x0  }
0x503: {  	[sflag:s8] =	ssyncadd.s32 $0xFFFFE000  }
0x504: {  	_ =	swait.ge [sflag:s8], $0x2000  }
0x505: {  	[sflag:s8] =	ssyncset.done $0x0  }
0x506: {  	[sflag:s8] =	ssyncadd.s32 $0xFFFFE000  }
0x507: {  	_ =	swait.ge [sflag:s8], $0x2000  }
0x508: {  	[sflag:s8] =	ssyncset.done $0x0  }
0x509: {  	[sflag:s8] =	ssyncadd.s32 $0xFFFFE000  }
0x50a: {  	_ =	swait.ge [sflag:s8], $0x2000  }
0x50b: {  	[sflag:s8] =	ssyncset.done $0x0  }
0x50c: {  	s20 =	simm.s32 $0x0;
	[sflag:s8] =	ssyncadd.s32 $0xFFFFE000  }
0x50d: {  	v1 =	vld [tilespmem:s20+$0xB430]  }
0x50e: {  	v2 =	vld [tilespmem:s20+$0xB400]  }
0x50f: {  	v3 =	vld [tilespmem:s20+$0xB410]  }
0x510: {  	v0 =	vld [tilespmem:s20+$0xB420];
	_ =	sdelay $0x1  }
0x511: {  	[tilespmem:s20+$0x13430] =	vst.add.f32.msk $0xffff, v1  }
0x512: {  	[tilespmem:s20+$0x13400] =	vst.add.f32.msk $0xffff, v2  }
0x513: {  	s25 =	simm.s32 $0x200;
	s22 =	simm.s32 $0x40;
	[tilespmem:s20+$0x13410] =	vst.add.f32.msk $0xffff, v3  }
.LBB2_100:
0x514: {  	p0 =	sne.s32 s25, $0x1FF00;
	v1 =	vld [tilespmem:s22+$0xB430];
	v2 =	vmov v0  }
0x515: {  	v3 =	vld [tilespmem:s22+$0xB400]  }
0x516: {  	v4 =	vld [tilespmem:s22+$0xB410]  }
.Ltmp49:
0x517: {  	v0 =	vld [tilespmem:s22+$0xB420];
	(pc) =	sbr.rel @p0 .LBB2_100-.Ltmp49, $4  }
0x518: {  	[tilespmem:s20+$0x13420] =	vst.add.f32.msk $0xffff, v2;
	s20 =	smov.u32 s22  }
0x519: {  	[tilespmem:s20+$0x13430] =	vst.add.f32.msk $0xffff, v1  }
0x51a: {  	[tilespmem:s20+$0x13400] =	vst.add.f32.msk $0xffff, v3  }
0x51b: {  	s22 =	sshra.s32 s25, $0x2;
	s25 =	sadd.s32 $0x100, s25;
	[tilespmem:s20+$0x13410] =	vst.add.f32.msk $0xffff, v4  }
0x51c: {  	v1 =	vld [tilespmem:s22+$0xB430]  }
0x51d: {  	v2 =	vld [tilespmem:s22+$0xB400]  }
0x51e: {  	v3 =	vld [tilespmem:s22+$0xB410]  }
0x51f: {  	v4 =	vld [tilespmem:s22+$0xB420]  }
0x520: {  	[tilespmem:s20+$0x13420] =	vst.add.f32.msk $0xffff, v0  }
0x521: {  	[tilespmem:s22+$0x13430] =	vst.add.f32.msk $0xffff, v1  }
0x522: {  	s18 =	sadd.s32 $0x1, s18;
	[tilespmem:s22+$0x13400] =	vst.add.f32.msk $0xffff, v2  }
0x523: {  	p0 =	sne.s32 s18, s6;
	[tilespmem:s22+$0x13410] =	vst.add.f32.msk $0xffff, v3  }
.Ltmp50:
0x524: {  	[tilespmem:s22+$0x13420] =	vst.add.f32.msk $0xffff, v4;
	(pc) =	sbr.rel @p0 .LBB2_1-.Ltmp50, $4  }
0x525: {  	[hbm4b:s5+s2] =	stream.linear.scatter [tilespmem:s11], [sflag:$0x4], $0x8000, $0x38;
	[tilespmem:$0x1B400] =	vst v63  }
0x526: {  	_ =	swait.ge [sflag:s9], $0x8000  }
0x527: {  	[sflag:s9] =	ssyncset.done $0x0  }
0x528: {  	[sflag:s9] =	ssyncadd.s32 $0xFFFF8000  }
0x529: {  	_ =	sfence.sel $0x180000  }
0x52a: {  	[bflag:$0x0] =	sbarrier.arrive $0xFFFF  }
0x52b: {  	_ =	strace $0x90000047  }
0x52c: {  	s0 =	stileid.u32;
	[bflag:$0x2] =	sbarrier.arrive $0xFFFF  }
0x52d: {  	p0 =	sne.s32 s0, $0x0;
	s0 =	rddreg [dreg:$0x2]  }
0x52e: {  	s0 =	sadd.s32 @!p0 $0x100000, s0  }
0x52f: {  	[sflag:s0] =	ssyncadd.tile.s32 @!p0 $0x1;
	_ =	shalt  }
.Lfunc_end2:
_tile_overlayer_lowered:
.L_overlay_start_2:
0x530: {  	(tag) =	ssettag $0x2  }
0x531: {  	s0 =	rddreg [dreg:$0x0];
	s2 =	stileid.u32  }
0x532: {  	s1 =	rddreg [dreg:$0x1];
	p0 =	sne.s32 s2, $0x0  }
0x533: {  	s3 =	rddreg [dreg:$0x2];
	[bflag:$0x3] =	sbarrier.arrive $0xFFFF;
	s2 =	simm.s32 @!p0 $0x1C04  }
0x534: {  	[timem:s3], [sflag:s2] =	dma.local @!p0 [hbm:s0], s1  }
0x535: {  	s0 =	simm.s32 @!p0 $0x4  }
0x536: {  	_ =	swait.ge @!p0 [sflag:s0], s1  }
0x537: {  	s1 =	ssub.s32 @!p0 $0x0, s1;
	[sflag:s0] =	ssyncset.done @!p0 $0x0  }
0x538: {  	[sflag:s0] =	ssyncadd.s32 @!p0 s1  }
0x539: {  	[bflag:$0x3] =	sbarrier.arrive $0xFFFF  }
0x53a: {  	_ =	shalt  }

</sc_bundles>
